<compile_context>
chip_gen: v7x
topology: tpu7x:2x2x1
jax: 0.10.2.dev20260603
libtpu: 0.0.44.dev20260713+nightly
codegen_flags: <defaults>
</compile_context>

<pallas_src>
import functools

import jax
import jax.numpy as jnp
from jax import lax
from jax.experimental import pallas as pl
from jax.experimental.pallas import tpu as pltpu
from jax.experimental.pallas import tpu_sc as plsc

Bb, Ss, Dd = 4, 8192, 768
Ee, DFF, OUT = 64, 64, 768
Tt = Bb * Ss
CAP = 512
TB = 256
NBLK = Tt // TB
NOISE_STD = 1.0 / Ee
UROWS = Ee * CAP + Tt
NW = 32
TPW = Tt // NW
CHUNK = 64
NCH = TPW // CHUNK
NLEV = 6
ONE_BITS = 0x3F800000


def _router_body(x_ref, gw_ref, gb_ref, lns_ref, lnb_ref, nz_ref,
                 xn_ref, acc_ref):
    i = pl.program_id(0)

    @pl.when(i == 0)
    def _init():
        acc_ref[...] = jnp.zeros_like(acc_ref)

    xb = x_ref[...]
    mu = jnp.mean(xb, axis=-1, keepdims=True)
    xc = xb - mu
    var = jnp.mean(xc * xc, axis=-1, keepdims=True)
    xn = xc * lax.rsqrt(var + 1e-5) * lns_ref[...] + lnb_ref[...]
    xn_ref[...] = xn

    logits = jnp.dot(xn, gw_ref[...], preferred_element_type=jnp.float32)
    logits = logits + gb_ref[...]
    noisy = logits + nz_ref[...]
    nm = jnp.max(noisy, axis=-1, keepdims=True)

    m = jnp.max(logits, axis=-1, keepdims=True)
    eg = jnp.exp(logits - m)
    gates = eg / jnp.sum(eg, axis=-1, keepdims=True)
    acc_ref[0:1, 0:Ee] += jnp.sum(gates, axis=0, keepdims=True)

    z = (nm - logits) * (1.0 / NOISE_STD) * 0.7071067811865476
    p = 0.5 * (1.0 - lax.erf(z))
    acc_ref[1:2, 0:Ee] += jnp.sum(p, axis=0, keepdims=True)


NV = Ee * NLEV


def _plan_body(eid_ref, lev_ref, acc_ref, dst_ref, aux_ref, cnt_ref):
    p = pl.program_id(0)
    b = pl.program_id(1)
    e_row = eid_ref[0]
    l_row = lev_ref[0]
    comb = l_row * Ee + e_row
    iota_v = lax.broadcasted_iota(jnp.int32, (NV, 1), 0)
    oh = (iota_v == comb).astype(jnp.float32)
    colsum = jnp.sum(oh, axis=1, keepdims=True)

    @pl.when((p == 0) & (b == 0))
    def _zero():
        cnt_ref[...] = jnp.zeros_like(cnt_ref)

    @pl.when(p == 0)
    def _count():
        cnt_ref[:, 0:1] += colsum
        dst_ref[...] = jnp.zeros_like(dst_ref)

    @pl.when((p == 1) & (b == 0))
    def _mkbase():
        cnt = cnt_ref[:, 0:1]
        parts = [jnp.zeros((Ee, 1), jnp.float32)]
        for lv in range(1, NLEV):
            parts.append(parts[-1] + cnt[(lv - 1) * Ee:lv * Ee])
        cnt_ref[:, 0:1] = jnp.concatenate(parts, axis=0)

    @pl.when(p == 1)
    def _assign():
        rr = lax.broadcasted_iota(jnp.int32, (TB, TB), 0)
        cc = lax.broadcasted_iota(jnp.int32, (TB, TB), 1)
        tri = (rr < cc).astype(jnp.float32)
        cum = jnp.dot(oh, tri, preferred_element_type=jnp.float32)
        pos = cum + cnt_ref[:, 0:1]
        slot = jnp.sum(oh * pos, axis=0, keepdims=True)
        sloti = slot.astype(jnp.int32)
        tok = b * TB + lax.broadcasted_iota(jnp.int32, (1, TB), 1)
        dst_ref[0] = jnp.where(sloti < CAP, e_row * CAP + sloti,
                               Ee * CAP + tok)
        cnt_ref[:, 0:1] += colsum

    @pl.when((p == 1) & (b == NBLK - 1))
    def _aux():
        imp = acc_ref[0:1, 0:Ee]
        pm = acc_ref[1:2, 0:Ee] * (1.0 / Tt)
        im = jnp.sum(imp) * (1.0 / Ee)
        iv = jnp.sum((imp - im) ** 2) * (1.0 / (Ee - 1))
        pmm = jnp.sum(pm) * (1.0 / Ee)
        pv = jnp.sum((pm - pmm) ** 2) * (1.0 / (Ee - 1))
        imp_loss = iv / (im + 1e-8) ** 2
        load_loss = pv / (pmm + 1e-8) ** 2
        aux_ref[0, 0] = 0.5 * (imp_loss + load_loss)


def _ffn_body(u_ref, w1_ref, b1_ref, w2_ref, b2_ref, o_ref):
    xb = u_ref[...]
    h = jnp.dot(xb, w1_ref[0], preferred_element_type=jnp.float32) + b1_ref[0]
    h = jax.nn.gelu(h)
    o_ref[...] = jnp.dot(h, w2_ref[0], preferred_element_type=jnp.float32) + b2_ref[0]


def _dispatch_body(xn_hbm, dst_hbm, u_hbm, idx_v, buf0, buf1, sem0, sem1, semsc):
    wid = lax.axis_index("s") * 2 + lax.axis_index("c")
    base = wid * TPW
    pltpu.sync_copy(dst_hbm.at[wid], idx_v)
    bufs, sems = (buf0, buf1), (sem0, sem1)
    pend = [None, None]
    pend[0] = pltpu.async_copy(
        xn_hbm.at[pl.ds(base, CHUNK)], buf0, sem0)
    for j in range(NCH):
        if j + 1 < NCH:
            pend[(j + 1) % 2] = pltpu.async_copy(
                xn_hbm.at[pl.ds(base + (j + 1) * CHUNK, CHUNK)],
                bufs[(j + 1) % 2], sems[(j + 1) % 2])
        pend[j % 2].wait()
        pltpu.async_copy(bufs[j % 2], u_hbm.at[idx_v.at[j]], semsc).wait()


def _combine_body(u_hbm, dst_hbm, out_hbm, idx_v, buf0, buf1, sem0, sem1):
    wid = lax.axis_index("s") * 2 + lax.axis_index("c")
    base = wid * TPW
    pltpu.sync_copy(dst_hbm.at[wid], idx_v)
    bufs, sems = (buf0, buf1), (sem0, sem1)
    pend = [None, None]
    pend[0] = pltpu.async_copy(u_hbm.at[idx_v.at[0]], buf0, sem0)
    for j in range(NCH):
        if j + 1 < NCH:
            pend[(j + 1) % 2] = pltpu.async_copy(
                u_hbm.at[idx_v.at[j + 1]], bufs[(j + 1) % 2],
                sems[(j + 1) % 2])
        pend[j % 2].wait()
        pltpu.sync_copy(bufs[j % 2],
                        out_hbm.at[pl.ds(base + j * CHUNK, CHUNK)])


def _run_router(xf, gate_W, gate_b, ln_scale, ln_bias, noise):
    return pl.pallas_call(
        _router_body,
        grid=(NBLK,),
        in_specs=[
            pl.BlockSpec((TB, Dd), lambda i: (i, 0)),
            pl.BlockSpec((Dd, Ee), lambda i: (0, 0)),
            pl.BlockSpec((1, Ee), lambda i: (0, 0)),
            pl.BlockSpec((1, Dd), lambda i: (0, 0)),
            pl.BlockSpec((1, Dd), lambda i: (0, 0)),
            pl.BlockSpec((TB, Ee), lambda i: (i, 0)),
        ],
        out_specs=[
            pl.BlockSpec((TB, Dd), lambda i: (i, 0)),
            pl.BlockSpec((8, 128), lambda i: (0, 0)),
        ],
        out_shape=[
            jax.ShapeDtypeStruct((Tt, Dd), jnp.float32),
            jax.ShapeDtypeStruct((8, 128), jnp.float32),
        ],
    )(xf, gate_W, gate_b.reshape(1, Ee), ln_scale.reshape(1, Dd),
      ln_bias.reshape(1, Dd), noise)


def _run_plan(eid, lev, acc):
    return pl.pallas_call(
        _plan_body,
        grid=(2, NBLK),
        in_specs=[
            pl.BlockSpec((1, 1, TB), lambda p, b: (b, 0, 0)),
            pl.BlockSpec((1, 1, TB), lambda p, b: (b, 0, 0)),
            pl.BlockSpec((8, 128), lambda p, b: (0, 0)),
        ],
        out_specs=[
            pl.BlockSpec((1, 1, TB), lambda p, b: (p * b, 0, 0)),
            pl.BlockSpec((1, 1), lambda p, b: (0, 0),
                         memory_space=pltpu.SMEM),
        ],
        out_shape=[
            jax.ShapeDtypeStruct((NBLK, 1, TB), jnp.int32),
            jax.ShapeDtypeStruct((1, 1), jnp.float32),
        ],
        scratch_shapes=[pltpu.VMEM((NV, 128), jnp.float32)],
    )(eid, lev, acc)


def kernel(x, gate_W, gate_b, ln_scale, ln_bias, W1, b1, W2, b2):
    xf = x.reshape(Tt, Dd)
    noise = NOISE_STD * jax.random.normal(
        jax.random.key(42), (Tt, Ee), dtype=jnp.float32)

    xn, acc = _run_router(xf, gate_W, gate_b, ln_scale, ln_bias, noise)

    mu = xf.mean(-1, keepdims=True)
    var = ((xf - mu) ** 2).mean(-1, keepdims=True)
    xr = (xf - mu) / jnp.sqrt(var + 1e-5) * ln_scale + ln_bias
    logits_r = xr @ gate_W + gate_b
    gates_noisy = jax.nn.softmax(logits_r + noise, axis=-1)
    topv = jnp.max(gates_noisy, axis=-1, keepdims=True)
    topi = jnp.argmax(gates_noisy, axis=-1)
    wsel = topv / (topv.sum(-1, keepdims=True) + 1e-20)
    bits = jax.lax.bitcast_convert_type(wsel[:, 0], jnp.int32)
    lev = jnp.clip((ONE_BITS + 2) - bits, 0, NLEV - 1)
    eid = topi.astype(jnp.int32).reshape(NBLK, 1, TB)
    lev = lev.reshape(NBLK, 1, TB)

    dst, aux = _run_plan(eid, lev, acc)

    dst_sc = dst.reshape(NW, NCH, CHUNK)
    mesh = plsc.VectorSubcoreMesh(core_axis_name="c", subcore_axis_name="s",
                                  num_cores=2, num_subcores=16)

    u0 = pl.kernel(
        _dispatch_body,
        out_type=jax.ShapeDtypeStruct((UROWS, Dd), jnp.float32),
        mesh=mesh,
        scratch_types=[
            pltpu.VMEM((NCH, CHUNK), jnp.int32),
            pltpu.VMEM((CHUNK, Dd), jnp.float32),
            pltpu.VMEM((CHUNK, Dd), jnp.float32),
            pltpu.SemaphoreType.DMA,
            pltpu.SemaphoreType.DMA,
            pltpu.SemaphoreType.DMA,
        ],
    )(xn, dst_sc)

    u1 = pl.pallas_call(
        _ffn_body,
        grid=(Ee,),
        in_specs=[
            pl.BlockSpec((CAP, Dd), lambda e: (e, 0)),
            pl.BlockSpec((1, Dd, DFF), lambda e: (e, 0, 0)),
            pl.BlockSpec((1, 1, DFF), lambda e: (e, 0, 0)),
            pl.BlockSpec((1, DFF, OUT), lambda e: (e, 0, 0)),
            pl.BlockSpec((1, 1, OUT), lambda e: (e, 0, 0)),
        ],
        out_specs=pl.BlockSpec((CAP, Dd), lambda e: (e, 0)),
        out_shape=jax.ShapeDtypeStruct((UROWS, Dd), jnp.float32),
        input_output_aliases={0: 0},
    )(u0, W1, b1.reshape(Ee, 1, DFF), W2, b2.reshape(Ee, 1, OUT))

    out = pl.kernel(
        _combine_body,
        out_type=jax.ShapeDtypeStruct((Tt, Dd), jnp.float32),
        mesh=mesh,
        scratch_types=[
            pltpu.VMEM((NCH, CHUNK), jnp.int32),
            pltpu.VMEM((CHUNK, Dd), jnp.float32),
            pltpu.VMEM((CHUNK, Dd), jnp.float32),
            pltpu.SemaphoreType.DMA,
            pltpu.SemaphoreType.DMA,
        ],
    )(u1, dst_sc)

    return out.reshape(Bb, Ss, OUT), aux[0, 0]

# --- scband reference (transcript-rebuilt; emitter-appended) ---
"""Pipeline reference for scband-vmo-eblock-1967095022052 (READ-ONLY COPY).

The authoritative reference and input builder live on the scoring server;
editing this copy changes nothing except your own understanding.
"""

import jax, jax.numpy as jnp
import numpy as np

B, S, D = 4, 8192, 768
E, TOPK, DFF, OUT = 64, 1, 64, 768
CAP_FACTOR = 1.0


def setup_inputs(seed: int = 0) -> dict:
    key = jax.random.key(seed)
    ks = jax.random.split(key, 8)
    x = jax.random.normal(ks[0], (B, S, D), dtype=jnp.float32)
    gate_W = jax.random.normal(ks[1], (D, E), dtype=jnp.float32) / np.sqrt(D)
    gate_b = jnp.zeros((E,), dtype=jnp.float32)
    ln_scale = jnp.ones((D,), dtype=jnp.float32)
    ln_bias = jnp.zeros((D,), dtype=jnp.float32)
    W1 = jax.random.normal(ks[2], (E, D, DFF), dtype=jnp.float32) / np.sqrt(D)
    b1 = jnp.zeros((E, DFF), dtype=jnp.float32)
    W2 = jax.random.normal(ks[3], (E, DFF, OUT), dtype=jnp.float32) / np.sqrt(DFF)
    b2 = jnp.zeros((E, OUT), dtype=jnp.float32)
    return {"x": x, "gate_W": gate_W, "gate_b": gate_b, "ln_scale": ln_scale,
            "ln_bias": ln_bias, "W1": W1, "b1": b1, "W2": W2, "b2": b2}


def _compute_capacity(num_tokens, num_experts, capacity_factor, multiple_of=4):
    capacity = int(round(num_tokens / num_experts * capacity_factor))
    capacity += (-capacity) % multiple_of
    return capacity


def reference(x, gate_W, gate_b, ln_scale, ln_bias, W1, b1, W2, b2):
    b, s, d = x.shape
    T = b * s
    xf = x.reshape(T, d)
    # LayerNorm (eps=1e-5, like nn.LayerNorm)
    mu = xf.mean(-1, keepdims=True)
    var = ((xf - mu) ** 2).mean(-1, keepdims=True)
    xn = (xf - mu) / jnp.sqrt(var + 1e-5) * ln_scale + ln_bias
    # NoisyTokenChoiceRouter
    logits = xn @ gate_W + gate_b
    gates = jax.nn.softmax(logits, axis=-1)
    noise_std = 1.0 / E
    noise = noise_std * jax.random.normal(jax.random.key(42), logits.shape, dtype=logits.dtype)
    logits_noisy = logits + noise
    gates_noisy = jax.nn.softmax(logits_noisy, axis=-1)
    topv, topi = jax.lax.top_k(gates_noisy, TOPK)
    topv = topv / (topv.sum(-1, keepdims=True) + 1e-20)
    flat_idx = topi.reshape(-1)
    flat_w = topv.reshape(-1)
    sample_idx = jnp.repeat(jnp.arange(T), TOPK)
    capacity = _compute_capacity(T, E, CAP_FACTOR)
    outputs = jnp.zeros((T, OUT), dtype=xn.dtype)
    processed = jnp.zeros((T,), dtype=xn.dtype)

    def expert_step(carry, inputs):
        outputs, processed = carry
        e, W1e, b1e, W2e, b2e = inputs
        mask = (flat_idx == e)
        masked_w = jnp.where(mask, flat_w, -1.0)
        vals, pos = jax.lax.top_k(masked_w, capacity)  # top-`capacity` tokens by gate weight
        valid = (vals > 0.0).astype(xn.dtype)
        samp = sample_idx[pos]
        inp = xn[samp]
        h = jax.nn.gelu(inp @ W1e + b1e)
        o = h @ W2e + b2e
        o = o * (vals * valid)[:, None]
        outputs = outputs.at[samp].add(o)
        processed = processed.at[samp].max(valid)
        return (outputs, processed), None

    (outputs, processed), _ = jax.lax.scan(
        expert_step, (outputs, processed), (jnp.arange(E), W1, b1, W2, b2))
    # tokens dropped by capacity (or never routed) pass through post-norm residual
    outputs = outputs + xn * (1.0 - processed)[:, None]
    outputs = outputs.reshape(b, s, OUT)
    # auxiliary losses (training mode)
    importance = gates.sum(axis=0)
    imp_loss = (jnp.std(importance, ddof=1) / (importance.mean() + 1e-8)) ** 2
    thr_idx = jax.lax.top_k(logits_noisy, TOPK)[1][:, -1]
    thr = jnp.take_along_axis(logits_noisy, thr_idx[:, None], axis=-1)[:, 0]
    nrw = (thr[:, None] - logits) / noise_std
    p = 1.0 - jax.scipy.stats.norm.cdf(nrw)
    p_mean = p.mean(axis=0)
    load_loss = (jnp.std(p_mean, ddof=1) / (p_mean.mean() + 1e-8)) ** 2
    aux_loss = 0.5 * (imp_loss + load_loss)
    return outputs, aux_loss

if __name__ == "__main__":
    import jax
    _d = setup_inputs()
    print(jax.jit(kernel)(*tuple(_d.values())))

</pallas_src>

<mosaic_0001>
#map = affine_map<(d0, d1) -> (0, 0)>
#map1 = affine_map<(d0, d1) -> (0, 0, 0)>
module attributes {stable_mosaic.version = 14 : i64} {
  func.func @_combine_body(%arg0: i32, %arg1: i32, %arg2: memref<65536x768xf32, #tpu.memory_space<hbm>>, %arg3: memref<32x16x64xi32, #tpu.memory_space<hbm>>, %arg4: memref<32768x768xf32, #tpu.memory_space<hbm>>, %arg5: memref<16x64xi32, #tpu.memory_space<vmem>>, %arg6: memref<64x768xf32, #tpu.memory_space<vmem>>, %arg7: memref<64x768xf32, #tpu.memory_space<vmem>>, %arg8: memref<!tpu.dma_semaphore, #tpu.memory_space<semaphore_mem>>, %arg9: memref<!tpu.dma_semaphore, #tpu.memory_space<semaphore_mem>>) attributes {dimension_semantics = [#tpu.dimension_semantics<core_parallel>, #tpu.dimension_semantics<subcore_parallel>], iteration_bounds = array<i64: 2, 16>, scalar_prefetch = 0 : i64, scratch_operands = 5 : i64, tpu.core_type = #tpu.core_type<sc_vector_subcore>, window_params = [{transform_indices = #map}, {transform_indices = #map1}, {transform_indices = #map}]} {
    %mul3A = arith.constant 2 : i32
    %mul3A_0 = arith.muli %arg1, %mul3A : i32
    %add3A = arith.addi %mul3A_0, %arg0 : i32
    %mul3A_1 = arith.constant 1024 : i32
    %mul3A_2 = arith.muli %add3A, %mul3A_1 : i32
    "tpu.region"() ({
      %run_scoped3A = tpu.sem_alloc : memref<!tpu.dma_semaphore, #tpu.memory_space<semaphore_mem>>
      %dma_start3A_257 = arith.constant 0 : i32
      %dma_start3A_258 = arith.constant 0 : i32
      %dma_start3A_259 = tpu.memref_slice %arg3[%add3A, %dma_start3A_257, %dma_start3A_258] : memref<32x16x64xi32, #tpu.memory_space<hbm>> -> memref<1x16x64xi32, #tpu.memory_space<hbm>>
      %dma_start3A_260 = tpu.memref_squeeze %dma_start3A_259 : memref<1x16x64xi32, #tpu.memory_space<hbm>> -> memref<16x64xi32, #tpu.memory_space<hbm>>
      %dma_start3A_261 = arith.constant 0 : i32
      %dma_start3A_262 = arith.constant 0 : i32
      %dma_start3A_263 = tpu.memref_slice %arg3[%add3A, %dma_start3A_261, %dma_start3A_262] : memref<32x16x64xi32, #tpu.memory_space<hbm>> -> memref<1x16x64xi32, #tpu.memory_space<hbm>>
      %dma_start3A_264 = tpu.memref_squeeze %dma_start3A_263 : memref<1x16x64xi32, #tpu.memory_space<hbm>> -> memref<16x64xi32, #tpu.memory_space<hbm>>
      tpu.enqueue_dma source(%dma_start3A_264 : memref<16x64xi32, #tpu.memory_space<hbm>>) target(%arg5 : memref<16x64xi32, #tpu.memory_space<vmem>>) target_semaphore(%run_scoped3A : memref<!tpu.dma_semaphore, #tpu.memory_space<semaphore_mem>>)
      %dma_wait3A_265 = arith.constant 0 : i32
      %dma_wait3A_266 = arith.constant 0 : i32
      %dma_wait3A_267 = tpu.memref_slice %arg3[%add3A, %dma_wait3A_265, %dma_wait3A_266] : memref<32x16x64xi32, #tpu.memory_space<hbm>> -> memref<1x16x64xi32, #tpu.memory_space<hbm>>
      %dma_wait3A_268 = tpu.memref_squeeze %dma_wait3A_267 : memref<1x16x64xi32, #tpu.memory_space<hbm>> -> memref<16x64xi32, #tpu.memory_space<hbm>>
      %dma_wait3A_269 = arith.constant 0 : i32
      %dma_wait3A_270 = arith.constant 0 : i32
      %dma_wait3A_271 = tpu.memref_slice %arg3[%add3A, %dma_wait3A_269, %dma_wait3A_270] : memref<32x16x64xi32, #tpu.memory_space<hbm>> -> memref<1x16x64xi32, #tpu.memory_space<hbm>>
      %dma_wait3A_272 = tpu.memref_squeeze %dma_wait3A_271 : memref<1x16x64xi32, #tpu.memory_space<hbm>> -> memref<16x64xi32, #tpu.memory_space<hbm>>
      tpu.wait_dma2 semaphore(%run_scoped3A : memref<!tpu.dma_semaphore, #tpu.memory_space<semaphore_mem>>) src(%dma_wait3A_272 : memref<16x64xi32, #tpu.memory_space<hbm>>) dst(%arg5 : memref<16x64xi32, #tpu.memory_space<vmem>>)
      tpu.yield
    }) : () -> ()
    %dma_start3A = arith.constant 0 : i32
    %dma_start3A_3 = arith.constant 0 : i32
    %dma_start3A_4 = tpu.memref_slice %arg5[%dma_start3A, %dma_start3A_3] : memref<16x64xi32, #tpu.memory_space<vmem>> -> memref<1x64xi32, #tpu.memory_space<vmem>>
    %dma_start3A_5 = tpu.memref_squeeze %dma_start3A_4 : memref<1x64xi32, #tpu.memory_space<vmem>> -> memref<64xi32, #tpu.memory_space<vmem>>
    %dma_start3A_6 = arith.constant 0 : i32
    %dma_start3A_7 = arith.constant 0 : i32
    %dma_start3A_8 = tpu.memref_slice %arg2[%dma_start3A_6, %dma_start3A_7] : memref<65536x768xf32, #tpu.memory_space<hbm>> -> memref<65536x768xf32, #tpu.memory_space<hbm>>
    tpu.enqueue_indirect_dma source(%dma_start3A_8 : memref<65536x768xf32, #tpu.memory_space<hbm>>) target(%arg6 : memref<64x768xf32, #tpu.memory_space<vmem>>) offsets(%dma_start3A_5 : memref<64xi32, #tpu.memory_space<vmem>>) semaphore(%arg8 : memref<!tpu.dma_semaphore, #tpu.memory_space<semaphore_mem>>)
    %dma_start3A_9 = arith.constant 1 : i32
    %dma_start3A_10 = arith.constant 0 : i32
    %dma_start3A_11 = tpu.memref_slice %arg5[%dma_start3A_9, %dma_start3A_10] : memref<16x64xi32, #tpu.memory_space<vmem>> -> memref<1x64xi32, #tpu.memory_space<vmem>>
    %dma_start3A_12 = tpu.memref_squeeze %dma_start3A_11 : memref<1x64xi32, #tpu.memory_space<vmem>> -> memref<64xi32, #tpu.memory_space<vmem>>
    %dma_start3A_13 = arith.constant 0 : i32
    %dma_start3A_14 = arith.constant 0 : i32
    %dma_start3A_15 = tpu.memref_slice %arg2[%dma_start3A_13, %dma_start3A_14] : memref<65536x768xf32, #tpu.memory_space<hbm>> -> memref<65536x768xf32, #tpu.memory_space<hbm>>
    tpu.enqueue_indirect_dma source(%dma_start3A_15 : memref<65536x768xf32, #tpu.memory_space<hbm>>) target(%arg7 : memref<64x768xf32, #tpu.memory_space<vmem>>) offsets(%dma_start3A_12 : memref<64xi32, #tpu.memory_space<vmem>>) semaphore(%arg9 : memref<!tpu.dma_semaphore, #tpu.memory_space<semaphore_mem>>)
    %dma_wait3A = arith.constant 0 : i32
    %dma_wait3A_16 = arith.constant 0 : i32
    %dma_wait3A_17 = tpu.memref_slice %arg5[%dma_wait3A, %dma_wait3A_16] : memref<16x64xi32, #tpu.memory_space<vmem>> -> memref<1x64xi32, #tpu.memory_space<vmem>>
    %dma_wait3A_18 = tpu.memref_squeeze %dma_wait3A_17 : memref<1x64xi32, #tpu.memory_space<vmem>> -> memref<64xi32, #tpu.memory_space<vmem>>
    %dma_wait3A_19 = arith.constant 0 : i32
    %dma_wait3A_20 = arith.constant 0 : i32
    %dma_wait3A_21 = tpu.memref_slice %arg2[%dma_wait3A_19, %dma_wait3A_20] : memref<65536x768xf32, #tpu.memory_space<hbm>> -> memref<65536x768xf32, #tpu.memory_space<hbm>>
    tpu.wait_indirect_dma semaphore(%arg8 : memref<!tpu.dma_semaphore, #tpu.memory_space<semaphore_mem>>) src(%dma_wait3A_21 : memref<65536x768xf32, #tpu.memory_space<hbm>>) dst(%arg6 : memref<64x768xf32, #tpu.memory_space<vmem>>)
    %add3A_22 = arith.constant 0 : i32
    %add3A_23 = arith.addi %mul3A_2, %add3A_22 : i32
    "tpu.region"() ({
      %run_scoped3A = tpu.sem_alloc : memref<!tpu.dma_semaphore, #tpu.memory_space<semaphore_mem>>
      %dma_start3A_257 = arith.constant 0 : i32
      %dma_start3A_258 = tpu.memref_slice %arg4[%add3A_23, %dma_start3A_257] : memref<32768x768xf32, #tpu.memory_space<hbm>> -> memref<64x768xf32, #tpu.memory_space<hbm>>
      %dma_start3A_259 = arith.constant 0 : i32
      %dma_start3A_260 = tpu.memref_slice %arg4[%add3A_23, %dma_start3A_259] : memref<32768x768xf32, #tpu.memory_space<hbm>> -> memref<64x768xf32, #tpu.memory_space<hbm>>
      tpu.enqueue_dma source(%arg6 : memref<64x768xf32, #tpu.memory_space<vmem>>) target(%dma_start3A_260 : memref<64x768xf32, #tpu.memory_space<hbm>>) target_semaphore(%run_scoped3A : memref<!tpu.dma_semaphore, #tpu.memory_space<semaphore_mem>>)
      %dma_wait3A_261 = arith.constant 0 : i32
      %dma_wait3A_262 = tpu.memref_slice %arg4[%add3A_23, %dma_wait3A_261] : memref<32768x768xf32, #tpu.memory_space<hbm>> -> memref<64x768xf32, #tpu.memory_space<hbm>>
      %dma_wait3A_263 = arith.constant 0 : i32
      %dma_wait3A_264 = tpu.memref_slice %arg4[%add3A_23, %dma_wait3A_263] : memref<32768x768xf32, #tpu.memory_space<hbm>> -> memref<64x768xf32, #tpu.memory_space<hbm>>
      tpu.wait_dma2 semaphore(%run_scoped3A : memref<!tpu.dma_semaphore, #tpu.memory_space<semaphore_mem>>) src(%arg6 : memref<64x768xf32, #tpu.memory_space<vmem>>) dst(%dma_wait3A_264 : memref<64x768xf32, #tpu.memory_space<hbm>>)
      tpu.yield
    }) : () -> ()
    %dma_start3A_24 = arith.constant 2 : i32
    %dma_start3A_25 = arith.constant 0 : i32
    %dma_start3A_26 = tpu.memref_slice %arg5[%dma_start3A_24, %dma_start3A_25] : memref<16x64xi32, #tpu.memory_space<vmem>> -> memref<1x64xi32, #tpu.memory_space<vmem>>
    %dma_start3A_27 = tpu.memref_squeeze %dma_start3A_26 : memref<1x64xi32, #tpu.memory_space<vmem>> -> memref<64xi32, #tpu.memory_space<vmem>>
    %dma_start3A_28 = arith.constant 0 : i32
    %dma_start3A_29 = arith.constant 0 : i32
    %dma_start3A_30 = tpu.memref_slice %arg2[%dma_start3A_28, %dma_start3A_29] : memref<65536x768xf32, #tpu.memory_space<hbm>> -> memref<65536x768xf32, #tpu.memory_space<hbm>>
    tpu.enqueue_indirect_dma source(%dma_start3A_30 : memref<65536x768xf32, #tpu.memory_space<hbm>>) target(%arg6 : memref<64x768xf32, #tpu.memory_space<vmem>>) offsets(%dma_start3A_27 : memref<64xi32, #tpu.memory_space<vmem>>) semaphore(%arg8 : memref<!tpu.dma_semaphore, #tpu.memory_space<semaphore_mem>>)
    %dma_wait3A_31 = arith.constant 1 : i32
    %dma_wait3A_32 = arith.constant 0 : i32
    %dma_wait3A_33 = tpu.memref_slice %arg5[%dma_wait3A_31, %dma_wait3A_32] : memref<16x64xi32, #tpu.memory_space<vmem>> -> memref<1x64xi32, #tpu.memory_space<vmem>>
    %dma_wait3A_34 = tpu.memref_squeeze %dma_wait3A_33 : memref<1x64xi32, #tpu.memory_space<vmem>> -> memref<64xi32, #tpu.memory_space<vmem>>
    %dma_wait3A_35 = arith.constant 0 : i32
    %dma_wait3A_36 = arith.constant 0 : i32
    %dma_wait3A_37 = tpu.memref_slice %arg2[%dma_wait3A_35, %dma_wait3A_36] : memref<65536x768xf32, #tpu.memory_space<hbm>> -> memref<65536x768xf32, #tpu.memory_space<hbm>>
    tpu.wait_indirect_dma semaphore(%arg9 : memref<!tpu.dma_semaphore, #tpu.memory_space<semaphore_mem>>) src(%dma_wait3A_37 : memref<65536x768xf32, #tpu.memory_space<hbm>>) dst(%arg7 : memref<64x768xf32, #tpu.memory_space<vmem>>)
    %add3A_38 = arith.constant 64 : i32
    %add3A_39 = arith.addi %mul3A_2, %add3A_38 : i32
    "tpu.region"() ({
      %run_scoped3A = tpu.sem_alloc : memref<!tpu.dma_semaphore, #tpu.memory_space<semaphore_mem>>
      %dma_start3A_257 = arith.constant 0 : i32
      %dma_start3A_258 = tpu.memref_slice %arg4[%add3A_39, %dma_start3A_257] : memref<32768x768xf32, #tpu.memory_space<hbm>> -> memref<64x768xf32, #tpu.memory_space<hbm>>
      %dma_start3A_259 = arith.constant 0 : i32
      %dma_start3A_260 = tpu.memref_slice %arg4[%add3A_39, %dma_start3A_259] : memref<32768x768xf32, #tpu.memory_space<hbm>> -> memref<64x768xf32, #tpu.memory_space<hbm>>
      tpu.enqueue_dma source(%arg7 : memref<64x768xf32, #tpu.memory_space<vmem>>) target(%dma_start3A_260 : memref<64x768xf32, #tpu.memory_space<hbm>>) target_semaphore(%run_scoped3A : memref<!tpu.dma_semaphore, #tpu.memory_space<semaphore_mem>>)
      %dma_wait3A_261 = arith.constant 0 : i32
      %dma_wait3A_262 = tpu.memref_slice %arg4[%add3A_39, %dma_wait3A_261] : memref<32768x768xf32, #tpu.memory_space<hbm>> -> memref<64x768xf32, #tpu.memory_space<hbm>>
      %dma_wait3A_263 = arith.constant 0 : i32
      %dma_wait3A_264 = tpu.memref_slice %arg4[%add3A_39, %dma_wait3A_263] : memref<32768x768xf32, #tpu.memory_space<hbm>> -> memref<64x768xf32, #tpu.memory_space<hbm>>
      tpu.wait_dma2 semaphore(%run_scoped3A : memref<!tpu.dma_semaphore, #tpu.memory_space<semaphore_mem>>) src(%arg7 : memref<64x768xf32, #tpu.memory_space<vmem>>) dst(%dma_wait3A_264 : memref<64x768xf32, #tpu.memory_space<hbm>>)
      tpu.yield
    }) : () -> ()
    %dma_start3A_40 = arith.constant 3 : i32
    %dma_start3A_41 = arith.constant 0 : i32
    %dma_start3A_42 = tpu.memref_slice %arg5[%dma_start3A_40, %dma_start3A_41] : memref<16x64xi32, #tpu.memory_space<vmem>> -> memref<1x64xi32, #tpu.memory_space<vmem>>
    %dma_start3A_43 = tpu.memref_squeeze %dma_start3A_42 : memref<1x64xi32, #tpu.memory_space<vmem>> -> memref<64xi32, #tpu.memory_space<vmem>>
    %dma_start3A_44 = arith.constant 0 : i32
    %dma_start3A_45 = arith.constant 0 : i32
    %dma_start3A_46 = tpu.memref_slice %arg2[%dma_start3A_44, %dma_start3A_45] : memref<65536x768xf32, #tpu.memory_space<hbm>> -> memref<65536x768xf32, #tpu.memory_space<hbm>>
    tpu.enqueue_indirect_dma source(%dma_start3A_46 : memref<65536x768xf32, #tpu.memory_space<hbm>>) target(%arg7 : memref<64x768xf32, #tpu.memory_space<vmem>>) offsets(%dma_start3A_43 : memref<64xi32, #tpu.memory_space<vmem>>) semaphore(%arg9 : memref<!tpu.dma_semaphore, #tpu.memory_space<semaphore_mem>>)
    %dma_wait3A_47 = arith.constant 2 : i32
    %dma_wait3A_48 = arith.constant 0 : i32
    %dma_wait3A_49 = tpu.memref_slice %arg5[%dma_wait3A_47, %dma_wait3A_48] : memref<16x64xi32, #tpu.memory_space<vmem>> -> memref<1x64xi32, #tpu.memory_space<vmem>>
    %dma_wait3A_50 = tpu.memref_squeeze %dma_wait3A_49 : memref<1x64xi32, #tpu.memory_space<vmem>> -> memref<64xi32, #tpu.memory_space<vmem>>
    %dma_wait3A_51 = arith.constant 0 : i32
    %dma_wait3A_52 = arith.constant 0 : i32
    %dma_wait3A_53 = tpu.memref_slice %arg2[%dma_wait3A_51, %dma_wait3A_52] : memref<65536x768xf32, #tpu.memory_space<hbm>> -> memref<65536x768xf32, #tpu.memory_space<hbm>>
    tpu.wait_indirect_dma semaphore(%arg8 : memref<!tpu.dma_semaphore, #tpu.memory_space<semaphore_mem>>) src(%dma_wait3A_53 : memref<65536x768xf32, #tpu.memory_space<hbm>>) dst(%arg6 : memref<64x768xf32, #tpu.memory_space<vmem>>)
    %add3A_54 = arith.constant 128 : i32
    %add3A_55 = arith.addi %mul3A_2, %add3A_54 : i32
    "tpu.region"() ({
      %run_scoped3A = tpu.sem_alloc : memref<!tpu.dma_semaphore, #tpu.memory_space<semaphore_mem>>
      %dma_start3A_257 = arith.constant 0 : i32
      %dma_start3A_258 = tpu.memref_slice %arg4[%add3A_55, %dma_start3A_257] : memref<32768x768xf32, #tpu.memory_space<hbm>> -> memref<64x768xf32, #tpu.memory_space<hbm>>
      %dma_start3A_259 = arith.constant 0 : i32
      %dma_start3A_260 = tpu.memref_slice %arg4[%add3A_55, %dma_start3A_259] : memref<32768x768xf32, #tpu.memory_space<hbm>> -> memref<64x768xf32, #tpu.memory_space<hbm>>
      tpu.enqueue_dma source(%arg6 : memref<64x768xf32, #tpu.memory_space<vmem>>) target(%dma_start3A_260 : memref<64x768xf32, #tpu.memory_space<hbm>>) target_semaphore(%run_scoped3A : memref<!tpu.dma_semaphore, #tpu.memory_space<semaphore_mem>>)
      %dma_wait3A_261 = arith.constant 0 : i32
      %dma_wait3A_262 = tpu.memref_slice %arg4[%add3A_55, %dma_wait3A_261] : memref<32768x768xf32, #tpu.memory_space<hbm>> -> memref<64x768xf32, #tpu.memory_space<hbm>>
      %dma_wait3A_263 = arith.constant 0 : i32
      %dma_wait3A_264 = tpu.memref_slice %arg4[%add3A_55, %dma_wait3A_263] : memref<32768x768xf32, #tpu.memory_space<hbm>> -> memref<64x768xf32, #tpu.memory_space<hbm>>
      tpu.wait_dma2 semaphore(%run_scoped3A : memref<!tpu.dma_semaphore, #tpu.memory_space<semaphore_mem>>) src(%arg6 : memref<64x768xf32, #tpu.memory_space<vmem>>) dst(%dma_wait3A_264 : memref<64x768xf32, #tpu.memory_space<hbm>>)
      tpu.yield
    }) : () -> ()
    %dma_start3A_56 = arith.constant 4 : i32
    %dma_start3A_57 = arith.constant 0 : i32
    %dma_start3A_58 = tpu.memref_slice %arg5[%dma_start3A_56, %dma_start3A_57] : memref<16x64xi32, #tpu.memory_space<vmem>> -> memref<1x64xi32, #tpu.memory_space<vmem>>
    %dma_start3A_59 = tpu.memref_squeeze %dma_start3A_58 : memref<1x64xi32, #tpu.memory_space<vmem>> -> memref<64xi32, #tpu.memory_space<vmem>>
    %dma_start3A_60 = arith.constant 0 : i32
    %dma_start3A_61 = arith.constant 0 : i32
    %dma_start3A_62 = tpu.memref_slice %arg2[%dma_start3A_60, %dma_start3A_61] : memref<65536x768xf32, #tpu.memory_space<hbm>> -> memref<65536x768xf32, #tpu.memory_space<hbm>>
    tpu.enqueue_indirect_dma source(%dma_start3A_62 : memref<65536x768xf32, #tpu.memory_space<hbm>>) target(%arg6 : memref<64x768xf32, #tpu.memory_space<vmem>>) offsets(%dma_start3A_59 : memref<64xi32, #tpu.memory_space<vmem>>) semaphore(%arg8 : memref<!tpu.dma_semaphore, #tpu.memory_space<semaphore_mem>>)
    %dma_wait3A_63 = arith.constant 3 : i32
    %dma_wait3A_64 = arith.constant 0 : i32
    %dma_wait3A_65 = tpu.memref_slice %arg5[%dma_wait3A_63, %dma_wait3A_64] : memref<16x64xi32, #tpu.memory_space<vmem>> -> memref<1x64xi32, #tpu.memory_space<vmem>>
    %dma_wait3A_66 = tpu.memref_squeeze %dma_wait3A_65 : memref<1x64xi32, #tpu.memory_space<vmem>> -> memref<64xi32, #tpu.memory_space<vmem>>
    %dma_wait3A_67 = arith.constant 0 : i32
    %dma_wait3A_68 = arith.constant 0 : i32
    %dma_wait3A_69 = tpu.memref_slice %arg2[%dma_wait3A_67, %dma_wait3A_68] : memref<65536x768xf32, #tpu.memory_space<hbm>> -> memref<65536x768xf32, #tpu.memory_space<hbm>>
    tpu.wait_indirect_dma semaphore(%arg9 : memref<!tpu.dma_semaphore, #tpu.memory_space<semaphore_mem>>) src(%dma_wait3A_69 : memref<65536x768xf32, #tpu.memory_space<hbm>>) dst(%arg7 : memref<64x768xf32, #tpu.memory_space<vmem>>)
    %add3A_70 = arith.constant 192 : i32
    %add3A_71 = arith.addi %mul3A_2, %add3A_70 : i32
    "tpu.region"() ({
      %run_scoped3A = tpu.sem_alloc : memref<!tpu.dma_semaphore, #tpu.memory_space<semaphore_mem>>
      %dma_start3A_257 = arith.constant 0 : i32
      %dma_start3A_258 = tpu.memref_slice %arg4[%add3A_71, %dma_start3A_257] : memref<32768x768xf32, #tpu.memory_space<hbm>> -> memref<64x768xf32, #tpu.memory_space<hbm>>
      %dma_start3A_259 = arith.constant 0 : i32
      %dma_start3A_260 = tpu.memref_slice %arg4[%add3A_71, %dma_start3A_259] : memref<32768x768xf32, #tpu.memory_space<hbm>> -> memref<64x768xf32, #tpu.memory_space<hbm>>
      tpu.enqueue_dma source(%arg7 : memref<64x768xf32, #tpu.memory_space<vmem>>) target(%dma_start3A_260 : memref<64x768xf32, #tpu.memory_space<hbm>>) target_semaphore(%run_scoped3A : memref<!tpu.dma_semaphore, #tpu.memory_space<semaphore_mem>>)
      %dma_wait3A_261 = arith.constant 0 : i32
      %dma_wait3A_262 = tpu.memref_slice %arg4[%add3A_71, %dma_wait3A_261] : memref<32768x768xf32, #tpu.memory_space<hbm>> -> memref<64x768xf32, #tpu.memory_space<hbm>>
      %dma_wait3A_263 = arith.constant 0 : i32
      %dma_wait3A_264 = tpu.memref_slice %arg4[%add3A_71, %dma_wait3A_263] : memref<32768x768xf32, #tpu.memory_space<hbm>> -> memref<64x768xf32, #tpu.memory_space<hbm>>
      tpu.wait_dma2 semaphore(%run_scoped3A : memref<!tpu.dma_semaphore, #tpu.memory_space<semaphore_mem>>) src(%arg7 : memref<64x768xf32, #tpu.memory_space<vmem>>) dst(%dma_wait3A_264 : memref<64x768xf32, #tpu.memory_space<hbm>>)
      tpu.yield
    }) : () -> ()
    %dma_start3A_72 = arith.constant 5 : i32
    %dma_start3A_73 = arith.constant 0 : i32
    %dma_start3A_74 = tpu.memref_slice %arg5[%dma_start3A_72, %dma_start3A_73] : memref<16x64xi32, #tpu.memory_space<vmem>> -> memref<1x64xi32, #tpu.memory_space<vmem>>
    %dma_start3A_75 = tpu.memref_squeeze %dma_start3A_74 : memref<1x64xi32, #tpu.memory_space<vmem>> -> memref<64xi32, #tpu.memory_space<vmem>>
    %dma_start3A_76 = arith.constant 0 : i32
    %dma_start3A_77 = arith.constant 0 : i32
    %dma_start3A_78 = tpu.memref_slice %arg2[%dma_start3A_76, %dma_start3A_77] : memref<65536x768xf32, #tpu.memory_space<hbm>> -> memref<65536x768xf32, #tpu.memory_space<hbm>>
    tpu.enqueue_indirect_dma source(%dma_start3A_78 : memref<65536x768xf32, #tpu.memory_space<hbm>>) target(%arg7 : memref<64x768xf32, #tpu.memory_space<vmem>>) offsets(%dma_start3A_75 : memref<64xi32, #tpu.memory_space<vmem>>) semaphore(%arg9 : memref<!tpu.dma_semaphore, #tpu.memory_space<semaphore_mem>>)
    %dma_wait3A_79 = arith.constant 4 : i32
    %dma_wait3A_80 = arith.constant 0 : i32
    %dma_wait3A_81 = tpu.memref_slice %arg5[%dma_wait3A_79, %dma_wait3A_80] : memref<16x64xi32, #tpu.memory_space<vmem>> -> memref<1x64xi32, #tpu.memory_space<vmem>>
    %dma_wait3A_82 = tpu.memref_squeeze %dma_wait3A_81 : memref<1x64xi32, #tpu.memory_space<vmem>> -> memref<64xi32, #tpu.memory_space<vmem>>
    %dma_wait3A_83 = arith.constant 0 : i32
    %dma_wait3A_84 = arith.constant 0 : i32
    %dma_wait3A_85 = tpu.memref_slice %arg2[%dma_wait3A_83, %dma_wait3A_84] : memref<65536x768xf32, #tpu.memory_space<hbm>> -> memref<65536x768xf32, #tpu.memory_space<hbm>>
    tpu.wait_indirect_dma semaphore(%arg8 : memref<!tpu.dma_semaphore, #tpu.memory_space<semaphore_mem>>) src(%dma_wait3A_85 : memref<65536x768xf32, #tpu.memory_space<hbm>>) dst(%arg6 : memref<64x768xf32, #tpu.memory_space<vmem>>)
    %add3A_86 = arith.constant 256 : i32
    %add3A_87 = arith.addi %mul3A_2, %add3A_86 : i32
    "tpu.region"() ({
      %run_scoped3A = tpu.sem_alloc : memref<!tpu.dma_semaphore, #tpu.memory_space<semaphore_mem>>
      %dma_start3A_257 = arith.constant 0 : i32
      %dma_start3A_258 = tpu.memref_slice %arg4[%add3A_87, %dma_start3A_257] : memref<32768x768xf32, #tpu.memory_space<hbm>> -> memref<64x768xf32, #tpu.memory_space<hbm>>
      %dma_start3A_259 = arith.constant 0 : i32
      %dma_start3A_260 = tpu.memref_slice %arg4[%add3A_87, %dma_start3A_259] : memref<32768x768xf32, #tpu.memory_space<hbm>> -> memref<64x768xf32, #tpu.memory_space<hbm>>
      tpu.enqueue_dma source(%arg6 : memref<64x768xf32, #tpu.memory_space<vmem>>) target(%dma_start3A_260 : memref<64x768xf32, #tpu.memory_space<hbm>>) target_semaphore(%run_scoped3A : memref<!tpu.dma_semaphore, #tpu.memory_space<semaphore_mem>>)
      %dma_wait3A_261 = arith.constant 0 : i32
      %dma_wait3A_262 = tpu.memref_slice %arg4[%add3A_87, %dma_wait3A_261] : memref<32768x768xf32, #tpu.memory_space<hbm>> -> memref<64x768xf32, #tpu.memory_space<hbm>>
      %dma_wait3A_263 = arith.constant 0 : i32
      %dma_wait3A_264 = tpu.memref_slice %arg4[%add3A_87, %dma_wait3A_263] : memref<32768x768xf32, #tpu.memory_space<hbm>> -> memref<64x768xf32, #tpu.memory_space<hbm>>
      tpu.wait_dma2 semaphore(%run_scoped3A : memref<!tpu.dma_semaphore, #tpu.memory_space<semaphore_mem>>) src(%arg6 : memref<64x768xf32, #tpu.memory_space<vmem>>) dst(%dma_wait3A_264 : memref<64x768xf32, #tpu.memory_space<hbm>>)
      tpu.yield
    }) : () -> ()
    %dma_start3A_88 = arith.constant 6 : i32
    %dma_start3A_89 = arith.constant 0 : i32
    %dma_start3A_90 = tpu.memref_slice %arg5[%dma_start3A_88, %dma_start3A_89] : memref<16x64xi32, #tpu.memory_space<vmem>> -> memref<1x64xi32, #tpu.memory_space<vmem>>
    %dma_start3A_91 = tpu.memref_squeeze %dma_start3A_90 : memref<1x64xi32, #tpu.memory_space<vmem>> -> memref<64xi32, #tpu.memory_space<vmem>>
    %dma_start3A_92 = arith.constant 0 : i32
    %dma_start3A_93 = arith.constant 0 : i32
    %dma_start3A_94 = tpu.memref_slice %arg2[%dma_start3A_92, %dma_start3A_93] : memref<65536x768xf32, #tpu.memory_space<hbm>> -> memref<65536x768xf32, #tpu.memory_space<hbm>>
    tpu.enqueue_indirect_dma source(%dma_start3A_94 : memref<65536x768xf32, #tpu.memory_space<hbm>>) target(%arg6 : memref<64x768xf32, #tpu.memory_space<vmem>>) offsets(%dma_start3A_91 : memref<64xi32, #tpu.memory_space<vmem>>) semaphore(%arg8 : memref<!tpu.dma_semaphore, #tpu.memory_space<semaphore_mem>>)
    %dma_wait3A_95 = arith.constant 5 : i32
    %dma_wait3A_96 = arith.constant 0 : i32
    %dma_wait3A_97 = tpu.memref_slice %arg5[%dma_wait3A_95, %dma_wait3A_96] : memref<16x64xi32, #tpu.memory_space<vmem>> -> memref<1x64xi32, #tpu.memory_space<vmem>>
    %dma_wait3A_98 = tpu.memref_squeeze %dma_wait3A_97 : memref<1x64xi32, #tpu.memory_space<vmem>> -> memref<64xi32, #tpu.memory_space<vmem>>
    %dma_wait3A_99 = arith.constant 0 : i32
    %dma_wait3A_100 = arith.constant 0 : i32
    %dma_wait3A_101 = tpu.memref_slice %arg2[%dma_wait3A_99, %dma_wait3A_100] : memref<65536x768xf32, #tpu.memory_space<hbm>> -> memref<65536x768xf32, #tpu.memory_space<hbm>>
    tpu.wait_indirect_dma semaphore(%arg9 : memref<!tpu.dma_semaphore, #tpu.memory_space<semaphore_mem>>) src(%dma_wait3A_101 : memref<65536x768xf32, #tpu.memory_space<hbm>>) dst(%arg7 : memref<64x768xf32, #tpu.memory_space<vmem>>)
    %add3A_102 = arith.constant 320 : i32
    %add3A_103 = arith.addi %mul3A_2, %add3A_102 : i32
    "tpu.region"() ({
      %run_scoped3A = tpu.sem_alloc : memref<!tpu.dma_semaphore, #tpu.memory_space<semaphore_mem>>
      %dma_start3A_257 = arith.constant 0 : i32
      %dma_start3A_258 = tpu.memref_slice %arg4[%add3A_103, %dma_start3A_257] : memref<32768x768xf32, #tpu.memory_space<hbm>> -> memref<64x768xf32, #tpu.memory_space<hbm>>
      %dma_start3A_259 = arith.constant 0 : i32
      %dma_start3A_260 = tpu.memref_slice %arg4[%add3A_103, %dma_start3A_259] : memref<32768x768xf32, #tpu.memory_space<hbm>> -> memref<64x768xf32, #tpu.memory_space<hbm>>
      tpu.enqueue_dma source(%arg7 : memref<64x768xf32, #tpu.memory_space<vmem>>) target(%dma_start3A_260 : memref<64x768xf32, #tpu.memory_space<hbm>>) target_semaphore(%run_scoped3A : memref<!tpu.dma_semaphore, #tpu.memory_space<semaphore_mem>>)
      %dma_wait3A_261 = arith.constant 0 : i32
      %dma_wait3A_262 = tpu.memref_slice %arg4[%add3A_103, %dma_wait3A_261] : memref<32768x768xf32, #tpu.memory_space<hbm>> -> memref<64x768xf32, #tpu.memory_space<hbm>>
      %dma_wait3A_263 = arith.constant 0 : i32
      %dma_wait3A_264 = tpu.memref_slice %arg4[%add3A_103, %dma_wait3A_263] : memref<32768x768xf32, #tpu.memory_space<hbm>> -> memref<64x768xf32, #tpu.memory_space<hbm>>
      tpu.wait_dma2 semaphore(%run_scoped3A : memref<!tpu.dma_semaphore, #tpu.memory_space<semaphore_mem>>) src(%arg7 : memref<64x768xf32, #tpu.memory_space<vmem>>) dst(%dma_wait3A_264 : memref<64x768xf32, #tpu.memory_space<hbm>>)
      tpu.yield
    }) : () -> ()
    %dma_start3A_104 = arith.constant 7 : i32
    %dma_start3A_105 = arith.constant 0 : i32
    %dma_start3A_106 = tpu.memref_slice %arg5[%dma_start3A_104, %dma_start3A_105] : memref<16x64xi32, #tpu.memory_space<vmem>> -> memref<1x64xi32, #tpu.memory_space<vmem>>
    %dma_start3A_107 = tpu.memref_squeeze %dma_start3A_106 : memref<1x64xi32, #tpu.memory_space<vmem>> -> memref<64xi32, #tpu.memory_space<vmem>>
    %dma_start3A_108 = arith.constant 0 : i32
    %dma_start3A_109 = arith.constant 0 : i32
    %dma_start3A_110 = tpu.memref_slice %arg2[%dma_start3A_108, %dma_start3A_109] : memref<65536x768xf32, #tpu.memory_space<hbm>> -> memref<65536x768xf32, #tpu.memory_space<hbm>>
    tpu.enqueue_indirect_dma source(%dma_start3A_110 : memref<65536x768xf32, #tpu.memory_space<hbm>>) target(%arg7 : memref<64x768xf32, #tpu.memory_space<vmem>>) offsets(%dma_start3A_107 : memref<64xi32, #tpu.memory_space<vmem>>) semaphore(%arg9 : memref<!tpu.dma_semaphore, #tpu.memory_space<semaphore_mem>>)
    %dma_wait3A_111 = arith.constant 6 : i32
    %dma_wait3A_112 = arith.constant 0 : i32
    %dma_wait3A_113 = tpu.memref_slice %arg5[%dma_wait3A_111, %dma_wait3A_112] : memref<16x64xi32, #tpu.memory_space<vmem>> -> memref<1x64xi32, #tpu.memory_space<vmem>>
    %dma_wait3A_114 = tpu.memref_squeeze %dma_wait3A_113 : memref<1x64xi32, #tpu.memory_space<vmem>> -> memref<64xi32, #tpu.memory_space<vmem>>
    %dma_wait3A_115 = arith.constant 0 : i32
    %dma_wait3A_116 = arith.constant 0 : i32
    %dma_wait3A_117 = tpu.memref_slice %arg2[%dma_wait3A_115, %dma_wait3A_116] : memref<65536x768xf32, #tpu.memory_space<hbm>> -> memref<65536x768xf32, #tpu.memory_space<hbm>>
    tpu.wait_indirect_dma semaphore(%arg8 : memref<!tpu.dma_semaphore, #tpu.memory_space<semaphore_mem>>) src(%dma_wait3A_117 : memref<65536x768xf32, #tpu.memory_space<hbm>>) dst(%arg6 : memref<64x768xf32, #tpu.memory_space<vmem>>)
    %add3A_118 = arith.constant 384 : i32
    %add3A_119 = arith.addi %mul3A_2, %add3A_118 : i32
    "tpu.region"() ({
      %run_scoped3A = tpu.sem_alloc : memref<!tpu.dma_semaphore, #tpu.memory_space<semaphore_mem>>
      %dma_start3A_257 = arith.constant 0 : i32
      %dma_start3A_258 = tpu.memref_slice %arg4[%add3A_119, %dma_start3A_257] : memref<32768x768xf32, #tpu.memory_space<hbm>> -> memref<64x768xf32, #tpu.memory_space<hbm>>
      %dma_start3A_259 = arith.constant 0 : i32
      %dma_start3A_260 = tpu.memref_slice %arg4[%add3A_119, %dma_start3A_259] : memref<32768x768xf32, #tpu.memory_space<hbm>> -> memref<64x768xf32, #tpu.memory_space<hbm>>
      tpu.enqueue_dma source(%arg6 : memref<64x768xf32, #tpu.memory_space<vmem>>) target(%dma_start3A_260 : memref<64x768xf32, #tpu.memory_space<hbm>>) target_semaphore(%run_scoped3A : memref<!tpu.dma_semaphore, #tpu.memory_space<semaphore_mem>>)
      %dma_wait3A_261 = arith.constant 0 : i32
      %dma_wait3A_262 = tpu.memref_slice %arg4[%add3A_119, %dma_wait3A_261] : memref<32768x768xf32, #tpu.memory_space<hbm>> -> memref<64x768xf32, #tpu.memory_space<hbm>>
      %dma_wait3A_263 = arith.constant 0 : i32
      %dma_wait3A_264 = tpu.memref_slice %arg4[%add3A_119, %dma_wait3A_263] : memref<32768x768xf32, #tpu.memory_space<hbm>> -> memref<64x768xf32, #tpu.memory_space<hbm>>
      tpu.wait_dma2 semaphore(%run_scoped3A : memref<!tpu.dma_semaphore, #tpu.memory_space<semaphore_mem>>) src(%arg6 : memref<64x768xf32, #tpu.memory_space<vmem>>) dst(%dma_wait3A_264 : memref<64x768xf32, #tpu.memory_space<hbm>>)
      tpu.yield
    }) : () -> ()
    %dma_start3A_120 = arith.constant 8 : i32
    %dma_start3A_121 = arith.constant 0 : i32
    %dma_start3A_122 = tpu.memref_slice %arg5[%dma_start3A_120, %dma_start3A_121] : memref<16x64xi32, #tpu.memory_space<vmem>> -> memref<1x64xi32, #tpu.memory_space<vmem>>
    %dma_start3A_123 = tpu.memref_squeeze %dma_start3A_122 : memref<1x64xi32, #tpu.memory_space<vmem>> -> memref<64xi32, #tpu.memory_space<vmem>>
    %dma_start3A_124 = arith.constant 0 : i32
    %dma_start3A_125 = arith.constant 0 : i32
    %dma_start3A_126 = tpu.memref_slice %arg2[%dma_start3A_124, %dma_start3A_125] : memref<65536x768xf32, #tpu.memory_space<hbm>> -> memref<65536x768xf32, #tpu.memory_space<hbm>>
    tpu.enqueue_indirect_dma source(%dma_start3A_126 : memref<65536x768xf32, #tpu.memory_space<hbm>>) target(%arg6 : memref<64x768xf32, #tpu.memory_space<vmem>>) offsets(%dma_start3A_123 : memref<64xi32, #tpu.memory_space<vmem>>) semaphore(%arg8 : memref<!tpu.dma_semaphore, #tpu.memory_space<semaphore_mem>>)
    %dma_wait3A_127 = arith.constant 7 : i32
    %dma_wait3A_128 = arith.constant 0 : i32
    %dma_wait3A_129 = tpu.memref_slice %arg5[%dma_wait3A_127, %dma_wait3A_128] : memref<16x64xi32, #tpu.memory_space<vmem>> -> memref<1x64xi32, #tpu.memory_space<vmem>>
    %dma_wait3A_130 = tpu.memref_squeeze %dma_wait3A_129 : memref<1x64xi32, #tpu.memory_space<vmem>> -> memref<64xi32, #tpu.memory_space<vmem>>
    %dma_wait3A_131 = arith.constant 0 : i32
    %dma_wait3A_132 = arith.constant 0 : i32
    %dma_wait3A_133 = tpu.memref_slice %arg2[%dma_wait3A_131, %dma_wait3A_132] : memref<65536x768xf32, #tpu.memory_space<hbm>> -> memref<65536x768xf32, #tpu.memory_space<hbm>>
    tpu.wait_indirect_dma semaphore(%arg9 : memref<!tpu.dma_semaphore, #tpu.memory_space<semaphore_mem>>) src(%dma_wait3A_133 : memref<65536x768xf32, #tpu.memory_space<hbm>>) dst(%arg7 : memref<64x768xf32, #tpu.memory_space<vmem>>)
    %add3A_134 = arith.constant 448 : i32
    %add3A_135 = arith.addi %mul3A_2, %add3A_134 : i32
    "tpu.region"() ({
      %run_scoped3A = tpu.sem_alloc : memref<!tpu.dma_semaphore, #tpu.memory_space<semaphore_mem>>
      %dma_start3A_257 = arith.constant 0 : i32
      %dma_start3A_258 = tpu.memref_slice %arg4[%add3A_135, %dma_start3A_257] : memref<32768x768xf32, #tpu.memory_space<hbm>> -> memref<64x768xf32, #tpu.memory_space<hbm>>
      %dma_start3A_259 = arith.constant 0 : i32
      %dma_start3A_260 = tpu.memref_slice %arg4[%add3A_135, %dma_start3A_259] : memref<32768x768xf32, #tpu.memory_space<hbm>> -> memref<64x768xf32, #tpu.memory_space<hbm>>
      tpu.enqueue_dma source(%arg7 : memref<64x768xf32, #tpu.memory_space<vmem>>) target(%dma_start3A_260 : memref<64x768xf32, #tpu.memory_space<hbm>>) target_semaphore(%run_scoped3A : memref<!tpu.dma_semaphore, #tpu.memory_space<semaphore_mem>>)
      %dma_wait3A_261 = arith.constant 0 : i32
      %dma_wait3A_262 = tpu.memref_slice %arg4[%add3A_135, %dma_wait3A_261] : memref<32768x768xf32, #tpu.memory_space<hbm>> -> memref<64x768xf32, #tpu.memory_space<hbm>>
      %dma_wait3A_263 = arith.constant 0 : i32
      %dma_wait3A_264 = tpu.memref_slice %arg4[%add3A_135, %dma_wait3A_263] : memref<32768x768xf32, #tpu.memory_space<hbm>> -> memref<64x768xf32, #tpu.memory_space<hbm>>
      tpu.wait_dma2 semaphore(%run_scoped3A : memref<!tpu.dma_semaphore, #tpu.memory_space<semaphore_mem>>) src(%arg7 : memref<64x768xf32, #tpu.memory_space<vmem>>) dst(%dma_wait3A_264 : memref<64x768xf32, #tpu.memory_space<hbm>>)
      tpu.yield
    }) : () -> ()
    %dma_start3A_136 = arith.constant 9 : i32
    %dma_start3A_137 = arith.constant 0 : i32
    %dma_start3A_138 = tpu.memref_slice %arg5[%dma_start3A_136, %dma_start3A_137] : memref<16x64xi32, #tpu.memory_space<vmem>> -> memref<1x64xi32, #tpu.memory_space<vmem>>
    %dma_start3A_139 = tpu.memref_squeeze %dma_start3A_138 : memref<1x64xi32, #tpu.memory_space<vmem>> -> memref<64xi32, #tpu.memory_space<vmem>>
    %dma_start3A_140 = arith.constant 0 : i32
    %dma_start3A_141 = arith.constant 0 : i32
    %dma_start3A_142 = tpu.memref_slice %arg2[%dma_start3A_140, %dma_start3A_141] : memref<65536x768xf32, #tpu.memory_space<hbm>> -> memref<65536x768xf32, #tpu.memory_space<hbm>>
    tpu.enqueue_indirect_dma source(%dma_start3A_142 : memref<65536x768xf32, #tpu.memory_space<hbm>>) target(%arg7 : memref<64x768xf32, #tpu.memory_space<vmem>>) offsets(%dma_start3A_139 : memref<64xi32, #tpu.memory_space<vmem>>) semaphore(%arg9 : memref<!tpu.dma_semaphore, #tpu.memory_space<semaphore_mem>>)
    %dma_wait3A_143 = arith.constant 8 : i32
    %dma_wait3A_144 = arith.constant 0 : i32
    %dma_wait3A_145 = tpu.memref_slice %arg5[%dma_wait3A_143, %dma_wait3A_144] : memref<16x64xi32, #tpu.memory_space<vmem>> -> memref<1x64xi32, #tpu.memory_space<vmem>>
    %dma_wait3A_146 = tpu.memref_squeeze %dma_wait3A_145 : memref<1x64xi32, #tpu.memory_space<vmem>> -> memref<64xi32, #tpu.memory_space<vmem>>
    %dma_wait3A_147 = arith.constant 0 : i32
    %dma_wait3A_148 = arith.constant 0 : i32
    %dma_wait3A_149 = tpu.memref_slice %arg2[%dma_wait3A_147, %dma_wait3A_148] : memref<65536x768xf32, #tpu.memory_space<hbm>> -> memref<65536x768xf32, #tpu.memory_space<hbm>>
    tpu.wait_indirect_dma semaphore(%arg8 : memref<!tpu.dma_semaphore, #tpu.memory_space<semaphore_mem>>) src(%dma_wait3A_149 : memref<65536x768xf32, #tpu.memory_space<hbm>>) dst(%arg6 : memref<64x768xf32, #tpu.memory_space<vmem>>)
    %add3A_150 = arith.constant 512 : i32
    %add3A_151 = arith.addi %mul3A_2, %add3A_150 : i32
    "tpu.region"() ({
      %run_scoped3A = tpu.sem_alloc : memref<!tpu.dma_semaphore, #tpu.memory_space<semaphore_mem>>
      %dma_start3A_257 = arith.constant 0 : i32
      %dma_start3A_258 = tpu.memref_slice %arg4[%add3A_151, %dma_start3A_257] : memref<32768x768xf32, #tpu.memory_space<hbm>> -> memref<64x768xf32, #tpu.memory_space<hbm>>
      %dma_start3A_259 = arith.constant 0 : i32
      %dma_start3A_260 = tpu.memref_slice %arg4[%add3A_151, %dma_start3A_259] : memref<32768x768xf32, #tpu.memory_space<hbm>> -> memref<64x768xf32, #tpu.memory_space<hbm>>
      tpu.enqueue_dma source(%arg6 : memref<64x768xf32, #tpu.memory_space<vmem>>) target(%dma_start3A_260 : memref<64x768xf32, #tpu.memory_space<hbm>>) target_semaphore(%run_scoped3A : memref<!tpu.dma_semaphore, #tpu.memory_space<semaphore_mem>>)
      %dma_wait3A_261 = arith.constant 0 : i32
      %dma_wait3A_262 = tpu.memref_slice %arg4[%add3A_151, %dma_wait3A_261] : memref<32768x768xf32, #tpu.memory_space<hbm>> -> memref<64x768xf32, #tpu.memory_space<hbm>>
      %dma_wait3A_263 = arith.constant 0 : i32
      %dma_wait3A_264 = tpu.memref_slice %arg4[%add3A_151, %dma_wait3A_263] : memref<32768x768xf32, #tpu.memory_space<hbm>> -> memref<64x768xf32, #tpu.memory_space<hbm>>
      tpu.wait_dma2 semaphore(%run_scoped3A : memref<!tpu.dma_semaphore, #tpu.memory_space<semaphore_mem>>) src(%arg6 : memref<64x768xf32, #tpu.memory_space<vmem>>) dst(%dma_wait3A_264 : memref<64x768xf32, #tpu.memory_space<hbm>>)
      tpu.yield
    }) : () -> ()
    %dma_start3A_152 = arith.constant 10 : i32
    %dma_start3A_153 = arith.constant 0 : i32
    %dma_start3A_154 = tpu.memref_slice %arg5[%dma_start3A_152, %dma_start3A_153] : memref<16x64xi32, #tpu.memory_space<vmem>> -> memref<1x64xi32, #tpu.memory_space<vmem>>
    %dma_start3A_155 = tpu.memref_squeeze %dma_start3A_154 : memref<1x64xi32, #tpu.memory_space<vmem>> -> memref<64xi32, #tpu.memory_space<vmem>>
    %dma_start3A_156 = arith.constant 0 : i32
    %dma_start3A_157 = arith.constant 0 : i32
    %dma_start3A_158 = tpu.memref_slice %arg2[%dma_start3A_156, %dma_start3A_157] : memref<65536x768xf32, #tpu.memory_space<hbm>> -> memref<65536x768xf32, #tpu.memory_space<hbm>>
    tpu.enqueue_indirect_dma source(%dma_start3A_158 : memref<65536x768xf32, #tpu.memory_space<hbm>>) target(%arg6 : memref<64x768xf32, #tpu.memory_space<vmem>>) offsets(%dma_start3A_155 : memref<64xi32, #tpu.memory_space<vmem>>) semaphore(%arg8 : memref<!tpu.dma_semaphore, #tpu.memory_space<semaphore_mem>>)
    %dma_wait3A_159 = arith.constant 9 : i32
    %dma_wait3A_160 = arith.constant 0 : i32
    %dma_wait3A_161 = tpu.memref_slice %arg5[%dma_wait3A_159, %dma_wait3A_160] : memref<16x64xi32, #tpu.memory_space<vmem>> -> memref<1x64xi32, #tpu.memory_space<vmem>>
    %dma_wait3A_162 = tpu.memref_squeeze %dma_wait3A_161 : memref<1x64xi32, #tpu.memory_space<vmem>> -> memref<64xi32, #tpu.memory_space<vmem>>
    %dma_wait3A_163 = arith.constant 0 : i32
    %dma_wait3A_164 = arith.constant 0 : i32
    %dma_wait3A_165 = tpu.memref_slice %arg2[%dma_wait3A_163, %dma_wait3A_164] : memref<65536x768xf32, #tpu.memory_space<hbm>> -> memref<65536x768xf32, #tpu.memory_space<hbm>>
    tpu.wait_indirect_dma semaphore(%arg9 : memref<!tpu.dma_semaphore, #tpu.memory_space<semaphore_mem>>) src(%dma_wait3A_165 : memref<65536x768xf32, #tpu.memory_space<hbm>>) dst(%arg7 : memref<64x768xf32, #tpu.memory_space<vmem>>)
    %add3A_166 = arith.constant 576 : i32
    %add3A_167 = arith.addi %mul3A_2, %add3A_166 : i32
    "tpu.region"() ({
      %run_scoped3A = tpu.sem_alloc : memref<!tpu.dma_semaphore, #tpu.memory_space<semaphore_mem>>
      %dma_start3A_257 = arith.constant 0 : i32
      %dma_start3A_258 = tpu.memref_slice %arg4[%add3A_167, %dma_start3A_257] : memref<32768x768xf32, #tpu.memory_space<hbm>> -> memref<64x768xf32, #tpu.memory_space<hbm>>
      %dma_start3A_259 = arith.constant 0 : i32
      %dma_start3A_260 = tpu.memref_slice %arg4[%add3A_167, %dma_start3A_259] : memref<32768x768xf32, #tpu.memory_space<hbm>> -> memref<64x768xf32, #tpu.memory_space<hbm>>
      tpu.enqueue_dma source(%arg7 : memref<64x768xf32, #tpu.memory_space<vmem>>) target(%dma_start3A_260 : memref<64x768xf32, #tpu.memory_space<hbm>>) target_semaphore(%run_scoped3A : memref<!tpu.dma_semaphore, #tpu.memory_space<semaphore_mem>>)
      %dma_wait3A_261 = arith.constant 0 : i32
      %dma_wait3A_262 = tpu.memref_slice %arg4[%add3A_167, %dma_wait3A_261] : memref<32768x768xf32, #tpu.memory_space<hbm>> -> memref<64x768xf32, #tpu.memory_space<hbm>>
      %dma_wait3A_263 = arith.constant 0 : i32
      %dma_wait3A_264 = tpu.memref_slice %arg4[%add3A_167, %dma_wait3A_263] : memref<32768x768xf32, #tpu.memory_space<hbm>> -> memref<64x768xf32, #tpu.memory_space<hbm>>
      tpu.wait_dma2 semaphore(%run_scoped3A : memref<!tpu.dma_semaphore, #tpu.memory_space<semaphore_mem>>) src(%arg7 : memref<64x768xf32, #tpu.memory_space<vmem>>) dst(%dma_wait3A_264 : memref<64x768xf32, #tpu.memory_space<hbm>>)
      tpu.yield
    }) : () -> ()
    %dma_start3A_168 = arith.constant 11 : i32
    %dma_start3A_169 = arith.constant 0 : i32
    %dma_start3A_170 = tpu.memref_slice %arg5[%dma_start3A_168, %dma_start3A_169] : memref<16x64xi32, #tpu.memory_space<vmem>> -> memref<1x64xi32, #tpu.memory_space<vmem>>
    %dma_start3A_171 = tpu.memref_squeeze %dma_start3A_170 : memref<1x64xi32, #tpu.memory_space<vmem>> -> memref<64xi32, #tpu.memory_space<vmem>>
    %dma_start3A_172 = arith.constant 0 : i32
    %dma_start3A_173 = arith.constant 0 : i32
    %dma_start3A_174 = tpu.memref_slice %arg2[%dma_start3A_172, %dma_start3A_173] : memref<65536x768xf32, #tpu.memory_space<hbm>> -> memref<65536x768xf32, #tpu.memory_space<hbm>>
    tpu.enqueue_indirect_dma source(%dma_start3A_174 : memref<65536x768xf32, #tpu.memory_space<hbm>>) target(%arg7 : memref<64x768xf32, #tpu.memory_space<vmem>>) offsets(%dma_start3A_171 : memref<64xi32, #tpu.memory_space<vmem>>) semaphore(%arg9 : memref<!tpu.dma_semaphore, #tpu.memory_space<semaphore_mem>>)
    %dma_wait3A_175 = arith.constant 10 : i32
    %dma_wait3A_176 = arith.constant 0 : i32
    %dma_wait3A_177 = tpu.memref_slice %arg5[%dma_wait3A_175, %dma_wait3A_176] : memref<16x64xi32, #tpu.memory_space<vmem>> -> memref<1x64xi32, #tpu.memory_space<vmem>>
    %dma_wait3A_178 = tpu.memref_squeeze %dma_wait3A_177 : memref<1x64xi32, #tpu.memory_space<vmem>> -> memref<64xi32, #tpu.memory_space<vmem>>
    %dma_wait3A_179 = arith.constant 0 : i32
    %dma_wait3A_180 = arith.constant 0 : i32
    %dma_wait3A_181 = tpu.memref_slice %arg2[%dma_wait3A_179, %dma_wait3A_180] : memref<65536x768xf32, #tpu.memory_space<hbm>> -> memref<65536x768xf32, #tpu.memory_space<hbm>>
    tpu.wait_indirect_dma semaphore(%arg8 : memref<!tpu.dma_semaphore, #tpu.memory_space<semaphore_mem>>) src(%dma_wait3A_181 : memref<65536x768xf32, #tpu.memory_space<hbm>>) dst(%arg6 : memref<64x768xf32, #tpu.memory_space<vmem>>)
    %add3A_182 = arith.constant 640 : i32
    %add3A_183 = arith.addi %mul3A_2, %add3A_182 : i32
    "tpu.region"() ({
      %run_scoped3A = tpu.sem_alloc : memref<!tpu.dma_semaphore, #tpu.memory_space<semaphore_mem>>
      %dma_start3A_257 = arith.constant 0 : i32
      %dma_start3A_258 = tpu.memref_slice %arg4[%add3A_183, %dma_start3A_257] : memref<32768x768xf32, #tpu.memory_space<hbm>> -> memref<64x768xf32, #tpu.memory_space<hbm>>
      %dma_start3A_259 = arith.constant 0 : i32
      %dma_start3A_260 = tpu.memref_slice %arg4[%add3A_183, %dma_start3A_259] : memref<32768x768xf32, #tpu.memory_space<hbm>> -> memref<64x768xf32, #tpu.memory_space<hbm>>
      tpu.enqueue_dma source(%arg6 : memref<64x768xf32, #tpu.memory_space<vmem>>) target(%dma_start3A_260 : memref<64x768xf32, #tpu.memory_space<hbm>>) target_semaphore(%run_scoped3A : memref<!tpu.dma_semaphore, #tpu.memory_space<semaphore_mem>>)
      %dma_wait3A_261 = arith.constant 0 : i32
      %dma_wait3A_262 = tpu.memref_slice %arg4[%add3A_183, %dma_wait3A_261] : memref<32768x768xf32, #tpu.memory_space<hbm>> -> memref<64x768xf32, #tpu.memory_space<hbm>>
      %dma_wait3A_263 = arith.constant 0 : i32
      %dma_wait3A_264 = tpu.memref_slice %arg4[%add3A_183, %dma_wait3A_263] : memref<32768x768xf32, #tpu.memory_space<hbm>> -> memref<64x768xf32, #tpu.memory_space<hbm>>
      tpu.wait_dma2 semaphore(%run_scoped3A : memref<!tpu.dma_semaphore, #tpu.memory_space<semaphore_mem>>) src(%arg6 : memref<64x768xf32, #tpu.memory_space<vmem>>) dst(%dma_wait3A_264 : memref<64x768xf32, #tpu.memory_space<hbm>>)
      tpu.yield
    }) : () -> ()
    %dma_start3A_184 = arith.constant 12 : i32
    %dma_start3A_185 = arith.constant 0 : i32
    %dma_start3A_186 = tpu.memref_slice %arg5[%dma_start3A_184, %dma_start3A_185] : memref<16x64xi32, #tpu.memory_space<vmem>> -> memref<1x64xi32, #tpu.memory_space<vmem>>
    %dma_start3A_187 = tpu.memref_squeeze %dma_start3A_186 : memref<1x64xi32, #tpu.memory_space<vmem>> -> memref<64xi32, #tpu.memory_space<vmem>>
    %dma_start3A_188 = arith.constant 0 : i32
    %dma_start3A_189 = arith.constant 0 : i32
    %dma_start3A_190 = tpu.memref_slice %arg2[%dma_start3A_188, %dma_start3A_189] : memref<65536x768xf32, #tpu.memory_space<hbm>> -> memref<65536x768xf32, #tpu.memory_space<hbm>>
    tpu.enqueue_indirect_dma source(%dma_start3A_190 : memref<65536x768xf32, #tpu.memory_space<hbm>>) target(%arg6 : memref<64x768xf32, #tpu.memory_space<vmem>>) offsets(%dma_start3A_187 : memref<64xi32, #tpu.memory_space<vmem>>) semaphore(%arg8 : memref<!tpu.dma_semaphore, #tpu.memory_space<semaphore_mem>>)
    %dma_wait3A_191 = arith.constant 11 : i32
    %dma_wait3A_192 = arith.constant 0 : i32
    %dma_wait3A_193 = tpu.memref_slice %arg5[%dma_wait3A_191, %dma_wait3A_192] : memref<16x64xi32, #tpu.memory_space<vmem>> -> memref<1x64xi32, #tpu.memory_space<vmem>>
    %dma_wait3A_194 = tpu.memref_squeeze %dma_wait3A_193 : memref<1x64xi32, #tpu.memory_space<vmem>> -> memref<64xi32, #tpu.memory_space<vmem>>
    %dma_wait3A_195 = arith.constant 0 : i32
    %dma_wait3A_196 = arith.constant 0 : i32
    %dma_wait3A_197 = tpu.memref_slice %arg2[%dma_wait3A_195, %dma_wait3A_196] : memref<65536x768xf32, #tpu.memory_space<hbm>> -> memref<65536x768xf32, #tpu.memory_space<hbm>>
    tpu.wait_indirect_dma semaphore(%arg9 : memref<!tpu.dma_semaphore, #tpu.memory_space<semaphore_mem>>) src(%dma_wait3A_197 : memref<65536x768xf32, #tpu.memory_space<hbm>>) dst(%arg7 : memref<64x768xf32, #tpu.memory_space<vmem>>)
    %add3A_198 = arith.constant 704 : i32
    %add3A_199 = arith.addi %mul3A_2, %add3A_198 : i32
    "tpu.region"() ({
      %run_scoped3A = tpu.sem_alloc : memref<!tpu.dma_semaphore, #tpu.memory_space<semaphore_mem>>
      %dma_start3A_257 = arith.constant 0 : i32
      %dma_start3A_258 = tpu.memref_slice %arg4[%add3A_199, %dma_start3A_257] : memref<32768x768xf32, #tpu.memory_space<hbm>> -> memref<64x768xf32, #tpu.memory_space<hbm>>
      %dma_start3A_259 = arith.constant 0 : i32
      %dma_start3A_260 = tpu.memref_slice %arg4[%add3A_199, %dma_start3A_259] : memref<32768x768xf32, #tpu.memory_space<hbm>> -> memref<64x768xf32, #tpu.memory_space<hbm>>
      tpu.enqueue_dma source(%arg7 : memref<64x768xf32, #tpu.memory_space<vmem>>) target(%dma_start3A_260 : memref<64x768xf32, #tpu.memory_space<hbm>>) target_semaphore(%run_scoped3A : memref<!tpu.dma_semaphore, #tpu.memory_space<semaphore_mem>>)
      %dma_wait3A_261 = arith.constant 0 : i32
      %dma_wait3A_262 = tpu.memref_slice %arg4[%add3A_199, %dma_wait3A_261] : memref<32768x768xf32, #tpu.memory_space<hbm>> -> memref<64x768xf32, #tpu.memory_space<hbm>>
      %dma_wait3A_263 = arith.constant 0 : i32
      %dma_wait3A_264 = tpu.memref_slice %arg4[%add3A_199, %dma_wait3A_263] : memref<32768x768xf32, #tpu.memory_space<hbm>> -> memref<64x768xf32, #tpu.memory_space<hbm>>
      tpu.wait_dma2 semaphore(%run_scoped3A : memref<!tpu.dma_semaphore, #tpu.memory_space<semaphore_mem>>) src(%arg7 : memref<64x768xf32, #tpu.memory_space<vmem>>) dst(%dma_wait3A_264 : memref<64x768xf32, #tpu.memory_space<hbm>>)
      tpu.yield
    }) : () -> ()
    %dma_start3A_200 = arith.constant 13 : i32
    %dma_start3A_201 = arith.constant 0 : i32
    %dma_start3A_202 = tpu.memref_slice %arg5[%dma_start3A_200, %dma_start3A_201] : memref<16x64xi32, #tpu.memory_space<vmem>> -> memref<1x64xi32, #tpu.memory_space<vmem>>
    %dma_start3A_203 = tpu.memref_squeeze %dma_start3A_202 : memref<1x64xi32, #tpu.memory_space<vmem>> -> memref<64xi32, #tpu.memory_space<vmem>>
    %dma_start3A_204 = arith.constant 0 : i32
    %dma_start3A_205 = arith.constant 0 : i32
    %dma_start3A_206 = tpu.memref_slice %arg2[%dma_start3A_204, %dma_start3A_205] : memref<65536x768xf32, #tpu.memory_space<hbm>> -> memref<65536x768xf32, #tpu.memory_space<hbm>>
    tpu.enqueue_indirect_dma source(%dma_start3A_206 : memref<65536x768xf32, #tpu.memory_space<hbm>>) target(%arg7 : memref<64x768xf32, #tpu.memory_space<vmem>>) offsets(%dma_start3A_203 : memref<64xi32, #tpu.memory_space<vmem>>) semaphore(%arg9 : memref<!tpu.dma_semaphore, #tpu.memory_space<semaphore_mem>>)
    %dma_wait3A_207 = arith.constant 12 : i32
    %dma_wait3A_208 = arith.constant 0 : i32
    %dma_wait3A_209 = tpu.memref_slice %arg5[%dma_wait3A_207, %dma_wait3A_208] : memref<16x64xi32, #tpu.memory_space<vmem>> -> memref<1x64xi32, #tpu.memory_space<vmem>>
    %dma_wait3A_210 = tpu.memref_squeeze %dma_wait3A_209 : memref<1x64xi32, #tpu.memory_space<vmem>> -> memref<64xi32, #tpu.memory_space<vmem>>
    %dma_wait3A_211 = arith.constant 0 : i32
    %dma_wait3A_212 = arith.constant 0 : i32
    %dma_wait3A_213 = tpu.memref_slice %arg2[%dma_wait3A_211, %dma_wait3A_212] : memref<65536x768xf32, #tpu.memory_space<hbm>> -> memref<65536x768xf32, #tpu.memory_space<hbm>>
    tpu.wait_indirect_dma semaphore(%arg8 : memref<!tpu.dma_semaphore, #tpu.memory_space<semaphore_mem>>) src(%dma_wait3A_213 : memref<65536x768xf32, #tpu.memory_space<hbm>>) dst(%arg6 : memref<64x768xf32, #tpu.memory_space<vmem>>)
    %add3A_214 = arith.constant 768 : i32
    %add3A_215 = arith.addi %mul3A_2, %add3A_214 : i32
    "tpu.region"() ({
      %run_scoped3A = tpu.sem_alloc : memref<!tpu.dma_semaphore, #tpu.memory_space<semaphore_mem>>
      %dma_start3A_257 = arith.constant 0 : i32
      %dma_start3A_258 = tpu.memref_slice %arg4[%add3A_215, %dma_start3A_257] : memref<32768x768xf32, #tpu.memory_space<hbm>> -> memref<64x768xf32, #tpu.memory_space<hbm>>
      %dma_start3A_259 = arith.constant 0 : i32
      %dma_start3A_260 = tpu.memref_slice %arg4[%add3A_215, %dma_start3A_259] : memref<32768x768xf32, #tpu.memory_space<hbm>> -> memref<64x768xf32, #tpu.memory_space<hbm>>
      tpu.enqueue_dma source(%arg6 : memref<64x768xf32, #tpu.memory_space<vmem>>) target(%dma_start3A_260 : memref<64x768xf32, #tpu.memory_space<hbm>>) target_semaphore(%run_scoped3A : memref<!tpu.dma_semaphore, #tpu.memory_space<semaphore_mem>>)
      %dma_wait3A_261 = arith.constant 0 : i32
      %dma_wait3A_262 = tpu.memref_slice %arg4[%add3A_215, %dma_wait3A_261] : memref<32768x768xf32, #tpu.memory_space<hbm>> -> memref<64x768xf32, #tpu.memory_space<hbm>>
      %dma_wait3A_263 = arith.constant 0 : i32
      %dma_wait3A_264 = tpu.memref_slice %arg4[%add3A_215, %dma_wait3A_263] : memref<32768x768xf32, #tpu.memory_space<hbm>> -> memref<64x768xf32, #tpu.memory_space<hbm>>
      tpu.wait_dma2 semaphore(%run_scoped3A : memref<!tpu.dma_semaphore, #tpu.memory_space<semaphore_mem>>) src(%arg6 : memref<64x768xf32, #tpu.memory_space<vmem>>) dst(%dma_wait3A_264 : memref<64x768xf32, #tpu.memory_space<hbm>>)
      tpu.yield
    }) : () -> ()
    %dma_start3A_216 = arith.constant 14 : i32
    %dma_start3A_217 = arith.constant 0 : i32
    %dma_start3A_218 = tpu.memref_slice %arg5[%dma_start3A_216, %dma_start3A_217] : memref<16x64xi32, #tpu.memory_space<vmem>> -> memref<1x64xi32, #tpu.memory_space<vmem>>
    %dma_start3A_219 = tpu.memref_squeeze %dma_start3A_218 : memref<1x64xi32, #tpu.memory_space<vmem>> -> memref<64xi32, #tpu.memory_space<vmem>>
    %dma_start3A_220 = arith.constant 0 : i32
    %dma_start3A_221 = arith.constant 0 : i32
    %dma_start3A_222 = tpu.memref_slice %arg2[%dma_start3A_220, %dma_start3A_221] : memref<65536x768xf32, #tpu.memory_space<hbm>> -> memref<65536x768xf32, #tpu.memory_space<hbm>>
    tpu.enqueue_indirect_dma source(%dma_start3A_222 : memref<65536x768xf32, #tpu.memory_space<hbm>>) target(%arg6 : memref<64x768xf32, #tpu.memory_space<vmem>>) offsets(%dma_start3A_219 : memref<64xi32, #tpu.memory_space<vmem>>) semaphore(%arg8 : memref<!tpu.dma_semaphore, #tpu.memory_space<semaphore_mem>>)
    %dma_wait3A_223 = arith.constant 13 : i32
    %dma_wait3A_224 = arith.constant 0 : i32
    %dma_wait3A_225 = tpu.memref_slice %arg5[%dma_wait3A_223, %dma_wait3A_224] : memref<16x64xi32, #tpu.memory_space<vmem>> -> memref<1x64xi32, #tpu.memory_space<vmem>>
    %dma_wait3A_226 = tpu.memref_squeeze %dma_wait3A_225 : memref<1x64xi32, #tpu.memory_space<vmem>> -> memref<64xi32, #tpu.memory_space<vmem>>
    %dma_wait3A_227 = arith.constant 0 : i32
    %dma_wait3A_228 = arith.constant 0 : i32
    %dma_wait3A_229 = tpu.memref_slice %arg2[%dma_wait3A_227, %dma_wait3A_228] : memref<65536x768xf32, #tpu.memory_space<hbm>> -> memref<65536x768xf32, #tpu.memory_space<hbm>>
    tpu.wait_indirect_dma semaphore(%arg9 : memref<!tpu.dma_semaphore, #tpu.memory_space<semaphore_mem>>) src(%dma_wait3A_229 : memref<65536x768xf32, #tpu.memory_space<hbm>>) dst(%arg7 : memref<64x768xf32, #tpu.memory_space<vmem>>)
    %add3A_230 = arith.constant 832 : i32
    %add3A_231 = arith.addi %mul3A_2, %add3A_230 : i32
    "tpu.region"() ({
      %run_scoped3A = tpu.sem_alloc : memref<!tpu.dma_semaphore, #tpu.memory_space<semaphore_mem>>
      %dma_start3A_257 = arith.constant 0 : i32
      %dma_start3A_258 = tpu.memref_slice %arg4[%add3A_231, %dma_start3A_257] : memref<32768x768xf32, #tpu.memory_space<hbm>> -> memref<64x768xf32, #tpu.memory_space<hbm>>
      %dma_start3A_259 = arith.constant 0 : i32
      %dma_start3A_260 = tpu.memref_slice %arg4[%add3A_231, %dma_start3A_259] : memref<32768x768xf32, #tpu.memory_space<hbm>> -> memref<64x768xf32, #tpu.memory_space<hbm>>
      tpu.enqueue_dma source(%arg7 : memref<64x768xf32, #tpu.memory_space<vmem>>) target(%dma_start3A_260 : memref<64x768xf32, #tpu.memory_space<hbm>>) target_semaphore(%run_scoped3A : memref<!tpu.dma_semaphore, #tpu.memory_space<semaphore_mem>>)
      %dma_wait3A_261 = arith.constant 0 : i32
      %dma_wait3A_262 = tpu.memref_slice %arg4[%add3A_231, %dma_wait3A_261] : memref<32768x768xf32, #tpu.memory_space<hbm>> -> memref<64x768xf32, #tpu.memory_space<hbm>>
      %dma_wait3A_263 = arith.constant 0 : i32
      %dma_wait3A_264 = tpu.memref_slice %arg4[%add3A_231, %dma_wait3A_263] : memref<32768x768xf32, #tpu.memory_space<hbm>> -> memref<64x768xf32, #tpu.memory_space<hbm>>
      tpu.wait_dma2 semaphore(%run_scoped3A : memref<!tpu.dma_semaphore, #tpu.memory_space<semaphore_mem>>) src(%arg7 : memref<64x768xf32, #tpu.memory_space<vmem>>) dst(%dma_wait3A_264 : memref<64x768xf32, #tpu.memory_space<hbm>>)
      tpu.yield
    }) : () -> ()
    %dma_start3A_232 = arith.constant 15 : i32
    %dma_start3A_233 = arith.constant 0 : i32
    %dma_start3A_234 = tpu.memref_slice %arg5[%dma_start3A_232, %dma_start3A_233] : memref<16x64xi32, #tpu.memory_space<vmem>> -> memref<1x64xi32, #tpu.memory_space<vmem>>
    %dma_start3A_235 = tpu.memref_squeeze %dma_start3A_234 : memref<1x64xi32, #tpu.memory_space<vmem>> -> memref<64xi32, #tpu.memory_space<vmem>>
    %dma_start3A_236 = arith.constant 0 : i32
    %dma_start3A_237 = arith.constant 0 : i32
    %dma_start3A_238 = tpu.memref_slice %arg2[%dma_start3A_236, %dma_start3A_237] : memref<65536x768xf32, #tpu.memory_space<hbm>> -> memref<65536x768xf32, #tpu.memory_space<hbm>>
    tpu.enqueue_indirect_dma source(%dma_start3A_238 : memref<65536x768xf32, #tpu.memory_space<hbm>>) target(%arg7 : memref<64x768xf32, #tpu.memory_space<vmem>>) offsets(%dma_start3A_235 : memref<64xi32, #tpu.memory_space<vmem>>) semaphore(%arg9 : memref<!tpu.dma_semaphore, #tpu.memory_space<semaphore_mem>>)
    %dma_wait3A_239 = arith.constant 14 : i32
    %dma_wait3A_240 = arith.constant 0 : i32
    %dma_wait3A_241 = tpu.memref_slice %arg5[%dma_wait3A_239, %dma_wait3A_240] : memref<16x64xi32, #tpu.memory_space<vmem>> -> memref<1x64xi32, #tpu.memory_space<vmem>>
    %dma_wait3A_242 = tpu.memref_squeeze %dma_wait3A_241 : memref<1x64xi32, #tpu.memory_space<vmem>> -> memref<64xi32, #tpu.memory_space<vmem>>
    %dma_wait3A_243 = arith.constant 0 : i32
    %dma_wait3A_244 = arith.constant 0 : i32
    %dma_wait3A_245 = tpu.memref_slice %arg2[%dma_wait3A_243, %dma_wait3A_244] : memref<65536x768xf32, #tpu.memory_space<hbm>> -> memref<65536x768xf32, #tpu.memory_space<hbm>>
    tpu.wait_indirect_dma semaphore(%arg8 : memref<!tpu.dma_semaphore, #tpu.memory_space<semaphore_mem>>) src(%dma_wait3A_245 : memref<65536x768xf32, #tpu.memory_space<hbm>>) dst(%arg6 : memref<64x768xf32, #tpu.memory_space<vmem>>)
    %add3A_246 = arith.constant 896 : i32
    %add3A_247 = arith.addi %mul3A_2, %add3A_246 : i32
    "tpu.region"() ({
      %run_scoped3A = tpu.sem_alloc : memref<!tpu.dma_semaphore, #tpu.memory_space<semaphore_mem>>
      %dma_start3A_257 = arith.constant 0 : i32
      %dma_start3A_258 = tpu.memref_slice %arg4[%add3A_247, %dma_start3A_257] : memref<32768x768xf32, #tpu.memory_space<hbm>> -> memref<64x768xf32, #tpu.memory_space<hbm>>
      %dma_start3A_259 = arith.constant 0 : i32
      %dma_start3A_260 = tpu.memref_slice %arg4[%add3A_247, %dma_start3A_259] : memref<32768x768xf32, #tpu.memory_space<hbm>> -> memref<64x768xf32, #tpu.memory_space<hbm>>
      tpu.enqueue_dma source(%arg6 : memref<64x768xf32, #tpu.memory_space<vmem>>) target(%dma_start3A_260 : memref<64x768xf32, #tpu.memory_space<hbm>>) target_semaphore(%run_scoped3A : memref<!tpu.dma_semaphore, #tpu.memory_space<semaphore_mem>>)
      %dma_wait3A_261 = arith.constant 0 : i32
      %dma_wait3A_262 = tpu.memref_slice %arg4[%add3A_247, %dma_wait3A_261] : memref<32768x768xf32, #tpu.memory_space<hbm>> -> memref<64x768xf32, #tpu.memory_space<hbm>>
      %dma_wait3A_263 = arith.constant 0 : i32
      %dma_wait3A_264 = tpu.memref_slice %arg4[%add3A_247, %dma_wait3A_263] : memref<32768x768xf32, #tpu.memory_space<hbm>> -> memref<64x768xf32, #tpu.memory_space<hbm>>
      tpu.wait_dma2 semaphore(%run_scoped3A : memref<!tpu.dma_semaphore, #tpu.memory_space<semaphore_mem>>) src(%arg6 : memref<64x768xf32, #tpu.memory_space<vmem>>) dst(%dma_wait3A_264 : memref<64x768xf32, #tpu.memory_space<hbm>>)
      tpu.yield
    }) : () -> ()
    %dma_wait3A_248 = arith.constant 15 : i32
    %dma_wait3A_249 = arith.constant 0 : i32
    %dma_wait3A_250 = tpu.memref_slice %arg5[%dma_wait3A_248, %dma_wait3A_249] : memref<16x64xi32, #tpu.memory_space<vmem>> -> memref<1x64xi32, #tpu.memory_space<vmem>>
    %dma_wait3A_251 = tpu.memref_squeeze %dma_wait3A_250 : memref<1x64xi32, #tpu.memory_space<vmem>> -> memref<64xi32, #tpu.memory_space<vmem>>
    %dma_wait3A_252 = arith.constant 0 : i32
    %dma_wait3A_253 = arith.constant 0 : i32
    %dma_wait3A_254 = tpu.memref_slice %arg2[%dma_wait3A_252, %dma_wait3A_253] : memref<65536x768xf32, #tpu.memory_space<hbm>> -> memref<65536x768xf32, #tpu.memory_space<hbm>>
    tpu.wait_indirect_dma semaphore(%arg9 : memref<!tpu.dma_semaphore, #tpu.memory_space<semaphore_mem>>) src(%dma_wait3A_254 : memref<65536x768xf32, #tpu.memory_space<hbm>>) dst(%arg7 : memref<64x768xf32, #tpu.memory_space<vmem>>)
    %add3A_255 = arith.constant 960 : i32
    %add3A_256 = arith.addi %mul3A_2, %add3A_255 : i32
    "tpu.region"() ({
      %run_scoped3A = tpu.sem_alloc : memref<!tpu.dma_semaphore, #tpu.memory_space<semaphore_mem>>
      %dma_start3A_257 = arith.constant 0 : i32
      %dma_start3A_258 = tpu.memref_slice %arg4[%add3A_256, %dma_start3A_257] : memref<32768x768xf32, #tpu.memory_space<hbm>> -> memref<64x768xf32, #tpu.memory_space<hbm>>
      %dma_start3A_259 = arith.constant 0 : i32
      %dma_start3A_260 = tpu.memref_slice %arg4[%add3A_256, %dma_start3A_259] : memref<32768x768xf32, #tpu.memory_space<hbm>> -> memref<64x768xf32, #tpu.memory_space<hbm>>
      tpu.enqueue_dma source(%arg7 : memref<64x768xf32, #tpu.memory_space<vmem>>) target(%dma_start3A_260 : memref<64x768xf32, #tpu.memory_space<hbm>>) target_semaphore(%run_scoped3A : memref<!tpu.dma_semaphore, #tpu.memory_space<semaphore_mem>>)
      %dma_wait3A_261 = arith.constant 0 : i32
      %dma_wait3A_262 = tpu.memref_slice %arg4[%add3A_256, %dma_wait3A_261] : memref<32768x768xf32, #tpu.memory_space<hbm>> -> memref<64x768xf32, #tpu.memory_space<hbm>>
      %dma_wait3A_263 = arith.constant 0 : i32
      %dma_wait3A_264 = tpu.memref_slice %arg4[%add3A_256, %dma_wait3A_263] : memref<32768x768xf32, #tpu.memory_space<hbm>> -> memref<64x768xf32, #tpu.memory_space<hbm>>
      tpu.wait_dma2 semaphore(%run_scoped3A : memref<!tpu.dma_semaphore, #tpu.memory_space<semaphore_mem>>) src(%arg7 : memref<64x768xf32, #tpu.memory_space<vmem>>) dst(%dma_wait3A_264 : memref<64x768xf32, #tpu.memory_space<hbm>>)
      tpu.yield
    }) : () -> ()
    return
  }
}

#map = affine_map<(d0, d1) -> (0, 0)>
#map1 = affine_map<(d0, d1) -> (0, 0, 0)>
module attributes {stable_mosaic.version = 14 : i64} {
  func.func @_dispatch_body(%arg0: i32, %arg1: i32, %arg2: memref<32768x768xf32, #tpu.memory_space<hbm>>, %arg3: memref<32x16x64xi32, #tpu.memory_space<hbm>>, %arg4: memref<65536x768xf32, #tpu.memory_space<hbm>>, %arg5: memref<16x64xi32, #tpu.memory_space<vmem>>, %arg6: memref<64x768xf32, #tpu.memory_space<vmem>>, %arg7: memref<64x768xf32, #tpu.memory_space<vmem>>, %arg8: memref<!tpu.dma_semaphore, #tpu.memory_space<semaphore_mem>>, %arg9: memref<!tpu.dma_semaphore, #tpu.memory_space<semaphore_mem>>, %arg10: memref<!tpu.dma_semaphore, #tpu.memory_space<semaphore_mem>>) attributes {dimension_semantics = [#tpu.dimension_semantics<core_parallel>, #tpu.dimension_semantics<subcore_parallel>], iteration_bounds = array<i64: 2, 16>, scalar_prefetch = 0 : i64, scratch_operands = 6 : i64, tpu.core_type = #tpu.core_type<sc_vector_subcore>, window_params = [{transform_indices = #map}, {transform_indices = #map1}, {transform_indices = #map}]} {
    %mul3A = arith.constant 2 : i32
    %mul3A_0 = arith.muli %arg1, %mul3A : i32
    %add3A = arith.addi %mul3A_0, %arg0 : i32
    %mul3A_1 = arith.constant 1024 : i32
    %mul3A_2 = arith.muli %add3A, %mul3A_1 : i32
    "tpu.region"() ({
      %run_scoped3A = tpu.sem_alloc : memref<!tpu.dma_semaphore, #tpu.memory_space<semaphore_mem>>
      %dma_start3A_383 = arith.constant 0 : i32
      %dma_start3A_384 = arith.constant 0 : i32
      %dma_start3A_385 = tpu.memref_slice %arg3[%add3A, %dma_start3A_383, %dma_start3A_384] : memref<32x16x64xi32, #tpu.memory_space<hbm>> -> memref<1x16x64xi32, #tpu.memory_space<hbm>>
      %dma_start3A_386 = tpu.memref_squeeze %dma_start3A_385 : memref<1x16x64xi32, #tpu.memory_space<hbm>> -> memref<16x64xi32, #tpu.memory_space<hbm>>
      %dma_start3A_387 = arith.constant 0 : i32
      %dma_start3A_388 = arith.constant 0 : i32
      %dma_start3A_389 = tpu.memref_slice %arg3[%add3A, %dma_start3A_387, %dma_start3A_388] : memref<32x16x64xi32, #tpu.memory_space<hbm>> -> memref<1x16x64xi32, #tpu.memory_space<hbm>>
      %dma_start3A_390 = tpu.memref_squeeze %dma_start3A_389 : memref<1x16x64xi32, #tpu.memory_space<hbm>> -> memref<16x64xi32, #tpu.memory_space<hbm>>
      tpu.enqueue_dma source(%dma_start3A_390 : memref<16x64xi32, #tpu.memory_space<hbm>>) target(%arg5 : memref<16x64xi32, #tpu.memory_space<vmem>>) target_semaphore(%run_scoped3A : memref<!tpu.dma_semaphore, #tpu.memory_space<semaphore_mem>>)
      %dma_wait3A_391 = arith.constant 0 : i32
      %dma_wait3A_392 = arith.constant 0 : i32
      %dma_wait3A_393 = tpu.memref_slice %arg3[%add3A, %dma_wait3A_391, %dma_wait3A_392] : memref<32x16x64xi32, #tpu.memory_space<hbm>> -> memref<1x16x64xi32, #tpu.memory_space<hbm>>
      %dma_wait3A_394 = tpu.memref_squeeze %dma_wait3A_393 : memref<1x16x64xi32, #tpu.memory_space<hbm>> -> memref<16x64xi32, #tpu.memory_space<hbm>>
      %dma_wait3A_395 = arith.constant 0 : i32
      %dma_wait3A_396 = arith.constant 0 : i32
      %dma_wait3A_397 = tpu.memref_slice %arg3[%add3A, %dma_wait3A_395, %dma_wait3A_396] : memref<32x16x64xi32, #tpu.memory_space<hbm>> -> memref<1x16x64xi32, #tpu.memory_space<hbm>>
      %dma_wait3A_398 = tpu.memref_squeeze %dma_wait3A_397 : memref<1x16x64xi32, #tpu.memory_space<hbm>> -> memref<16x64xi32, #tpu.memory_space<hbm>>
      tpu.wait_dma2 semaphore(%run_scoped3A : memref<!tpu.dma_semaphore, #tpu.memory_space<semaphore_mem>>) src(%dma_wait3A_398 : memref<16x64xi32, #tpu.memory_space<hbm>>) dst(%arg5 : memref<16x64xi32, #tpu.memory_space<vmem>>)
      tpu.yield
    }) : () -> ()
    %dma_start3A = arith.constant 0 : i32
    %dma_start3A_3 = tpu.memref_slice %arg2[%mul3A_2, %dma_start3A] : memref<32768x768xf32, #tpu.memory_space<hbm>> -> memref<64x768xf32, #tpu.memory_space<hbm>>
    %dma_start3A_4 = arith.constant 0 : i32
    %dma_start3A_5 = tpu.memref_slice %arg2[%mul3A_2, %dma_start3A_4] : memref<32768x768xf32, #tpu.memory_space<hbm>> -> memref<64x768xf32, #tpu.memory_space<hbm>>
    tpu.enqueue_dma source(%dma_start3A_5 : memref<64x768xf32, #tpu.memory_space<hbm>>) target(%arg6 : memref<64x768xf32, #tpu.memory_space<vmem>>) target_semaphore(%arg8 : memref<!tpu.dma_semaphore, #tpu.memory_space<semaphore_mem>>)
    %add3A_6 = arith.constant 64 : i32
    %add3A_7 = arith.addi %mul3A_2, %add3A_6 : i32
    %dma_start3A_8 = arith.constant 0 : i32
    %dma_start3A_9 = tpu.memref_slice %arg2[%add3A_7, %dma_start3A_8] : memref<32768x768xf32, #tpu.memory_space<hbm>> -> memref<64x768xf32, #tpu.memory_space<hbm>>
    %dma_start3A_10 = arith.constant 0 : i32
    %dma_start3A_11 = tpu.memref_slice %arg2[%add3A_7, %dma_start3A_10] : memref<32768x768xf32, #tpu.memory_space<hbm>> -> memref<64x768xf32, #tpu.memory_space<hbm>>
    tpu.enqueue_dma source(%dma_start3A_11 : memref<64x768xf32, #tpu.memory_space<hbm>>) target(%arg7 : memref<64x768xf32, #tpu.memory_space<vmem>>) target_semaphore(%arg9 : memref<!tpu.dma_semaphore, #tpu.memory_space<semaphore_mem>>)
    %dma_wait3A = arith.constant 0 : i32
    %dma_wait3A_12 = tpu.memref_slice %arg2[%mul3A_2, %dma_wait3A] : memref<32768x768xf32, #tpu.memory_space<hbm>> -> memref<64x768xf32, #tpu.memory_space<hbm>>
    %dma_wait3A_13 = arith.constant 0 : i32
    %dma_wait3A_14 = tpu.memref_slice %arg2[%mul3A_2, %dma_wait3A_13] : memref<32768x768xf32, #tpu.memory_space<hbm>> -> memref<64x768xf32, #tpu.memory_space<hbm>>
    tpu.wait_dma2 semaphore(%arg8 : memref<!tpu.dma_semaphore, #tpu.memory_space<semaphore_mem>>) src(%dma_wait3A_14 : memref<64x768xf32, #tpu.memory_space<hbm>>) dst(%arg6 : memref<64x768xf32, #tpu.memory_space<vmem>>)
    %dma_start3A_15 = arith.constant 0 : i32
    %dma_start3A_16 = arith.constant 0 : i32
    %dma_start3A_17 = tpu.memref_slice %arg5[%dma_start3A_15, %dma_start3A_16] : memref<16x64xi32, #tpu.memory_space<vmem>> -> memref<1x64xi32, #tpu.memory_space<vmem>>
    %dma_start3A_18 = tpu.memref_squeeze %dma_start3A_17 : memref<1x64xi32, #tpu.memory_space<vmem>> -> memref<64xi32, #tpu.memory_space<vmem>>
    %dma_start3A_19 = arith.constant 0 : i32
    %dma_start3A_20 = arith.constant 0 : i32
    %dma_start3A_21 = tpu.memref_slice %arg4[%dma_start3A_19, %dma_start3A_20] : memref<65536x768xf32, #tpu.memory_space<hbm>> -> memref<65536x768xf32, #tpu.memory_space<hbm>>
    tpu.enqueue_indirect_dma source(%arg6 : memref<64x768xf32, #tpu.memory_space<vmem>>) target(%dma_start3A_21 : memref<65536x768xf32, #tpu.memory_space<hbm>>) offsets(%dma_start3A_18 : memref<64xi32, #tpu.memory_space<vmem>>) semaphore(%arg10 : memref<!tpu.dma_semaphore, #tpu.memory_space<semaphore_mem>>)
    %dma_wait3A_22 = arith.constant 0 : i32
    %dma_wait3A_23 = arith.constant 0 : i32
    %dma_wait3A_24 = tpu.memref_slice %arg5[%dma_wait3A_22, %dma_wait3A_23] : memref<16x64xi32, #tpu.memory_space<vmem>> -> memref<1x64xi32, #tpu.memory_space<vmem>>
    %dma_wait3A_25 = tpu.memref_squeeze %dma_wait3A_24 : memref<1x64xi32, #tpu.memory_space<vmem>> -> memref<64xi32, #tpu.memory_space<vmem>>
    %dma_wait3A_26 = arith.constant 0 : i32
    %dma_wait3A_27 = arith.constant 0 : i32
    %dma_wait3A_28 = tpu.memref_slice %arg4[%dma_wait3A_26, %dma_wait3A_27] : memref<65536x768xf32, #tpu.memory_space<hbm>> -> memref<65536x768xf32, #tpu.memory_space<hbm>>
    tpu.wait_indirect_dma semaphore(%arg10 : memref<!tpu.dma_semaphore, #tpu.memory_space<semaphore_mem>>) src(%arg6 : memref<64x768xf32, #tpu.memory_space<vmem>>) dst(%dma_wait3A_28 : memref<65536x768xf32, #tpu.memory_space<hbm>>)
    %add3A_29 = arith.constant 128 : i32
    %add3A_30 = arith.addi %mul3A_2, %add3A_29 : i32
    %dma_start3A_31 = arith.constant 0 : i32
    %dma_start3A_32 = tpu.memref_slice %arg2[%add3A_30, %dma_start3A_31] : memref<32768x768xf32, #tpu.memory_space<hbm>> -> memref<64x768xf32, #tpu.memory_space<hbm>>
    %dma_start3A_33 = arith.constant 0 : i32
    %dma_start3A_34 = tpu.memref_slice %arg2[%add3A_30, %dma_start3A_33] : memref<32768x768xf32, #tpu.memory_space<hbm>> -> memref<64x768xf32, #tpu.memory_space<hbm>>
    tpu.enqueue_dma source(%dma_start3A_34 : memref<64x768xf32, #tpu.memory_space<hbm>>) target(%arg6 : memref<64x768xf32, #tpu.memory_space<vmem>>) target_semaphore(%arg8 : memref<!tpu.dma_semaphore, #tpu.memory_space<semaphore_mem>>)
    %dma_wait3A_35 = arith.constant 0 : i32
    %dma_wait3A_36 = tpu.memref_slice %arg2[%add3A_7, %dma_wait3A_35] : memref<32768x768xf32, #tpu.memory_space<hbm>> -> memref<64x768xf32, #tpu.memory_space<hbm>>
    %dma_wait3A_37 = arith.constant 0 : i32
    %dma_wait3A_38 = tpu.memref_slice %arg2[%add3A_7, %dma_wait3A_37] : memref<32768x768xf32, #tpu.memory_space<hbm>> -> memref<64x768xf32, #tpu.memory_space<hbm>>
    tpu.wait_dma2 semaphore(%arg9 : memref<!tpu.dma_semaphore, #tpu.memory_space<semaphore_mem>>) src(%dma_wait3A_38 : memref<64x768xf32, #tpu.memory_space<hbm>>) dst(%arg7 : memref<64x768xf32, #tpu.memory_space<vmem>>)
    %dma_start3A_39 = arith.constant 1 : i32
    %dma_start3A_40 = arith.constant 0 : i32
    %dma_start3A_41 = tpu.memref_slice %arg5[%dma_start3A_39, %dma_start3A_40] : memref<16x64xi32, #tpu.memory_space<vmem>> -> memref<1x64xi32, #tpu.memory_space<vmem>>
    %dma_start3A_42 = tpu.memref_squeeze %dma_start3A_41 : memref<1x64xi32, #tpu.memory_space<vmem>> -> memref<64xi32, #tpu.memory_space<vmem>>
    %dma_start3A_43 = arith.constant 0 : i32
    %dma_start3A_44 = arith.constant 0 : i32
    %dma_start3A_45 = tpu.memref_slice %arg4[%dma_start3A_43, %dma_start3A_44] : memref<65536x768xf32, #tpu.memory_space<hbm>> -> memref<65536x768xf32, #tpu.memory_space<hbm>>
    tpu.enqueue_indirect_dma source(%arg7 : memref<64x768xf32, #tpu.memory_space<vmem>>) target(%dma_start3A_45 : memref<65536x768xf32, #tpu.memory_space<hbm>>) offsets(%dma_start3A_42 : memref<64xi32, #tpu.memory_space<vmem>>) semaphore(%arg10 : memref<!tpu.dma_semaphore, #tpu.memory_space<semaphore_mem>>)
    %dma_wait3A_46 = arith.constant 1 : i32
    %dma_wait3A_47 = arith.constant 0 : i32
    %dma_wait3A_48 = tpu.memref_slice %arg5[%dma_wait3A_46, %dma_wait3A_47] : memref<16x64xi32, #tpu.memory_space<vmem>> -> memref<1x64xi32, #tpu.memory_space<vmem>>
    %dma_wait3A_49 = tpu.memref_squeeze %dma_wait3A_48 : memref<1x64xi32, #tpu.memory_space<vmem>> -> memref<64xi32, #tpu.memory_space<vmem>>
    %dma_wait3A_50 = arith.constant 0 : i32
    %dma_wait3A_51 = arith.constant 0 : i32
    %dma_wait3A_52 = tpu.memref_slice %arg4[%dma_wait3A_50, %dma_wait3A_51] : memref<65536x768xf32, #tpu.memory_space<hbm>> -> memref<65536x768xf32, #tpu.memory_space<hbm>>
    tpu.wait_indirect_dma semaphore(%arg10 : memref<!tpu.dma_semaphore, #tpu.memory_space<semaphore_mem>>) src(%arg7 : memref<64x768xf32, #tpu.memory_space<vmem>>) dst(%dma_wait3A_52 : memref<65536x768xf32, #tpu.memory_space<hbm>>)
    %add3A_53 = arith.constant 192 : i32
    %add3A_54 = arith.addi %mul3A_2, %add3A_53 : i32
    %dma_start3A_55 = arith.constant 0 : i32
    %dma_start3A_56 = tpu.memref_slice %arg2[%add3A_54, %dma_start3A_55] : memref<32768x768xf32, #tpu.memory_space<hbm>> -> memref<64x768xf32, #tpu.memory_space<hbm>>
    %dma_start3A_57 = arith.constant 0 : i32
    %dma_start3A_58 = tpu.memref_slice %arg2[%add3A_54, %dma_start3A_57] : memref<32768x768xf32, #tpu.memory_space<hbm>> -> memref<64x768xf32, #tpu.memory_space<hbm>>
    tpu.enqueue_dma source(%dma_start3A_58 : memref<64x768xf32, #tpu.memory_space<hbm>>) target(%arg7 : memref<64x768xf32, #tpu.memory_space<vmem>>) target_semaphore(%arg9 : memref<!tpu.dma_semaphore, #tpu.memory_space<semaphore_mem>>)
    %dma_wait3A_59 = arith.constant 0 : i32
    %dma_wait3A_60 = tpu.memref_slice %arg2[%add3A_30, %dma_wait3A_59] : memref<32768x768xf32, #tpu.memory_space<hbm>> -> memref<64x768xf32, #tpu.memory_space<hbm>>
    %dma_wait3A_61 = arith.constant 0 : i32
    %dma_wait3A_62 = tpu.memref_slice %arg2[%add3A_30, %dma_wait3A_61] : memref<32768x768xf32, #tpu.memory_space<hbm>> -> memref<64x768xf32, #tpu.memory_space<hbm>>
    tpu.wait_dma2 semaphore(%arg8 : memref<!tpu.dma_semaphore, #tpu.memory_space<semaphore_mem>>) src(%dma_wait3A_62 : memref<64x768xf32, #tpu.memory_space<hbm>>) dst(%arg6 : memref<64x768xf32, #tpu.memory_space<vmem>>)
    %dma_start3A_63 = arith.constant 2 : i32
    %dma_start3A_64 = arith.constant 0 : i32
    %dma_start3A_65 = tpu.memref_slice %arg5[%dma_start3A_63, %dma_start3A_64] : memref<16x64xi32, #tpu.memory_space<vmem>> -> memref<1x64xi32, #tpu.memory_space<vmem>>
    %dma_start3A_66 = tpu.memref_squeeze %dma_start3A_65 : memref<1x64xi32, #tpu.memory_space<vmem>> -> memref<64xi32, #tpu.memory_space<vmem>>
    %dma_start3A_67 = arith.constant 0 : i32
    %dma_start3A_68 = arith.constant 0 : i32
    %dma_start3A_69 = tpu.memref_slice %arg4[%dma_start3A_67, %dma_start3A_68] : memref<65536x768xf32, #tpu.memory_space<hbm>> -> memref<65536x768xf32, #tpu.memory_space<hbm>>
    tpu.enqueue_indirect_dma source(%arg6 : memref<64x768xf32, #tpu.memory_space<vmem>>) target(%dma_start3A_69 : memref<65536x768xf32, #tpu.memory_space<hbm>>) offsets(%dma_start3A_66 : memref<64xi32, #tpu.memory_space<vmem>>) semaphore(%arg10 : memref<!tpu.dma_semaphore, #tpu.memory_space<semaphore_mem>>)
    %dma_wait3A_70 = arith.constant 2 : i32
    %dma_wait3A_71 = arith.constant 0 : i32
    %dma_wait3A_72 = tpu.memref_slice %arg5[%dma_wait3A_70, %dma_wait3A_71] : memref<16x64xi32, #tpu.memory_space<vmem>> -> memref<1x64xi32, #tpu.memory_space<vmem>>
    %dma_wait3A_73 = tpu.memref_squeeze %dma_wait3A_72 : memref<1x64xi32, #tpu.memory_space<vmem>> -> memref<64xi32, #tpu.memory_space<vmem>>
    %dma_wait3A_74 = arith.constant 0 : i32
    %dma_wait3A_75 = arith.constant 0 : i32
    %dma_wait3A_76 = tpu.memref_slice %arg4[%dma_wait3A_74, %dma_wait3A_75] : memref<65536x768xf32, #tpu.memory_space<hbm>> -> memref<65536x768xf32, #tpu.memory_space<hbm>>
    tpu.wait_indirect_dma semaphore(%arg10 : memref<!tpu.dma_semaphore, #tpu.memory_space<semaphore_mem>>) src(%arg6 : memref<64x768xf32, #tpu.memory_space<vmem>>) dst(%dma_wait3A_76 : memref<65536x768xf32, #tpu.memory_space<hbm>>)
    %add3A_77 = arith.constant 256 : i32
    %add3A_78 = arith.addi %mul3A_2, %add3A_77 : i32
    %dma_start3A_79 = arith.constant 0 : i32
    %dma_start3A_80 = tpu.memref_slice %arg2[%add3A_78, %dma_start3A_79] : memref<32768x768xf32, #tpu.memory_space<hbm>> -> memref<64x768xf32, #tpu.memory_space<hbm>>
    %dma_start3A_81 = arith.constant 0 : i32
    %dma_start3A_82 = tpu.memref_slice %arg2[%add3A_78, %dma_start3A_81] : memref<32768x768xf32, #tpu.memory_space<hbm>> -> memref<64x768xf32, #tpu.memory_space<hbm>>
    tpu.enqueue_dma source(%dma_start3A_82 : memref<64x768xf32, #tpu.memory_space<hbm>>) target(%arg6 : memref<64x768xf32, #tpu.memory_space<vmem>>) target_semaphore(%arg8 : memref<!tpu.dma_semaphore, #tpu.memory_space<semaphore_mem>>)
    %dma_wait3A_83 = arith.constant 0 : i32
    %dma_wait3A_84 = tpu.memref_slice %arg2[%add3A_54, %dma_wait3A_83] : memref<32768x768xf32, #tpu.memory_space<hbm>> -> memref<64x768xf32, #tpu.memory_space<hbm>>
    %dma_wait3A_85 = arith.constant 0 : i32
    %dma_wait3A_86 = tpu.memref_slice %arg2[%add3A_54, %dma_wait3A_85] : memref<32768x768xf32, #tpu.memory_space<hbm>> -> memref<64x768xf32, #tpu.memory_space<hbm>>
    tpu.wait_dma2 semaphore(%arg9 : memref<!tpu.dma_semaphore, #tpu.memory_space<semaphore_mem>>) src(%dma_wait3A_86 : memref<64x768xf32, #tpu.memory_space<hbm>>) dst(%arg7 : memref<64x768xf32, #tpu.memory_space<vmem>>)
    %dma_start3A_87 = arith.constant 3 : i32
    %dma_start3A_88 = arith.constant 0 : i32
    %dma_start3A_89 = tpu.memref_slice %arg5[%dma_start3A_87, %dma_start3A_88] : memref<16x64xi32, #tpu.memory_space<vmem>> -> memref<1x64xi32, #tpu.memory_space<vmem>>
    %dma_start3A_90 = tpu.memref_squeeze %dma_start3A_89 : memref<1x64xi32, #tpu.memory_space<vmem>> -> memref<64xi32, #tpu.memory_space<vmem>>
    %dma_start3A_91 = arith.constant 0 : i32
    %dma_start3A_92 = arith.constant 0 : i32
    %dma_start3A_93 = tpu.memref_slice %arg4[%dma_start3A_91, %dma_start3A_92] : memref<65536x768xf32, #tpu.memory_space<hbm>> -> memref<65536x768xf32, #tpu.memory_space<hbm>>
    tpu.enqueue_indirect_dma source(%arg7 : memref<64x768xf32, #tpu.memory_space<vmem>>) target(%dma_start3A_93 : memref<65536x768xf32, #tpu.memory_space<hbm>>) offsets(%dma_start3A_90 : memref<64xi32, #tpu.memory_space<vmem>>) semaphore(%arg10 : memref<!tpu.dma_semaphore, #tpu.memory_space<semaphore_mem>>)
    %dma_wait3A_94 = arith.constant 3 : i32
    %dma_wait3A_95 = arith.constant 0 : i32
    %dma_wait3A_96 = tpu.memref_slice %arg5[%dma_wait3A_94, %dma_wait3A_95] : memref<16x64xi32, #tpu.memory_space<vmem>> -> memref<1x64xi32, #tpu.memory_space<vmem>>
    %dma_wait3A_97 = tpu.memref_squeeze %dma_wait3A_96 : memref<1x64xi32, #tpu.memory_space<vmem>> -> memref<64xi32, #tpu.memory_space<vmem>>
    %dma_wait3A_98 = arith.constant 0 : i32
    %dma_wait3A_99 = arith.constant 0 : i32
    %dma_wait3A_100 = tpu.memref_slice %arg4[%dma_wait3A_98, %dma_wait3A_99] : memref<65536x768xf32, #tpu.memory_space<hbm>> -> memref<65536x768xf32, #tpu.memory_space<hbm>>
    tpu.wait_indirect_dma semaphore(%arg10 : memref<!tpu.dma_semaphore, #tpu.memory_space<semaphore_mem>>) src(%arg7 : memref<64x768xf32, #tpu.memory_space<vmem>>) dst(%dma_wait3A_100 : memref<65536x768xf32, #tpu.memory_space<hbm>>)
    %add3A_101 = arith.constant 320 : i32
    %add3A_102 = arith.addi %mul3A_2, %add3A_101 : i32
    %dma_start3A_103 = arith.constant 0 : i32
    %dma_start3A_104 = tpu.memref_slice %arg2[%add3A_102, %dma_start3A_103] : memref<32768x768xf32, #tpu.memory_space<hbm>> -> memref<64x768xf32, #tpu.memory_space<hbm>>
    %dma_start3A_105 = arith.constant 0 : i32
    %dma_start3A_106 = tpu.memref_slice %arg2[%add3A_102, %dma_start3A_105] : memref<32768x768xf32, #tpu.memory_space<hbm>> -> memref<64x768xf32, #tpu.memory_space<hbm>>
    tpu.enqueue_dma source(%dma_start3A_106 : memref<64x768xf32, #tpu.memory_space<hbm>>) target(%arg7 : memref<64x768xf32, #tpu.memory_space<vmem>>) target_semaphore(%arg9 : memref<!tpu.dma_semaphore, #tpu.memory_space<semaphore_mem>>)
    %dma_wait3A_107 = arith.constant 0 : i32
    %dma_wait3A_108 = tpu.memref_slice %arg2[%add3A_78, %dma_wait3A_107] : memref<32768x768xf32, #tpu.memory_space<hbm>> -> memref<64x768xf32, #tpu.memory_space<hbm>>
    %dma_wait3A_109 = arith.constant 0 : i32
    %dma_wait3A_110 = tpu.memref_slice %arg2[%add3A_78, %dma_wait3A_109] : memref<32768x768xf32, #tpu.memory_space<hbm>> -> memref<64x768xf32, #tpu.memory_space<hbm>>
    tpu.wait_dma2 semaphore(%arg8 : memref<!tpu.dma_semaphore, #tpu.memory_space<semaphore_mem>>) src(%dma_wait3A_110 : memref<64x768xf32, #tpu.memory_space<hbm>>) dst(%arg6 : memref<64x768xf32, #tpu.memory_space<vmem>>)
    %dma_start3A_111 = arith.constant 4 : i32
    %dma_start3A_112 = arith.constant 0 : i32
    %dma_start3A_113 = tpu.memref_slice %arg5[%dma_start3A_111, %dma_start3A_112] : memref<16x64xi32, #tpu.memory_space<vmem>> -> memref<1x64xi32, #tpu.memory_space<vmem>>
    %dma_start3A_114 = tpu.memref_squeeze %dma_start3A_113 : memref<1x64xi32, #tpu.memory_space<vmem>> -> memref<64xi32, #tpu.memory_space<vmem>>
    %dma_start3A_115 = arith.constant 0 : i32
    %dma_start3A_116 = arith.constant 0 : i32
    %dma_start3A_117 = tpu.memref_slice %arg4[%dma_start3A_115, %dma_start3A_116] : memref<65536x768xf32, #tpu.memory_space<hbm>> -> memref<65536x768xf32, #tpu.memory_space<hbm>>
    tpu.enqueue_indirect_dma source(%arg6 : memref<64x768xf32, #tpu.memory_space<vmem>>) target(%dma_start3A_117 : memref<65536x768xf32, #tpu.memory_space<hbm>>) offsets(%dma_start3A_114 : memref<64xi32, #tpu.memory_space<vmem>>) semaphore(%arg10 : memref<!tpu.dma_semaphore, #tpu.memory_space<semaphore_mem>>)
    %dma_wait3A_118 = arith.constant 4 : i32
    %dma_wait3A_119 = arith.constant 0 : i32
    %dma_wait3A_120 = tpu.memref_slice %arg5[%dma_wait3A_118, %dma_wait3A_119] : memref<16x64xi32, #tpu.memory_space<vmem>> -> memref<1x64xi32, #tpu.memory_space<vmem>>
    %dma_wait3A_121 = tpu.memref_squeeze %dma_wait3A_120 : memref<1x64xi32, #tpu.memory_space<vmem>> -> memref<64xi32, #tpu.memory_space<vmem>>
    %dma_wait3A_122 = arith.constant 0 : i32
    %dma_wait3A_123 = arith.constant 0 : i32
    %dma_wait3A_124 = tpu.memref_slice %arg4[%dma_wait3A_122, %dma_wait3A_123] : memref<65536x768xf32, #tpu.memory_space<hbm>> -> memref<65536x768xf32, #tpu.memory_space<hbm>>
    tpu.wait_indirect_dma semaphore(%arg10 : memref<!tpu.dma_semaphore, #tpu.memory_space<semaphore_mem>>) src(%arg6 : memref<64x768xf32, #tpu.memory_space<vmem>>) dst(%dma_wait3A_124 : memref<65536x768xf32, #tpu.memory_space<hbm>>)
    %add3A_125 = arith.constant 384 : i32
    %add3A_126 = arith.addi %mul3A_2, %add3A_125 : i32
    %dma_start3A_127 = arith.constant 0 : i32
    %dma_start3A_128 = tpu.memref_slice %arg2[%add3A_126, %dma_start3A_127] : memref<32768x768xf32, #tpu.memory_space<hbm>> -> memref<64x768xf32, #tpu.memory_space<hbm>>
    %dma_start3A_129 = arith.constant 0 : i32
    %dma_start3A_130 = tpu.memref_slice %arg2[%add3A_126, %dma_start3A_129] : memref<32768x768xf32, #tpu.memory_space<hbm>> -> memref<64x768xf32, #tpu.memory_space<hbm>>
    tpu.enqueue_dma source(%dma_start3A_130 : memref<64x768xf32, #tpu.memory_space<hbm>>) target(%arg6 : memref<64x768xf32, #tpu.memory_space<vmem>>) target_semaphore(%arg8 : memref<!tpu.dma_semaphore, #tpu.memory_space<semaphore_mem>>)
    %dma_wait3A_131 = arith.constant 0 : i32
    %dma_wait3A_132 = tpu.memref_slice %arg2[%add3A_102, %dma_wait3A_131] : memref<32768x768xf32, #tpu.memory_space<hbm>> -> memref<64x768xf32, #tpu.memory_space<hbm>>
    %dma_wait3A_133 = arith.constant 0 : i32
    %dma_wait3A_134 = tpu.memref_slice %arg2[%add3A_102, %dma_wait3A_133] : memref<32768x768xf32, #tpu.memory_space<hbm>> -> memref<64x768xf32, #tpu.memory_space<hbm>>
    tpu.wait_dma2 semaphore(%arg9 : memref<!tpu.dma_semaphore, #tpu.memory_space<semaphore_mem>>) src(%dma_wait3A_134 : memref<64x768xf32, #tpu.memory_space<hbm>>) dst(%arg7 : memref<64x768xf32, #tpu.memory_space<vmem>>)
    %dma_start3A_135 = arith.constant 5 : i32
    %dma_start3A_136 = arith.constant 0 : i32
    %dma_start3A_137 = tpu.memref_slice %arg5[%dma_start3A_135, %dma_start3A_136] : memref<16x64xi32, #tpu.memory_space<vmem>> -> memref<1x64xi32, #tpu.memory_space<vmem>>
    %dma_start3A_138 = tpu.memref_squeeze %dma_start3A_137 : memref<1x64xi32, #tpu.memory_space<vmem>> -> memref<64xi32, #tpu.memory_space<vmem>>
    %dma_start3A_139 = arith.constant 0 : i32
    %dma_start3A_140 = arith.constant 0 : i32
    %dma_start3A_141 = tpu.memref_slice %arg4[%dma_start3A_139, %dma_start3A_140] : memref<65536x768xf32, #tpu.memory_space<hbm>> -> memref<65536x768xf32, #tpu.memory_space<hbm>>
    tpu.enqueue_indirect_dma source(%arg7 : memref<64x768xf32, #tpu.memory_space<vmem>>) target(%dma_start3A_141 : memref<65536x768xf32, #tpu.memory_space<hbm>>) offsets(%dma_start3A_138 : memref<64xi32, #tpu.memory_space<vmem>>) semaphore(%arg10 : memref<!tpu.dma_semaphore, #tpu.memory_space<semaphore_mem>>)
    %dma_wait3A_142 = arith.constant 5 : i32
    %dma_wait3A_143 = arith.constant 0 : i32
    %dma_wait3A_144 = tpu.memref_slice %arg5[%dma_wait3A_142, %dma_wait3A_143] : memref<16x64xi32, #tpu.memory_space<vmem>> -> memref<1x64xi32, #tpu.memory_space<vmem>>
    %dma_wait3A_145 = tpu.memref_squeeze %dma_wait3A_144 : memref<1x64xi32, #tpu.memory_space<vmem>> -> memref<64xi32, #tpu.memory_space<vmem>>
    %dma_wait3A_146 = arith.constant 0 : i32
    %dma_wait3A_147 = arith.constant 0 : i32
    %dma_wait3A_148 = tpu.memref_slice %arg4[%dma_wait3A_146, %dma_wait3A_147] : memref<65536x768xf32, #tpu.memory_space<hbm>> -> memref<65536x768xf32, #tpu.memory_space<hbm>>
    tpu.wait_indirect_dma semaphore(%arg10 : memref<!tpu.dma_semaphore, #tpu.memory_space<semaphore_mem>>) src(%arg7 : memref<64x768xf32, #tpu.memory_space<vmem>>) dst(%dma_wait3A_148 : memref<65536x768xf32, #tpu.memory_space<hbm>>)
    %add3A_149 = arith.constant 448 : i32
    %add3A_150 = arith.addi %mul3A_2, %add3A_149 : i32
    %dma_start3A_151 = arith.constant 0 : i32
    %dma_start3A_152 = tpu.memref_slice %arg2[%add3A_150, %dma_start3A_151] : memref<32768x768xf32, #tpu.memory_space<hbm>> -> memref<64x768xf32, #tpu.memory_space<hbm>>
    %dma_start3A_153 = arith.constant 0 : i32
    %dma_start3A_154 = tpu.memref_slice %arg2[%add3A_150, %dma_start3A_153] : memref<32768x768xf32, #tpu.memory_space<hbm>> -> memref<64x768xf32, #tpu.memory_space<hbm>>
    tpu.enqueue_dma source(%dma_start3A_154 : memref<64x768xf32, #tpu.memory_space<hbm>>) target(%arg7 : memref<64x768xf32, #tpu.memory_space<vmem>>) target_semaphore(%arg9 : memref<!tpu.dma_semaphore, #tpu.memory_space<semaphore_mem>>)
    %dma_wait3A_155 = arith.constant 0 : i32
    %dma_wait3A_156 = tpu.memref_slice %arg2[%add3A_126, %dma_wait3A_155] : memref<32768x768xf32, #tpu.memory_space<hbm>> -> memref<64x768xf32, #tpu.memory_space<hbm>>
    %dma_wait3A_157 = arith.constant 0 : i32
    %dma_wait3A_158 = tpu.memref_slice %arg2[%add3A_126, %dma_wait3A_157] : memref<32768x768xf32, #tpu.memory_space<hbm>> -> memref<64x768xf32, #tpu.memory_space<hbm>>
    tpu.wait_dma2 semaphore(%arg8 : memref<!tpu.dma_semaphore, #tpu.memory_space<semaphore_mem>>) src(%dma_wait3A_158 : memref<64x768xf32, #tpu.memory_space<hbm>>) dst(%arg6 : memref<64x768xf32, #tpu.memory_space<vmem>>)
    %dma_start3A_159 = arith.constant 6 : i32
    %dma_start3A_160 = arith.constant 0 : i32
    %dma_start3A_161 = tpu.memref_slice %arg5[%dma_start3A_159, %dma_start3A_160] : memref<16x64xi32, #tpu.memory_space<vmem>> -> memref<1x64xi32, #tpu.memory_space<vmem>>
    %dma_start3A_162 = tpu.memref_squeeze %dma_start3A_161 : memref<1x64xi32, #tpu.memory_space<vmem>> -> memref<64xi32, #tpu.memory_space<vmem>>
    %dma_start3A_163 = arith.constant 0 : i32
    %dma_start3A_164 = arith.constant 0 : i32
    %dma_start3A_165 = tpu.memref_slice %arg4[%dma_start3A_163, %dma_start3A_164] : memref<65536x768xf32, #tpu.memory_space<hbm>> -> memref<65536x768xf32, #tpu.memory_space<hbm>>
    tpu.enqueue_indirect_dma source(%arg6 : memref<64x768xf32, #tpu.memory_space<vmem>>) target(%dma_start3A_165 : memref<65536x768xf32, #tpu.memory_space<hbm>>) offsets(%dma_start3A_162 : memref<64xi32, #tpu.memory_space<vmem>>) semaphore(%arg10 : memref<!tpu.dma_semaphore, #tpu.memory_space<semaphore_mem>>)
    %dma_wait3A_166 = arith.constant 6 : i32
    %dma_wait3A_167 = arith.constant 0 : i32
    %dma_wait3A_168 = tpu.memref_slice %arg5[%dma_wait3A_166, %dma_wait3A_167] : memref<16x64xi32, #tpu.memory_space<vmem>> -> memref<1x64xi32, #tpu.memory_space<vmem>>
    %dma_wait3A_169 = tpu.memref_squeeze %dma_wait3A_168 : memref<1x64xi32, #tpu.memory_space<vmem>> -> memref<64xi32, #tpu.memory_space<vmem>>
    %dma_wait3A_170 = arith.constant 0 : i32
    %dma_wait3A_171 = arith.constant 0 : i32
    %dma_wait3A_172 = tpu.memref_slice %arg4[%dma_wait3A_170, %dma_wait3A_171] : memref<65536x768xf32, #tpu.memory_space<hbm>> -> memref<65536x768xf32, #tpu.memory_space<hbm>>
    tpu.wait_indirect_dma semaphore(%arg10 : memref<!tpu.dma_semaphore, #tpu.memory_space<semaphore_mem>>) src(%arg6 : memref<64x768xf32, #tpu.memory_space<vmem>>) dst(%dma_wait3A_172 : memref<65536x768xf32, #tpu.memory_space<hbm>>)
    %add3A_173 = arith.constant 512 : i32
    %add3A_174 = arith.addi %mul3A_2, %add3A_173 : i32
    %dma_start3A_175 = arith.constant 0 : i32
    %dma_start3A_176 = tpu.memref_slice %arg2[%add3A_174, %dma_start3A_175] : memref<32768x768xf32, #tpu.memory_space<hbm>> -> memref<64x768xf32, #tpu.memory_space<hbm>>
    %dma_start3A_177 = arith.constant 0 : i32
    %dma_start3A_178 = tpu.memref_slice %arg2[%add3A_174, %dma_start3A_177] : memref<32768x768xf32, #tpu.memory_space<hbm>> -> memref<64x768xf32, #tpu.memory_space<hbm>>
    tpu.enqueue_dma source(%dma_start3A_178 : memref<64x768xf32, #tpu.memory_space<hbm>>) target(%arg6 : memref<64x768xf32, #tpu.memory_space<vmem>>) target_semaphore(%arg8 : memref<!tpu.dma_semaphore, #tpu.memory_space<semaphore_mem>>)
    %dma_wait3A_179 = arith.constant 0 : i32
    %dma_wait3A_180 = tpu.memref_slice %arg2[%add3A_150, %dma_wait3A_179] : memref<32768x768xf32, #tpu.memory_space<hbm>> -> memref<64x768xf32, #tpu.memory_space<hbm>>
    %dma_wait3A_181 = arith.constant 0 : i32
    %dma_wait3A_182 = tpu.memref_slice %arg2[%add3A_150, %dma_wait3A_181] : memref<32768x768xf32, #tpu.memory_space<hbm>> -> memref<64x768xf32, #tpu.memory_space<hbm>>
    tpu.wait_dma2 semaphore(%arg9 : memref<!tpu.dma_semaphore, #tpu.memory_space<semaphore_mem>>) src(%dma_wait3A_182 : memref<64x768xf32, #tpu.memory_space<hbm>>) dst(%arg7 : memref<64x768xf32, #tpu.memory_space<vmem>>)
    %dma_start3A_183 = arith.constant 7 : i32
    %dma_start3A_184 = arith.constant 0 : i32
    %dma_start3A_185 = tpu.memref_slice %arg5[%dma_start3A_183, %dma_start3A_184] : memref<16x64xi32, #tpu.memory_space<vmem>> -> memref<1x64xi32, #tpu.memory_space<vmem>>
    %dma_start3A_186 = tpu.memref_squeeze %dma_start3A_185 : memref<1x64xi32, #tpu.memory_space<vmem>> -> memref<64xi32, #tpu.memory_space<vmem>>
    %dma_start3A_187 = arith.constant 0 : i32
    %dma_start3A_188 = arith.constant 0 : i32
    %dma_start3A_189 = tpu.memref_slice %arg4[%dma_start3A_187, %dma_start3A_188] : memref<65536x768xf32, #tpu.memory_space<hbm>> -> memref<65536x768xf32, #tpu.memory_space<hbm>>
    tpu.enqueue_indirect_dma source(%arg7 : memref<64x768xf32, #tpu.memory_space<vmem>>) target(%dma_start3A_189 : memref<65536x768xf32, #tpu.memory_space<hbm>>) offsets(%dma_start3A_186 : memref<64xi32, #tpu.memory_space<vmem>>) semaphore(%arg10 : memref<!tpu.dma_semaphore, #tpu.memory_space<semaphore_mem>>)
    %dma_wait3A_190 = arith.constant 7 : i32
    %dma_wait3A_191 = arith.constant 0 : i32
    %dma_wait3A_192 = tpu.memref_slice %arg5[%dma_wait3A_190, %dma_wait3A_191] : memref<16x64xi32, #tpu.memory_space<vmem>> -> memref<1x64xi32, #tpu.memory_space<vmem>>
    %dma_wait3A_193 = tpu.memref_squeeze %dma_wait3A_192 : memref<1x64xi32, #tpu.memory_space<vmem>> -> memref<64xi32, #tpu.memory_space<vmem>>
    %dma_wait3A_194 = arith.constant 0 : i32
    %dma_wait3A_195 = arith.constant 0 : i32
    %dma_wait3A_196 = tpu.memref_slice %arg4[%dma_wait3A_194, %dma_wait3A_195] : memref<65536x768xf32, #tpu.memory_space<hbm>> -> memref<65536x768xf32, #tpu.memory_space<hbm>>
    tpu.wait_indirect_dma semaphore(%arg10 : memref<!tpu.dma_semaphore, #tpu.memory_space<semaphore_mem>>) src(%arg7 : memref<64x768xf32, #tpu.memory_space<vmem>>) dst(%dma_wait3A_196 : memref<65536x768xf32, #tpu.memory_space<hbm>>)
    %add3A_197 = arith.constant 576 : i32
    %add3A_198 = arith.addi %mul3A_2, %add3A_197 : i32
    %dma_start3A_199 = arith.constant 0 : i32
    %dma_start3A_200 = tpu.memref_slice %arg2[%add3A_198, %dma_start3A_199] : memref<32768x768xf32, #tpu.memory_space<hbm>> -> memref<64x768xf32, #tpu.memory_space<hbm>>
    %dma_start3A_201 = arith.constant 0 : i32
    %dma_start3A_202 = tpu.memref_slice %arg2[%add3A_198, %dma_start3A_201] : memref<32768x768xf32, #tpu.memory_space<hbm>> -> memref<64x768xf32, #tpu.memory_space<hbm>>
    tpu.enqueue_dma source(%dma_start3A_202 : memref<64x768xf32, #tpu.memory_space<hbm>>) target(%arg7 : memref<64x768xf32, #tpu.memory_space<vmem>>) target_semaphore(%arg9 : memref<!tpu.dma_semaphore, #tpu.memory_space<semaphore_mem>>)
    %dma_wait3A_203 = arith.constant 0 : i32
    %dma_wait3A_204 = tpu.memref_slice %arg2[%add3A_174, %dma_wait3A_203] : memref<32768x768xf32, #tpu.memory_space<hbm>> -> memref<64x768xf32, #tpu.memory_space<hbm>>
    %dma_wait3A_205 = arith.constant 0 : i32
    %dma_wait3A_206 = tpu.memref_slice %arg2[%add3A_174, %dma_wait3A_205] : memref<32768x768xf32, #tpu.memory_space<hbm>> -> memref<64x768xf32, #tpu.memory_space<hbm>>
    tpu.wait_dma2 semaphore(%arg8 : memref<!tpu.dma_semaphore, #tpu.memory_space<semaphore_mem>>) src(%dma_wait3A_206 : memref<64x768xf32, #tpu.memory_space<hbm>>) dst(%arg6 : memref<64x768xf32, #tpu.memory_space<vmem>>)
    %dma_start3A_207 = arith.constant 8 : i32
    %dma_start3A_208 = arith.constant 0 : i32
    %dma_start3A_209 = tpu.memref_slice %arg5[%dma_start3A_207, %dma_start3A_208] : memref<16x64xi32, #tpu.memory_space<vmem>> -> memref<1x64xi32, #tpu.memory_space<vmem>>
    %dma_start3A_210 = tpu.memref_squeeze %dma_start3A_209 : memref<1x64xi32, #tpu.memory_space<vmem>> -> memref<64xi32, #tpu.memory_space<vmem>>
    %dma_start3A_211 = arith.constant 0 : i32
    %dma_start3A_212 = arith.constant 0 : i32
    %dma_start3A_213 = tpu.memref_slice %arg4[%dma_start3A_211, %dma_start3A_212] : memref<65536x768xf32, #tpu.memory_space<hbm>> -> memref<65536x768xf32, #tpu.memory_space<hbm>>
    tpu.enqueue_indirect_dma source(%arg6 : memref<64x768xf32, #tpu.memory_space<vmem>>) target(%dma_start3A_213 : memref<65536x768xf32, #tpu.memory_space<hbm>>) offsets(%dma_start3A_210 : memref<64xi32, #tpu.memory_space<vmem>>) semaphore(%arg10 : memref<!tpu.dma_semaphore, #tpu.memory_space<semaphore_mem>>)
    %dma_wait3A_214 = arith.constant 8 : i32
    %dma_wait3A_215 = arith.constant 0 : i32
    %dma_wait3A_216 = tpu.memref_slice %arg5[%dma_wait3A_214, %dma_wait3A_215] : memref<16x64xi32, #tpu.memory_space<vmem>> -> memref<1x64xi32, #tpu.memory_space<vmem>>
    %dma_wait3A_217 = tpu.memref_squeeze %dma_wait3A_216 : memref<1x64xi32, #tpu.memory_space<vmem>> -> memref<64xi32, #tpu.memory_space<vmem>>
    %dma_wait3A_218 = arith.constant 0 : i32
    %dma_wait3A_219 = arith.constant 0 : i32
    %dma_wait3A_220 = tpu.memref_slice %arg4[%dma_wait3A_218, %dma_wait3A_219] : memref<65536x768xf32, #tpu.memory_space<hbm>> -> memref<65536x768xf32, #tpu.memory_space<hbm>>
    tpu.wait_indirect_dma semaphore(%arg10 : memref<!tpu.dma_semaphore, #tpu.memory_space<semaphore_mem>>) src(%arg6 : memref<64x768xf32, #tpu.memory_space<vmem>>) dst(%dma_wait3A_220 : memref<65536x768xf32, #tpu.memory_space<hbm>>)
    %add3A_221 = arith.constant 640 : i32
    %add3A_222 = arith.addi %mul3A_2, %add3A_221 : i32
    %dma_start3A_223 = arith.constant 0 : i32
    %dma_start3A_224 = tpu.memref_slice %arg2[%add3A_222, %dma_start3A_223] : memref<32768x768xf32, #tpu.memory_space<hbm>> -> memref<64x768xf32, #tpu.memory_space<hbm>>
    %dma_start3A_225 = arith.constant 0 : i32
    %dma_start3A_226 = tpu.memref_slice %arg2[%add3A_222, %dma_start3A_225] : memref<32768x768xf32, #tpu.memory_space<hbm>> -> memref<64x768xf32, #tpu.memory_space<hbm>>
    tpu.enqueue_dma source(%dma_start3A_226 : memref<64x768xf32, #tpu.memory_space<hbm>>) target(%arg6 : memref<64x768xf32, #tpu.memory_space<vmem>>) target_semaphore(%arg8 : memref<!tpu.dma_semaphore, #tpu.memory_space<semaphore_mem>>)
    %dma_wait3A_227 = arith.constant 0 : i32
    %dma_wait3A_228 = tpu.memref_slice %arg2[%add3A_198, %dma_wait3A_227] : memref<32768x768xf32, #tpu.memory_space<hbm>> -> memref<64x768xf32, #tpu.memory_space<hbm>>
    %dma_wait3A_229 = arith.constant 0 : i32
    %dma_wait3A_230 = tpu.memref_slice %arg2[%add3A_198, %dma_wait3A_229] : memref<32768x768xf32, #tpu.memory_space<hbm>> -> memref<64x768xf32, #tpu.memory_space<hbm>>
    tpu.wait_dma2 semaphore(%arg9 : memref<!tpu.dma_semaphore, #tpu.memory_space<semaphore_mem>>) src(%dma_wait3A_230 : memref<64x768xf32, #tpu.memory_space<hbm>>) dst(%arg7 : memref<64x768xf32, #tpu.memory_space<vmem>>)
    %dma_start3A_231 = arith.constant 9 : i32
    %dma_start3A_232 = arith.constant 0 : i32
    %dma_start3A_233 = tpu.memref_slice %arg5[%dma_start3A_231, %dma_start3A_232] : memref<16x64xi32, #tpu.memory_space<vmem>> -> memref<1x64xi32, #tpu.memory_space<vmem>>
    %dma_start3A_234 = tpu.memref_squeeze %dma_start3A_233 : memref<1x64xi32, #tpu.memory_space<vmem>> -> memref<64xi32, #tpu.memory_space<vmem>>
    %dma_start3A_235 = arith.constant 0 : i32
    %dma_start3A_236 = arith.constant 0 : i32
    %dma_start3A_237 = tpu.memref_slice %arg4[%dma_start3A_235, %dma_start3A_236] : memref<65536x768xf32, #tpu.memory_space<hbm>> -> memref<65536x768xf32, #tpu.memory_space<hbm>>
    tpu.enqueue_indirect_dma source(%arg7 : memref<64x768xf32, #tpu.memory_space<vmem>>) target(%dma_start3A_237 : memref<65536x768xf32, #tpu.memory_space<hbm>>) offsets(%dma_start3A_234 : memref<64xi32, #tpu.memory_space<vmem>>) semaphore(%arg10 : memref<!tpu.dma_semaphore, #tpu.memory_space<semaphore_mem>>)
    %dma_wait3A_238 = arith.constant 9 : i32
    %dma_wait3A_239 = arith.constant 0 : i32
    %dma_wait3A_240 = tpu.memref_slice %arg5[%dma_wait3A_238, %dma_wait3A_239] : memref<16x64xi32, #tpu.memory_space<vmem>> -> memref<1x64xi32, #tpu.memory_space<vmem>>
    %dma_wait3A_241 = tpu.memref_squeeze %dma_wait3A_240 : memref<1x64xi32, #tpu.memory_space<vmem>> -> memref<64xi32, #tpu.memory_space<vmem>>
    %dma_wait3A_242 = arith.constant 0 : i32
    %dma_wait3A_243 = arith.constant 0 : i32
    %dma_wait3A_244 = tpu.memref_slice %arg4[%dma_wait3A_242, %dma_wait3A_243] : memref<65536x768xf32, #tpu.memory_space<hbm>> -> memref<65536x768xf32, #tpu.memory_space<hbm>>
    tpu.wait_indirect_dma semaphore(%arg10 : memref<!tpu.dma_semaphore, #tpu.memory_space<semaphore_mem>>) src(%arg7 : memref<64x768xf32, #tpu.memory_space<vmem>>) dst(%dma_wait3A_244 : memref<65536x768xf32, #tpu.memory_space<hbm>>)
    %add3A_245 = arith.constant 704 : i32
    %add3A_246 = arith.addi %mul3A_2, %add3A_245 : i32
    %dma_start3A_247 = arith.constant 0 : i32
    %dma_start3A_248 = tpu.memref_slice %arg2[%add3A_246, %dma_start3A_247] : memref<32768x768xf32, #tpu.memory_space<hbm>> -> memref<64x768xf32, #tpu.memory_space<hbm>>
    %dma_start3A_249 = arith.constant 0 : i32
    %dma_start3A_250 = tpu.memref_slice %arg2[%add3A_246, %dma_start3A_249] : memref<32768x768xf32, #tpu.memory_space<hbm>> -> memref<64x768xf32, #tpu.memory_space<hbm>>
    tpu.enqueue_dma source(%dma_start3A_250 : memref<64x768xf32, #tpu.memory_space<hbm>>) target(%arg7 : memref<64x768xf32, #tpu.memory_space<vmem>>) target_semaphore(%arg9 : memref<!tpu.dma_semaphore, #tpu.memory_space<semaphore_mem>>)
    %dma_wait3A_251 = arith.constant 0 : i32
    %dma_wait3A_252 = tpu.memref_slice %arg2[%add3A_222, %dma_wait3A_251] : memref<32768x768xf32, #tpu.memory_space<hbm>> -> memref<64x768xf32, #tpu.memory_space<hbm>>
    %dma_wait3A_253 = arith.constant 0 : i32
    %dma_wait3A_254 = tpu.memref_slice %arg2[%add3A_222, %dma_wait3A_253] : memref<32768x768xf32, #tpu.memory_space<hbm>> -> memref<64x768xf32, #tpu.memory_space<hbm>>
    tpu.wait_dma2 semaphore(%arg8 : memref<!tpu.dma_semaphore, #tpu.memory_space<semaphore_mem>>) src(%dma_wait3A_254 : memref<64x768xf32, #tpu.memory_space<hbm>>) dst(%arg6 : memref<64x768xf32, #tpu.memory_space<vmem>>)
    %dma_start3A_255 = arith.constant 10 : i32
    %dma_start3A_256 = arith.constant 0 : i32
    %dma_start3A_257 = tpu.memref_slice %arg5[%dma_start3A_255, %dma_start3A_256] : memref<16x64xi32, #tpu.memory_space<vmem>> -> memref<1x64xi32, #tpu.memory_space<vmem>>
    %dma_start3A_258 = tpu.memref_squeeze %dma_start3A_257 : memref<1x64xi32, #tpu.memory_space<vmem>> -> memref<64xi32, #tpu.memory_space<vmem>>
    %dma_start3A_259 = arith.constant 0 : i32
    %dma_start3A_260 = arith.constant 0 : i32
    %dma_start3A_261 = tpu.memref_slice %arg4[%dma_start3A_259, %dma_start3A_260] : memref<65536x768xf32, #tpu.memory_space<hbm>> -> memref<65536x768xf32, #tpu.memory_space<hbm>>
    tpu.enqueue_indirect_dma source(%arg6 : memref<64x768xf32, #tpu.memory_space<vmem>>) target(%dma_start3A_261 : memref<65536x768xf32, #tpu.memory_space<hbm>>) offsets(%dma_start3A_258 : memref<64xi32, #tpu.memory_space<vmem>>) semaphore(%arg10 : memref<!tpu.dma_semaphore, #tpu.memory_space<semaphore_mem>>)
    %dma_wait3A_262 = arith.constant 10 : i32
    %dma_wait3A_263 = arith.constant 0 : i32
    %dma_wait3A_264 = tpu.memref_slice %arg5[%dma_wait3A_262, %dma_wait3A_263] : memref<16x64xi32, #tpu.memory_space<vmem>> -> memref<1x64xi32, #tpu.memory_space<vmem>>
    %dma_wait3A_265 = tpu.memref_squeeze %dma_wait3A_264 : memref<1x64xi32, #tpu.memory_space<vmem>> -> memref<64xi32, #tpu.memory_space<vmem>>
    %dma_wait3A_266 = arith.constant 0 : i32
    %dma_wait3A_267 = arith.constant 0 : i32
    %dma_wait3A_268 = tpu.memref_slice %arg4[%dma_wait3A_266, %dma_wait3A_267] : memref<65536x768xf32, #tpu.memory_space<hbm>> -> memref<65536x768xf32, #tpu.memory_space<hbm>>
    tpu.wait_indirect_dma semaphore(%arg10 : memref<!tpu.dma_semaphore, #tpu.memory_space<semaphore_mem>>) src(%arg6 : memref<64x768xf32, #tpu.memory_space<vmem>>) dst(%dma_wait3A_268 : memref<65536x768xf32, #tpu.memory_space<hbm>>)
    %add3A_269 = arith.constant 768 : i32
    %add3A_270 = arith.addi %mul3A_2, %add3A_269 : i32
    %dma_start3A_271 = arith.constant 0 : i32
    %dma_start3A_272 = tpu.memref_slice %arg2[%add3A_270, %dma_start3A_271] : memref<32768x768xf32, #tpu.memory_space<hbm>> -> memref<64x768xf32, #tpu.memory_space<hbm>>
    %dma_start3A_273 = arith.constant 0 : i32
    %dma_start3A_274 = tpu.memref_slice %arg2[%add3A_270, %dma_start3A_273] : memref<32768x768xf32, #tpu.memory_space<hbm>> -> memref<64x768xf32, #tpu.memory_space<hbm>>
    tpu.enqueue_dma source(%dma_start3A_274 : memref<64x768xf32, #tpu.memory_space<hbm>>) target(%arg6 : memref<64x768xf32, #tpu.memory_space<vmem>>) target_semaphore(%arg8 : memref<!tpu.dma_semaphore, #tpu.memory_space<semaphore_mem>>)
    %dma_wait3A_275 = arith.constant 0 : i32
    %dma_wait3A_276 = tpu.memref_slice %arg2[%add3A_246, %dma_wait3A_275] : memref<32768x768xf32, #tpu.memory_space<hbm>> -> memref<64x768xf32, #tpu.memory_space<hbm>>
    %dma_wait3A_277 = arith.constant 0 : i32
    %dma_wait3A_278 = tpu.memref_slice %arg2[%add3A_246, %dma_wait3A_277] : memref<32768x768xf32, #tpu.memory_space<hbm>> -> memref<64x768xf32, #tpu.memory_space<hbm>>
    tpu.wait_dma2 semaphore(%arg9 : memref<!tpu.dma_semaphore, #tpu.memory_space<semaphore_mem>>) src(%dma_wait3A_278 : memref<64x768xf32, #tpu.memory_space<hbm>>) dst(%arg7 : memref<64x768xf32, #tpu.memory_space<vmem>>)
    %dma_start3A_279 = arith.constant 11 : i32
    %dma_start3A_280 = arith.constant 0 : i32
    %dma_start3A_281 = tpu.memref_slice %arg5[%dma_start3A_279, %dma_start3A_280] : memref<16x64xi32, #tpu.memory_space<vmem>> -> memref<1x64xi32, #tpu.memory_space<vmem>>
    %dma_start3A_282 = tpu.memref_squeeze %dma_start3A_281 : memref<1x64xi32, #tpu.memory_space<vmem>> -> memref<64xi32, #tpu.memory_space<vmem>>
    %dma_start3A_283 = arith.constant 0 : i32
    %dma_start3A_284 = arith.constant 0 : i32
    %dma_start3A_285 = tpu.memref_slice %arg4[%dma_start3A_283, %dma_start3A_284] : memref<65536x768xf32, #tpu.memory_space<hbm>> -> memref<65536x768xf32, #tpu.memory_space<hbm>>
    tpu.enqueue_indirect_dma source(%arg7 : memref<64x768xf32, #tpu.memory_space<vmem>>) target(%dma_start3A_285 : memref<65536x768xf32, #tpu.memory_space<hbm>>) offsets(%dma_start3A_282 : memref<64xi32, #tpu.memory_space<vmem>>) semaphore(%arg10 : memref<!tpu.dma_semaphore, #tpu.memory_space<semaphore_mem>>)
    %dma_wait3A_286 = arith.constant 11 : i32
    %dma_wait3A_287 = arith.constant 0 : i32
    %dma_wait3A_288 = tpu.memref_slice %arg5[%dma_wait3A_286, %dma_wait3A_287] : memref<16x64xi32, #tpu.memory_space<vmem>> -> memref<1x64xi32, #tpu.memory_space<vmem>>
    %dma_wait3A_289 = tpu.memref_squeeze %dma_wait3A_288 : memref<1x64xi32, #tpu.memory_space<vmem>> -> memref<64xi32, #tpu.memory_space<vmem>>
    %dma_wait3A_290 = arith.constant 0 : i32
    %dma_wait3A_291 = arith.constant 0 : i32
    %dma_wait3A_292 = tpu.memref_slice %arg4[%dma_wait3A_290, %dma_wait3A_291] : memref<65536x768xf32, #tpu.memory_space<hbm>> -> memref<65536x768xf32, #tpu.memory_space<hbm>>
    tpu.wait_indirect_dma semaphore(%arg10 : memref<!tpu.dma_semaphore, #tpu.memory_space<semaphore_mem>>) src(%arg7 : memref<64x768xf32, #tpu.memory_space<vmem>>) dst(%dma_wait3A_292 : memref<65536x768xf32, #tpu.memory_space<hbm>>)
    %add3A_293 = arith.constant 832 : i32
    %add3A_294 = arith.addi %mul3A_2, %add3A_293 : i32
    %dma_start3A_295 = arith.constant 0 : i32
    %dma_start3A_296 = tpu.memref_slice %arg2[%add3A_294, %dma_start3A_295] : memref<32768x768xf32, #tpu.memory_space<hbm>> -> memref<64x768xf32, #tpu.memory_space<hbm>>
    %dma_start3A_297 = arith.constant 0 : i32
    %dma_start3A_298 = tpu.memref_slice %arg2[%add3A_294, %dma_start3A_297] : memref<32768x768xf32, #tpu.memory_space<hbm>> -> memref<64x768xf32, #tpu.memory_space<hbm>>
    tpu.enqueue_dma source(%dma_start3A_298 : memref<64x768xf32, #tpu.memory_space<hbm>>) target(%arg7 : memref<64x768xf32, #tpu.memory_space<vmem>>) target_semaphore(%arg9 : memref<!tpu.dma_semaphore, #tpu.memory_space<semaphore_mem>>)
    %dma_wait3A_299 = arith.constant 0 : i32
    %dma_wait3A_300 = tpu.memref_slice %arg2[%add3A_270, %dma_wait3A_299] : memref<32768x768xf32, #tpu.memory_space<hbm>> -> memref<64x768xf32, #tpu.memory_space<hbm>>
    %dma_wait3A_301 = arith.constant 0 : i32
    %dma_wait3A_302 = tpu.memref_slice %arg2[%add3A_270, %dma_wait3A_301] : memref<32768x768xf32, #tpu.memory_space<hbm>> -> memref<64x768xf32, #tpu.memory_space<hbm>>
    tpu.wait_dma2 semaphore(%arg8 : memref<!tpu.dma_semaphore, #tpu.memory_space<semaphore_mem>>) src(%dma_wait3A_302 : memref<64x768xf32, #tpu.memory_space<hbm>>) dst(%arg6 : memref<64x768xf32, #tpu.memory_space<vmem>>)
    %dma_start3A_303 = arith.constant 12 : i32
    %dma_start3A_304 = arith.constant 0 : i32
    %dma_start3A_305 = tpu.memref_slice %arg5[%dma_start3A_303, %dma_start3A_304] : memref<16x64xi32, #tpu.memory_space<vmem>> -> memref<1x64xi32, #tpu.memory_space<vmem>>
    %dma_start3A_306 = tpu.memref_squeeze %dma_start3A_305 : memref<1x64xi32, #tpu.memory_space<vmem>> -> memref<64xi32, #tpu.memory_space<vmem>>
    %dma_start3A_307 = arith.constant 0 : i32
    %dma_start3A_308 = arith.constant 0 : i32
    %dma_start3A_309 = tpu.memref_slice %arg4[%dma_start3A_307, %dma_start3A_308] : memref<65536x768xf32, #tpu.memory_space<hbm>> -> memref<65536x768xf32, #tpu.memory_space<hbm>>
    tpu.enqueue_indirect_dma source(%arg6 : memref<64x768xf32, #tpu.memory_space<vmem>>) target(%dma_start3A_309 : memref<65536x768xf32, #tpu.memory_space<hbm>>) offsets(%dma_start3A_306 : memref<64xi32, #tpu.memory_space<vmem>>) semaphore(%arg10 : memref<!tpu.dma_semaphore, #tpu.memory_space<semaphore_mem>>)
    %dma_wait3A_310 = arith.constant 12 : i32
    %dma_wait3A_311 = arith.constant 0 : i32
    %dma_wait3A_312 = tpu.memref_slice %arg5[%dma_wait3A_310, %dma_wait3A_311] : memref<16x64xi32, #tpu.memory_space<vmem>> -> memref<1x64xi32, #tpu.memory_space<vmem>>
    %dma_wait3A_313 = tpu.memref_squeeze %dma_wait3A_312 : memref<1x64xi32, #tpu.memory_space<vmem>> -> memref<64xi32, #tpu.memory_space<vmem>>
    %dma_wait3A_314 = arith.constant 0 : i32
    %dma_wait3A_315 = arith.constant 0 : i32
    %dma_wait3A_316 = tpu.memref_slice %arg4[%dma_wait3A_314, %dma_wait3A_315] : memref<65536x768xf32, #tpu.memory_space<hbm>> -> memref<65536x768xf32, #tpu.memory_space<hbm>>
    tpu.wait_indirect_dma semaphore(%arg10 : memref<!tpu.dma_semaphore, #tpu.memory_space<semaphore_mem>>) src(%arg6 : memref<64x768xf32, #tpu.memory_space<vmem>>) dst(%dma_wait3A_316 : memref<65536x768xf32, #tpu.memory_space<hbm>>)
    %add3A_317 = arith.constant 896 : i32
    %add3A_318 = arith.addi %mul3A_2, %add3A_317 : i32
    %dma_start3A_319 = arith.constant 0 : i32
    %dma_start3A_320 = tpu.memref_slice %arg2[%add3A_318, %dma_start3A_319] : memref<32768x768xf32, #tpu.memory_space<hbm>> -> memref<64x768xf32, #tpu.memory_space<hbm>>
    %dma_start3A_321 = arith.constant 0 : i32
    %dma_start3A_322 = tpu.memref_slice %arg2[%add3A_318, %dma_start3A_321] : memref<32768x768xf32, #tpu.memory_space<hbm>> -> memref<64x768xf32, #tpu.memory_space<hbm>>
    tpu.enqueue_dma source(%dma_start3A_322 : memref<64x768xf32, #tpu.memory_space<hbm>>) target(%arg6 : memref<64x768xf32, #tpu.memory_space<vmem>>) target_semaphore(%arg8 : memref<!tpu.dma_semaphore, #tpu.memory_space<semaphore_mem>>)
    %dma_wait3A_323 = arith.constant 0 : i32
    %dma_wait3A_324 = tpu.memref_slice %arg2[%add3A_294, %dma_wait3A_323] : memref<32768x768xf32, #tpu.memory_space<hbm>> -> memref<64x768xf32, #tpu.memory_space<hbm>>
    %dma_wait3A_325 = arith.constant 0 : i32
    %dma_wait3A_326 = tpu.memref_slice %arg2[%add3A_294, %dma_wait3A_325] : memref<32768x768xf32, #tpu.memory_space<hbm>> -> memref<64x768xf32, #tpu.memory_space<hbm>>
    tpu.wait_dma2 semaphore(%arg9 : memref<!tpu.dma_semaphore, #tpu.memory_space<semaphore_mem>>) src(%dma_wait3A_326 : memref<64x768xf32, #tpu.memory_space<hbm>>) dst(%arg7 : memref<64x768xf32, #tpu.memory_space<vmem>>)
    %dma_start3A_327 = arith.constant 13 : i32
    %dma_start3A_328 = arith.constant 0 : i32
    %dma_start3A_329 = tpu.memref_slice %arg5[%dma_start3A_327, %dma_start3A_328] : memref<16x64xi32, #tpu.memory_space<vmem>> -> memref<1x64xi32, #tpu.memory_space<vmem>>
    %dma_start3A_330 = tpu.memref_squeeze %dma_start3A_329 : memref<1x64xi32, #tpu.memory_space<vmem>> -> memref<64xi32, #tpu.memory_space<vmem>>
    %dma_start3A_331 = arith.constant 0 : i32
    %dma_start3A_332 = arith.constant 0 : i32
    %dma_start3A_333 = tpu.memref_slice %arg4[%dma_start3A_331, %dma_start3A_332] : memref<65536x768xf32, #tpu.memory_space<hbm>> -> memref<65536x768xf32, #tpu.memory_space<hbm>>
    tpu.enqueue_indirect_dma source(%arg7 : memref<64x768xf32, #tpu.memory_space<vmem>>) target(%dma_start3A_333 : memref<65536x768xf32, #tpu.memory_space<hbm>>) offsets(%dma_start3A_330 : memref<64xi32, #tpu.memory_space<vmem>>) semaphore(%arg10 : memref<!tpu.dma_semaphore, #tpu.memory_space<semaphore_mem>>)
    %dma_wait3A_334 = arith.constant 13 : i32
    %dma_wait3A_335 = arith.constant 0 : i32
    %dma_wait3A_336 = tpu.memref_slice %arg5[%dma_wait3A_334, %dma_wait3A_335] : memref<16x64xi32, #tpu.memory_space<vmem>> -> memref<1x64xi32, #tpu.memory_space<vmem>>
    %dma_wait3A_337 = tpu.memref_squeeze %dma_wait3A_336 : memref<1x64xi32, #tpu.memory_space<vmem>> -> memref<64xi32, #tpu.memory_space<vmem>>
    %dma_wait3A_338 = arith.constant 0 : i32
    %dma_wait3A_339 = arith.constant 0 : i32
    %dma_wait3A_340 = tpu.memref_slice %arg4[%dma_wait3A_338, %dma_wait3A_339] : memref<65536x768xf32, #tpu.memory_space<hbm>> -> memref<65536x768xf32, #tpu.memory_space<hbm>>
    tpu.wait_indirect_dma semaphore(%arg10 : memref<!tpu.dma_semaphore, #tpu.memory_space<semaphore_mem>>) src(%arg7 : memref<64x768xf32, #tpu.memory_space<vmem>>) dst(%dma_wait3A_340 : memref<65536x768xf32, #tpu.memory_space<hbm>>)
    %add3A_341 = arith.constant 960 : i32
    %add3A_342 = arith.addi %mul3A_2, %add3A_341 : i32
    %dma_start3A_343 = arith.constant 0 : i32
    %dma_start3A_344 = tpu.memref_slice %arg2[%add3A_342, %dma_start3A_343] : memref<32768x768xf32, #tpu.memory_space<hbm>> -> memref<64x768xf32, #tpu.memory_space<hbm>>
    %dma_start3A_345 = arith.constant 0 : i32
    %dma_start3A_346 = tpu.memref_slice %arg2[%add3A_342, %dma_start3A_345] : memref<32768x768xf32, #tpu.memory_space<hbm>> -> memref<64x768xf32, #tpu.memory_space<hbm>>
    tpu.enqueue_dma source(%dma_start3A_346 : memref<64x768xf32, #tpu.memory_space<hbm>>) target(%arg7 : memref<64x768xf32, #tpu.memory_space<vmem>>) target_semaphore(%arg9 : memref<!tpu.dma_semaphore, #tpu.memory_space<semaphore_mem>>)
    %dma_wait3A_347 = arith.constant 0 : i32
    %dma_wait3A_348 = tpu.memref_slice %arg2[%add3A_318, %dma_wait3A_347] : memref<32768x768xf32, #tpu.memory_space<hbm>> -> memref<64x768xf32, #tpu.memory_space<hbm>>
    %dma_wait3A_349 = arith.constant 0 : i32
    %dma_wait3A_350 = tpu.memref_slice %arg2[%add3A_318, %dma_wait3A_349] : memref<32768x768xf32, #tpu.memory_space<hbm>> -> memref<64x768xf32, #tpu.memory_space<hbm>>
    tpu.wait_dma2 semaphore(%arg8 : memref<!tpu.dma_semaphore, #tpu.memory_space<semaphore_mem>>) src(%dma_wait3A_350 : memref<64x768xf32, #tpu.memory_space<hbm>>) dst(%arg6 : memref<64x768xf32, #tpu.memory_space<vmem>>)
    %dma_start3A_351 = arith.constant 14 : i32
    %dma_start3A_352 = arith.constant 0 : i32
    %dma_start3A_353 = tpu.memref_slice %arg5[%dma_start3A_351, %dma_start3A_352] : memref<16x64xi32, #tpu.memory_space<vmem>> -> memref<1x64xi32, #tpu.memory_space<vmem>>
    %dma_start3A_354 = tpu.memref_squeeze %dma_start3A_353 : memref<1x64xi32, #tpu.memory_space<vmem>> -> memref<64xi32, #tpu.memory_space<vmem>>
    %dma_start3A_355 = arith.constant 0 : i32
    %dma_start3A_356 = arith.constant 0 : i32
    %dma_start3A_357 = tpu.memref_slice %arg4[%dma_start3A_355, %dma_start3A_356] : memref<65536x768xf32, #tpu.memory_space<hbm>> -> memref<65536x768xf32, #tpu.memory_space<hbm>>
    tpu.enqueue_indirect_dma source(%arg6 : memref<64x768xf32, #tpu.memory_space<vmem>>) target(%dma_start3A_357 : memref<65536x768xf32, #tpu.memory_space<hbm>>) offsets(%dma_start3A_354 : memref<64xi32, #tpu.memory_space<vmem>>) semaphore(%arg10 : memref<!tpu.dma_semaphore, #tpu.memory_space<semaphore_mem>>)
    %dma_wait3A_358 = arith.constant 14 : i32
    %dma_wait3A_359 = arith.constant 0 : i32
    %dma_wait3A_360 = tpu.memref_slice %arg5[%dma_wait3A_358, %dma_wait3A_359] : memref<16x64xi32, #tpu.memory_space<vmem>> -> memref<1x64xi32, #tpu.memory_space<vmem>>
    %dma_wait3A_361 = tpu.memref_squeeze %dma_wait3A_360 : memref<1x64xi32, #tpu.memory_space<vmem>> -> memref<64xi32, #tpu.memory_space<vmem>>
    %dma_wait3A_362 = arith.constant 0 : i32
    %dma_wait3A_363 = arith.constant 0 : i32
    %dma_wait3A_364 = tpu.memref_slice %arg4[%dma_wait3A_362, %dma_wait3A_363] : memref<65536x768xf32, #tpu.memory_space<hbm>> -> memref<65536x768xf32, #tpu.memory_space<hbm>>
    tpu.wait_indirect_dma semaphore(%arg10 : memref<!tpu.dma_semaphore, #tpu.memory_space<semaphore_mem>>) src(%arg6 : memref<64x768xf32, #tpu.memory_space<vmem>>) dst(%dma_wait3A_364 : memref<65536x768xf32, #tpu.memory_space<hbm>>)
    %dma_wait3A_365 = arith.constant 0 : i32
    %dma_wait3A_366 = tpu.memref_slice %arg2[%add3A_342, %dma_wait3A_365] : memref<32768x768xf32, #tpu.memory_space<hbm>> -> memref<64x768xf32, #tpu.memory_space<hbm>>
    %dma_wait3A_367 = arith.constant 0 : i32
    %dma_wait3A_368 = tpu.memref_slice %arg2[%add3A_342, %dma_wait3A_367] : memref<32768x768xf32, #tpu.memory_space<hbm>> -> memref<64x768xf32, #tpu.memory_space<hbm>>
    tpu.wait_dma2 semaphore(%arg9 : memref<!tpu.dma_semaphore, #tpu.memory_space<semaphore_mem>>) src(%dma_wait3A_368 : memref<64x768xf32, #tpu.memory_space<hbm>>) dst(%arg7 : memref<64x768xf32, #tpu.memory_space<vmem>>)
    %dma_start3A_369 = arith.constant 15 : i32
    %dma_start3A_370 = arith.constant 0 : i32
    %dma_start3A_371 = tpu.memref_slice %arg5[%dma_start3A_369, %dma_start3A_370] : memref<16x64xi32, #tpu.memory_space<vmem>> -> memref<1x64xi32, #tpu.memory_space<vmem>>
    %dma_start3A_372 = tpu.memref_squeeze %dma_start3A_371 : memref<1x64xi32, #tpu.memory_space<vmem>> -> memref<64xi32, #tpu.memory_space<vmem>>
    %dma_start3A_373 = arith.constant 0 : i32
    %dma_start3A_374 = arith.constant 0 : i32
    %dma_start3A_375 = tpu.memref_slice %arg4[%dma_start3A_373, %dma_start3A_374] : memref<65536x768xf32, #tpu.memory_space<hbm>> -> memref<65536x768xf32, #tpu.memory_space<hbm>>
    tpu.enqueue_indirect_dma source(%arg7 : memref<64x768xf32, #tpu.memory_space<vmem>>) target(%dma_start3A_375 : memref<65536x768xf32, #tpu.memory_space<hbm>>) offsets(%dma_start3A_372 : memref<64xi32, #tpu.memory_space<vmem>>) semaphore(%arg10 : memref<!tpu.dma_semaphore, #tpu.memory_space<semaphore_mem>>)
    %dma_wait3A_376 = arith.constant 15 : i32
    %dma_wait3A_377 = arith.constant 0 : i32
    %dma_wait3A_378 = tpu.memref_slice %arg5[%dma_wait3A_376, %dma_wait3A_377] : memref<16x64xi32, #tpu.memory_space<vmem>> -> memref<1x64xi32, #tpu.memory_space<vmem>>
    %dma_wait3A_379 = tpu.memref_squeeze %dma_wait3A_378 : memref<1x64xi32, #tpu.memory_space<vmem>> -> memref<64xi32, #tpu.memory_space<vmem>>
    %dma_wait3A_380 = arith.constant 0 : i32
    %dma_wait3A_381 = arith.constant 0 : i32
    %dma_wait3A_382 = tpu.memref_slice %arg4[%dma_wait3A_380, %dma_wait3A_381] : memref<65536x768xf32, #tpu.memory_space<hbm>> -> memref<65536x768xf32, #tpu.memory_space<hbm>>
    tpu.wait_indirect_dma semaphore(%arg10 : memref<!tpu.dma_semaphore, #tpu.memory_space<semaphore_mem>>) src(%arg7 : memref<64x768xf32, #tpu.memory_space<vmem>>) dst(%dma_wait3A_382 : memref<65536x768xf32, #tpu.memory_space<hbm>>)
    return
  }
}

module attributes {stable_mosaic.version = 14 : i64} {
  func.func @_router_body(%arg0: i32, %arg1: memref<256x768xf32, #tpu.memory_space<vmem>>, %arg2: memref<768x64xf32, #tpu.memory_space<vmem>>, %arg3: memref<1x64xf32, #tpu.memory_space<vmem>>, %arg4: memref<1x768xf32, #tpu.memory_space<vmem>>, %arg5: memref<1x768xf32, #tpu.memory_space<vmem>>, %arg6: memref<256x64xf32, #tpu.memory_space<vmem>>, %arg7: memref<256x768xf32, #tpu.memory_space<vmem>>, %arg8: memref<8x128xf32, #tpu.memory_space<vmem>>) attributes {dimension_semantics = [#tpu.dimension_semantics<arbitrary>], iteration_bounds = array<i64: 128>, scalar_prefetch = 0 : i64, scratch_operands = 0 : i64, tpu.core_type = #tpu.core_type<tc>, window_params = [{transform_indices = @transform_0, window_bounds = array<i64: 256, 768>}, {pipeline_mode = #tpu.pipeline_mode<synchronous>, transform_indices = @transform_1, window_bounds = array<i64: 768, 64>}, {pipeline_mode = #tpu.pipeline_mode<synchronous>, transform_indices = @transform_2, window_bounds = array<i64: 1, 64>}, {pipeline_mode = #tpu.pipeline_mode<synchronous>, transform_indices = @transform_3, window_bounds = array<i64: 1, 768>}, {pipeline_mode = #tpu.pipeline_mode<synchronous>, transform_indices = @transform_4, window_bounds = array<i64: 1, 768>}, {transform_indices = @transform_5, window_bounds = array<i64: 256, 64>}, {transform_indices = @transform_6, window_bounds = array<i64: 256, 768>}, {pipeline_mode = #tpu.pipeline_mode<synchronous>, transform_indices = @transform_7, window_bounds = array<i64: 8, 128>}]} {
    %eq3A = arith.constant 0 : i32
    %eq3A_0 = arith.cmpi eq, %arg0, %eq3A : i32
    %convert_element_type3A = arith.extui %eq3A_0 : i1 to i32
    %cond3A = arith.constant 0 : i32
    %cond3A_1 = arith.cmpi ne, %convert_element_type3A, %cond3A : i32
    scf.if %cond3A_1 {
      %broadcast_in_dim3A_89 = arith.constant 0.000000e+00 : f32
      %broadcast_in_dim3A_90 = vector.broadcast %broadcast_in_dim3A_89 : f32 to vector<8x128xf32>
      %swap3A_91 = arith.constant 0 : index
      %swap3A_92 = arith.constant 0 : index
      %swap3A_93 = vector.load %arg8[%swap3A_91, %swap3A_92] : memref<8x128xf32, #tpu.memory_space<vmem>>, vector<8x128xf32>
      tpu.vector_store %arg8[%swap3A_91, %swap3A_92], %broadcast_in_dim3A_90 {strides = array<i32>} : memref<8x128xf32, #tpu.memory_space<vmem>>, vector<8x128xf32>,
    } else {
    }
    %get3A = arith.constant 0 : index
    %get3A_2 = arith.constant 0 : index
    %get3A_3 = vector.load %arg1[%get3A, %get3A_2] : memref<256x768xf32, #tpu.memory_space<vmem>>, vector<256x768xf32>
    %reduce_sum3A = arith.constant dense<0.000000e+00> : vector<256xf32>
    %reduce_sum3A_4 = vector.multi_reduction <add>, %get3A_3, %reduce_sum3A [1] : vector<256x768xf32> to vector<256xf32>
    %broadcast_in_dim3A = vector.shape_cast %reduce_sum3A_4 : vector<256xf32> to vector<256x1xf32>
    %div3A = arith.constant 7.680000e+02 : f32
    %div3A_5 = vector.broadcast %div3A : f32 to vector<256x1xf32>
    %div3A_6 = arith.divf %broadcast_in_dim3A, %div3A_5 : vector<256x1xf32>
    %sub3A = vector.broadcast %div3A_6 : vector<256x1xf32> to vector<256x768xf32>
    %sub3A_7 = arith.subf %get3A_3, %sub3A : vector<256x768xf32>
    %mul3A = arith.mulf %sub3A_7, %sub3A_7 : vector<256x768xf32>
    %reduce_sum3A_8 = arith.constant dense<0.000000e+00> : vector<256xf32>
    %reduce_sum3A_9 = vector.multi_reduction <add>, %mul3A, %reduce_sum3A_8 [1] : vector<256x768xf32> to vector<256xf32>
    %broadcast_in_dim3A_10 = vector.shape_cast %reduce_sum3A_9 : vector<256xf32> to vector<256x1xf32>
    %div3A_11 = arith.constant 7.680000e+02 : f32
    %div3A_12 = vector.broadcast %div3A_11 : f32 to vector<256x1xf32>
    %div3A_13 = arith.divf %broadcast_in_dim3A_10, %div3A_12 : vector<256x1xf32>
    %add3A = arith.constant 9.99999974E-6 : f32
    %add3A_14 = vector.broadcast %add3A : f32 to vector<256x1xf32>
    %add3A_15 = arith.addf %div3A_13, %add3A_14 : vector<256x1xf32>
    %rsqrt3A = math.rsqrt %add3A_15 : vector<256x1xf32>
    %mul3A_16 = vector.broadcast %rsqrt3A : vector<256x1xf32> to vector<256x768xf32>
    %mul3A_17 = arith.mulf %sub3A_7, %mul3A_16 : vector<256x768xf32>
    %get3A_18 = arith.constant 0 : index
    %get3A_19 = arith.constant 0 : index
    %get3A_20 = vector.load %arg4[%get3A_18, %get3A_19] : memref<1x768xf32, #tpu.memory_space<vmem>>, vector<1x768xf32>
    %mul3A_21 = vector.broadcast %get3A_20 : vector<1x768xf32> to vector<256x768xf32>
    %mul3A_22 = arith.mulf %mul3A_17, %mul3A_21 : vector<256x768xf32>
    %get3A_23 = arith.constant 0 : index
    %get3A_24 = arith.constant 0 : index
    %get3A_25 = vector.load %arg5[%get3A_23, %get3A_24] : memref<1x768xf32, #tpu.memory_space<vmem>>, vector<1x768xf32>
    %add3A_26 = vector.broadcast %get3A_25 : vector<1x768xf32> to vector<256x768xf32>
    %add3A_27 = arith.addf %mul3A_22, %add3A_26 : vector<256x768xf32>
    %swap3A = arith.constant 0 : index
    %swap3A_28 = arith.constant 0 : index
    %swap3A_29 = vector.load %arg7[%swap3A, %swap3A_28] : memref<256x768xf32, #tpu.memory_space<vmem>>, vector<256x768xf32>
    tpu.vector_store %arg7[%swap3A, %swap3A_28], %add3A_27 {strides = array<i32>} : memref<256x768xf32, #tpu.memory_space<vmem>>, vector<256x768xf32>,
    %get3A_30 = arith.constant 0 : index
    %get3A_31 = arith.constant 0 : index
    %get3A_32 = vector.load %arg2[%get3A_30, %get3A_31] : memref<768x64xf32, #tpu.memory_space<vmem>>, vector<768x64xf32>
    %dot_general3A = arith.constant dense<0.000000e+00> : vector<256x64xf32>
    %dot_general3A_33 = tpu.matmul %add3A_27, %get3A_32, %dot_general3A {dimension_numbers = #tpu.dot_dimension_numbers<[1], [0], [0], [1], [0, 0, 1, 1], [], []>, transpose_lhs_hint = false} : vector<256x768xf32>, vector<768x64xf32>, vector<256x64xf32> -> vector<256x64xf32>
    %get3A_34 = arith.constant 0 : index
    %get3A_35 = arith.constant 0 : index
    %get3A_36 = vector.load %arg3[%get3A_34, %get3A_35] : memref<1x64xf32, #tpu.memory_space<vmem>>, vector<1x64xf32>
    %add3A_37 = vector.broadcast %get3A_36 : vector<1x64xf32> to vector<256x64xf32>
    %add3A_38 = arith.addf %dot_general3A_33, %add3A_37 : vector<256x64xf32>
    %get3A_39 = arith.constant 0 : index
    %get3A_40 = arith.constant 0 : index
    %get3A_41 = vector.load %arg6[%get3A_39, %get3A_40] : memref<256x64xf32, #tpu.memory_space<vmem>>, vector<256x64xf32>
    %add3A_42 = arith.addf %add3A_38, %get3A_41 : vector<256x64xf32>
    %reduce_max3A = arith.constant dense<0xFF800000> : vector<256xf32>
    %reduce_max3A_43 = vector.multi_reduction <maximumf>, %add3A_42, %reduce_max3A [1] : vector<256x64xf32> to vector<256xf32>
    %broadcast_in_dim3A_44 = vector.shape_cast %reduce_max3A_43 : vector<256xf32> to vector<256x1xf32>
    %reduce_max3A_45 = arith.constant dense<0xFF800000> : vector<256xf32>
    %reduce_max3A_46 = vector.multi_reduction <maximumf>, %add3A_38, %reduce_max3A_45 [1] : vector<256x64xf32> to vector<256xf32>
    %broadcast_in_dim3A_47 = vector.shape_cast %reduce_max3A_46 : vector<256xf32> to vector<256x1xf32>
    %sub3A_48 = vector.broadcast %broadcast_in_dim3A_47 : vector<256x1xf32> to vector<256x64xf32>
    %sub3A_49 = arith.subf %add3A_38, %sub3A_48 : vector<256x64xf32>
    %exp3A = math.exp %sub3A_49 : vector<256x64xf32>
    %reduce_sum3A_50 = arith.constant dense<0.000000e+00> : vector<256xf32>
    %reduce_sum3A_51 = vector.multi_reduction <add>, %exp3A, %reduce_sum3A_50 [1] : vector<256x64xf32> to vector<256xf32>
    %broadcast_in_dim3A_52 = vector.shape_cast %reduce_sum3A_51 : vector<256xf32> to vector<256x1xf32>
    %div3A_53 = vector.broadcast %broadcast_in_dim3A_52 : vector<256x1xf32> to vector<256x64xf32>
    %div3A_54 = arith.divf %exp3A, %div3A_53 : vector<256x64xf32>
    %get3A_55 = arith.constant 0 : index
    %get3A_56 = arith.constant 0 : index
    %get3A_57 = vector.load %arg8[%get3A_55, %get3A_56] : memref<8x128xf32, #tpu.memory_space<vmem>>, vector<1x64xf32>
    %reduce_sum3A_58 = arith.constant dense<0.000000e+00> : vector<64xf32>
    %reduce_sum3A_59 = vector.multi_reduction <add>, %div3A_54, %reduce_sum3A_58 [0] : vector<256x64xf32> to vector<64xf32>
    %broadcast_in_dim3A_60 = vector.shape_cast %reduce_sum3A_59 : vector<64xf32> to vector<1x64xf32>
    %add3A_61 = arith.addf %get3A_57, %broadcast_in_dim3A_60 : vector<1x64xf32>
    %swap3A_62 = arith.constant 0 : index
    %swap3A_63 = arith.constant 0 : index
    %swap3A_64 = vector.load %arg8[%swap3A_62, %swap3A_63] : memref<8x128xf32, #tpu.memory_space<vmem>>, vector<1x64xf32>
    tpu.vector_store %arg8[%swap3A_62, %swap3A_63], %add3A_61 {strides = array<i32>} : memref<8x128xf32, #tpu.memory_space<vmem>>, vector<1x64xf32>,
    %sub3A_65 = vector.broadcast %broadcast_in_dim3A_44 : vector<256x1xf32> to vector<256x64xf32>
    %sub3A_66 = arith.subf %sub3A_65, %add3A_38 : vector<256x64xf32>
    %mul3A_67 = arith.constant 6.400000e+01 : f32
    %mul3A_68 = vector.broadcast %mul3A_67 : f32 to vector<256x64xf32>
    %mul3A_69 = arith.mulf %sub3A_66, %mul3A_68 : vector<256x64xf32>
    %mul3A_70 = arith.constant 0.707106769 : f32
    %mul3A_71 = vector.broadcast %mul3A_70 : f32 to vector<256x64xf32>
    %mul3A_72 = arith.mulf %mul3A_69, %mul3A_71 : vector<256x64xf32>
    %erf3A = math.erf %mul3A_72 : vector<256x64xf32>
    %sub3A_73 = arith.constant 1.000000e+00 : f32
    %sub3A_74 = vector.broadcast %sub3A_73 : f32 to vector<256x64xf32>
    %sub3A_75 = arith.subf %sub3A_74, %erf3A : vector<256x64xf32>
    %mul3A_76 = arith.constant 5.000000e-01 : f32
    %mul3A_77 = vector.broadcast %mul3A_76 : f32 to vector<256x64xf32>
    %mul3A_78 = arith.mulf %mul3A_77, %sub3A_75 : vector<256x64xf32>
    %get3A_79 = arith.constant 1 : index
    %get3A_80 = arith.constant 0 : index
    %get3A_81 = vector.load %arg8[%get3A_79, %get3A_80] : memref<8x128xf32, #tpu.memory_space<vmem>>, vector<1x64xf32>
    %reduce_sum3A_82 = arith.constant dense<0.000000e+00> : vector<64xf32>
    %reduce_sum3A_83 = vector.multi_reduction <add>, %mul3A_78, %reduce_sum3A_82 [0] : vector<256x64xf32> to vector<64xf32>
    %broadcast_in_dim3A_84 = vector.shape_cast %reduce_sum3A_83 : vector<64xf32> to vector<1x64xf32>
    %add3A_85 = arith.addf %get3A_81, %broadcast_in_dim3A_84 : vector<1x64xf32>
    %swap3A_86 = arith.constant 1 : index
    %swap3A_87 = arith.constant 0 : index
    %swap3A_88 = vector.load %arg8[%swap3A_86, %swap3A_87] : memref<8x128xf32, #tpu.memory_space<vmem>>, vector<1x64xf32>
    tpu.vector_store %arg8[%swap3A_86, %swap3A_87], %add3A_85 {strides = array<i32>} : memref<8x128xf32, #tpu.memory_space<vmem>>, vector<1x64xf32>,
    return
  }
  func.func @transform_0(%arg0: i32) -> (i32, i32) {
    %c0_i32 = arith.constant 0 : i32
    %c0_i32_0 = arith.constant 0 : i32
    return %arg0, %c0_i32 : i32, i32
  }
  func.func @transform_1(%arg0: i32) -> (i32, i32) {
    %c0_i32 = arith.constant 0 : i32
    %c0_i32_0 = arith.constant 0 : i32
    %c0_i32_1 = arith.constant 0 : i32
    return %c0_i32, %c0_i32_0 : i32, i32
  }
  func.func @transform_2(%arg0: i32) -> (i32, i32) {
    %c0_i32 = arith.constant 0 : i32
    %c0_i32_0 = arith.constant 0 : i32
    %c0_i32_1 = arith.constant 0 : i32
    return %c0_i32, %c0_i32_0 : i32, i32
  }
  func.func @transform_3(%arg0: i32) -> (i32, i32) {
    %c0_i32 = arith.constant 0 : i32
    %c0_i32_0 = arith.constant 0 : i32
    %c0_i32_1 = arith.constant 0 : i32
    return %c0_i32, %c0_i32_0 : i32, i32
  }
  func.func @transform_4(%arg0: i32) -> (i32, i32) {
    %c0_i32 = arith.constant 0 : i32
    %c0_i32_0 = arith.constant 0 : i32
    %c0_i32_1 = arith.constant 0 : i32
    return %c0_i32, %c0_i32_0 : i32, i32
  }
  func.func @transform_5(%arg0: i32) -> (i32, i32) {
    %c0_i32 = arith.constant 0 : i32
    %c0_i32_0 = arith.constant 0 : i32
    return %arg0, %c0_i32 : i32, i32
  }
  func.func @transform_6(%arg0: i32) -> (i32, i32) {
    %c0_i32 = arith.constant 0 : i32
    %c0_i32_0 = arith.constant 0 : i32
    return %arg0, %c0_i32 : i32, i32
  }
  func.func @transform_7(%arg0: i32) -> (i32, i32) {
    %c0_i32 = arith.constant 0 : i32
    %c0_i32_0 = arith.constant 0 : i32
    %c0_i32_1 = arith.constant 0 : i32
    return %c0_i32, %c0_i32_0 : i32, i32
  }
}

module attributes {stable_mosaic.version = 14 : i64} {
  func.func @_plan_body(%arg0: i32, %arg1: i32, %arg2: memref<1x1x256xi32, #tpu.memory_space<vmem>>, %arg3: memref<1x1x256xi32, #tpu.memory_space<vmem>>, %arg4: memref<8x128xf32, #tpu.memory_space<vmem>>, %arg5: memref<1x1x256xi32, #tpu.memory_space<vmem>>, %arg6: memref<1x1xf32, #tpu.memory_space<smem>>, %arg7: memref<384x128xf32, #tpu.memory_space<vmem>>) attributes {dimension_semantics = [#tpu.dimension_semantics<arbitrary>, #tpu.dimension_semantics<arbitrary>], iteration_bounds = array<i64: 2, 128>, scalar_prefetch = 0 : i64, scratch_operands = 1 : i64, tpu.core_type = #tpu.core_type<tc>, window_params = [{transform_indices = @transform_0, window_bounds = array<i64: 1, 1, 256>}, {transform_indices = @transform_1, window_bounds = array<i64: 1, 1, 256>}, {pipeline_mode = #tpu.pipeline_mode<synchronous>, transform_indices = @transform_2, window_bounds = array<i64: 8, 128>}, {transform_indices = @transform_3, window_bounds = array<i64: 1, 1, 256>}, {transform_indices = @transform_4, window_bounds = array<i64: 1, 1>}]} {
    %get3A = arith.constant 0 : index
    %get3A_0 = arith.constant 0 : index
    %get3A_1 = arith.constant 0 : index
    %get3A_2 = vector.load %arg2[%get3A, %get3A_0, %get3A_1] : memref<1x1x256xi32, #tpu.memory_space<vmem>>, vector<1x1x256xi32>
    %get3A_3 = vector.shape_cast %get3A_2 : vector<1x1x256xi32> to vector<1x256xi32>
    %get3A_4 = arith.constant 0 : index
    %get3A_5 = arith.constant 0 : index
    %get3A_6 = arith.constant 0 : index
    %get3A_7 = vector.load %arg3[%get3A_4, %get3A_5, %get3A_6] : memref<1x1x256xi32, #tpu.memory_space<vmem>>, vector<1x1x256xi32>
    %get3A_8 = vector.shape_cast %get3A_7 : vector<1x1x256xi32> to vector<1x256xi32>
    %mul3A = arith.constant 64 : i32
    %mul3A_9 = vector.broadcast %mul3A : i32 to vector<1x256xi32>
    %mul3A_10 = arith.muli %get3A_8, %mul3A_9 : vector<1x256xi32>
    %add3A = arith.addi %mul3A_10, %get3A_3 : vector<1x256xi32>
    %iota3A = tpu.iota {dimensions = array<i32: 0>} : vector<384x1xi32>
    %eq3A = vector.broadcast %iota3A : vector<384x1xi32> to vector<384x256xi32>
    %eq3A_11 = vector.broadcast %add3A : vector<1x256xi32> to vector<384x256xi32>
    %eq3A_12 = arith.cmpi eq, %eq3A, %eq3A_11 : vector<384x256xi32>
    %convert_element_type3A = arith.extui %eq3A_12 : vector<384x256xi1> to vector<384x256xi32>
    %convert_element_type3A_13 = arith.sitofp %convert_element_type3A : vector<384x256xi32> to vector<384x256xf32>
    %reduce_sum3A = arith.constant dense<0.000000e+00> : vector<384xf32>
    %reduce_sum3A_14 = vector.multi_reduction <add>, %convert_element_type3A_13, %reduce_sum3A [1] : vector<384x256xf32> to vector<384xf32>
    %broadcast_in_dim3A = vector.shape_cast %reduce_sum3A_14 : vector<384xf32> to vector<384x1xf32>
    %eq3A_15 = arith.constant 0 : i32
    %eq3A_16 = arith.cmpi eq, %arg0, %eq3A_15 : i32
    %eq3A_17 = arith.constant 0 : i32
    %eq3A_18 = arith.cmpi eq, %arg1, %eq3A_17 : i32
    %and3A = arith.andi %eq3A_16, %eq3A_18 : i1
    %convert_element_type3A_19 = arith.extui %and3A : i1 to i32
    %cond3A = arith.constant 0 : i32
    %cond3A_20 = arith.cmpi ne, %convert_element_type3A_19, %cond3A : i32
    scf.if %cond3A_20 {
      %broadcast_in_dim3A_47 = arith.constant 0.000000e+00 : f32
      %broadcast_in_dim3A_48 = vector.broadcast %broadcast_in_dim3A_47 : f32 to vector<384x128xf32>
      %swap3A = arith.constant 0 : index
      %swap3A_49 = arith.constant 0 : index
      %swap3A_50 = vector.load %arg7[%swap3A, %swap3A_49] : memref<384x128xf32, #tpu.memory_space<vmem>>, vector<384x128xf32>
      tpu.vector_store %arg7[%swap3A, %swap3A_49], %broadcast_in_dim3A_48 {strides = array<i32>} : memref<384x128xf32, #tpu.memory_space<vmem>>, vector<384x128xf32>,
    } else {
    }
    %eq3A_21 = arith.constant 0 : i32
    %eq3A_22 = arith.cmpi eq, %arg0, %eq3A_21 : i32
    %convert_element_type3A_23 = arith.extui %eq3A_22 : i1 to i32
    %cond3A_24 = arith.constant 0 : i32
    %cond3A_25 = arith.cmpi ne, %convert_element_type3A_23, %cond3A_24 : i32
    scf.if %cond3A_25 {
      %get3A_47 = arith.constant 0 : index
      %get3A_48 = arith.constant 0 : index
      %get3A_49 = vector.load %arg7[%get3A_47, %get3A_48] : memref<384x128xf32, #tpu.memory_space<vmem>>, vector<384x1xf32>
      %add3A_50 = arith.addf %get3A_49, %broadcast_in_dim3A : vector<384x1xf32>
      %swap3A = arith.constant 0 : index
      %swap3A_51 = arith.constant 0 : index
      %swap3A_52 = vector.load %arg7[%swap3A, %swap3A_51] : memref<384x128xf32, #tpu.memory_space<vmem>>, vector<384x1xf32>
      tpu.vector_store %arg7[%swap3A, %swap3A_51], %add3A_50 {strides = array<i32>} : memref<384x128xf32, #tpu.memory_space<vmem>>, vector<384x1xf32>,
      %broadcast_in_dim3A_53 = arith.constant 0 : i32
      %broadcast_in_dim3A_54 = vector.broadcast %broadcast_in_dim3A_53 : i32 to vector<1x1x256xi32>
      %swap3A_55 = arith.constant 0 : index
      %swap3A_56 = arith.constant 0 : index
      %swap3A_57 = arith.constant 0 : index
      %swap3A_58 = vector.load %arg5[%swap3A_55, %swap3A_56, %swap3A_57] : memref<1x1x256xi32, #tpu.memory_space<vmem>>, vector<1x1x256xi32>
      tpu.vector_store %arg5[%swap3A_55, %swap3A_56, %swap3A_57], %broadcast_in_dim3A_54 {strides = array<i32>} : memref<1x1x256xi32, #tpu.memory_space<vmem>>, vector<1x1x256xi32>,
    } else {
    }
    %eq3A_26 = arith.constant 1 : i32
    %eq3A_27 = arith.cmpi eq, %arg0, %eq3A_26 : i32
    %eq3A_28 = arith.constant 0 : i32
    %eq3A_29 = arith.cmpi eq, %arg1, %eq3A_28 : i32
    %and3A_30 = arith.andi %eq3A_27, %eq3A_29 : i1
    %convert_element_type3A_31 = arith.extui %and3A_30 : i1 to i32
    %cond3A_32 = arith.constant 0 : i32
    %cond3A_33 = arith.cmpi ne, %convert_element_type3A_31, %cond3A_32 : i32
    scf.if %cond3A_33 {
      %get3A_47 = arith.constant 0 : index
      %get3A_48 = arith.constant 0 : index
      %get3A_49 = vector.load %arg7[%get3A_47, %get3A_48] : memref<384x128xf32, #tpu.memory_space<vmem>>, vector<384x1xf32>
      %broadcast_in_dim3A_50 = arith.constant 0.000000e+00 : f32
      %broadcast_in_dim3A_51 = vector.broadcast %broadcast_in_dim3A_50 : f32 to vector<64x1xf32>
      %slice3A = vector.extract_strided_slice %get3A_49 {offsets = [0, 0], sizes = [64, 1], strides = [1, 1]} : vector<384x1xf32> to vector<64x1xf32>
      %add3A_52 = arith.addf %broadcast_in_dim3A_51, %slice3A : vector<64x1xf32>
      %slice3A_53 = vector.extract_strided_slice %get3A_49 {offsets = [64, 0], sizes = [64, 1], strides = [1, 1]} : vector<384x1xf32> to vector<64x1xf32>
      %add3A_54 = arith.addf %add3A_52, %slice3A_53 : vector<64x1xf32>
      %slice3A_55 = vector.extract_strided_slice %get3A_49 {offsets = [128, 0], sizes = [64, 1], strides = [1, 1]} : vector<384x1xf32> to vector<64x1xf32>
      %add3A_56 = arith.addf %add3A_54, %slice3A_55 : vector<64x1xf32>
      %slice3A_57 = vector.extract_strided_slice %get3A_49 {offsets = [192, 0], sizes = [64, 1], strides = [1, 1]} : vector<384x1xf32> to vector<64x1xf32>
      %add3A_58 = arith.addf %add3A_56, %slice3A_57 : vector<64x1xf32>
      %slice3A_59 = vector.extract_strided_slice %get3A_49 {offsets = [256, 0], sizes = [64, 1], strides = [1, 1]} : vector<384x1xf32> to vector<64x1xf32>
      %add3A_60 = arith.addf %add3A_58, %slice3A_59 : vector<64x1xf32>
      %concatenate3A = tpu.concatenate %broadcast_in_dim3A_51, %add3A_52, %add3A_54, %add3A_56, %add3A_58, %add3A_60 in 0 : vector<64x1xf32>, vector<64x1xf32>, vector<64x1xf32>, vector<64x1xf32>, vector<64x1xf32>, vector<64x1xf32> -> vector<384x1xf32>
      %swap3A = arith.constant 0 : index
      %swap3A_61 = arith.constant 0 : index
      %swap3A_62 = vector.load %arg7[%swap3A, %swap3A_61] : memref<384x128xf32, #tpu.memory_space<vmem>>, vector<384x1xf32>
      tpu.vector_store %arg7[%swap3A, %swap3A_61], %concatenate3A {strides = array<i32>} : memref<384x128xf32, #tpu.memory_space<vmem>>, vector<384x1xf32>,
    } else {
    }
    %eq3A_34 = arith.constant 1 : i32
    %eq3A_35 = arith.cmpi eq, %arg0, %eq3A_34 : i32
    %convert_element_type3A_36 = arith.extui %eq3A_35 : i1 to i32
    %cond3A_37 = arith.constant 0 : i32
    %cond3A_38 = arith.cmpi ne, %convert_element_type3A_36, %cond3A_37 : i32
    scf.if %cond3A_38 {
      %iota3A_47 = tpu.iota {dimensions = array<i32: 0>} : vector<256x256xi32>
      %iota3A_48 = tpu.iota {dimensions = array<i32: 1>} : vector<256x256xi32>
      %lt3A = arith.cmpi slt, %iota3A_47, %iota3A_48 : vector<256x256xi32>
      %convert_element_type3A_49 = arith.extui %lt3A : vector<256x256xi1> to vector<256x256xi32>
      %convert_element_type3A_50 = arith.sitofp %convert_element_type3A_49 : vector<256x256xi32> to vector<256x256xf32>
      %dot_general3A = arith.constant dense<0.000000e+00> : vector<384x256xf32>
      %dot_general3A_51 = tpu.matmul %convert_element_type3A_13, %convert_element_type3A_50, %dot_general3A {dimension_numbers = #tpu.dot_dimension_numbers<[1], [0], [0], [1], [0, 0, 1, 1], [], []>, transpose_lhs_hint = false} : vector<384x256xf32>, vector<256x256xf32>, vector<384x256xf32> -> vector<384x256xf32>
      %get3A_52 = arith.constant 0 : index
      %get3A_53 = arith.constant 0 : index
      %get3A_54 = vector.load %arg7[%get3A_52, %get3A_53] : memref<384x128xf32, #tpu.memory_space<vmem>>, vector<384x1xf32>
      %add3A_55 = vector.broadcast %get3A_54 : vector<384x1xf32> to vector<384x256xf32>
      %add3A_56 = arith.addf %dot_general3A_51, %add3A_55 : vector<384x256xf32>
      %mul3A_57 = arith.mulf %convert_element_type3A_13, %add3A_56 : vector<384x256xf32>
      %reduce_sum3A_58 = arith.constant dense<0.000000e+00> : vector<256xf32>
      %reduce_sum3A_59 = vector.multi_reduction <add>, %mul3A_57, %reduce_sum3A_58 [0] : vector<384x256xf32> to vector<256xf32>
      %broadcast_in_dim3A_60 = vector.shape_cast %reduce_sum3A_59 : vector<256xf32> to vector<1x256xf32>
      %convert_element_type3A_61 = arith.fptosi %broadcast_in_dim3A_60 : vector<1x256xf32> to vector<1x256xi32>
      %mul3A_62 = arith.constant 256 : i32
      %mul3A_63 = arith.muli %arg1, %mul3A_62 : i32
      %iota3A_64 = tpu.iota {dimensions = array<i32: 1>} : vector<1x256xi32>
      %add3A_65 = vector.broadcast %mul3A_63 : i32 to vector<1x256xi32>
      %add3A_66 = arith.addi %add3A_65, %iota3A_64 : vector<1x256xi32>
      %lt3A_67 = arith.constant 512 : i32
      %lt3A_68 = vector.broadcast %lt3A_67 : i32 to vector<1x256xi32>
      %lt3A_69 = arith.cmpi slt, %convert_element_type3A_61, %lt3A_68 : vector<1x256xi32>
      %mul3A_70 = arith.constant 512 : i32
      %mul3A_71 = vector.broadcast %mul3A_70 : i32 to vector<1x256xi32>
      %mul3A_72 = arith.muli %get3A_3, %mul3A_71 : vector<1x256xi32>
      %add3A_73 = arith.addi %mul3A_72, %convert_element_type3A_61 : vector<1x256xi32>
      %add3A_74 = arith.constant 32768 : i32
      %add3A_75 = vector.broadcast %add3A_74 : i32 to vector<1x256xi32>
      %add3A_76 = arith.addi %add3A_75, %add3A_66 : vector<1x256xi32>
      %select_n3A = arith.select %lt3A_69, %add3A_73, %add3A_76 : vector<1x256xi1>, vector<1x256xi32>
      %swap3A = arith.constant 0 : index
      %swap3A_77 = arith.constant 0 : index
      %swap3A_78 = arith.constant 0 : index
      %swap3A_79 = vector.load %arg5[%swap3A, %swap3A_77, %swap3A_78] : memref<1x1x256xi32, #tpu.memory_space<vmem>>, vector<1x1x256xi32>
      %swap3A_80 = vector.shape_cast %swap3A_79 : vector<1x1x256xi32> to vector<1x256xi32>
      %swap3A_81 = vector.shape_cast %select_n3A : vector<1x256xi32> to vector<1x1x256xi32>
      tpu.vector_store %arg5[%swap3A, %swap3A_77, %swap3A_78], %swap3A_81 {strides = array<i32>} : memref<1x1x256xi32, #tpu.memory_space<vmem>>, vector<1x1x256xi32>,
      %get3A_82 = arith.constant 0 : index
      %get3A_83 = arith.constant 0 : index
      %get3A_84 = vector.load %arg7[%get3A_82, %get3A_83] : memref<384x128xf32, #tpu.memory_space<vmem>>, vector<384x1xf32>
      %add3A_85 = arith.addf %get3A_84, %broadcast_in_dim3A : vector<384x1xf32>
      %swap3A_86 = arith.constant 0 : index
      %swap3A_87 = arith.constant 0 : index
      %swap3A_88 = vector.load %arg7[%swap3A_86, %swap3A_87] : memref<384x128xf32, #tpu.memory_space<vmem>>, vector<384x1xf32>
      tpu.vector_store %arg7[%swap3A_86, %swap3A_87], %add3A_85 {strides = array<i32>} : memref<384x128xf32, #tpu.memory_space<vmem>>, vector<384x1xf32>,
    } else {
    }
    %eq3A_39 = arith.constant 1 : i32
    %eq3A_40 = arith.cmpi eq, %arg0, %eq3A_39 : i32
    %eq3A_41 = arith.constant 127 : i32
    %eq3A_42 = arith.cmpi eq, %arg1, %eq3A_41 : i32
    %and3A_43 = arith.andi %eq3A_40, %eq3A_42 : i1
    %convert_element_type3A_44 = arith.extui %and3A_43 : i1 to i32
    %cond3A_45 = arith.constant 0 : i32
    %cond3A_46 = arith.cmpi ne, %convert_element_type3A_44, %cond3A_45 : i32
    scf.if %cond3A_46 {
      %get3A_47 = arith.constant 0 : index
      %get3A_48 = arith.constant 0 : index
      %get3A_49 = vector.load %arg4[%get3A_47, %get3A_48] : memref<8x128xf32, #tpu.memory_space<vmem>>, vector<1x64xf32>
      %get3A_50 = arith.constant 1 : index
      %get3A_51 = arith.constant 0 : index
      %get3A_52 = vector.load %arg4[%get3A_50, %get3A_51] : memref<8x128xf32, #tpu.memory_space<vmem>>, vector<1x64xf32>
      %mul3A_53 = arith.constant 3.05175781E-5 : f32
      %mul3A_54 = vector.broadcast %mul3A_53 : f32 to vector<1x64xf32>
      %mul3A_55 = arith.mulf %get3A_52, %mul3A_54 : vector<1x64xf32>
      %reduce_sum3A_56 = vector.shape_cast %get3A_49 : vector<1x64xf32> to vector<1x1x64xf32>
      %reduce_sum3A_57 = arith.constant dense<0.000000e+00> : vector<1xf32>
      %reduce_sum3A_58 = vector.multi_reduction <add>, %reduce_sum3A_56, %reduce_sum3A_57 [1, 2] : vector<1x1x64xf32> to vector<1xf32>
      %reduce_sum3A_59 = vector.shape_cast %reduce_sum3A_58 : vector<1xf32> to vector<1x1x1xf32>
      %reduce_sum3A_60 = vector.extract %reduce_sum3A_59[0, 0, 0] : f32 from vector<1x1x1xf32>
      %mul3A_61 = arith.constant 1.562500e-02 : f32
      %mul3A_62 = arith.mulf %reduce_sum3A_60, %mul3A_61 : f32
      %sub3A = vector.broadcast %mul3A_62 : f32 to vector<1x64xf32>
      %sub3A_63 = arith.subf %get3A_49, %sub3A : vector<1x64xf32>
      %integer_pow3A = arith.mulf %sub3A_63, %sub3A_63 : vector<1x64xf32>
      %reduce_sum3A_64 = vector.shape_cast %integer_pow3A : vector<1x64xf32> to vector<1x1x64xf32>
      %reduce_sum3A_65 = arith.constant dense<0.000000e+00> : vector<1xf32>
      %reduce_sum3A_66 = vector.multi_reduction <add>, %reduce_sum3A_64, %reduce_sum3A_65 [1, 2] : vector<1x1x64xf32> to vector<1xf32>
      %reduce_sum3A_67 = vector.shape_cast %reduce_sum3A_66 : vector<1xf32> to vector<1x1x1xf32>
      %reduce_sum3A_68 = vector.extract %reduce_sum3A_67[0, 0, 0] : f32 from vector<1x1x1xf32>
      %mul3A_69 = arith.constant 0.0158730168 : f32
      %mul3A_70 = arith.mulf %reduce_sum3A_68, %mul3A_69 : f32
      %reduce_sum3A_71 = vector.shape_cast %mul3A_55 : vector<1x64xf32> to vector<1x1x64xf32>
      %reduce_sum3A_72 = arith.constant dense<0.000000e+00> : vector<1xf32>
      %reduce_sum3A_73 = vector.multi_reduction <add>, %reduce_sum3A_71, %reduce_sum3A_72 [1, 2] : vector<1x1x64xf32> to vector<1xf32>
      %reduce_sum3A_74 = vector.shape_cast %reduce_sum3A_73 : vector<1xf32> to vector<1x1x1xf32>
      %reduce_sum3A_75 = vector.extract %reduce_sum3A_74[0, 0, 0] : f32 from vector<1x1x1xf32>
      %mul3A_76 = arith.constant 1.562500e-02 : f32
      %mul3A_77 = arith.mulf %reduce_sum3A_75, %mul3A_76 : f32
      %sub3A_78 = vector.broadcast %mul3A_77 : f32 to vector<1x64xf32>
      %sub3A_79 = arith.subf %mul3A_55, %sub3A_78 : vector<1x64xf32>
      %integer_pow3A_80 = arith.mulf %sub3A_79, %sub3A_79 : vector<1x64xf32>
      %reduce_sum3A_81 = vector.shape_cast %integer_pow3A_80 : vector<1x64xf32> to vector<1x1x64xf32>
      %reduce_sum3A_82 = arith.constant dense<0.000000e+00> : vector<1xf32>
      %reduce_sum3A_83 = vector.multi_reduction <add>, %reduce_sum3A_81, %reduce_sum3A_82 [1, 2] : vector<1x1x64xf32> to vector<1xf32>
      %reduce_sum3A_84 = vector.shape_cast %reduce_sum3A_83 : vector<1xf32> to vector<1x1x1xf32>
      %reduce_sum3A_85 = vector.extract %reduce_sum3A_84[0, 0, 0] : f32 from vector<1x1x1xf32>
      %mul3A_86 = arith.constant 0.0158730168 : f32
      %mul3A_87 = arith.mulf %reduce_sum3A_85, %mul3A_86 : f32
      %add3A_88 = arith.constant 9.99999993E-9 : f32
      %add3A_89 = arith.addf %mul3A_62, %add3A_88 : f32
      %integer_pow3A_90 = arith.mulf %add3A_89, %add3A_89 : f32
      %div3A = arith.divf %mul3A_70, %integer_pow3A_90 : f32
      %add3A_91 = arith.constant 9.99999993E-9 : f32
      %add3A_92 = arith.addf %mul3A_77, %add3A_91 : f32
      %integer_pow3A_93 = arith.mulf %add3A_92, %add3A_92 : f32
      %div3A_94 = arith.divf %mul3A_87, %integer_pow3A_93 : f32
      %add3A_95 = arith.addf %div3A, %div3A_94 : f32
      %mul3A_96 = arith.constant 5.000000e-01 : f32
      %mul3A_97 = arith.mulf %mul3A_96, %add3A_95 : f32
      %swap3A = arith.constant 0 : index
      %swap3A_98 = arith.constant 0 : index
      %swap3A_99 = memref.load %arg6[%swap3A, %swap3A_98] : memref<1x1xf32, #tpu.memory_space<smem>>
      memref.store %mul3A_97, %arg6[%swap3A, %swap3A_98] : memref<1x1xf32, #tpu.memory_space<smem>>
    } else {
    }
    return
  }
  func.func @transform_0(%arg0: i32, %arg1: i32) -> (i32, i32, i32) {
    %c0_i32 = arith.constant 0 : i32
    %c0_i32_0 = arith.constant 0 : i32
    %c0_i32_1 = arith.constant 0 : i32
    return %arg1, %c0_i32, %c0_i32_0 : i32, i32, i32
  }
  func.func @transform_1(%arg0: i32, %arg1: i32) -> (i32, i32, i32) {
    %c0_i32 = arith.constant 0 : i32
    %c0_i32_0 = arith.constant 0 : i32
    %c0_i32_1 = arith.constant 0 : i32
    return %arg1, %c0_i32, %c0_i32_0 : i32, i32, i32
  }
  func.func @transform_2(%arg0: i32, %arg1: i32) -> (i32, i32) {
    %c0_i32 = arith.constant 0 : i32
    %c0_i32_0 = arith.constant 0 : i32
    %c0_i32_1 = arith.constant 0 : i32
    return %c0_i32, %c0_i32_0 : i32, i32
  }
  func.func @transform_3(%arg0: i32, %arg1: i32) -> (i32, i32, i32) {
    %mul3A = arith.muli %arg0, %arg1 : i32
    %c0_i32 = arith.constant 0 : i32
    %c0_i32_0 = arith.constant 0 : i32
    %c0_i32_1 = arith.constant 0 : i32
    return %mul3A, %c0_i32, %c0_i32_0 : i32, i32, i32
  }
  func.func @transform_4(%arg0: i32, %arg1: i32) -> (i32, i32) {
    %c0_i32 = arith.constant 0 : i32
    %c0_i32_0 = arith.constant 0 : i32
    %c0_i32_1 = arith.constant 0 : i32
    return %c0_i32, %c0_i32_0 : i32, i32
  }
}

module attributes {stable_mosaic.version = 14 : i64} {
  func.func @_ffn_body(%arg0: i32, %arg1: memref<512x768xf32, #tpu.memory_space<vmem>>, %arg2: memref<1x768x64xf32, #tpu.memory_space<vmem>>, %arg3: memref<1x1x64xf32, #tpu.memory_space<vmem>>, %arg4: memref<1x64x768xf32, #tpu.memory_space<vmem>>, %arg5: memref<1x1x768xf32, #tpu.memory_space<vmem>>, %arg6: memref<512x768xf32, #tpu.memory_space<vmem>>) attributes {dimension_semantics = [#tpu.dimension_semantics<arbitrary>], iteration_bounds = array<i64: 64>, scalar_prefetch = 0 : i64, scratch_operands = 0 : i64, tpu.core_type = #tpu.core_type<tc>, window_params = [{transform_indices = @transform_0, window_bounds = array<i64: 512, 768>}, {transform_indices = @transform_1, window_bounds = array<i64: 1, 768, 64>}, {transform_indices = @transform_2, window_bounds = array<i64: 1, 1, 64>}, {transform_indices = @transform_3, window_bounds = array<i64: 1, 64, 768>}, {transform_indices = @transform_4, window_bounds = array<i64: 1, 1, 768>}, {transform_indices = @transform_5, window_bounds = array<i64: 512, 768>}]} {
    %get3A = arith.constant 0 : index
    %get3A_0 = arith.constant 0 : index
    %get3A_1 = vector.load %arg1[%get3A, %get3A_0] : memref<512x768xf32, #tpu.memory_space<vmem>>, vector<512x768xf32>
    %get3A_2 = arith.constant 0 : index
    %get3A_3 = arith.constant 0 : index
    %get3A_4 = arith.constant 0 : index
    %get3A_5 = vector.load %arg2[%get3A_2, %get3A_3, %get3A_4] : memref<1x768x64xf32, #tpu.memory_space<vmem>>, vector<1x768x64xf32>
    %get3A_6 = vector.shape_cast %get3A_5 : vector<1x768x64xf32> to vector<768x64xf32>
    %dot_general3A = arith.constant dense<0.000000e+00> : vector<512x64xf32>
    %dot_general3A_7 = tpu.matmul %get3A_1, %get3A_6, %dot_general3A {dimension_numbers = #tpu.dot_dimension_numbers<[1], [0], [0], [1], [0, 0, 1, 1], [], []>, transpose_lhs_hint = false} : vector<512x768xf32>, vector<768x64xf32>, vector<512x64xf32> -> vector<512x64xf32>
    %get3A_8 = arith.constant 0 : index
    %get3A_9 = arith.constant 0 : index
    %get3A_10 = arith.constant 0 : index
    %get3A_11 = vector.load %arg3[%get3A_8, %get3A_9, %get3A_10] : memref<1x1x64xf32, #tpu.memory_space<vmem>>, vector<1x1x64xf32>
    %get3A_12 = vector.shape_cast %get3A_11 : vector<1x1x64xf32> to vector<1x64xf32>
    %add3A = vector.broadcast %get3A_12 : vector<1x64xf32> to vector<512x64xf32>
    %add3A_13 = arith.addf %dot_general3A_7, %add3A : vector<512x64xf32>
    %integer_pow3A = arith.mulf %add3A_13, %add3A_13 : vector<512x64xf32>
    %integer_pow3A_14 = arith.mulf %add3A_13, %integer_pow3A : vector<512x64xf32>
    %mul3A = arith.constant 4.471500e-02 : f32
    %mul3A_15 = vector.broadcast %mul3A : f32 to vector<512x64xf32>
    %mul3A_16 = arith.mulf %mul3A_15, %integer_pow3A_14 : vector<512x64xf32>
    %add3A_17 = arith.addf %add3A_13, %mul3A_16 : vector<512x64xf32>
    %mul3A_18 = arith.constant 0.797884583 : f32
    %mul3A_19 = vector.broadcast %mul3A_18 : f32 to vector<512x64xf32>
    %mul3A_20 = arith.mulf %mul3A_19, %add3A_17 : vector<512x64xf32>
    %tanh3A = math.tanh %mul3A_20 : vector<512x64xf32>
    %add3A_21 = arith.constant 1.000000e+00 : f32
    %add3A_22 = vector.broadcast %add3A_21 : f32 to vector<512x64xf32>
    %add3A_23 = arith.addf %add3A_22, %tanh3A : vector<512x64xf32>
    %mul3A_24 = arith.constant 5.000000e-01 : f32
    %mul3A_25 = vector.broadcast %mul3A_24 : f32 to vector<512x64xf32>
    %mul3A_26 = arith.mulf %mul3A_25, %add3A_23 : vector<512x64xf32>
    %mul3A_27 = arith.mulf %add3A_13, %mul3A_26 : vector<512x64xf32>
    %get3A_28 = arith.constant 0 : index
    %get3A_29 = arith.constant 0 : index
    %get3A_30 = arith.constant 0 : index
    %get3A_31 = vector.load %arg4[%get3A_28, %get3A_29, %get3A_30] : memref<1x64x768xf32, #tpu.memory_space<vmem>>, vector<1x64x768xf32>
    %get3A_32 = vector.shape_cast %get3A_31 : vector<1x64x768xf32> to vector<64x768xf32>
    %dot_general3A_33 = arith.constant dense<0.000000e+00> : vector<512x768xf32>
    %dot_general3A_34 = tpu.matmul %mul3A_27, %get3A_32, %dot_general3A_33 {dimension_numbers = #tpu.dot_dimension_numbers<[1], [0], [0], [1], [0, 0, 1, 1], [], []>, transpose_lhs_hint = false} : vector<512x64xf32>, vector<64x768xf32>, vector<512x768xf32> -> vector<512x768xf32>
    %get3A_35 = arith.constant 0 : index
    %get3A_36 = arith.constant 0 : index
    %get3A_37 = arith.constant 0 : index
    %get3A_38 = vector.load %arg5[%get3A_35, %get3A_36, %get3A_37] : memref<1x1x768xf32, #tpu.memory_space<vmem>>, vector<1x1x768xf32>
    %get3A_39 = vector.shape_cast %get3A_38 : vector<1x1x768xf32> to vector<1x768xf32>
    %add3A_40 = vector.broadcast %get3A_39 : vector<1x768xf32> to vector<512x768xf32>
    %add3A_41 = arith.addf %dot_general3A_34, %add3A_40 : vector<512x768xf32>
    %swap3A = arith.constant 0 : index
    %swap3A_42 = arith.constant 0 : index
    %swap3A_43 = vector.load %arg6[%swap3A, %swap3A_42] : memref<512x768xf32, #tpu.memory_space<vmem>>, vector<512x768xf32>
    tpu.vector_store %arg6[%swap3A, %swap3A_42], %add3A_41 {strides = array<i32>} : memref<512x768xf32, #tpu.memory_space<vmem>>, vector<512x768xf32>,
    return
  }
  func.func @transform_0(%arg0: i32) -> (i32, i32) {
    %c0_i32 = arith.constant 0 : i32
    %c0_i32_0 = arith.constant 0 : i32
    return %arg0, %c0_i32 : i32, i32
  }
  func.func @transform_1(%arg0: i32) -> (i32, i32, i32) {
    %c0_i32 = arith.constant 0 : i32
    %c0_i32_0 = arith.constant 0 : i32
    %c0_i32_1 = arith.constant 0 : i32
    return %arg0, %c0_i32, %c0_i32_0 : i32, i32, i32
  }
  func.func @transform_2(%arg0: i32) -> (i32, i32, i32) {
    %c0_i32 = arith.constant 0 : i32
    %c0_i32_0 = arith.constant 0 : i32
    %c0_i32_1 = arith.constant 0 : i32
    return %arg0, %c0_i32, %c0_i32_0 : i32, i32, i32
  }
  func.func @transform_3(%arg0: i32) -> (i32, i32, i32) {
    %c0_i32 = arith.constant 0 : i32
    %c0_i32_0 = arith.constant 0 : i32
    %c0_i32_1 = arith.constant 0 : i32
    return %arg0, %c0_i32, %c0_i32_0 : i32, i32, i32
  }
  func.func @transform_4(%arg0: i32) -> (i32, i32, i32) {
    %c0_i32 = arith.constant 0 : i32
    %c0_i32_0 = arith.constant 0 : i32
    %c0_i32_1 = arith.constant 0 : i32
    return %arg0, %c0_i32, %c0_i32_0 : i32, i32, i32
  }
  func.func @transform_5(%arg0: i32) -> (i32, i32) {
    %c0_i32 = arith.constant 0 : i32
    %c0_i32_0 = arith.constant 0 : i32
    return %arg0, %c0_i32 : i32, i32
  }
}

</mosaic_0001>

<sc_bundles>
// kernel: kernel.10.cloned.1.call-start
scs
__scs_entry_jumppad:
0x0: {  	(pc) =	sbr.rel $0x88, $3  }
0x1: {  	(tag) =	ssettag $0x0;
	lr =	simm.s32 $0x1  }
0x2: {  	[smem:$0x3F98] =	sst lr;
	_ =	strace $0xD0000000  }
0x3: {  	_ = 	snop  }
0x4: {  	_ = 	snop  }
0x5: {  	_ = 	snop  }
0x6: {  	_ = 	snop  }
0x7: {  	_ = 	snop  }
__scs_overlays_trampoline_lowered:
0x8: {  	[smem:$0x3FA7] =	sst s0  }
0x9: {  	[smem:$0x3FA8] =	sst s1  }
0xa: {  	[smem:$0x3FA9] =	sst s2  }
0xb: {  	[smem:$0x3FAA] =	sst s3  }
0xc: {  	[smem:$0x3FAB] =	sst s4  }
0xd: {  	[smem:$0x3FAC] =	sst s5  }
0xe: {  	[smem:$0x3FAD] =	sst s6  }
0xf: {  	[smem:$0x3FAE] =	sst s7  }
0x10: {  	[smem:$0x3FAF] =	sst s8  }
0x11: {  	[smem:$0x3FB0] =	sst s9;
	s0 =	simm.s32 @!p0 $0x0  }
0x12: {  	s1 =	sld [smem:$0x3F96];
	s0 =	simm.s32 @p0 $0x1  }
0x13: {  	[smem:$0x3FB1] =	sst s0;
	s0 =	simm.s32 @!p1 $0x0  }
0x14: {  	s2 =	sld [smem:$0x3F95];
	s0 =	simm.s32 @p1 $0x1  }
0x15: {  	[smem:$0x3FB2] =	sst s0;
	s0 =	simm.s32 @!p2 $0x0  }
0x16: {  	s3 =	sld [smem:$0x3FDB];
	s0 =	simm.s32 @p2 $0x1  }
0x17: {  	s4 =	simm.s32 $0x1BF5;
	[smem:$0x3FB4] =	sst s0  }
0x18: {  	s0 =	sld [smem:$0x3F97];
	_ =	swait.ge [sflag:s4], $0x0  }
0x19: {  	s7 =	sld [smem:$0x3F98]  }
0x1a: {  	s8 =	sadd.s32 $0xFFFFE003, lr  }
0x1b: {  	s9 =	sadd.s32 $0xFFFFFEF7, lr;
	s5 =	simm.s32 $0xFFFFFFFF;
	p2 =	slt.u32 s8, $0xFFFFF086  }
0x1c: {  	p1 =	slt.u32 s9, $0xF7A;
	s5 =	simm.s32 @!p2 $0x0  }
0x1d: {  	s5 =	simm.s32 @p1 $0x1;
	p0 =	seq.s32 s7, s2  }
0x1e: {  	s7 =	smul.u32 @!p0 $0xF7A, s2;
	p2 =	seq.s32 @!p0 s5, $0x0  }
0x1f: {  	s9 =	smul.u32 $0xF7A, s1;
	s8 =	simm.s32 @!p0 $0x1BF5;
	p2 =	por !p2, p0  }
0x20: {  	[sflag:s8] =	ssyncset.s32 @!p0 $0xFFFFF086;
	s6 =	sadd.s32 @!p0 s3, s7;
	s7 =	simm.s32 @!p0 $0x108  }
0x21: {  	s3 =	sadd.s32 s3, s9;
	s6 =	sadd.s32 @!p0 $0x88, s6;
	s7 =	simm.s32 @p2 $0x1082  }
0x22: {  	[simem:s7], [sflag:s8] =	dma.local @!p0 [hbm:s6], $0xF7A  }
0x23: {  	s9 =	sor.u32 $0xD0000000, s2;
	s6 =	simm.s32 $0x108;
	_ =	swait.ge @!p0 [sflag:s8], $0x0  }
0x24: {  	s3 =	sadd.s32 $0x88, s3;
	s6 =	simm.s32 @!p1 $0x1082;
	[sflag:s4] =	ssyncset.s32 $0xFFFFF086  }
0x25: {  	[simem:s6], [sflag:s4] =	dma.local [hbm:s3], $0xF7A  }
0x26: {  	[smem:$0x3F98] =	sst s1;
	(tag) =	ssettag s2;
	_ =	strace s9  }
0x27: {  	s1 =	sld [smem:$0x3FA8]  }
0x28: {  	s2 =	sld [smem:$0x3FA9]  }
0x29: {  	s4 =	sld [smem:$0x3FAB]  }
0x2a: {  	p0 =	seq.s32 s5, $0x0;
	s5 =	sld [smem:$0x3FAC]  }
0x2b: {  	s6 =	sld [smem:$0x3FAD]  }
0x2c: {  	s7 =	sld [smem:$0x3FAE]  }
0x2d: {  	s3 =	simm.s32 $0x108;
	s8 =	sld [smem:$0x3FAF]  }
0x2e: {  	s3 =	simm.s32 @!p0 $0x1082;
	s9 =	sld [smem:$0x3FB0]  }
0x2f: {  	lr =	sadd.s32 s0, s3;
	s0 =	sld [smem:$0x3FA7]  }
0x30: {  	s3 =	sld [smem:$0x3FAA]  }
0x31: {  	[smem:$0x3FB3] =	sst s10  }
0x32: {  	s10 =	sld [smem:$0x3FB1];
	_ =	sdelay $0x3  }
0x33: {  	p0 =	seq.s32 s10, $0x1;
	s10 =	sld [smem:$0x3FB3];
	_ =	sdelay $0x3  }
0x34: {  	[smem:$0x3FB3] =	sst s10  }
0x35: {  	s10 =	sld [smem:$0x3FB2];
	_ =	sdelay $0x3  }
0x36: {  	p1 =	seq.s32 s10, $0x1;
	s10 =	sld [smem:$0x3FB3];
	_ =	sdelay $0x3  }
0x37: {  	[smem:$0x3FB3] =	sst s10  }
0x38: {  	s10 =	sld [smem:$0x3FB4]  }
0x39: {  	_ = 	snop;
	(pc) =	sbr.ind lr, $3  }
0x3a: {  	_ = 	snop  }
0x3b: {  	_ = 	snop  }
0x3c: {  	p2 =	seq.s32 s10, $0x1;
	s10 =	sld [smem:$0x3FB3]  }
0x3d: {  	_ =	shalt  }
0x3e: {  	_ =	shalt  }
0x3f: {  	_ =	shalt  }
0x40: {  	_ =	shalt  }
0x41: {  	_ =	shalt  }
0x42: {  	_ =	shalt  }
0x43: {  	_ =	shalt  }
0x44: {  	_ =	shalt  }
0x45: {  	_ =	shalt  }
0x46: {  	_ =	shalt  }
0x47: {  	_ =	shalt  }
0x48: {  	_ =	shalt  }
0x49: {  	_ =	shalt  }
0x4a: {  	_ =	shalt  }
0x4b: {  	_ =	shalt  }
0x4c: {  	_ =	shalt  }
0x4d: {  	_ =	shalt  }
0x4e: {  	_ =	shalt  }
0x4f: {  	_ =	shalt  }
0x50: {  	_ =	shalt  }
0x51: {  	_ =	shalt  }
0x52: {  	_ =	shalt  }
0x53: {  	_ =	shalt  }
0x54: {  	_ =	shalt  }
0x55: {  	_ =	shalt  }
0x56: {  	_ =	shalt  }
0x57: {  	_ =	shalt  }
0x58: {  	_ =	shalt  }
0x59: {  	_ =	shalt  }
0x5a: {  	_ =	shalt  }
0x5b: {  	_ =	shalt  }
0x5c: {  	_ =	shalt  }
0x5d: {  	_ =	shalt  }
0x5e: {  	_ =	shalt  }
0x5f: {  	_ =	shalt  }
0x60: {  	_ =	shalt  }
0x61: {  	_ =	shalt  }
0x62: {  	_ =	shalt  }
0x63: {  	_ =	shalt  }
0x64: {  	_ =	shalt  }
0x65: {  	_ =	shalt  }
0x66: {  	_ =	shalt  }
0x67: {  	_ =	shalt  }
0x68: {  	_ =	shalt  }
0x69: {  	_ =	shalt  }
0x6a: {  	_ =	shalt  }
0x6b: {  	_ =	shalt  }
0x6c: {  	_ =	shalt  }
0x6d: {  	_ =	shalt  }
0x6e: {  	_ =	shalt  }
0x6f: {  	_ =	shalt  }
0x70: {  	_ =	shalt  }
0x71: {  	_ =	shalt  }
0x72: {  	_ =	shalt  }
0x73: {  	_ =	shalt  }
0x74: {  	_ =	shalt  }
0x75: {  	_ =	shalt  }
0x76: {  	_ =	shalt  }
0x77: {  	_ =	shalt  }
0x78: {  	_ =	shalt  }
0x79: {  	_ =	shalt  }
0x7a: {  	_ =	shalt  }
0x7b: {  	_ =	shalt  }
0x7c: {  	_ =	shalt  }
0x7d: {  	_ =	shalt  }
0x7e: {  	_ =	shalt  }
0x7f: {  	_ =	shalt  }
0x80: {  	_ =	shalt  }
0x81: {  	_ =	shalt  }
0x82: {  	_ =	shalt  }
0x83: {  	_ =	shalt  }
0x84: {  	_ =	shalt  }
0x85: {  	_ =	shalt  }
0x86: {  	_ =	shalt  }
0x87: {  	_ =	shalt  }
.Lfunc_end0:
.L_simem_size_0:
called_computation.1_lowered:
.L_overlay_start_0:
0x88: {  	s2 =	sld [smem:$0x3FD9]  }
0x89: {  	s3 =	sld [smem:$0x3FFE];
	_ =	sdelay $0x1  }
0x8a: {  	s1 =	srdreg.scid  }
0x8b: {  	s0 =	sand.u32 $0x1, s1  }
0x8c: {  	s14 =	sshll.u32 s0, $0xA;
	s2 =	sadd.s32 s3, s2  }
0x8d: {  	s2 =	sadd.s32 s2, s14  }
0x8e: {  	[smem:$0x3FBF] =	sst s2  }
0x8f: {  	_ = 	snop  }
0x90: {  	s2 =	sld [smem:$0x3FD0];
	_ =	sdelay $0x2  }
0x91: {  	s15 =	simm.s32 $0xA;
	s4 =	simm.s32 $0x10  }
0x92: {  	[smem:s4], [sflag:s15] =	dma.local [hbm:s2], $0x1  }
0x93: {  	_ =	swait.eq [sflag:s15], $0x1  }
0x94: {  	[sflag:s15] =	ssyncset.done $0x0  }
0x95: {  	[sflag:s15] =	ssyncadd.s32 $0xFFFFFFFF  }
0x96: {  	s16 =	sld [smem:$0x10];
	(tm) =	ssettm $0x1  }
0x97: {  	s17 =	sld [smem:$0x3FFB];
	_ =	sdelay $0x3  }
0x98: {  	_ =	strace s17  }
0x99: {  	s3 =	sld [smem:$0x3FFC];
	_ =	sdelay $0x3  }
0x9a: {  	_ =	strace s3  }
0x9b: {  	s3 =	sld [smem:$0x3FFD];
	_ =	sdelay $0x3  }
0x9c: {  	_ =	strace s3  }
0x9d: {  	_ =	strace $0x8FFFFFFF  }
0x9e: {  	s18 =	sld [smem:$0x3FDB];
	_ =	sdelay $0x1  }
0x9f: {  	s19 =	simm.s32 $_scs_section_size  }
0xa0: {  	s5 =	simm.s32 $_size__tile_overlayer_lowered;
	s6 =	simm.s32 $_tile_overlayer_lowered  }
0xa1: {  	s22 =	simm.s32 $0x1BFF;
	s21 =	sshll.u32 s6, $0x1;
	s3 =	sadd.s32 s19, s18  }
0xa2: {  	s7 =	simm.s32 $0x0;
	s20 =	sshll.u32 s5, $0x1;
	s5 =	sadd.s32 s21, s3  }
0xa3: {  	[timem:s7], [sflag:s22] =	dma.local [hbm:s5], s20  }
0xa4: {  	_ =	swait.ge [sflag:s22], s20  }
0xa5: {  	s4 =	ssub.s32 $0x0, s20;
	[sflag:s22] =	ssyncset.done $0x0  }
0xa6: {  	[sflag:s22] =	ssyncadd.s32 s4;
	_ =	sdelay $0x1  }
0xa7: {  	s23 =	simm.s32 $0x1B8B  }
0xa8: {  	_ =	swait.ge [sflag:s23], $0x1  }
0xa9: {  	[sflag:s23] =	ssyncset.done $0x0  }
0xaa: {  	s25 =	simm.s32 $0x1B8E;
	s24 =	sld [smem:$0x3FFE];
	[sflag:s23] =	ssyncadd.s32 $0xFFFFFFFF  }
0xab: {  	s26 =	simm.s32 $execute0_lowered;
	[smem:$0x3FD2] =	sst s25  }
0xac: {  	s5 =	sshll.u32 s26, $0x1;
	_ =	strace $0x80000049;
	[dreg:$0x1] =	wrdreg $0xFFFFFFFF  }
0xad: {  	s28 =	simm.s32 $_size_execute0_lowered;
	s3 =	sadd.s32 s3, s5;
	[dreg:$0x0] =	wrdreg $0x0  }
0xae: {  	s5 =	sshll.u32 s28, $0x1;
	[dreg:$0x2] =	wrdreg s3  }
0xaf: {  	[dreg:$0x3] =	wrdreg s5  }
0xb0: {  	[dreg:$0x4] =	wrdreg $0xC0  }
0xb1: {  	_ =	task [dreg:s7], $0x5FFFF  }
0xb2: {  	[dreg:$0x1] =	wrdreg $0xFFFFFFFF  }
0xb3: {  	[dreg:$0x0] =	wrdreg $0x60  }
0xb4: {  	[dreg:$0x2] =	wrdreg s24  }
0xb5: {  	[dreg:$0x3] =	wrdreg s16  }
0xb6: {  	[dreg:$0x4] =	wrdreg $0x9  }
0xb7: {  	_ =	task.clear_ibuf [dreg:s7], $0x5FFFF;
	_ =	strace $0x90000049  }
0xb8: {  	s29 =	simm.s32 $0x9;
	_ =	strace $0x8000004B  }
0xb9: {  	_ =	swait.ge [sflag:s29], $0x1  }
0xba: {  	[sflag:s29] =	ssyncadd.s32 $0xFFFFFFFF  }
0xbb: {  	_ =	strace $0x9000004B  }
0xbc: {  	_ =	sfence  }
0xbd: {  	s30 =	sld [smem:$0x0];
	_ =	sdelay $0x2  }
0xbe: {  	s31 =	sshll.u32 s1, $0xD;
	s1 =	sshrl.u32 s1, $0x2  }
0xbf: {  	s3 =	sand.u32 $0x4000, s31;
	s1 =	sadd.s32 s1, s30  }
0xc0: {  	s0 =	sor.u32 s3, s0;
	s1 =	sshll.u32 s1, $0x11  }
0xc1: {  	s0 =	sor.u32 s1, s0  }
0xc2: {  	s0 =	sadd.s32 $0x8F2B, s0  }
0xc3: {  	[sflag:s0] =	ssyncadd.remote.s32 $0x1  }
0xc4: {  	_ =	sfence.sel $0xFFFF  }
0xc5: {  	[dreg:$0x0] =	wrdreg $0xFFFFFFFF;
	(pc) =	sbr.abs _section_cstart, $3  }
0xc6: {  	[dreg:$0x1] =	wrdreg $0xFFFFFFFF  }
0xc7: {  	_ =	task.clear_ibuf [dreg:s7], $0x2FFFF;
	_ =	strace $0x9FFFFFFF  }
0xc8: {  	(tm) =	ssettm $0x7FFFFFFF  }
0xc9: {  	_ =	shalt  }
tec
execute0_lowered:
.L_overlay_start_1:
0x0: {  	(tag) =	ssettag $0x1  }
0x1: {  	s1 =	srdreg.scid;
	s2 =	stileid.u32  }
0x2: {  	s1 =	sand.u32 $0x1, s1;
	s2 =	sshll.u32 s2, $0x1  }
0x3: {  	s0 =	rddreg [dreg:$0x0];
	s4 =	sor.u32 s1, s2  }
0x4: {  	s3 =	rddreg [dreg:$0x1];
	s5 =	sshll.u32 s4, $0x8  }
0x5: {  	s2 =	simm.s32 $0x0;
	s6 =	smul.u32 $0x18000, s4;
	s5 =	sadd.s32 s5, s0  }
0x6: {  	[smem:$0x7FF] =	sst s2;
	s5 =	sadd.s32 $0xE00, s5  }
0x7: {  	_ =	strace $0x8000004A;
	s6 =	sadd.s32 s3, s6;
	[dreg:$0x3] =	wrdreg s5  }
0x8: {  	s17 =	sadd.s32 $0x1800, s6;
	[dreg:$0x13] =	wrdreg s6  }
0x9: {  	s4 =	smul.u32 $0xC0000, s4;
	s18 =	sadd.s32 $0x3000, s6;
	[dreg:$0x4] =	wrdreg s17  }
0xa: {  	s19 =	sadd.s32 $0x4800, s6;
	[dreg:$0x5] =	wrdreg s18  }
0xb: {  	s4 =	sshrl.u32 s4, $0x3;
	s20 =	sadd.s32 $0x6000, s6;
	[dreg:$0x6] =	wrdreg s19  }
0xc: {  	s21 =	sadd.s32 $0x7800, s6;
	s3 =	sadd.s32 s3, s4;
	[dreg:$0x7] =	wrdreg s20  }
0xd: {  	s8 =	simm.s32 $0x3;
	[dreg:$0x8] =	wrdreg s21;
	s4 =	sadd.s32 $0x9000, s3  }
0xe: {  	s13 =	simm.s32 $0x800;
	s22 =	sadd.s32 $0xA800, s3;
	[dreg:$0x9] =	wrdreg s4  }
0xf: {  	s10 =	simm.s32 $0x1;
	s23 =	sadd.s32 $0xC000, s3;
	[dreg:$0xa] =	wrdreg s22  }
0x10: {  	s11 =	simm.s32 $0x2;
	s24 =	sadd.s32 $0xD800, s3;
	[dreg:$0xb] =	wrdreg s23  }
0x11: {  	s1 =	ssub.s32 $0x2, s1;
	s25 =	sadd.s32 $0xF000, s3;
	[dreg:$0xc] =	wrdreg s24  }
0x12: {  	s29 =	sshrl.u32 s1, $0x1;
	s26 =	sadd.s32 $0x10800, s3;
	[dreg:$0xd] =	wrdreg s25  }
0x13: {  	s1 =	ssub.s32 s1, s29;
	s28 =	sadd.s32 $0x12000, s3;
	[dreg:$0xe] =	wrdreg s26  }
0x14: {  	s5 =	sadd.s32 $0x2F00, s0;
	s30 =	sadd.s32 $0x13800, s3;
	[dreg:$0xf] =	wrdreg s28  }
0x15: {  	v2 =	vlaneseq.u32;
	s6 =	sadd.s32 $0x3000, s0;
	s31 =	sadd.s32 $0x15000, s3;
	[dreg:$0x10] =	wrdreg s30  }
0x16: {  	vm0 =	vmmov $0xffff;
	v1 =	vshrl.u32 v2, $0x3;
	s3 =	sadd.s32 $0x16800, s3;
	s4 =	sadd.s32 $0x2E00, s0;
	[dreg:$0x11] =	wrdreg s31  }
0x17: {  	v0 =	vand.u32 $0x7, v2;
	v2 =	vor.u32 $0x8, v2;
	v1 =	vmul.u32 $0x8, v1;
	[dreg:$0x12] =	wrdreg s3;
	s0 =	smax.u32 s1, $0x1;
	s3 =	simm.s32 $0xC800  }
.LBB2_1:
0x18: {  	[dreg:$0x14] =	wrdreg s0  }
0x19: {  	s12 =	rddreg [dreg:$0x3]  }
0x1a: {  	[tilespmem:s2], [sflag:$0x3] =	stream.linear.gather [hbm4b:s12+s2], $0x800, $0x38;
	[tilespmem:$0x18800] =	vst v63  }
0x1b: {  	_ =	swait.ge [sflag:s8], $0x800  }
0x1c: {  	[sflag:s8] =	ssyncset.done $0x0  }
0x1d: {  	[sflag:s8] =	ssyncadd.s32 $0xFFFFF800  }
0x1e: {  	v3 =	vld [tilespmem:$0x0];
	_ =	sdelay $0x4  }
0x1f: {  	v4 =	vshrl.u32 v3, $0x3  }
0x20: {  	v4 =	vmul.u32 $0x30, v4  }
0x21: {  	v3 =	vand.u32 $0x7, v3  }
0x22: {  	v3 =	vor.u32 v3, v4  }
0x23: {  	v4 =	vperm.xlane v3, v0;
	_ =	sdelay $0x1  }
0x24: {  	v4 =	vadd.s32 v1, v4;
	_ =	sdelay $0x3  }
0x25: {  	v3 =	vperm.xlane v3, v2  }
0x26: {  	[tilespmem:s13], [sflag:$0x1] =	stream.indirect_vreg.gather [hbm4b:s4+s2], $0x80, v4, vm0, $0xb8;
	[tilespmem:$0x18800] =	vst v63  }
0x27: {  	s20 =	simm.s32 $0x1000;
	v3 =	vadd.s32 v1, v3  }
0x28: {  	[tilespmem:s20], [sflag:$0x1] =	stream.indirect_vreg.gather [hbm4b:s5+s2], $0x80, v4, vm0, $0xb8;
	[tilespmem:$0x18800] =	vst v63  }
0x29: {  	s21 =	simm.s32 $0x1800  }
0x2a: {  	[tilespmem:s21], [sflag:$0x1] =	stream.indirect_vreg.gather [hbm4b:s6+s2], $0x80, v4, vm0, $0xb8;
	[tilespmem:$0x18800] =	vst v63  }
0x2b: {  	s22 =	simm.s32 $0x2000  }
0x2c: {  	[tilespmem:s22], [sflag:$0x1] =	stream.indirect_vreg.gather [hbm4b:s4+s2], $0x80, v3, vm0, $0xb8;
	[tilespmem:$0x18800] =	vst v63  }
0x2d: {  	s23 =	simm.s32 $0x2800  }
0x2e: {  	[tilespmem:s23], [sflag:$0x1] =	stream.indirect_vreg.gather [hbm4b:s5+s2], $0x80, v3, vm0, $0xb8;
	[tilespmem:$0x18800] =	vst v63  }
0x2f: {  	s24 =	simm.s32 $0x3000  }
0x30: {  	[tilespmem:s24], [sflag:$0x1] =	stream.indirect_vreg.gather [hbm4b:s6+s2], $0x80, v3, vm0, $0xb8;
	[tilespmem:$0x18800] =	vst v63  }
0x31: {  	v3 =	vld [tilespmem:$0x10];
	_ =	sdelay $0x4  }
0x32: {  	v57 =	vshrl.u32 v3, $0x3  }
0x33: {  	v4 =	vmul.u32 $0x30, v57  }
0x34: {  	v3 =	vand.u32 $0x7, v3  }
0x35: {  	v3 =	vor.u32 v3, v4  }
0x36: {  	v4 =	vperm.xlane v3, v0;
	_ =	sdelay $0x1  }
0x37: {  	v4 =	vadd.s32 v1, v4;
	_ =	sdelay $0x3  }
0x38: {  	s25 =	simm.s32 $0x3800;
	v3 =	vperm.xlane v3, v2  }
0x39: {  	[tilespmem:s25], [sflag:$0x1] =	stream.indirect_vreg.gather [hbm4b:s4+s2], $0x80, v4, vm0, $0xb8;
	[tilespmem:$0x18800] =	vst v63  }
0x3a: {  	s26 =	simm.s32 $0x4000;
	v3 =	vadd.s32 v1, v3  }
0x3b: {  	[tilespmem:s26], [sflag:$0x1] =	stream.indirect_vreg.gather [hbm4b:s5+s2], $0x80, v4, vm0, $0xb8;
	[tilespmem:$0x18800] =	vst v63  }
0x3c: {  	s28 =	simm.s32 $0x4800  }
0x3d: {  	[tilespmem:s28], [sflag:$0x1] =	stream.indirect_vreg.gather [hbm4b:s6+s2], $0x80, v4, vm0, $0xb8;
	[tilespmem:$0x18800] =	vst v63  }
0x3e: {  	s29 =	simm.s32 $0x5000  }
0x3f: {  	[tilespmem:s29], [sflag:$0x1] =	stream.indirect_vreg.gather [hbm4b:s4+s2], $0x80, v3, vm0, $0xb8;
	[tilespmem:$0x18800] =	vst v63  }
0x40: {  	s30 =	simm.s32 $0x5800  }
0x41: {  	[tilespmem:s30], [sflag:$0x1] =	stream.indirect_vreg.gather [hbm4b:s5+s2], $0x80, v3, vm0, $0xb8;
	[tilespmem:$0x18800] =	vst v63  }
0x42: {  	s31 =	simm.s32 $0x6000  }
0x43: {  	[tilespmem:s31], [sflag:$0x1] =	stream.indirect_vreg.gather [hbm4b:s6+s2], $0x80, v3, vm0, $0xb8;
	[tilespmem:$0x18800] =	vst v63  }
0x44: {  	v3 =	vld [tilespmem:$0x20];
	_ =	sdelay $0x4  }
0x45: {  	v58 =	vshrl.u32 v3, $0x3  }
0x46: {  	v4 =	vmul.u32 $0x30, v58  }
0x47: {  	v3 =	vand.u32 $0x7, v3  }
0x48: {  	v3 =	vor.u32 v3, v4  }
0x49: {  	v4 =	vperm.xlane v3, v0;
	_ =	sdelay $0x1  }
0x4a: {  	v4 =	vadd.s32 v1, v4;
	_ =	sdelay $0x3  }
0x4b: {  	s1 =	simm.s32 $0x6800;
	v3 =	vperm.xlane v3, v2  }
0x4c: {  	[tilespmem:s1], [sflag:$0x1] =	stream.indirect_vreg.gather [hbm4b:s4+s2], $0x80, v4, vm0, $0xb8;
	[tilespmem:$0x18800] =	vst v63  }
0x4d: {  	s9 =	simm.s32 $0x7000;
	v3 =	vadd.s32 v1, v3  }
0x4e: {  	[tilespmem:s9], [sflag:$0x1] =	stream.indirect_vreg.gather [hbm4b:s5+s2], $0x80, v4, vm0, $0xb8;
	[tilespmem:$0x18800] =	vst v63  }
0x4f: {  	s12 =	simm.s32 $0x7800  }
0x50: {  	[tilespmem:s12], [sflag:$0x1] =	stream.indirect_vreg.gather [hbm4b:s6+s2], $0x80, v4, vm0, $0xb8;
	[tilespmem:$0x18800] =	vst v63  }
0x51: {  	s14 =	simm.s32 $0x8000  }
0x52: {  	[tilespmem:s14], [sflag:$0x1] =	stream.indirect_vreg.gather [hbm4b:s4+s2], $0x80, v3, vm0, $0xb8;
	[tilespmem:$0x18800] =	vst v63  }
0x53: {  	s16 =	simm.s32 $0x8800  }
0x54: {  	[tilespmem:s16], [sflag:$0x1] =	stream.indirect_vreg.gather [hbm4b:s5+s2], $0x80, v3, vm0, $0xb8;
	[tilespmem:$0x18800] =	vst v63  }
0x55: {  	s17 =	simm.s32 $0x9000  }
0x56: {  	[tilespmem:s17], [sflag:$0x1] =	stream.indirect_vreg.gather [hbm4b:s6+s2], $0x80, v3, vm0, $0xb8;
	[tilespmem:$0x18800] =	vst v63  }
0x57: {  	v3 =	vld [tilespmem:$0x30];
	_ =	sdelay $0x4  }
0x58: {  	v59 =	vshrl.u32 v3, $0x3  }
0x59: {  	v4 =	vmul.u32 $0x30, v59  }
0x5a: {  	v3 =	vand.u32 $0x7, v3  }
0x5b: {  	v3 =	vor.u32 v3, v4  }
0x5c: {  	v4 =	vperm.xlane v3, v0;
	_ =	sdelay $0x1  }
0x5d: {  	v4 =	vadd.s32 v1, v4;
	_ =	sdelay $0x3  }
0x5e: {  	s18 =	simm.s32 $0x9800;
	v3 =	vperm.xlane v3, v2  }
0x5f: {  	[tilespmem:s18], [sflag:$0x1] =	stream.indirect_vreg.gather [hbm4b:s4+s2], $0x80, v4, vm0, $0xb8;
	[tilespmem:$0x18800] =	vst v63  }
0x60: {  	s21 =	simm.s32 $0xA000;
	v3 =	vadd.s32 v1, v3  }
0x61: {  	[tilespmem:s21], [sflag:$0x1] =	stream.indirect_vreg.gather [hbm4b:s5+s2], $0x80, v4, vm0, $0xb8;
	[tilespmem:$0x18800] =	vst v63  }
0x62: {  	s22 =	simm.s32 $0xA800  }
0x63: {  	[tilespmem:s22], [sflag:$0x1] =	stream.indirect_vreg.gather [hbm4b:s6+s2], $0x80, v4, vm0, $0xb8;
	[tilespmem:$0x18800] =	vst v63  }
0x64: {  	s25 =	simm.s32 $0xB000  }
0x65: {  	[tilespmem:s25], [sflag:$0x1] =	stream.indirect_vreg.gather [hbm4b:s4+s2], $0x80, v3, vm0, $0xb8;
	[tilespmem:$0x18800] =	vst v63  }
0x66: {  	s26 =	simm.s32 $0xB800  }
0x67: {  	[tilespmem:s26], [sflag:$0x1] =	stream.indirect_vreg.gather [hbm4b:s5+s2], $0x80, v3, vm0, $0xb8;
	[tilespmem:$0x18800] =	vst v63  }
0x68: {  	s28 =	simm.s32 $0xC000  }
0x69: {  	[tilespmem:s28], [sflag:$0x1] =	stream.indirect_vreg.gather [hbm4b:s6+s2], $0x80, v3, vm0, $0xb8;
	[tilespmem:$0x18800] =	vst v63  }
0x6a: {  	v3 =	vld [tilespmem:$0x80];
	_ =	sdelay $0x4  }
0x6b: {  	v60 =	vshrl.u32 v3, $0x3  }
0x6c: {  	v4 =	vmul.u32 $0x30, v60  }
0x6d: {  	v3 =	vand.u32 $0x7, v3  }
0x6e: {  	v3 =	vor.u32 v3, v4  }
0x6f: {  	v4 =	vperm.xlane v3, v0;
	_ =	sdelay $0x1  }
0x70: {  	v4 =	vadd.s32 v1, v4;
	_ =	sdelay $0x3  }
0x71: {  	v3 =	vperm.xlane v3, v2  }
0x72: {  	[tilespmem:s3], [sflag:$0x2] =	stream.indirect_vreg.gather [hbm4b:s4+s2], $0x80, v4, vm0, $0xb8;
	[tilespmem:$0x18800] =	vst v63  }
0x73: {  	s29 =	simm.s32 $0xD000;
	v3 =	vadd.s32 v1, v3  }
0x74: {  	[tilespmem:s29], [sflag:$0x2] =	stream.indirect_vreg.gather [hbm4b:s5+s2], $0x80, v4, vm0, $0xb8;
	[tilespmem:$0x18800] =	vst v63  }
0x75: {  	s30 =	simm.s32 $0xD800  }
0x76: {  	[tilespmem:s30], [sflag:$0x2] =	stream.indirect_vreg.gather [hbm4b:s6+s2], $0x80, v4, vm0, $0xb8;
	[tilespmem:$0x18800] =	vst v63  }
0x77: {  	s31 =	simm.s32 $0xE000  }
0x78: {  	[tilespmem:s31], [sflag:$0x2] =	stream.indirect_vreg.gather [hbm4b:s4+s2], $0x80, v3, vm0, $0xb8;
	[tilespmem:$0x18800] =	vst v63  }
0x79: {  	s0 =	simm.s32 $0xE800  }
0x7a: {  	[tilespmem:s0], [sflag:$0x2] =	stream.indirect_vreg.gather [hbm4b:s5+s2], $0x80, v3, vm0, $0xb8;
	[tilespmem:$0x18800] =	vst v63  }
0x7b: {  	s1 =	simm.s32 $0xF000  }
0x7c: {  	[tilespmem:s1], [sflag:$0x2] =	stream.indirect_vreg.gather [hbm4b:s6+s2], $0x80, v3, vm0, $0xb8;
	[tilespmem:$0x18800] =	vst v63  }
0x7d: {  	v3 =	vld [tilespmem:$0x90];
	_ =	sdelay $0x4  }
0x7e: {  	v61 =	vshrl.u32 v3, $0x3  }
0x7f: {  	v4 =	vmul.u32 $0x30, v61  }
0x80: {  	v3 =	vand.u32 $0x7, v3  }
0x81: {  	v3 =	vor.u32 v3, v4  }
0x82: {  	v4 =	vperm.xlane v3, v0;
	_ =	sdelay $0x1  }
0x83: {  	v4 =	vadd.s32 v1, v4;
	_ =	sdelay $0x3  }
0x84: {  	s9 =	simm.s32 $0xF800;
	v3 =	vperm.xlane v3, v2  }
0x85: {  	[tilespmem:s9], [sflag:$0x2] =	stream.indirect_vreg.gather [hbm4b:s4+s2], $0x80, v4, vm0, $0xb8;
	[tilespmem:$0x18800] =	vst v63  }
0x86: {  	s14 =	simm.s32 $0x10000;
	v3 =	vadd.s32 v1, v3  }
0x87: {  	[tilespmem:s14], [sflag:$0x2] =	stream.indirect_vreg.gather [hbm4b:s5+s2], $0x80, v4, vm0, $0xb8;
	[tilespmem:$0x18800] =	vst v63  }
0x88: {  	s16 =	simm.s32 $0x10800  }
0x89: {  	[tilespmem:s16], [sflag:$0x2] =	stream.indirect_vreg.gather [hbm4b:s6+s2], $0x80, v4, vm0, $0xb8;
	[tilespmem:$0x18800] =	vst v63  }
0x8a: {  	s17 =	simm.s32 $0x11000  }
0x8b: {  	[tilespmem:s17], [sflag:$0x2] =	stream.indirect_vreg.gather [hbm4b:s4+s2], $0x80, v3, vm0, $0xb8;
	[tilespmem:$0x18800] =	vst v63  }
0x8c: {  	s18 =	simm.s32 $0x11800  }
0x8d: {  	[tilespmem:s18], [sflag:$0x2] =	stream.indirect_vreg.gather [hbm4b:s5+s2], $0x80, v3, vm0, $0xb8;
	[tilespmem:$0x18800] =	vst v63  }
0x8e: {  	s21 =	simm.s32 $0x12000  }
0x8f: {  	[tilespmem:s21], [sflag:$0x2] =	stream.indirect_vreg.gather [hbm4b:s6+s2], $0x80, v3, vm0, $0xb8;
	[tilespmem:$0x18800] =	vst v63  }
0x90: {  	v3 =	vld [tilespmem:$0xA0];
	_ =	sdelay $0x4  }
0x91: {  	v62 =	vshrl.u32 v3, $0x3  }
0x92: {  	v4 =	vmul.u32 $0x30, v62  }
0x93: {  	v3 =	vand.u32 $0x7, v3  }
0x94: {  	v3 =	vor.u32 v3, v4  }
0x95: {  	v4 =	vperm.xlane v3, v0;
	_ =	sdelay $0x1  }
0x96: {  	v4 =	vadd.s32 v1, v4;
	_ =	sdelay $0x3  }
0x97: {  	s22 =	simm.s32 $0x12800;
	v3 =	vperm.xlane v3, v2  }
0x98: {  	[tilespmem:s22], [sflag:$0x2] =	stream.indirect_vreg.gather [hbm4b:s4+s2], $0x80, v4, vm0, $0xb8;
	[tilespmem:$0x18800] =	vst v63  }
0x99: {  	s25 =	simm.s32 $0x13000;
	v3 =	vadd.s32 v1, v3  }
0x9a: {  	[tilespmem:s25], [sflag:$0x2] =	stream.indirect_vreg.gather [hbm4b:s5+s2], $0x80, v4, vm0, $0xb8;
	[tilespmem:$0x18800] =	vst v63  }
0x9b: {  	s31 =	simm.s32 $0x13800  }
0x9c: {  	[tilespmem:s31], [sflag:$0x2] =	stream.indirect_vreg.gather [hbm4b:s6+s2], $0x80, v4, vm0, $0xb8;
	[tilespmem:$0x18800] =	vst v63  }
0x9d: {  	s0 =	simm.s32 $0x14000  }
0x9e: {  	[tilespmem:s0], [sflag:$0x2] =	stream.indirect_vreg.gather [hbm4b:s4+s2], $0x80, v3, vm0, $0xb8;
	[tilespmem:$0x18800] =	vst v63  }
0x9f: {  	s1 =	simm.s32 $0x14800  }
0xa0: {  	[tilespmem:s1], [sflag:$0x2] =	stream.indirect_vreg.gather [hbm4b:s5+s2], $0x80, v3, vm0, $0xb8;
	[tilespmem:$0x18800] =	vst v63  }
0xa1: {  	s9 =	simm.s32 $0x15000  }
0xa2: {  	[tilespmem:s9], [sflag:$0x2] =	stream.indirect_vreg.gather [hbm4b:s6+s2], $0x80, v3, vm0, $0xb8;
	[tilespmem:$0x18800] =	vst v63  }
0xa3: {  	v3 =	vld [tilespmem:$0xB0];
	_ =	sdelay $0x4  }
0xa4: {  	v63 =	vshrl.u32 v3, $0x3  }
0xa5: {  	v4 =	vmul.u32 $0x30, v63  }
0xa6: {  	v3 =	vand.u32 $0x7, v3  }
0xa7: {  	v3 =	vor.u32 v3, v4  }
0xa8: {  	v4 =	vperm.xlane v3, v0;
	_ =	sdelay $0x1  }
0xa9: {  	v4 =	vadd.s32 v1, v4;
	_ =	sdelay $0x3  }
0xaa: {  	s14 =	simm.s32 $0x15800;
	v3 =	vperm.xlane v3, v2  }
0xab: {  	[tilespmem:s14], [sflag:$0x2] =	stream.indirect_vreg.gather [hbm4b:s4+s2], $0x80, v4, vm0, $0xb8;
	[tilespmem:$0x18800] =	vst v63  }
0xac: {  	s16 =	simm.s32 $0x16000;
	v3 =	vadd.s32 v1, v3  }
0xad: {  	[tilespmem:s16], [sflag:$0x2] =	stream.indirect_vreg.gather [hbm4b:s5+s2], $0x80, v4, vm0, $0xb8;
	[tilespmem:$0x18800] =	vst v63  }
0xae: {  	s17 =	simm.s32 $0x16800  }
0xaf: {  	[tilespmem:s17], [sflag:$0x2] =	stream.indirect_vreg.gather [hbm4b:s6+s2], $0x80, v4, vm0, $0xb8;
	[tilespmem:$0x18800] =	vst v63  }
0xb0: {  	s18 =	simm.s32 $0x17000  }
0xb1: {  	[tilespmem:s18], [sflag:$0x2] =	stream.indirect_vreg.gather [hbm4b:s4+s2], $0x80, v3, vm0, $0xb8;
	[tilespmem:$0x18800] =	vst v63  }
0xb2: {  	s21 =	simm.s32 $0x17800  }
0xb3: {  	[tilespmem:s21], [sflag:$0x2] =	stream.indirect_vreg.gather [hbm4b:s5+s2], $0x80, v3, vm0, $0xb8;
	[tilespmem:$0x18800] =	vst v63  }
0xb4: {  	s22 =	simm.s32 $0x18000  }
0xb5: {  	[tilespmem:s22], [sflag:$0x2] =	stream.indirect_vreg.gather [hbm4b:s6+s2], $0x80, v3, vm0, $0xb8;
	[tilespmem:$0x18800] =	vst v63  }
0xb6: {  	_ =	swait.ge [sflag:s10], $0xC000  }
0xb7: {  	[sflag:s10] =	ssyncset.done $0x0  }
0xb8: {  	s25 =	rddreg [dreg:$0x13];
	[sflag:s10] =	ssyncadd.s32 $0xFFFF4000  }
0xb9: {  	[hbm4b:s25+s2] =	stream.linear.scatter [tilespmem:s13], [sflag:$0x3], $0xC000, $0x38;
	[tilespmem:$0x18800] =	vst v63  }
0xba: {  	_ =	swait.ge [sflag:s8], $0xC000  }
0xbb: {  	[sflag:s8] =	ssyncset.done $0x0  }
0xbc: {  	[sflag:s8] =	ssyncadd.s32 $0xFFFF4000  }
0xbd: {  	v3 =	vld [tilespmem:$0x100];
	_ =	sdelay $0x4  }
0xbe: {  	v8 =	vshrl.u32 v3, $0x3  }
0xbf: {  	v4 =	vmul.u32 $0x30, v8  }
0xc0: {  	v3 =	vand.u32 $0x7, v3  }
0xc1: {  	v3 =	vor.u32 v3, v4  }
0xc2: {  	v4 =	vperm.xlane v3, v0;
	_ =	sdelay $0x1  }
0xc3: {  	v4 =	vadd.s32 v1, v4;
	_ =	sdelay $0x3  }
0xc4: {  	v3 =	vperm.xlane v3, v2  }
0xc5: {  	[tilespmem:s13], [sflag:$0x1] =	stream.indirect_vreg.gather [hbm4b:s4+s2], $0x80, v4, vm0, $0xb8;
	[tilespmem:$0x18800] =	vst v63  }
0xc6: {  	s0 =	simm.s32 $0x1000;
	v3 =	vadd.s32 v1, v3  }
0xc7: {  	[tilespmem:s0], [sflag:$0x1] =	stream.indirect_vreg.gather [hbm4b:s5+s2], $0x80, v4, vm0, $0xb8;
	[tilespmem:$0x18800] =	vst v63  }
0xc8: {  	s1 =	simm.s32 $0x1800  }
0xc9: {  	[tilespmem:s1], [sflag:$0x1] =	stream.indirect_vreg.gather [hbm4b:s6+s2], $0x80, v4, vm0, $0xb8;
	[tilespmem:$0x18800] =	vst v63  }
0xca: {  	s9 =	simm.s32 $0x2000  }
0xcb: {  	[tilespmem:s9], [sflag:$0x1] =	stream.indirect_vreg.gather [hbm4b:s4+s2], $0x80, v3, vm0, $0xb8;
	[tilespmem:$0x18800] =	vst v63  }
0xcc: {  	s14 =	simm.s32 $0x2800  }
0xcd: {  	[tilespmem:s14], [sflag:$0x1] =	stream.indirect_vreg.gather [hbm4b:s5+s2], $0x80, v3, vm0, $0xb8;
	[tilespmem:$0x18800] =	vst v63  }
0xce: {  	s7 =	simm.s32 $0x3000  }
0xcf: {  	[tilespmem:s7], [sflag:$0x1] =	stream.indirect_vreg.gather [hbm4b:s6+s2], $0x80, v3, vm0, $0xb8;
	[tilespmem:$0x18800] =	vst v63  }
0xd0: {  	v3 =	vld [tilespmem:$0x110];
	_ =	sdelay $0x4  }
0xd1: {  	v9 =	vshrl.u32 v3, $0x3  }
0xd2: {  	v4 =	vmul.u32 $0x30, v9  }
0xd3: {  	v3 =	vand.u32 $0x7, v3  }
0xd4: {  	v3 =	vor.u32 v3, v4  }
0xd5: {  	v4 =	vperm.xlane v3, v0;
	_ =	sdelay $0x1  }
0xd6: {  	v4 =	vadd.s32 v1, v4;
	_ =	sdelay $0x3  }
0xd7: {  	s15 =	simm.s32 $0x3800;
	v3 =	vperm.xlane v3, v2  }
0xd8: {  	[tilespmem:s15], [sflag:$0x1] =	stream.indirect_vreg.gather [hbm4b:s4+s2], $0x80, v4, vm0, $0xb8;
	[tilespmem:$0x18800] =	vst v63  }
0xd9: {  	v3 =	vadd.s32 v1, v3;
	s15 =	simm.s32 $0x4000  }
0xda: {  	[tilespmem:s15], [sflag:$0x1] =	stream.indirect_vreg.gather [hbm4b:s5+s2], $0x80, v4, vm0, $0xb8;
	[tilespmem:$0x18800] =	vst v63  }
0xdb: {  	s16 =	simm.s32 $0x4800  }
0xdc: {  	[tilespmem:s16], [sflag:$0x1] =	stream.indirect_vreg.gather [hbm4b:s6+s2], $0x80, v4, vm0, $0xb8;
	[tilespmem:$0x18800] =	vst v63  }
0xdd: {  	s17 =	simm.s32 $0x5000  }
0xde: {  	[tilespmem:s17], [sflag:$0x1] =	stream.indirect_vreg.gather [hbm4b:s4+s2], $0x80, v3, vm0, $0xb8;
	[tilespmem:$0x18800] =	vst v63  }
0xdf: {  	s18 =	simm.s32 $0x5800  }
0xe0: {  	[tilespmem:s18], [sflag:$0x1] =	stream.indirect_vreg.gather [hbm4b:s5+s2], $0x80, v3, vm0, $0xb8;
	[tilespmem:$0x18800] =	vst v63  }
0xe1: {  	s19 =	simm.s32 $0x6000  }
0xe2: {  	[tilespmem:s19], [sflag:$0x1] =	stream.indirect_vreg.gather [hbm4b:s6+s2], $0x80, v3, vm0, $0xb8;
	[tilespmem:$0x18800] =	vst v63  }
0xe3: {  	v3 =	vld [tilespmem:$0x120];
	_ =	sdelay $0x4  }
0xe4: {  	v10 =	vshrl.u32 v3, $0x3  }
0xe5: {  	v4 =	vmul.u32 $0x30, v10  }
0xe6: {  	v3 =	vand.u32 $0x7, v3  }
0xe7: {  	v3 =	vor.u32 v3, v4  }
0xe8: {  	v4 =	vperm.xlane v3, v0;
	_ =	sdelay $0x1  }
0xe9: {  	v4 =	vadd.s32 v1, v4;
	_ =	sdelay $0x3  }
0xea: {  	s20 =	simm.s32 $0x6800;
	v3 =	vperm.xlane v3, v2  }
0xeb: {  	[tilespmem:s20], [sflag:$0x1] =	stream.indirect_vreg.gather [hbm4b:s4+s2], $0x80, v4, vm0, $0xb8;
	[tilespmem:$0x18800] =	vst v63  }
0xec: {  	s19 =	simm.s32 $0x7000;
	v3 =	vadd.s32 v1, v3  }
0xed: {  	[tilespmem:s19], [sflag:$0x1] =	stream.indirect_vreg.gather [hbm4b:s5+s2], $0x80, v4, vm0, $0xb8;
	[tilespmem:$0x18800] =	vst v63  }
0xee: {  	s20 =	simm.s32 $0x7800  }
0xef: {  	[tilespmem:s20], [sflag:$0x1] =	stream.indirect_vreg.gather [hbm4b:s6+s2], $0x80, v4, vm0, $0xb8;
	[tilespmem:$0x18800] =	vst v63  }
0xf0: {  	s21 =	simm.s32 $0x8000  }
0xf1: {  	[tilespmem:s21], [sflag:$0x1] =	stream.indirect_vreg.gather [hbm4b:s4+s2], $0x80, v3, vm0, $0xb8;
	[tilespmem:$0x18800] =	vst v63  }
0xf2: {  	s22 =	simm.s32 $0x8800  }
0xf3: {  	[tilespmem:s22], [sflag:$0x1] =	stream.indirect_vreg.gather [hbm4b:s5+s2], $0x80, v3, vm0, $0xb8;
	[tilespmem:$0x18800] =	vst v63  }
0xf4: {  	s23 =	simm.s32 $0x9000  }
0xf5: {  	[tilespmem:s23], [sflag:$0x1] =	stream.indirect_vreg.gather [hbm4b:s6+s2], $0x80, v3, vm0, $0xb8;
	[tilespmem:$0x18800] =	vst v63  }
0xf6: {  	v3 =	vld [tilespmem:$0x130];
	_ =	sdelay $0x4  }
0xf7: {  	v11 =	vshrl.u32 v3, $0x3  }
0xf8: {  	v4 =	vmul.u32 $0x30, v11  }
0xf9: {  	v3 =	vand.u32 $0x7, v3  }
0xfa: {  	v3 =	vor.u32 v3, v4  }
0xfb: {  	v4 =	vperm.xlane v3, v0;
	_ =	sdelay $0x1  }
0xfc: {  	v4 =	vadd.s32 v1, v4;
	_ =	sdelay $0x3  }
0xfd: {  	s24 =	simm.s32 $0x9800;
	v3 =	vperm.xlane v3, v2  }
0xfe: {  	[tilespmem:s24], [sflag:$0x1] =	stream.indirect_vreg.gather [hbm4b:s4+s2], $0x80, v4, vm0, $0xb8;
	[tilespmem:$0x18800] =	vst v63  }
0xff: {  	s23 =	simm.s32 $0xA000;
	v3 =	vadd.s32 v1, v3  }
0x100: {  	[tilespmem:s23], [sflag:$0x1] =	stream.indirect_vreg.gather [hbm4b:s5+s2], $0x80, v4, vm0, $0xb8;
	[tilespmem:$0x18800] =	vst v63  }
0x101: {  	s24 =	simm.s32 $0xA800  }
0x102: {  	[tilespmem:s24], [sflag:$0x1] =	stream.indirect_vreg.gather [hbm4b:s6+s2], $0x80, v4, vm0, $0xb8;
	[tilespmem:$0x18800] =	vst v63  }
0x103: {  	s25 =	simm.s32 $0xB000  }
0x104: {  	[tilespmem:s25], [sflag:$0x1] =	stream.indirect_vreg.gather [hbm4b:s4+s2], $0x80, v3, vm0, $0xb8;
	[tilespmem:$0x18800] =	vst v63  }
0x105: {  	s7 =	simm.s32 $0xB800  }
0x106: {  	[tilespmem:s7], [sflag:$0x1] =	stream.indirect_vreg.gather [hbm4b:s5+s2], $0x80, v3, vm0, $0xb8;
	[tilespmem:$0x18800] =	vst v63  }
0x107: {  	s26 =	simm.s32 $0xC000  }
0x108: {  	[tilespmem:s26], [sflag:$0x1] =	stream.indirect_vreg.gather [hbm4b:s6+s2], $0x80, v3, vm0, $0xb8;
	[tilespmem:$0x18800] =	vst v63  }
0x109: {  	_ =	swait.ge [sflag:s11], $0xC000  }
0x10a: {  	[sflag:s11] =	ssyncset.done $0x0  }
0x10b: {  	s26 =	rddreg [dreg:$0x4];
	[sflag:s11] =	ssyncadd.s32 $0xFFFF4000  }
0x10c: {  	[hbm4b:s26+s2] =	stream.linear.scatter [tilespmem:s3], [sflag:$0x3], $0xC000, $0x38;
	[tilespmem:$0x18800] =	vst v63  }
0x10d: {  	_ =	swait.ge [sflag:s8], $0xC000  }
0x10e: {  	[sflag:s8] =	ssyncset.done $0x0  }
0x10f: {  	[sflag:s8] =	ssyncadd.s32 $0xFFFF4000  }
0x110: {  	v3 =	vld [tilespmem:$0x180];
	_ =	sdelay $0x4  }
0x111: {  	v12 =	vshrl.u32 v3, $0x3  }
0x112: {  	v4 =	vmul.u32 $0x30, v12  }
0x113: {  	v3 =	vand.u32 $0x7, v3  }
0x114: {  	v3 =	vor.u32 v3, v4  }
0x115: {  	v4 =	vperm.xlane v3, v0;
	_ =	sdelay $0x1  }
0x116: {  	v4 =	vadd.s32 v1, v4;
	_ =	sdelay $0x3  }
0x117: {  	v3 =	vperm.xlane v3, v2  }
0x118: {  	[tilespmem:s3], [sflag:$0x2] =	stream.indirect_vreg.gather [hbm4b:s4+s2], $0x80, v4, vm0, $0xb8;
	[tilespmem:$0x18800] =	vst v63  }
0x119: {  	s26 =	simm.s32 $0xD000;
	v3 =	vadd.s32 v1, v3  }
0x11a: {  	[tilespmem:s26], [sflag:$0x2] =	stream.indirect_vreg.gather [hbm4b:s5+s2], $0x80, v4, vm0, $0xb8;
	[tilespmem:$0x18800] =	vst v63  }
0x11b: {  	s12 =	simm.s32 $0xD800  }
0x11c: {  	[tilespmem:s12], [sflag:$0x2] =	stream.indirect_vreg.gather [hbm4b:s6+s2], $0x80, v4, vm0, $0xb8;
	[tilespmem:$0x18800] =	vst v63  }
0x11d: {  	s12 =	simm.s32 $0xE000  }
0x11e: {  	[tilespmem:s12], [sflag:$0x2] =	stream.indirect_vreg.gather [hbm4b:s4+s2], $0x80, v3, vm0, $0xb8;
	[tilespmem:$0x18800] =	vst v63  }
0x11f: {  	s12 =	simm.s32 $0xE800  }
0x120: {  	[tilespmem:s12], [sflag:$0x2] =	stream.indirect_vreg.gather [hbm4b:s5+s2], $0x80, v3, vm0, $0xb8;
	[tilespmem:$0x18800] =	vst v63  }
0x121: {  	s12 =	simm.s32 $0xF000  }
0x122: {  	[tilespmem:s12], [sflag:$0x2] =	stream.indirect_vreg.gather [hbm4b:s6+s2], $0x80, v3, vm0, $0xb8;
	[tilespmem:$0x18800] =	vst v63  }
0x123: {  	v3 =	vld [tilespmem:$0x190];
	_ =	sdelay $0x4  }
0x124: {  	v13 =	vshrl.u32 v3, $0x3  }
0x125: {  	v4 =	vmul.u32 $0x30, v13  }
0x126: {  	v3 =	vand.u32 $0x7, v3  }
0x127: {  	v3 =	vor.u32 v3, v4  }
0x128: {  	v4 =	vperm.xlane v3, v0;
	_ =	sdelay $0x1  }
0x129: {  	v4 =	vadd.s32 v1, v4;
	_ =	sdelay $0x3  }
0x12a: {  	s28 =	simm.s32 $0xF800;
	v3 =	vperm.xlane v3, v2  }
0x12b: {  	[tilespmem:s28], [sflag:$0x2] =	stream.indirect_vreg.gather [hbm4b:s4+s2], $0x80, v4, vm0, $0xb8;
	[tilespmem:$0x18800] =	vst v63  }
0x12c: {  	v3 =	vadd.s32 v1, v3;
	s28 =	simm.s32 $0x10000  }
0x12d: {  	[tilespmem:s28], [sflag:$0x2] =	stream.indirect_vreg.gather [hbm4b:s5+s2], $0x80, v4, vm0, $0xb8;
	[tilespmem:$0x18800] =	vst v63  }
0x12e: {  	s12 =	simm.s32 $0x10800  }
0x12f: {  	[tilespmem:s12], [sflag:$0x2] =	stream.indirect_vreg.gather [hbm4b:s6+s2], $0x80, v4, vm0, $0xb8;
	[tilespmem:$0x18800] =	vst v63  }
0x130: {  	s12 =	simm.s32 $0x11000  }
0x131: {  	[tilespmem:s12], [sflag:$0x2] =	stream.indirect_vreg.gather [hbm4b:s4+s2], $0x80, v3, vm0, $0xb8;
	[tilespmem:$0x18800] =	vst v63  }
0x132: {  	s12 =	simm.s32 $0x11800  }
0x133: {  	[tilespmem:s12], [sflag:$0x2] =	stream.indirect_vreg.gather [hbm4b:s5+s2], $0x80, v3, vm0, $0xb8;
	[tilespmem:$0x18800] =	vst v63  }
0x134: {  	s29 =	simm.s32 $0x12000  }
0x135: {  	[tilespmem:s29], [sflag:$0x2] =	stream.indirect_vreg.gather [hbm4b:s6+s2], $0x80, v3, vm0, $0xb8;
	[tilespmem:$0x18800] =	vst v63  }
0x136: {  	v3 =	vld [tilespmem:$0x1A0];
	_ =	sdelay $0x4  }
0x137: {  	v14 =	vshrl.u32 v3, $0x3  }
0x138: {  	v4 =	vmul.u32 $0x30, v14  }
0x139: {  	v3 =	vand.u32 $0x7, v3  }
0x13a: {  	v3 =	vor.u32 v3, v4  }
0x13b: {  	v4 =	vperm.xlane v3, v0;
	_ =	sdelay $0x1  }
0x13c: {  	v4 =	vadd.s32 v1, v4;
	_ =	sdelay $0x3  }
0x13d: {  	s30 =	simm.s32 $0x12800;
	v3 =	vperm.xlane v3, v2  }
0x13e: {  	[tilespmem:s30], [sflag:$0x2] =	stream.indirect_vreg.gather [hbm4b:s4+s2], $0x80, v4, vm0, $0xb8;
	[tilespmem:$0x18800] =	vst v63  }
0x13f: {  	s29 =	simm.s32 $0x13000;
	v3 =	vadd.s32 v1, v3  }
0x140: {  	[tilespmem:s29], [sflag:$0x2] =	stream.indirect_vreg.gather [hbm4b:s5+s2], $0x80, v4, vm0, $0xb8;
	[tilespmem:$0x18800] =	vst v63  }
0x141: {  	s30 =	simm.s32 $0x13800  }
0x142: {  	[tilespmem:s30], [sflag:$0x2] =	stream.indirect_vreg.gather [hbm4b:s6+s2], $0x80, v4, vm0, $0xb8;
	[tilespmem:$0x18800] =	vst v63  }
0x143: {  	s12 =	simm.s32 $0x14000  }
0x144: {  	[tilespmem:s12], [sflag:$0x2] =	stream.indirect_vreg.gather [hbm4b:s4+s2], $0x80, v3, vm0, $0xb8;
	[tilespmem:$0x18800] =	vst v63  }
0x145: {  	s12 =	simm.s32 $0x14800  }
0x146: {  	[tilespmem:s12], [sflag:$0x2] =	stream.indirect_vreg.gather [hbm4b:s5+s2], $0x80, v3, vm0, $0xb8;
	[tilespmem:$0x18800] =	vst v63  }
0x147: {  	s31 =	simm.s32 $0x15000  }
0x148: {  	[tilespmem:s31], [sflag:$0x2] =	stream.indirect_vreg.gather [hbm4b:s6+s2], $0x80, v3, vm0, $0xb8;
	[tilespmem:$0x18800] =	vst v63  }
0x149: {  	v3 =	vld [tilespmem:$0x1B0];
	_ =	sdelay $0x4  }
0x14a: {  	v15 =	vshrl.u32 v3, $0x3  }
0x14b: {  	v4 =	vmul.u32 $0x30, v15  }
0x14c: {  	v3 =	vand.u32 $0x7, v3  }
0x14d: {  	v3 =	vor.u32 v3, v4  }
0x14e: {  	v4 =	vperm.xlane v3, v0;
	_ =	sdelay $0x1  }
0x14f: {  	v4 =	vadd.s32 v1, v4;
	_ =	sdelay $0x3  }
0x150: {  	s31 =	simm.s32 $0x15800;
	v3 =	vperm.xlane v3, v2  }
0x151: {  	[tilespmem:s31], [sflag:$0x2] =	stream.indirect_vreg.gather [hbm4b:s4+s2], $0x80, v4, vm0, $0xb8;
	[tilespmem:$0x18800] =	vst v63  }
0x152: {  	v3 =	vadd.s32 v1, v3;
	s31 =	simm.s32 $0x16000  }
0x153: {  	[tilespmem:s31], [sflag:$0x2] =	stream.indirect_vreg.gather [hbm4b:s5+s2], $0x80, v4, vm0, $0xb8;
	[tilespmem:$0x18800] =	vst v63  }
0x154: {  	s12 =	simm.s32 $0x16800  }
0x155: {  	[tilespmem:s12], [sflag:$0x2] =	stream.indirect_vreg.gather [hbm4b:s6+s2], $0x80, v4, vm0, $0xb8;
	[tilespmem:$0x18800] =	vst v63  }
0x156: {  	s12 =	simm.s32 $0x17000  }
0x157: {  	[tilespmem:s12], [sflag:$0x2] =	stream.indirect_vreg.gather [hbm4b:s4+s2], $0x80, v3, vm0, $0xb8;
	[tilespmem:$0x18800] =	vst v63  }
0x158: {  	s12 =	simm.s32 $0x17800  }
0x159: {  	[tilespmem:s12], [sflag:$0x2] =	stream.indirect_vreg.gather [hbm4b:s5+s2], $0x80, v3, vm0, $0xb8;
	[tilespmem:$0x18800] =	vst v63  }
0x15a: {  	s12 =	simm.s32 $0x18000  }
0x15b: {  	[tilespmem:s12], [sflag:$0x2] =	stream.indirect_vreg.gather [hbm4b:s6+s2], $0x80, v3, vm0, $0xb8;
	[tilespmem:$0x18800] =	vst v63  }
0x15c: {  	_ =	swait.ge [sflag:s10], $0xC000  }
0x15d: {  	[sflag:s10] =	ssyncset.done $0x0  }
0x15e: {  	s12 =	rddreg [dreg:$0x5];
	[sflag:s10] =	ssyncadd.s32 $0xFFFF4000  }
0x15f: {  	[hbm4b:s12+s2] =	stream.linear.scatter [tilespmem:s13], [sflag:$0x3], $0xC000, $0x38;
	[tilespmem:$0x18800] =	vst v63  }
0x160: {  	_ =	swait.ge [sflag:s8], $0xC000  }
0x161: {  	[sflag:s8] =	ssyncset.done $0x0  }
0x162: {  	[sflag:s8] =	ssyncadd.s32 $0xFFFF4000  }
0x163: {  	v3 =	vld [tilespmem:$0x200];
	_ =	sdelay $0x4  }
0x164: {  	v16 =	vshrl.u32 v3, $0x3  }
0x165: {  	v4 =	vmul.u32 $0x30, v16  }
0x166: {  	v3 =	vand.u32 $0x7, v3  }
0x167: {  	v3 =	vor.u32 v3, v4  }
0x168: {  	v4 =	vperm.xlane v3, v0;
	_ =	sdelay $0x1  }
0x169: {  	v4 =	vadd.s32 v1, v4;
	_ =	sdelay $0x3  }
0x16a: {  	v3 =	vperm.xlane v3, v2  }
0x16b: {  	[tilespmem:s13], [sflag:$0x1] =	stream.indirect_vreg.gather [hbm4b:s4+s2], $0x80, v4, vm0, $0xb8;
	[tilespmem:$0x18800] =	vst v63  }
0x16c: {  	v3 =	vadd.s32 v1, v3  }
0x16d: {  	[tilespmem:s0], [sflag:$0x1] =	stream.indirect_vreg.gather [hbm4b:s5+s2], $0x80, v4, vm0, $0xb8;
	[tilespmem:$0x18800] =	vst v63  }
0x16e: {  	_ = 	snop  }
0x16f: {  	[tilespmem:s1], [sflag:$0x1] =	stream.indirect_vreg.gather [hbm4b:s6+s2], $0x80, v4, vm0, $0xb8;
	[tilespmem:$0x18800] =	vst v63  }
0x170: {  	_ = 	snop  }
0x171: {  	[tilespmem:s9], [sflag:$0x1] =	stream.indirect_vreg.gather [hbm4b:s4+s2], $0x80, v3, vm0, $0xb8;
	[tilespmem:$0x18800] =	vst v63  }
0x172: {  	_ = 	snop  }
0x173: {  	[tilespmem:s14], [sflag:$0x1] =	stream.indirect_vreg.gather [hbm4b:s5+s2], $0x80, v3, vm0, $0xb8;
	[tilespmem:$0x18800] =	vst v63  }
0x174: {  	s14 =	simm.s32 $0x3000  }
0x175: {  	[tilespmem:s14], [sflag:$0x1] =	stream.indirect_vreg.gather [hbm4b:s6+s2], $0x80, v3, vm0, $0xb8;
	[tilespmem:$0x18800] =	vst v63  }
0x176: {  	v3 =	vld [tilespmem:$0x210];
	_ =	sdelay $0x4  }
0x177: {  	v17 =	vshrl.u32 v3, $0x3  }
0x178: {  	v4 =	vmul.u32 $0x30, v17  }
0x179: {  	v3 =	vand.u32 $0x7, v3  }
0x17a: {  	v3 =	vor.u32 v3, v4  }
0x17b: {  	v4 =	vperm.xlane v3, v0;
	_ =	sdelay $0x1  }
0x17c: {  	v4 =	vadd.s32 v1, v4;
	_ =	sdelay $0x3  }
0x17d: {  	s14 =	simm.s32 $0x3800;
	v3 =	vperm.xlane v3, v2  }
0x17e: {  	[tilespmem:s14], [sflag:$0x1] =	stream.indirect_vreg.gather [hbm4b:s4+s2], $0x80, v4, vm0, $0xb8;
	[tilespmem:$0x18800] =	vst v63  }
0x17f: {  	v3 =	vadd.s32 v1, v3  }
0x180: {  	[tilespmem:s15], [sflag:$0x1] =	stream.indirect_vreg.gather [hbm4b:s5+s2], $0x80, v4, vm0, $0xb8;
	[tilespmem:$0x18800] =	vst v63  }
0x181: {  	_ = 	snop  }
0x182: {  	[tilespmem:s16], [sflag:$0x1] =	stream.indirect_vreg.gather [hbm4b:s6+s2], $0x80, v4, vm0, $0xb8;
	[tilespmem:$0x18800] =	vst v63  }
0x183: {  	_ = 	snop  }
0x184: {  	[tilespmem:s17], [sflag:$0x1] =	stream.indirect_vreg.gather [hbm4b:s4+s2], $0x80, v3, vm0, $0xb8;
	[tilespmem:$0x18800] =	vst v63  }
0x185: {  	_ = 	snop  }
0x186: {  	[tilespmem:s18], [sflag:$0x1] =	stream.indirect_vreg.gather [hbm4b:s5+s2], $0x80, v3, vm0, $0xb8;
	[tilespmem:$0x18800] =	vst v63  }
0x187: {  	s18 =	simm.s32 $0x6000  }
0x188: {  	[tilespmem:s18], [sflag:$0x1] =	stream.indirect_vreg.gather [hbm4b:s6+s2], $0x80, v3, vm0, $0xb8;
	[tilespmem:$0x18800] =	vst v63  }
0x189: {  	v3 =	vld [tilespmem:$0x220];
	_ =	sdelay $0x4  }
0x18a: {  	v18 =	vshrl.u32 v3, $0x3  }
0x18b: {  	v4 =	vmul.u32 $0x30, v18  }
0x18c: {  	v3 =	vand.u32 $0x7, v3  }
0x18d: {  	v3 =	vor.u32 v3, v4  }
0x18e: {  	v4 =	vperm.xlane v3, v0;
	_ =	sdelay $0x1  }
0x18f: {  	v4 =	vadd.s32 v1, v4;
	_ =	sdelay $0x3  }
0x190: {  	s18 =	simm.s32 $0x6800;
	v3 =	vperm.xlane v3, v2  }
0x191: {  	[tilespmem:s18], [sflag:$0x1] =	stream.indirect_vreg.gather [hbm4b:s4+s2], $0x80, v4, vm0, $0xb8;
	[tilespmem:$0x18800] =	vst v63  }
0x192: {  	v3 =	vadd.s32 v1, v3  }
0x193: {  	[tilespmem:s19], [sflag:$0x1] =	stream.indirect_vreg.gather [hbm4b:s5+s2], $0x80, v4, vm0, $0xb8;
	[tilespmem:$0x18800] =	vst v63  }
0x194: {  	_ = 	snop  }
0x195: {  	[tilespmem:s20], [sflag:$0x1] =	stream.indirect_vreg.gather [hbm4b:s6+s2], $0x80, v4, vm0, $0xb8;
	[tilespmem:$0x18800] =	vst v63  }
0x196: {  	_ = 	snop  }
0x197: {  	[tilespmem:s21], [sflag:$0x1] =	stream.indirect_vreg.gather [hbm4b:s4+s2], $0x80, v3, vm0, $0xb8;
	[tilespmem:$0x18800] =	vst v63  }
0x198: {  	_ = 	snop  }
0x199: {  	[tilespmem:s22], [sflag:$0x1] =	stream.indirect_vreg.gather [hbm4b:s5+s2], $0x80, v3, vm0, $0xb8;
	[tilespmem:$0x18800] =	vst v63  }
0x19a: {  	s22 =	simm.s32 $0x9000  }
0x19b: {  	[tilespmem:s22], [sflag:$0x1] =	stream.indirect_vreg.gather [hbm4b:s6+s2], $0x80, v3, vm0, $0xb8;
	[tilespmem:$0x18800] =	vst v63  }
0x19c: {  	v3 =	vld [tilespmem:$0x230];
	_ =	sdelay $0x4  }
0x19d: {  	v19 =	vshrl.u32 v3, $0x3  }
0x19e: {  	v4 =	vmul.u32 $0x30, v19  }
0x19f: {  	v3 =	vand.u32 $0x7, v3  }
0x1a0: {  	v3 =	vor.u32 v3, v4  }
0x1a1: {  	v4 =	vperm.xlane v3, v0;
	_ =	sdelay $0x1  }
0x1a2: {  	v4 =	vadd.s32 v1, v4;
	_ =	sdelay $0x3  }
0x1a3: {  	s22 =	simm.s32 $0x9800;
	v3 =	vperm.xlane v3, v2  }
0x1a4: {  	[tilespmem:s22], [sflag:$0x1] =	stream.indirect_vreg.gather [hbm4b:s4+s2], $0x80, v4, vm0, $0xb8;
	[tilespmem:$0x18800] =	vst v63  }
0x1a5: {  	v3 =	vadd.s32 v1, v3  }
0x1a6: {  	[tilespmem:s23], [sflag:$0x1] =	stream.indirect_vreg.gather [hbm4b:s5+s2], $0x80, v4, vm0, $0xb8;
	[tilespmem:$0x18800] =	vst v63  }
0x1a7: {  	_ = 	snop  }
0x1a8: {  	[tilespmem:s24], [sflag:$0x1] =	stream.indirect_vreg.gather [hbm4b:s6+s2], $0x80, v4, vm0, $0xb8;
	[tilespmem:$0x18800] =	vst v63  }
0x1a9: {  	_ = 	snop  }
0x1aa: {  	[tilespmem:s25], [sflag:$0x1] =	stream.indirect_vreg.gather [hbm4b:s4+s2], $0x80, v3, vm0, $0xb8;
	[tilespmem:$0x18800] =	vst v63  }
0x1ab: {  	_ = 	snop  }
0x1ac: {  	[tilespmem:s7], [sflag:$0x1] =	stream.indirect_vreg.gather [hbm4b:s5+s2], $0x80, v3, vm0, $0xb8;
	[tilespmem:$0x18800] =	vst v63  }
0x1ad: {  	s25 =	simm.s32 $0xC000  }
0x1ae: {  	[tilespmem:s25], [sflag:$0x1] =	stream.indirect_vreg.gather [hbm4b:s6+s2], $0x80, v3, vm0, $0xb8;
	[tilespmem:$0x18800] =	vst v63  }
0x1af: {  	_ =	swait.ge [sflag:s11], $0xC000  }
0x1b0: {  	[sflag:s11] =	ssyncset.done $0x0  }
0x1b1: {  	s25 =	rddreg [dreg:$0x6];
	[sflag:s11] =	ssyncadd.s32 $0xFFFF4000  }
0x1b2: {  	[hbm4b:s25+s2] =	stream.linear.scatter [tilespmem:s3], [sflag:$0x3], $0xC000, $0x38;
	[tilespmem:$0x18800] =	vst v63  }
0x1b3: {  	_ =	swait.ge [sflag:s8], $0xC000  }
0x1b4: {  	[sflag:s8] =	ssyncset.done $0x0  }
0x1b5: {  	[sflag:s8] =	ssyncadd.s32 $0xFFFF4000  }
0x1b6: {  	v3 =	vld [tilespmem:$0x280];
	_ =	sdelay $0x4  }
0x1b7: {  	v20 =	vshrl.u32 v3, $0x3  }
0x1b8: {  	v4 =	vmul.u32 $0x30, v20  }
0x1b9: {  	v3 =	vand.u32 $0x7, v3  }
0x1ba: {  	v3 =	vor.u32 v3, v4  }
0x1bb: {  	v4 =	vperm.xlane v3, v0;
	_ =	sdelay $0x1  }
0x1bc: {  	v4 =	vadd.s32 v1, v4;
	_ =	sdelay $0x3  }
0x1bd: {  	v3 =	vperm.xlane v3, v2  }
0x1be: {  	[tilespmem:s3], [sflag:$0x2] =	stream.indirect_vreg.gather [hbm4b:s4+s2], $0x80, v4, vm0, $0xb8;
	[tilespmem:$0x18800] =	vst v63  }
0x1bf: {  	s26 =	simm.s32 $0xD000;
	v3 =	vadd.s32 v1, v3  }
0x1c0: {  	[tilespmem:s26], [sflag:$0x2] =	stream.indirect_vreg.gather [hbm4b:s5+s2], $0x80, v4, vm0, $0xb8;
	[tilespmem:$0x18800] =	vst v63  }
0x1c1: {  	s26 =	simm.s32 $0xD800  }
0x1c2: {  	[tilespmem:s26], [sflag:$0x2] =	stream.indirect_vreg.gather [hbm4b:s6+s2], $0x80, v4, vm0, $0xb8;
	[tilespmem:$0x18800] =	vst v63  }
0x1c3: {  	s12 =	simm.s32 $0xE000  }
0x1c4: {  	[tilespmem:s12], [sflag:$0x2] =	stream.indirect_vreg.gather [hbm4b:s4+s2], $0x80, v3, vm0, $0xb8;
	[tilespmem:$0x18800] =	vst v63  }
0x1c5: {  	s12 =	simm.s32 $0xE800  }
0x1c6: {  	[tilespmem:s12], [sflag:$0x2] =	stream.indirect_vreg.gather [hbm4b:s5+s2], $0x80, v3, vm0, $0xb8;
	[tilespmem:$0x18800] =	vst v63  }
0x1c7: {  	s12 =	simm.s32 $0xF000  }
0x1c8: {  	[tilespmem:s12], [sflag:$0x2] =	stream.indirect_vreg.gather [hbm4b:s6+s2], $0x80, v3, vm0, $0xb8;
	[tilespmem:$0x18800] =	vst v63  }
0x1c9: {  	v3 =	vld [tilespmem:$0x290];
	_ =	sdelay $0x4  }
0x1ca: {  	v21 =	vshrl.u32 v3, $0x3  }
0x1cb: {  	v4 =	vmul.u32 $0x30, v21  }
0x1cc: {  	v3 =	vand.u32 $0x7, v3  }
0x1cd: {  	v3 =	vor.u32 v3, v4  }
0x1ce: {  	v4 =	vperm.xlane v3, v0;
	_ =	sdelay $0x1  }
0x1cf: {  	v4 =	vadd.s32 v1, v4;
	_ =	sdelay $0x3  }
0x1d0: {  	s12 =	simm.s32 $0xF800;
	v3 =	vperm.xlane v3, v2  }
0x1d1: {  	[tilespmem:s12], [sflag:$0x2] =	stream.indirect_vreg.gather [hbm4b:s4+s2], $0x80, v4, vm0, $0xb8;
	[tilespmem:$0x18800] =	vst v63  }
0x1d2: {  	s28 =	simm.s32 $0x10000;
	v3 =	vadd.s32 v1, v3  }
0x1d3: {  	[tilespmem:s28], [sflag:$0x2] =	stream.indirect_vreg.gather [hbm4b:s5+s2], $0x80, v4, vm0, $0xb8;
	[tilespmem:$0x18800] =	vst v63  }
0x1d4: {  	s12 =	simm.s32 $0x10800  }
0x1d5: {  	[tilespmem:s12], [sflag:$0x2] =	stream.indirect_vreg.gather [hbm4b:s6+s2], $0x80, v4, vm0, $0xb8;
	[tilespmem:$0x18800] =	vst v63  }
0x1d6: {  	s12 =	simm.s32 $0x11000  }
0x1d7: {  	[tilespmem:s12], [sflag:$0x2] =	stream.indirect_vreg.gather [hbm4b:s4+s2], $0x80, v3, vm0, $0xb8;
	[tilespmem:$0x18800] =	vst v63  }
0x1d8: {  	s12 =	simm.s32 $0x11800  }
0x1d9: {  	[tilespmem:s12], [sflag:$0x2] =	stream.indirect_vreg.gather [hbm4b:s5+s2], $0x80, v3, vm0, $0xb8;
	[tilespmem:$0x18800] =	vst v63  }
0x1da: {  	s12 =	simm.s32 $0x12000  }
0x1db: {  	[tilespmem:s12], [sflag:$0x2] =	stream.indirect_vreg.gather [hbm4b:s6+s2], $0x80, v3, vm0, $0xb8;
	[tilespmem:$0x18800] =	vst v63  }
0x1dc: {  	v3 =	vld [tilespmem:$0x2A0];
	_ =	sdelay $0x4  }
0x1dd: {  	v22 =	vshrl.u32 v3, $0x3  }
0x1de: {  	v4 =	vmul.u32 $0x30, v22  }
0x1df: {  	v3 =	vand.u32 $0x7, v3  }
0x1e0: {  	v3 =	vor.u32 v3, v4  }
0x1e1: {  	v4 =	vperm.xlane v3, v0;
	_ =	sdelay $0x1  }
0x1e2: {  	v4 =	vadd.s32 v1, v4;
	_ =	sdelay $0x3  }
0x1e3: {  	s12 =	simm.s32 $0x12800;
	v3 =	vperm.xlane v3, v2  }
0x1e4: {  	[tilespmem:s12], [sflag:$0x2] =	stream.indirect_vreg.gather [hbm4b:s4+s2], $0x80, v4, vm0, $0xb8;
	[tilespmem:$0x18800] =	vst v63  }
0x1e5: {  	s29 =	simm.s32 $0x13000;
	v3 =	vadd.s32 v1, v3  }
0x1e6: {  	[tilespmem:s29], [sflag:$0x2] =	stream.indirect_vreg.gather [hbm4b:s5+s2], $0x80, v4, vm0, $0xb8;
	[tilespmem:$0x18800] =	vst v63  }
0x1e7: {  	s30 =	simm.s32 $0x13800  }
0x1e8: {  	[tilespmem:s30], [sflag:$0x2] =	stream.indirect_vreg.gather [hbm4b:s6+s2], $0x80, v4, vm0, $0xb8;
	[tilespmem:$0x18800] =	vst v63  }
0x1e9: {  	s12 =	simm.s32 $0x14000  }
0x1ea: {  	[tilespmem:s12], [sflag:$0x2] =	stream.indirect_vreg.gather [hbm4b:s4+s2], $0x80, v3, vm0, $0xb8;
	[tilespmem:$0x18800] =	vst v63  }
0x1eb: {  	s12 =	simm.s32 $0x14800  }
0x1ec: {  	[tilespmem:s12], [sflag:$0x2] =	stream.indirect_vreg.gather [hbm4b:s5+s2], $0x80, v3, vm0, $0xb8;
	[tilespmem:$0x18800] =	vst v63  }
0x1ed: {  	s12 =	simm.s32 $0x15000  }
0x1ee: {  	[tilespmem:s12], [sflag:$0x2] =	stream.indirect_vreg.gather [hbm4b:s6+s2], $0x80, v3, vm0, $0xb8;
	[tilespmem:$0x18800] =	vst v63  }
0x1ef: {  	v3 =	vld [tilespmem:$0x2B0];
	_ =	sdelay $0x4  }
0x1f0: {  	v23 =	vshrl.u32 v3, $0x3  }
0x1f1: {  	v4 =	vmul.u32 $0x30, v23  }
0x1f2: {  	v3 =	vand.u32 $0x7, v3  }
0x1f3: {  	v3 =	vor.u32 v3, v4  }
0x1f4: {  	v4 =	vperm.xlane v3, v0;
	_ =	sdelay $0x1  }
0x1f5: {  	v4 =	vadd.s32 v1, v4;
	_ =	sdelay $0x3  }
0x1f6: {  	s12 =	simm.s32 $0x15800;
	v3 =	vperm.xlane v3, v2  }
0x1f7: {  	[tilespmem:s12], [sflag:$0x2] =	stream.indirect_vreg.gather [hbm4b:s4+s2], $0x80, v4, vm0, $0xb8;
	[tilespmem:$0x18800] =	vst v63  }
0x1f8: {  	s31 =	simm.s32 $0x16000;
	v3 =	vadd.s32 v1, v3  }
0x1f9: {  	[tilespmem:s31], [sflag:$0x2] =	stream.indirect_vreg.gather [hbm4b:s5+s2], $0x80, v4, vm0, $0xb8;
	[tilespmem:$0x18800] =	vst v63  }
0x1fa: {  	s12 =	simm.s32 $0x16800  }
0x1fb: {  	[tilespmem:s12], [sflag:$0x2] =	stream.indirect_vreg.gather [hbm4b:s6+s2], $0x80, v4, vm0, $0xb8;
	[tilespmem:$0x18800] =	vst v63  }
0x1fc: {  	s12 =	simm.s32 $0x17000  }
0x1fd: {  	[tilespmem:s12], [sflag:$0x2] =	stream.indirect_vreg.gather [hbm4b:s4+s2], $0x80, v3, vm0, $0xb8;
	[tilespmem:$0x18800] =	vst v63  }
0x1fe: {  	s12 =	simm.s32 $0x17800  }
0x1ff: {  	[tilespmem:s12], [sflag:$0x2] =	stream.indirect_vreg.gather [hbm4b:s5+s2], $0x80, v3, vm0, $0xb8;
	[tilespmem:$0x18800] =	vst v63  }
0x200: {  	s12 =	simm.s32 $0x18000  }
0x201: {  	[tilespmem:s12], [sflag:$0x2] =	stream.indirect_vreg.gather [hbm4b:s6+s2], $0x80, v3, vm0, $0xb8;
	[tilespmem:$0x18800] =	vst v63  }
0x202: {  	_ =	swait.ge [sflag:s10], $0xC000  }
0x203: {  	[sflag:s10] =	ssyncset.done $0x0  }
0x204: {  	s12 =	rddreg [dreg:$0x7];
	[sflag:s10] =	ssyncadd.s32 $0xFFFF4000  }
0x205: {  	[hbm4b:s12+s2] =	stream.linear.scatter [tilespmem:s13], [sflag:$0x3], $0xC000, $0x38;
	[tilespmem:$0x18800] =	vst v63  }
0x206: {  	_ =	swait.ge [sflag:s8], $0xC000  }
0x207: {  	[sflag:s8] =	ssyncset.done $0x0  }
0x208: {  	[sflag:s8] =	ssyncadd.s32 $0xFFFF4000  }
0x209: {  	v3 =	vld [tilespmem:$0x300];
	_ =	sdelay $0x4  }
0x20a: {  	v24 =	vshrl.u32 v3, $0x3  }
0x20b: {  	v4 =	vmul.u32 $0x30, v24  }
0x20c: {  	v3 =	vand.u32 $0x7, v3  }
0x20d: {  	v3 =	vor.u32 v3, v4  }
0x20e: {  	v4 =	vperm.xlane v3, v0;
	_ =	sdelay $0x1  }
0x20f: {  	v4 =	vadd.s32 v1, v4;
	_ =	sdelay $0x3  }
0x210: {  	v3 =	vperm.xlane v3, v2  }
0x211: {  	[tilespmem:s13], [sflag:$0x1] =	stream.indirect_vreg.gather [hbm4b:s4+s2], $0x80, v4, vm0, $0xb8;
	[tilespmem:$0x18800] =	vst v63  }
0x212: {  	s12 =	simm.s32 $0x1000;
	v3 =	vadd.s32 v1, v3  }
0x213: {  	[tilespmem:s12], [sflag:$0x1] =	stream.indirect_vreg.gather [hbm4b:s5+s2], $0x80, v4, vm0, $0xb8;
	[tilespmem:$0x18800] =	vst v63  }
0x214: {  	s1 =	simm.s32 $0x1800  }
0x215: {  	[tilespmem:s1], [sflag:$0x1] =	stream.indirect_vreg.gather [hbm4b:s6+s2], $0x80, v4, vm0, $0xb8;
	[tilespmem:$0x18800] =	vst v63  }
0x216: {  	s0 =	simm.s32 $0x2000  }
0x217: {  	[tilespmem:s0], [sflag:$0x1] =	stream.indirect_vreg.gather [hbm4b:s4+s2], $0x80, v3, vm0, $0xb8;
	[tilespmem:$0x18800] =	vst v63  }
0x218: {  	s9 =	simm.s32 $0x2800  }
0x219: {  	[tilespmem:s9], [sflag:$0x1] =	stream.indirect_vreg.gather [hbm4b:s5+s2], $0x80, v3, vm0, $0xb8;
	[tilespmem:$0x18800] =	vst v63  }
0x21a: {  	s12 =	simm.s32 $0x3000  }
0x21b: {  	[tilespmem:s12], [sflag:$0x1] =	stream.indirect_vreg.gather [hbm4b:s6+s2], $0x80, v3, vm0, $0xb8;
	[tilespmem:$0x18800] =	vst v63  }
0x21c: {  	v3 =	vld [tilespmem:$0x310];
	_ =	sdelay $0x4  }
0x21d: {  	v25 =	vshrl.u32 v3, $0x3  }
0x21e: {  	v4 =	vmul.u32 $0x30, v25  }
0x21f: {  	v3 =	vand.u32 $0x7, v3  }
0x220: {  	v3 =	vor.u32 v3, v4  }
0x221: {  	v4 =	vperm.xlane v3, v0;
	_ =	sdelay $0x1  }
0x222: {  	v4 =	vadd.s32 v1, v4;
	_ =	sdelay $0x3  }
0x223: {  	s12 =	simm.s32 $0x3800;
	v3 =	vperm.xlane v3, v2  }
0x224: {  	[tilespmem:s12], [sflag:$0x1] =	stream.indirect_vreg.gather [hbm4b:s4+s2], $0x80, v4, vm0, $0xb8;
	[tilespmem:$0x18800] =	vst v63  }
0x225: {  	s14 =	simm.s32 $0x4000;
	v3 =	vadd.s32 v1, v3  }
0x226: {  	[tilespmem:s14], [sflag:$0x1] =	stream.indirect_vreg.gather [hbm4b:s5+s2], $0x80, v4, vm0, $0xb8;
	[tilespmem:$0x18800] =	vst v63  }
0x227: {  	s15 =	simm.s32 $0x4800  }
0x228: {  	[tilespmem:s15], [sflag:$0x1] =	stream.indirect_vreg.gather [hbm4b:s6+s2], $0x80, v4, vm0, $0xb8;
	[tilespmem:$0x18800] =	vst v63  }
0x229: {  	s16 =	simm.s32 $0x5000  }
0x22a: {  	[tilespmem:s16], [sflag:$0x1] =	stream.indirect_vreg.gather [hbm4b:s4+s2], $0x80, v3, vm0, $0xb8;
	[tilespmem:$0x18800] =	vst v63  }
0x22b: {  	s17 =	simm.s32 $0x5800  }
0x22c: {  	[tilespmem:s17], [sflag:$0x1] =	stream.indirect_vreg.gather [hbm4b:s5+s2], $0x80, v3, vm0, $0xb8;
	[tilespmem:$0x18800] =	vst v63  }
0x22d: {  	s12 =	simm.s32 $0x6000  }
0x22e: {  	[tilespmem:s12], [sflag:$0x1] =	stream.indirect_vreg.gather [hbm4b:s6+s2], $0x80, v3, vm0, $0xb8;
	[tilespmem:$0x18800] =	vst v63  }
0x22f: {  	v3 =	vld [tilespmem:$0x320];
	_ =	sdelay $0x4  }
0x230: {  	v26 =	vshrl.u32 v3, $0x3  }
0x231: {  	v4 =	vmul.u32 $0x30, v26  }
0x232: {  	v3 =	vand.u32 $0x7, v3  }
0x233: {  	v3 =	vor.u32 v3, v4  }
0x234: {  	v4 =	vperm.xlane v3, v0;
	_ =	sdelay $0x1  }
0x235: {  	v4 =	vadd.s32 v1, v4;
	_ =	sdelay $0x3  }
0x236: {  	s12 =	simm.s32 $0x6800;
	v3 =	vperm.xlane v3, v2  }
0x237: {  	[tilespmem:s12], [sflag:$0x1] =	stream.indirect_vreg.gather [hbm4b:s4+s2], $0x80, v4, vm0, $0xb8;
	[tilespmem:$0x18800] =	vst v63  }
0x238: {  	s18 =	simm.s32 $0x7000;
	v3 =	vadd.s32 v1, v3  }
0x239: {  	[tilespmem:s18], [sflag:$0x1] =	stream.indirect_vreg.gather [hbm4b:s5+s2], $0x80, v4, vm0, $0xb8;
	[tilespmem:$0x18800] =	vst v63  }
0x23a: {  	s19 =	simm.s32 $0x7800  }
0x23b: {  	[tilespmem:s19], [sflag:$0x1] =	stream.indirect_vreg.gather [hbm4b:s6+s2], $0x80, v4, vm0, $0xb8;
	[tilespmem:$0x18800] =	vst v63  }
0x23c: {  	s20 =	simm.s32 $0x8000  }
0x23d: {  	[tilespmem:s20], [sflag:$0x1] =	stream.indirect_vreg.gather [hbm4b:s4+s2], $0x80, v3, vm0, $0xb8;
	[tilespmem:$0x18800] =	vst v63  }
0x23e: {  	s21 =	simm.s32 $0x8800  }
0x23f: {  	[tilespmem:s21], [sflag:$0x1] =	stream.indirect_vreg.gather [hbm4b:s5+s2], $0x80, v3, vm0, $0xb8;
	[tilespmem:$0x18800] =	vst v63  }
0x240: {  	s12 =	simm.s32 $0x9000  }
0x241: {  	[tilespmem:s12], [sflag:$0x1] =	stream.indirect_vreg.gather [hbm4b:s6+s2], $0x80, v3, vm0, $0xb8;
	[tilespmem:$0x18800] =	vst v63  }
0x242: {  	v3 =	vld [tilespmem:$0x330];
	_ =	sdelay $0x4  }
0x243: {  	v27 =	vshrl.u32 v3, $0x3  }
0x244: {  	v4 =	vmul.u32 $0x30, v27  }
0x245: {  	v3 =	vand.u32 $0x7, v3  }
0x246: {  	v3 =	vor.u32 v3, v4  }
0x247: {  	v4 =	vperm.xlane v3, v0;
	_ =	sdelay $0x1  }
0x248: {  	v4 =	vadd.s32 v1, v4;
	_ =	sdelay $0x3  }
0x249: {  	s12 =	simm.s32 $0x9800;
	v3 =	vperm.xlane v3, v2  }
0x24a: {  	[tilespmem:s12], [sflag:$0x1] =	stream.indirect_vreg.gather [hbm4b:s4+s2], $0x80, v4, vm0, $0xb8;
	[tilespmem:$0x18800] =	vst v63  }
0x24b: {  	s22 =	simm.s32 $0xA000;
	v3 =	vadd.s32 v1, v3  }
0x24c: {  	[tilespmem:s22], [sflag:$0x1] =	stream.indirect_vreg.gather [hbm4b:s5+s2], $0x80, v4, vm0, $0xb8;
	[tilespmem:$0x18800] =	vst v63  }
0x24d: {  	s23 =	simm.s32 $0xA800  }
0x24e: {  	[tilespmem:s23], [sflag:$0x1] =	stream.indirect_vreg.gather [hbm4b:s6+s2], $0x80, v4, vm0, $0xb8;
	[tilespmem:$0x18800] =	vst v63  }
0x24f: {  	s24 =	simm.s32 $0xB000  }
0x250: {  	[tilespmem:s24], [sflag:$0x1] =	stream.indirect_vreg.gather [hbm4b:s4+s2], $0x80, v3, vm0, $0xb8;
	[tilespmem:$0x18800] =	vst v63  }
0x251: {  	s7 =	simm.s32 $0xB800  }
0x252: {  	[tilespmem:s7], [sflag:$0x1] =	stream.indirect_vreg.gather [hbm4b:s5+s2], $0x80, v3, vm0, $0xb8;
	[tilespmem:$0x18800] =	vst v63  }
0x253: {  	s12 =	simm.s32 $0xC000  }
0x254: {  	[tilespmem:s12], [sflag:$0x1] =	stream.indirect_vreg.gather [hbm4b:s6+s2], $0x80, v3, vm0, $0xb8;
	[tilespmem:$0x18800] =	vst v63  }
0x255: {  	_ =	swait.ge [sflag:s11], $0xC000  }
0x256: {  	[sflag:s11] =	ssyncset.done $0x0  }
0x257: {  	s7 =	rddreg [dreg:$0x8];
	[sflag:s11] =	ssyncadd.s32 $0xFFFF4000  }
0x258: {  	[hbm4b:s7+s2] =	stream.linear.scatter [tilespmem:s3], [sflag:$0x3], $0xC000, $0x38;
	[tilespmem:$0x18800] =	vst v63  }
0x259: {  	_ =	swait.ge [sflag:s8], $0xC000  }
0x25a: {  	[sflag:s8] =	ssyncset.done $0x0  }
0x25b: {  	[sflag:s8] =	ssyncadd.s32 $0xFFFF4000  }
0x25c: {  	v3 =	vld [tilespmem:$0x380];
	_ =	sdelay $0x4  }
0x25d: {  	v28 =	vshrl.u32 v3, $0x3  }
0x25e: {  	v4 =	vmul.u32 $0x30, v28  }
0x25f: {  	v3 =	vand.u32 $0x7, v3  }
0x260: {  	v3 =	vor.u32 v3, v4  }
0x261: {  	v4 =	vperm.xlane v3, v0;
	_ =	sdelay $0x1  }
0x262: {  	v4 =	vadd.s32 v1, v4;
	_ =	sdelay $0x3  }
0x263: {  	v3 =	vperm.xlane v3, v2  }
0x264: {  	[tilespmem:s3], [sflag:$0x2] =	stream.indirect_vreg.gather [hbm4b:s4+s2], $0x80, v4, vm0, $0xb8;
	[tilespmem:$0x18800] =	vst v63  }
0x265: {  	s25 =	simm.s32 $0xD000;
	v3 =	vadd.s32 v1, v3  }
0x266: {  	[tilespmem:s25], [sflag:$0x2] =	stream.indirect_vreg.gather [hbm4b:s5+s2], $0x80, v4, vm0, $0xb8;
	[tilespmem:$0x18800] =	vst v63  }
0x267: {  	s26 =	simm.s32 $0xD800  }
0x268: {  	[tilespmem:s26], [sflag:$0x2] =	stream.indirect_vreg.gather [hbm4b:s6+s2], $0x80, v4, vm0, $0xb8;
	[tilespmem:$0x18800] =	vst v63  }
0x269: {  	s26 =	simm.s32 $0xE000  }
0x26a: {  	[tilespmem:s26], [sflag:$0x2] =	stream.indirect_vreg.gather [hbm4b:s4+s2], $0x80, v3, vm0, $0xb8;
	[tilespmem:$0x18800] =	vst v63  }
0x26b: {  	s12 =	simm.s32 $0xE800  }
0x26c: {  	[tilespmem:s12], [sflag:$0x2] =	stream.indirect_vreg.gather [hbm4b:s5+s2], $0x80, v3, vm0, $0xb8;
	[tilespmem:$0x18800] =	vst v63  }
0x26d: {  	s12 =	simm.s32 $0xF000  }
0x26e: {  	[tilespmem:s12], [sflag:$0x2] =	stream.indirect_vreg.gather [hbm4b:s6+s2], $0x80, v3, vm0, $0xb8;
	[tilespmem:$0x18800] =	vst v63  }
0x26f: {  	v3 =	vld [tilespmem:$0x390];
	_ =	sdelay $0x4  }
0x270: {  	v29 =	vshrl.u32 v3, $0x3  }
0x271: {  	v4 =	vmul.u32 $0x30, v29  }
0x272: {  	v3 =	vand.u32 $0x7, v3  }
0x273: {  	v3 =	vor.u32 v3, v4  }
0x274: {  	v4 =	vperm.xlane v3, v0;
	_ =	sdelay $0x1  }
0x275: {  	v4 =	vadd.s32 v1, v4;
	_ =	sdelay $0x3  }
0x276: {  	s12 =	simm.s32 $0xF800;
	v3 =	vperm.xlane v3, v2  }
0x277: {  	[tilespmem:s12], [sflag:$0x2] =	stream.indirect_vreg.gather [hbm4b:s4+s2], $0x80, v4, vm0, $0xb8;
	[tilespmem:$0x18800] =	vst v63  }
0x278: {  	s28 =	simm.s32 $0x10000;
	v3 =	vadd.s32 v1, v3  }
0x279: {  	[tilespmem:s28], [sflag:$0x2] =	stream.indirect_vreg.gather [hbm4b:s5+s2], $0x80, v4, vm0, $0xb8;
	[tilespmem:$0x18800] =	vst v63  }
0x27a: {  	s12 =	simm.s32 $0x10800  }
0x27b: {  	[tilespmem:s12], [sflag:$0x2] =	stream.indirect_vreg.gather [hbm4b:s6+s2], $0x80, v4, vm0, $0xb8;
	[tilespmem:$0x18800] =	vst v63  }
0x27c: {  	s12 =	simm.s32 $0x11000  }
0x27d: {  	[tilespmem:s12], [sflag:$0x2] =	stream.indirect_vreg.gather [hbm4b:s4+s2], $0x80, v3, vm0, $0xb8;
	[tilespmem:$0x18800] =	vst v63  }
0x27e: {  	s12 =	simm.s32 $0x11800  }
0x27f: {  	[tilespmem:s12], [sflag:$0x2] =	stream.indirect_vreg.gather [hbm4b:s5+s2], $0x80, v3, vm0, $0xb8;
	[tilespmem:$0x18800] =	vst v63  }
0x280: {  	s12 =	simm.s32 $0x12000  }
0x281: {  	[tilespmem:s12], [sflag:$0x2] =	stream.indirect_vreg.gather [hbm4b:s6+s2], $0x80, v3, vm0, $0xb8;
	[tilespmem:$0x18800] =	vst v63  }
0x282: {  	v3 =	vld [tilespmem:$0x3A0];
	_ =	sdelay $0x4  }
0x283: {  	v30 =	vshrl.u32 v3, $0x3  }
0x284: {  	v4 =	vmul.u32 $0x30, v30  }
0x285: {  	v3 =	vand.u32 $0x7, v3  }
0x286: {  	v3 =	vor.u32 v3, v4  }
0x287: {  	v4 =	vperm.xlane v3, v0;
	_ =	sdelay $0x1  }
0x288: {  	v4 =	vadd.s32 v1, v4;
	_ =	sdelay $0x3  }
0x289: {  	s12 =	simm.s32 $0x12800;
	v3 =	vperm.xlane v3, v2  }
0x28a: {  	[tilespmem:s12], [sflag:$0x2] =	stream.indirect_vreg.gather [hbm4b:s4+s2], $0x80, v4, vm0, $0xb8;
	[tilespmem:$0x18800] =	vst v63  }
0x28b: {  	s29 =	simm.s32 $0x13000;
	v3 =	vadd.s32 v1, v3  }
0x28c: {  	[tilespmem:s29], [sflag:$0x2] =	stream.indirect_vreg.gather [hbm4b:s5+s2], $0x80, v4, vm0, $0xb8;
	[tilespmem:$0x18800] =	vst v63  }
0x28d: {  	s30 =	simm.s32 $0x13800  }
0x28e: {  	[tilespmem:s30], [sflag:$0x2] =	stream.indirect_vreg.gather [hbm4b:s6+s2], $0x80, v4, vm0, $0xb8;
	[tilespmem:$0x18800] =	vst v63  }
0x28f: {  	s12 =	simm.s32 $0x14000  }
0x290: {  	[tilespmem:s12], [sflag:$0x2] =	stream.indirect_vreg.gather [hbm4b:s4+s2], $0x80, v3, vm0, $0xb8;
	[tilespmem:$0x18800] =	vst v63  }
0x291: {  	s12 =	simm.s32 $0x14800  }
0x292: {  	[tilespmem:s12], [sflag:$0x2] =	stream.indirect_vreg.gather [hbm4b:s5+s2], $0x80, v3, vm0, $0xb8;
	[tilespmem:$0x18800] =	vst v63  }
0x293: {  	s12 =	simm.s32 $0x15000  }
0x294: {  	[tilespmem:s12], [sflag:$0x2] =	stream.indirect_vreg.gather [hbm4b:s6+s2], $0x80, v3, vm0, $0xb8;
	[tilespmem:$0x18800] =	vst v63  }
0x295: {  	v3 =	vld [tilespmem:$0x3B0];
	_ =	sdelay $0x4  }
0x296: {  	v31 =	vshrl.u32 v3, $0x3  }
0x297: {  	v4 =	vmul.u32 $0x30, v31  }
0x298: {  	v3 =	vand.u32 $0x7, v3  }
0x299: {  	v3 =	vor.u32 v3, v4  }
0x29a: {  	v4 =	vperm.xlane v3, v0;
	_ =	sdelay $0x1  }
0x29b: {  	v4 =	vadd.s32 v1, v4;
	_ =	sdelay $0x3  }
0x29c: {  	s12 =	simm.s32 $0x15800;
	v3 =	vperm.xlane v3, v2  }
0x29d: {  	[tilespmem:s12], [sflag:$0x2] =	stream.indirect_vreg.gather [hbm4b:s4+s2], $0x80, v4, vm0, $0xb8;
	[tilespmem:$0x18800] =	vst v63  }
0x29e: {  	s31 =	simm.s32 $0x16000;
	v3 =	vadd.s32 v1, v3  }
0x29f: {  	[tilespmem:s31], [sflag:$0x2] =	stream.indirect_vreg.gather [hbm4b:s5+s2], $0x80, v4, vm0, $0xb8;
	[tilespmem:$0x18800] =	vst v63  }
0x2a0: {  	s12 =	simm.s32 $0x16800  }
0x2a1: {  	[tilespmem:s12], [sflag:$0x2] =	stream.indirect_vreg.gather [hbm4b:s6+s2], $0x80, v4, vm0, $0xb8;
	[tilespmem:$0x18800] =	vst v63  }
0x2a2: {  	s12 =	simm.s32 $0x17000  }
0x2a3: {  	[tilespmem:s12], [sflag:$0x2] =	stream.indirect_vreg.gather [hbm4b:s4+s2], $0x80, v3, vm0, $0xb8;
	[tilespmem:$0x18800] =	vst v63  }
0x2a4: {  	s12 =	simm.s32 $0x17800  }
0x2a5: {  	[tilespmem:s12], [sflag:$0x2] =	stream.indirect_vreg.gather [hbm4b:s5+s2], $0x80, v3, vm0, $0xb8;
	[tilespmem:$0x18800] =	vst v63  }
0x2a6: {  	s12 =	simm.s32 $0x18000  }
0x2a7: {  	[tilespmem:s12], [sflag:$0x2] =	stream.indirect_vreg.gather [hbm4b:s6+s2], $0x80, v3, vm0, $0xb8;
	[tilespmem:$0x18800] =	vst v63  }
0x2a8: {  	_ =	swait.ge [sflag:s10], $0xC000  }
0x2a9: {  	[sflag:s10] =	ssyncset.done $0x0  }
0x2aa: {  	s12 =	rddreg [dreg:$0x9];
	[sflag:s10] =	ssyncadd.s32 $0xFFFF4000  }
0x2ab: {  	[hbm4b:s12+s2] =	stream.linear.scatter [tilespmem:s13], [sflag:$0x3], $0xC000, $0x38;
	[tilespmem:$0x18800] =	vst v63  }
0x2ac: {  	_ =	swait.ge [sflag:s8], $0xC000  }
0x2ad: {  	[sflag:s8] =	ssyncset.done $0x0  }
0x2ae: {  	[sflag:s8] =	ssyncadd.s32 $0xFFFF4000  }
0x2af: {  	v3 =	vld [tilespmem:$0x400];
	_ =	sdelay $0x4  }
0x2b0: {  	v32 =	vshrl.u32 v3, $0x3  }
0x2b1: {  	v4 =	vmul.u32 $0x30, v32  }
0x2b2: {  	v3 =	vand.u32 $0x7, v3  }
0x2b3: {  	v3 =	vor.u32 v3, v4  }
0x2b4: {  	v4 =	vperm.xlane v3, v0;
	_ =	sdelay $0x1  }
0x2b5: {  	v4 =	vadd.s32 v1, v4;
	_ =	sdelay $0x3  }
0x2b6: {  	v3 =	vperm.xlane v3, v2  }
0x2b7: {  	[tilespmem:s13], [sflag:$0x1] =	stream.indirect_vreg.gather [hbm4b:s4+s2], $0x80, v4, vm0, $0xb8;
	[tilespmem:$0x18800] =	vst v63  }
0x2b8: {  	s12 =	simm.s32 $0x1000;
	v3 =	vadd.s32 v1, v3  }
0x2b9: {  	[tilespmem:s12], [sflag:$0x1] =	stream.indirect_vreg.gather [hbm4b:s5+s2], $0x80, v4, vm0, $0xb8;
	[tilespmem:$0x18800] =	vst v63  }
0x2ba: {  	s12 =	simm.s32 $0x1800  }
0x2bb: {  	[tilespmem:s12], [sflag:$0x1] =	stream.indirect_vreg.gather [hbm4b:s6+s2], $0x80, v4, vm0, $0xb8;
	[tilespmem:$0x18800] =	vst v63  }
0x2bc: {  	s1 =	simm.s32 $0x2000  }
0x2bd: {  	[tilespmem:s1], [sflag:$0x1] =	stream.indirect_vreg.gather [hbm4b:s4+s2], $0x80, v3, vm0, $0xb8;
	[tilespmem:$0x18800] =	vst v63  }
0x2be: {  	s9 =	simm.s32 $0x2800  }
0x2bf: {  	[tilespmem:s9], [sflag:$0x1] =	stream.indirect_vreg.gather [hbm4b:s5+s2], $0x80, v3, vm0, $0xb8;
	[tilespmem:$0x18800] =	vst v63  }
0x2c0: {  	s12 =	simm.s32 $0x3000  }
0x2c1: {  	[tilespmem:s12], [sflag:$0x1] =	stream.indirect_vreg.gather [hbm4b:s6+s2], $0x80, v3, vm0, $0xb8;
	[tilespmem:$0x18800] =	vst v63  }
0x2c2: {  	v3 =	vld [tilespmem:$0x410];
	_ =	sdelay $0x4  }
0x2c3: {  	v33 =	vshrl.u32 v3, $0x3  }
0x2c4: {  	v4 =	vmul.u32 $0x30, v33  }
0x2c5: {  	v3 =	vand.u32 $0x7, v3  }
0x2c6: {  	v3 =	vor.u32 v3, v4  }
0x2c7: {  	v4 =	vperm.xlane v3, v0;
	_ =	sdelay $0x1  }
0x2c8: {  	v4 =	vadd.s32 v1, v4;
	_ =	sdelay $0x3  }
0x2c9: {  	s12 =	simm.s32 $0x3800;
	v3 =	vperm.xlane v3, v2  }
0x2ca: {  	[tilespmem:s12], [sflag:$0x1] =	stream.indirect_vreg.gather [hbm4b:s4+s2], $0x80, v4, vm0, $0xb8;
	[tilespmem:$0x18800] =	vst v63  }
0x2cb: {  	s14 =	simm.s32 $0x4000;
	v3 =	vadd.s32 v1, v3  }
0x2cc: {  	[tilespmem:s14], [sflag:$0x1] =	stream.indirect_vreg.gather [hbm4b:s5+s2], $0x80, v4, vm0, $0xb8;
	[tilespmem:$0x18800] =	vst v63  }
0x2cd: {  	s15 =	simm.s32 $0x4800  }
0x2ce: {  	[tilespmem:s15], [sflag:$0x1] =	stream.indirect_vreg.gather [hbm4b:s6+s2], $0x80, v4, vm0, $0xb8;
	[tilespmem:$0x18800] =	vst v63  }
0x2cf: {  	s16 =	simm.s32 $0x5000  }
0x2d0: {  	[tilespmem:s16], [sflag:$0x1] =	stream.indirect_vreg.gather [hbm4b:s4+s2], $0x80, v3, vm0, $0xb8;
	[tilespmem:$0x18800] =	vst v63  }
0x2d1: {  	s17 =	simm.s32 $0x5800  }
0x2d2: {  	[tilespmem:s17], [sflag:$0x1] =	stream.indirect_vreg.gather [hbm4b:s5+s2], $0x80, v3, vm0, $0xb8;
	[tilespmem:$0x18800] =	vst v63  }
0x2d3: {  	s12 =	simm.s32 $0x6000  }
0x2d4: {  	[tilespmem:s12], [sflag:$0x1] =	stream.indirect_vreg.gather [hbm4b:s6+s2], $0x80, v3, vm0, $0xb8;
	[tilespmem:$0x18800] =	vst v63  }
0x2d5: {  	v3 =	vld [tilespmem:$0x420];
	_ =	sdelay $0x4  }
0x2d6: {  	v34 =	vshrl.u32 v3, $0x3  }
0x2d7: {  	v4 =	vmul.u32 $0x30, v34  }
0x2d8: {  	v3 =	vand.u32 $0x7, v3  }
0x2d9: {  	v3 =	vor.u32 v3, v4  }
0x2da: {  	v4 =	vperm.xlane v3, v0;
	_ =	sdelay $0x1  }
0x2db: {  	v4 =	vadd.s32 v1, v4;
	_ =	sdelay $0x3  }
0x2dc: {  	s12 =	simm.s32 $0x6800;
	v3 =	vperm.xlane v3, v2  }
0x2dd: {  	[tilespmem:s12], [sflag:$0x1] =	stream.indirect_vreg.gather [hbm4b:s4+s2], $0x80, v4, vm0, $0xb8;
	[tilespmem:$0x18800] =	vst v63  }
0x2de: {  	s18 =	simm.s32 $0x7000;
	v3 =	vadd.s32 v1, v3  }
0x2df: {  	[tilespmem:s18], [sflag:$0x1] =	stream.indirect_vreg.gather [hbm4b:s5+s2], $0x80, v4, vm0, $0xb8;
	[tilespmem:$0x18800] =	vst v63  }
0x2e0: {  	s19 =	simm.s32 $0x7800  }
0x2e1: {  	[tilespmem:s19], [sflag:$0x1] =	stream.indirect_vreg.gather [hbm4b:s6+s2], $0x80, v4, vm0, $0xb8;
	[tilespmem:$0x18800] =	vst v63  }
0x2e2: {  	s20 =	simm.s32 $0x8000  }
0x2e3: {  	[tilespmem:s20], [sflag:$0x1] =	stream.indirect_vreg.gather [hbm4b:s4+s2], $0x80, v3, vm0, $0xb8;
	[tilespmem:$0x18800] =	vst v63  }
0x2e4: {  	s21 =	simm.s32 $0x8800  }
0x2e5: {  	[tilespmem:s21], [sflag:$0x1] =	stream.indirect_vreg.gather [hbm4b:s5+s2], $0x80, v3, vm0, $0xb8;
	[tilespmem:$0x18800] =	vst v63  }
0x2e6: {  	s12 =	simm.s32 $0x9000  }
0x2e7: {  	[tilespmem:s12], [sflag:$0x1] =	stream.indirect_vreg.gather [hbm4b:s6+s2], $0x80, v3, vm0, $0xb8;
	[tilespmem:$0x18800] =	vst v63  }
0x2e8: {  	v3 =	vld [tilespmem:$0x430];
	_ =	sdelay $0x4  }
0x2e9: {  	v35 =	vshrl.u32 v3, $0x3  }
0x2ea: {  	v4 =	vmul.u32 $0x30, v35  }
0x2eb: {  	v3 =	vand.u32 $0x7, v3  }
0x2ec: {  	v3 =	vor.u32 v3, v4  }
0x2ed: {  	v4 =	vperm.xlane v3, v0;
	_ =	sdelay $0x1  }
0x2ee: {  	v4 =	vadd.s32 v1, v4;
	_ =	sdelay $0x3  }
0x2ef: {  	s12 =	simm.s32 $0x9800;
	v3 =	vperm.xlane v3, v2  }
0x2f0: {  	[tilespmem:s12], [sflag:$0x1] =	stream.indirect_vreg.gather [hbm4b:s4+s2], $0x80, v4, vm0, $0xb8;
	[tilespmem:$0x18800] =	vst v63  }
0x2f1: {  	s22 =	simm.s32 $0xA000;
	v3 =	vadd.s32 v1, v3  }
0x2f2: {  	[tilespmem:s22], [sflag:$0x1] =	stream.indirect_vreg.gather [hbm4b:s5+s2], $0x80, v4, vm0, $0xb8;
	[tilespmem:$0x18800] =	vst v63  }
0x2f3: {  	s23 =	simm.s32 $0xA800  }
0x2f4: {  	[tilespmem:s23], [sflag:$0x1] =	stream.indirect_vreg.gather [hbm4b:s6+s2], $0x80, v4, vm0, $0xb8;
	[tilespmem:$0x18800] =	vst v63  }
0x2f5: {  	s24 =	simm.s32 $0xB000  }
0x2f6: {  	[tilespmem:s24], [sflag:$0x1] =	stream.indirect_vreg.gather [hbm4b:s4+s2], $0x80, v3, vm0, $0xb8;
	[tilespmem:$0x18800] =	vst v63  }
0x2f7: {  	s0 =	simm.s32 $0xB800  }
0x2f8: {  	[tilespmem:s0], [sflag:$0x1] =	stream.indirect_vreg.gather [hbm4b:s5+s2], $0x80, v3, vm0, $0xb8;
	[tilespmem:$0x18800] =	vst v63  }
0x2f9: {  	s12 =	simm.s32 $0xC000  }
0x2fa: {  	[tilespmem:s12], [sflag:$0x1] =	stream.indirect_vreg.gather [hbm4b:s6+s2], $0x80, v3, vm0, $0xb8;
	[tilespmem:$0x18800] =	vst v63  }
0x2fb: {  	_ =	swait.ge [sflag:s11], $0xC000  }
0x2fc: {  	[sflag:s11] =	ssyncset.done $0x0  }
0x2fd: {  	s12 =	rddreg [dreg:$0xa];
	[sflag:s11] =	ssyncadd.s32 $0xFFFF4000  }
0x2fe: {  	[hbm4b:s12+s2] =	stream.linear.scatter [tilespmem:s3], [sflag:$0x3], $0xC000, $0x38;
	[tilespmem:$0x18800] =	vst v63  }
0x2ff: {  	_ =	swait.ge [sflag:s8], $0xC000  }
0x300: {  	[sflag:s8] =	ssyncset.done $0x0  }
0x301: {  	[sflag:s8] =	ssyncadd.s32 $0xFFFF4000  }
0x302: {  	v3 =	vld [tilespmem:$0x480];
	_ =	sdelay $0x4  }
0x303: {  	v36 =	vshrl.u32 v3, $0x3  }
0x304: {  	v4 =	vmul.u32 $0x30, v36  }
0x305: {  	v3 =	vand.u32 $0x7, v3  }
0x306: {  	v3 =	vor.u32 v3, v4  }
0x307: {  	v4 =	vperm.xlane v3, v0;
	_ =	sdelay $0x1  }
0x308: {  	v4 =	vadd.s32 v1, v4;
	_ =	sdelay $0x3  }
0x309: {  	v3 =	vperm.xlane v3, v2  }
0x30a: {  	[tilespmem:s3], [sflag:$0x2] =	stream.indirect_vreg.gather [hbm4b:s4+s2], $0x80, v4, vm0, $0xb8;
	[tilespmem:$0x18800] =	vst v63  }
0x30b: {  	s7 =	simm.s32 $0xD000;
	v3 =	vadd.s32 v1, v3  }
0x30c: {  	[tilespmem:s7], [sflag:$0x2] =	stream.indirect_vreg.gather [hbm4b:s5+s2], $0x80, v4, vm0, $0xb8;
	[tilespmem:$0x18800] =	vst v63  }
0x30d: {  	s25 =	simm.s32 $0xD800  }
0x30e: {  	[tilespmem:s25], [sflag:$0x2] =	stream.indirect_vreg.gather [hbm4b:s6+s2], $0x80, v4, vm0, $0xb8;
	[tilespmem:$0x18800] =	vst v63  }
0x30f: {  	s26 =	simm.s32 $0xE000  }
0x310: {  	[tilespmem:s26], [sflag:$0x2] =	stream.indirect_vreg.gather [hbm4b:s4+s2], $0x80, v3, vm0, $0xb8;
	[tilespmem:$0x18800] =	vst v63  }
0x311: {  	s12 =	simm.s32 $0xE800  }
0x312: {  	[tilespmem:s12], [sflag:$0x2] =	stream.indirect_vreg.gather [hbm4b:s5+s2], $0x80, v3, vm0, $0xb8;
	[tilespmem:$0x18800] =	vst v63  }
0x313: {  	s12 =	simm.s32 $0xF000  }
0x314: {  	[tilespmem:s12], [sflag:$0x2] =	stream.indirect_vreg.gather [hbm4b:s6+s2], $0x80, v3, vm0, $0xb8;
	[tilespmem:$0x18800] =	vst v63  }
0x315: {  	v3 =	vld [tilespmem:$0x490];
	_ =	sdelay $0x4  }
0x316: {  	v37 =	vshrl.u32 v3, $0x3  }
0x317: {  	v4 =	vmul.u32 $0x30, v37  }
0x318: {  	v3 =	vand.u32 $0x7, v3  }
0x319: {  	v3 =	vor.u32 v3, v4  }
0x31a: {  	v4 =	vperm.xlane v3, v0;
	_ =	sdelay $0x1  }
0x31b: {  	v4 =	vadd.s32 v1, v4;
	_ =	sdelay $0x3  }
0x31c: {  	s12 =	simm.s32 $0xF800;
	v3 =	vperm.xlane v3, v2  }
0x31d: {  	[tilespmem:s12], [sflag:$0x2] =	stream.indirect_vreg.gather [hbm4b:s4+s2], $0x80, v4, vm0, $0xb8;
	[tilespmem:$0x18800] =	vst v63  }
0x31e: {  	s28 =	simm.s32 $0x10000;
	v3 =	vadd.s32 v1, v3  }
0x31f: {  	[tilespmem:s28], [sflag:$0x2] =	stream.indirect_vreg.gather [hbm4b:s5+s2], $0x80, v4, vm0, $0xb8;
	[tilespmem:$0x18800] =	vst v63  }
0x320: {  	s12 =	simm.s32 $0x10800  }
0x321: {  	[tilespmem:s12], [sflag:$0x2] =	stream.indirect_vreg.gather [hbm4b:s6+s2], $0x80, v4, vm0, $0xb8;
	[tilespmem:$0x18800] =	vst v63  }
0x322: {  	s12 =	simm.s32 $0x11000  }
0x323: {  	[tilespmem:s12], [sflag:$0x2] =	stream.indirect_vreg.gather [hbm4b:s4+s2], $0x80, v3, vm0, $0xb8;
	[tilespmem:$0x18800] =	vst v63  }
0x324: {  	s12 =	simm.s32 $0x11800  }
0x325: {  	[tilespmem:s12], [sflag:$0x2] =	stream.indirect_vreg.gather [hbm4b:s5+s2], $0x80, v3, vm0, $0xb8;
	[tilespmem:$0x18800] =	vst v63  }
0x326: {  	s12 =	simm.s32 $0x12000  }
0x327: {  	[tilespmem:s12], [sflag:$0x2] =	stream.indirect_vreg.gather [hbm4b:s6+s2], $0x80, v3, vm0, $0xb8;
	[tilespmem:$0x18800] =	vst v63  }
0x328: {  	v3 =	vld [tilespmem:$0x4A0];
	_ =	sdelay $0x4  }
0x329: {  	v38 =	vshrl.u32 v3, $0x3  }
0x32a: {  	v4 =	vmul.u32 $0x30, v38  }
0x32b: {  	v3 =	vand.u32 $0x7, v3  }
0x32c: {  	v3 =	vor.u32 v3, v4  }
0x32d: {  	v4 =	vperm.xlane v3, v0;
	_ =	sdelay $0x1  }
0x32e: {  	v4 =	vadd.s32 v1, v4;
	_ =	sdelay $0x3  }
0x32f: {  	s12 =	simm.s32 $0x12800;
	v3 =	vperm.xlane v3, v2  }
0x330: {  	[tilespmem:s12], [sflag:$0x2] =	stream.indirect_vreg.gather [hbm4b:s4+s2], $0x80, v4, vm0, $0xb8;
	[tilespmem:$0x18800] =	vst v63  }
0x331: {  	s29 =	simm.s32 $0x13000;
	v3 =	vadd.s32 v1, v3  }
0x332: {  	[tilespmem:s29], [sflag:$0x2] =	stream.indirect_vreg.gather [hbm4b:s5+s2], $0x80, v4, vm0, $0xb8;
	[tilespmem:$0x18800] =	vst v63  }
0x333: {  	s30 =	simm.s32 $0x13800  }
0x334: {  	[tilespmem:s30], [sflag:$0x2] =	stream.indirect_vreg.gather [hbm4b:s6+s2], $0x80, v4, vm0, $0xb8;
	[tilespmem:$0x18800] =	vst v63  }
0x335: {  	s12 =	simm.s32 $0x14000  }
0x336: {  	[tilespmem:s12], [sflag:$0x2] =	stream.indirect_vreg.gather [hbm4b:s4+s2], $0x80, v3, vm0, $0xb8;
	[tilespmem:$0x18800] =	vst v63  }
0x337: {  	s12 =	simm.s32 $0x14800  }
0x338: {  	[tilespmem:s12], [sflag:$0x2] =	stream.indirect_vreg.gather [hbm4b:s5+s2], $0x80, v3, vm0, $0xb8;
	[tilespmem:$0x18800] =	vst v63  }
0x339: {  	s12 =	simm.s32 $0x15000  }
0x33a: {  	[tilespmem:s12], [sflag:$0x2] =	stream.indirect_vreg.gather [hbm4b:s6+s2], $0x80, v3, vm0, $0xb8;
	[tilespmem:$0x18800] =	vst v63  }
0x33b: {  	v3 =	vld [tilespmem:$0x4B0];
	_ =	sdelay $0x4  }
0x33c: {  	v39 =	vshrl.u32 v3, $0x3  }
0x33d: {  	v4 =	vmul.u32 $0x30, v39  }
0x33e: {  	v3 =	vand.u32 $0x7, v3  }
0x33f: {  	v3 =	vor.u32 v3, v4  }
0x340: {  	v4 =	vperm.xlane v3, v0;
	_ =	sdelay $0x1  }
0x341: {  	v4 =	vadd.s32 v1, v4;
	_ =	sdelay $0x3  }
0x342: {  	s12 =	simm.s32 $0x15800;
	v3 =	vperm.xlane v3, v2  }
0x343: {  	[tilespmem:s12], [sflag:$0x2] =	stream.indirect_vreg.gather [hbm4b:s4+s2], $0x80, v4, vm0, $0xb8;
	[tilespmem:$0x18800] =	vst v63  }
0x344: {  	s31 =	simm.s32 $0x16000;
	v3 =	vadd.s32 v1, v3  }
0x345: {  	[tilespmem:s31], [sflag:$0x2] =	stream.indirect_vreg.gather [hbm4b:s5+s2], $0x80, v4, vm0, $0xb8;
	[tilespmem:$0x18800] =	vst v63  }
0x346: {  	s12 =	simm.s32 $0x16800  }
0x347: {  	[tilespmem:s12], [sflag:$0x2] =	stream.indirect_vreg.gather [hbm4b:s6+s2], $0x80, v4, vm0, $0xb8;
	[tilespmem:$0x18800] =	vst v63  }
0x348: {  	s12 =	simm.s32 $0x17000  }
0x349: {  	[tilespmem:s12], [sflag:$0x2] =	stream.indirect_vreg.gather [hbm4b:s4+s2], $0x80, v3, vm0, $0xb8;
	[tilespmem:$0x18800] =	vst v63  }
0x34a: {  	s12 =	simm.s32 $0x17800  }
0x34b: {  	[tilespmem:s12], [sflag:$0x2] =	stream.indirect_vreg.gather [hbm4b:s5+s2], $0x80, v3, vm0, $0xb8;
	[tilespmem:$0x18800] =	vst v63  }
0x34c: {  	s12 =	simm.s32 $0x18000  }
0x34d: {  	[tilespmem:s12], [sflag:$0x2] =	stream.indirect_vreg.gather [hbm4b:s6+s2], $0x80, v3, vm0, $0xb8;
	[tilespmem:$0x18800] =	vst v63  }
0x34e: {  	_ =	swait.ge [sflag:s10], $0xC000  }
0x34f: {  	[sflag:s10] =	ssyncset.done $0x0  }
0x350: {  	s12 =	rddreg [dreg:$0xb];
	[sflag:s10] =	ssyncadd.s32 $0xFFFF4000  }
0x351: {  	[hbm4b:s12+s2] =	stream.linear.scatter [tilespmem:s13], [sflag:$0x3], $0xC000, $0x38;
	[tilespmem:$0x18800] =	vst v63  }
0x352: {  	_ =	swait.ge [sflag:s8], $0xC000  }
0x353: {  	[sflag:s8] =	ssyncset.done $0x0  }
0x354: {  	[sflag:s8] =	ssyncadd.s32 $0xFFFF4000  }
0x355: {  	v3 =	vld [tilespmem:$0x500];
	_ =	sdelay $0x4  }
0x356: {  	v40 =	vshrl.u32 v3, $0x3  }
0x357: {  	v4 =	vmul.u32 $0x30, v40  }
0x358: {  	v3 =	vand.u32 $0x7, v3  }
0x359: {  	v3 =	vor.u32 v3, v4  }
0x35a: {  	v4 =	vperm.xlane v3, v0;
	_ =	sdelay $0x1  }
0x35b: {  	v4 =	vadd.s32 v1, v4;
	_ =	sdelay $0x3  }
0x35c: {  	v3 =	vperm.xlane v3, v2  }
0x35d: {  	[tilespmem:s13], [sflag:$0x1] =	stream.indirect_vreg.gather [hbm4b:s4+s2], $0x80, v4, vm0, $0xb8;
	[tilespmem:$0x18800] =	vst v63  }
0x35e: {  	s12 =	simm.s32 $0x1000;
	v3 =	vadd.s32 v1, v3  }
0x35f: {  	[tilespmem:s12], [sflag:$0x1] =	stream.indirect_vreg.gather [hbm4b:s5+s2], $0x80, v4, vm0, $0xb8;
	[tilespmem:$0x18800] =	vst v63  }
0x360: {  	s12 =	simm.s32 $0x1800  }
0x361: {  	[tilespmem:s12], [sflag:$0x1] =	stream.indirect_vreg.gather [hbm4b:s6+s2], $0x80, v4, vm0, $0xb8;
	[tilespmem:$0x18800] =	vst v63  }
0x362: {  	s1 =	simm.s32 $0x2000  }
0x363: {  	[tilespmem:s1], [sflag:$0x1] =	stream.indirect_vreg.gather [hbm4b:s4+s2], $0x80, v3, vm0, $0xb8;
	[tilespmem:$0x18800] =	vst v63  }
0x364: {  	s9 =	simm.s32 $0x2800  }
0x365: {  	[tilespmem:s9], [sflag:$0x1] =	stream.indirect_vreg.gather [hbm4b:s5+s2], $0x80, v3, vm0, $0xb8;
	[tilespmem:$0x18800] =	vst v63  }
0x366: {  	s12 =	simm.s32 $0x3000  }
0x367: {  	[tilespmem:s12], [sflag:$0x1] =	stream.indirect_vreg.gather [hbm4b:s6+s2], $0x80, v3, vm0, $0xb8;
	[tilespmem:$0x18800] =	vst v63  }
0x368: {  	v3 =	vld [tilespmem:$0x510];
	_ =	sdelay $0x4  }
0x369: {  	v41 =	vshrl.u32 v3, $0x3  }
0x36a: {  	v4 =	vmul.u32 $0x30, v41  }
0x36b: {  	v3 =	vand.u32 $0x7, v3  }
0x36c: {  	v3 =	vor.u32 v3, v4  }
0x36d: {  	v4 =	vperm.xlane v3, v0;
	_ =	sdelay $0x1  }
0x36e: {  	v4 =	vadd.s32 v1, v4;
	_ =	sdelay $0x3  }
0x36f: {  	s12 =	simm.s32 $0x3800;
	v3 =	vperm.xlane v3, v2  }
0x370: {  	[tilespmem:s12], [sflag:$0x1] =	stream.indirect_vreg.gather [hbm4b:s4+s2], $0x80, v4, vm0, $0xb8;
	[tilespmem:$0x18800] =	vst v63  }
0x371: {  	s14 =	simm.s32 $0x4000;
	v3 =	vadd.s32 v1, v3  }
0x372: {  	[tilespmem:s14], [sflag:$0x1] =	stream.indirect_vreg.gather [hbm4b:s5+s2], $0x80, v4, vm0, $0xb8;
	[tilespmem:$0x18800] =	vst v63  }
0x373: {  	s15 =	simm.s32 $0x4800  }
0x374: {  	[tilespmem:s15], [sflag:$0x1] =	stream.indirect_vreg.gather [hbm4b:s6+s2], $0x80, v4, vm0, $0xb8;
	[tilespmem:$0x18800] =	vst v63  }
0x375: {  	s16 =	simm.s32 $0x5000  }
0x376: {  	[tilespmem:s16], [sflag:$0x1] =	stream.indirect_vreg.gather [hbm4b:s4+s2], $0x80, v3, vm0, $0xb8;
	[tilespmem:$0x18800] =	vst v63  }
0x377: {  	s17 =	simm.s32 $0x5800  }
0x378: {  	[tilespmem:s17], [sflag:$0x1] =	stream.indirect_vreg.gather [hbm4b:s5+s2], $0x80, v3, vm0, $0xb8;
	[tilespmem:$0x18800] =	vst v63  }
0x379: {  	s12 =	simm.s32 $0x6000  }
0x37a: {  	[tilespmem:s12], [sflag:$0x1] =	stream.indirect_vreg.gather [hbm4b:s6+s2], $0x80, v3, vm0, $0xb8;
	[tilespmem:$0x18800] =	vst v63  }
0x37b: {  	v3 =	vld [tilespmem:$0x520];
	_ =	sdelay $0x4  }
0x37c: {  	v42 =	vshrl.u32 v3, $0x3  }
0x37d: {  	v4 =	vmul.u32 $0x30, v42  }
0x37e: {  	v3 =	vand.u32 $0x7, v3  }
0x37f: {  	v3 =	vor.u32 v3, v4  }
0x380: {  	v4 =	vperm.xlane v3, v0;
	_ =	sdelay $0x1  }
0x381: {  	v4 =	vadd.s32 v1, v4;
	_ =	sdelay $0x3  }
0x382: {  	s12 =	simm.s32 $0x6800;
	v3 =	vperm.xlane v3, v2  }
0x383: {  	[tilespmem:s12], [sflag:$0x1] =	stream.indirect_vreg.gather [hbm4b:s4+s2], $0x80, v4, vm0, $0xb8;
	[tilespmem:$0x18800] =	vst v63  }
0x384: {  	s18 =	simm.s32 $0x7000;
	v3 =	vadd.s32 v1, v3  }
0x385: {  	[tilespmem:s18], [sflag:$0x1] =	stream.indirect_vreg.gather [hbm4b:s5+s2], $0x80, v4, vm0, $0xb8;
	[tilespmem:$0x18800] =	vst v63  }
0x386: {  	s19 =	simm.s32 $0x7800  }
0x387: {  	[tilespmem:s19], [sflag:$0x1] =	stream.indirect_vreg.gather [hbm4b:s6+s2], $0x80, v4, vm0, $0xb8;
	[tilespmem:$0x18800] =	vst v63  }
0x388: {  	s20 =	simm.s32 $0x8000  }
0x389: {  	[tilespmem:s20], [sflag:$0x1] =	stream.indirect_vreg.gather [hbm4b:s4+s2], $0x80, v3, vm0, $0xb8;
	[tilespmem:$0x18800] =	vst v63  }
0x38a: {  	s21 =	simm.s32 $0x8800  }
0x38b: {  	[tilespmem:s21], [sflag:$0x1] =	stream.indirect_vreg.gather [hbm4b:s5+s2], $0x80, v3, vm0, $0xb8;
	[tilespmem:$0x18800] =	vst v63  }
0x38c: {  	s12 =	simm.s32 $0x9000  }
0x38d: {  	[tilespmem:s12], [sflag:$0x1] =	stream.indirect_vreg.gather [hbm4b:s6+s2], $0x80, v3, vm0, $0xb8;
	[tilespmem:$0x18800] =	vst v63  }
0x38e: {  	v3 =	vld [tilespmem:$0x530];
	_ =	sdelay $0x4  }
0x38f: {  	v43 =	vshrl.u32 v3, $0x3  }
0x390: {  	v4 =	vmul.u32 $0x30, v43  }
0x391: {  	v3 =	vand.u32 $0x7, v3  }
0x392: {  	v3 =	vor.u32 v3, v4  }
0x393: {  	v4 =	vperm.xlane v3, v0;
	_ =	sdelay $0x1  }
0x394: {  	v4 =	vadd.s32 v1, v4;
	_ =	sdelay $0x3  }
0x395: {  	s12 =	simm.s32 $0x9800;
	v3 =	vperm.xlane v3, v2  }
0x396: {  	[tilespmem:s12], [sflag:$0x1] =	stream.indirect_vreg.gather [hbm4b:s4+s2], $0x80, v4, vm0, $0xb8;
	[tilespmem:$0x18800] =	vst v63  }
0x397: {  	s22 =	simm.s32 $0xA000;
	v3 =	vadd.s32 v1, v3  }
0x398: {  	[tilespmem:s22], [sflag:$0x1] =	stream.indirect_vreg.gather [hbm4b:s5+s2], $0x80, v4, vm0, $0xb8;
	[tilespmem:$0x18800] =	vst v63  }
0x399: {  	s23 =	simm.s32 $0xA800  }
0x39a: {  	[tilespmem:s23], [sflag:$0x1] =	stream.indirect_vreg.gather [hbm4b:s6+s2], $0x80, v4, vm0, $0xb8;
	[tilespmem:$0x18800] =	vst v63  }
0x39b: {  	s24 =	simm.s32 $0xB000  }
0x39c: {  	[tilespmem:s24], [sflag:$0x1] =	stream.indirect_vreg.gather [hbm4b:s4+s2], $0x80, v3, vm0, $0xb8;
	[tilespmem:$0x18800] =	vst v63  }
0x39d: {  	s0 =	simm.s32 $0xB800  }
0x39e: {  	[tilespmem:s0], [sflag:$0x1] =	stream.indirect_vreg.gather [hbm4b:s5+s2], $0x80, v3, vm0, $0xb8;
	[tilespmem:$0x18800] =	vst v63  }
0x39f: {  	s12 =	simm.s32 $0xC000  }
0x3a0: {  	[tilespmem:s12], [sflag:$0x1] =	stream.indirect_vreg.gather [hbm4b:s6+s2], $0x80, v3, vm0, $0xb8;
	[tilespmem:$0x18800] =	vst v63  }
0x3a1: {  	_ =	swait.ge [sflag:s11], $0xC000  }
0x3a2: {  	[sflag:s11] =	ssyncset.done $0x0  }
0x3a3: {  	s0 =	rddreg [dreg:$0xc];
	[sflag:s11] =	ssyncadd.s32 $0xFFFF4000  }
0x3a4: {  	[hbm4b:s0+s2] =	stream.linear.scatter [tilespmem:s3], [sflag:$0x3], $0xC000, $0x38;
	[tilespmem:$0x18800] =	vst v63  }
0x3a5: {  	_ =	swait.ge [sflag:s8], $0xC000  }
0x3a6: {  	[sflag:s8] =	ssyncset.done $0x0  }
0x3a7: {  	[sflag:s8] =	ssyncadd.s32 $0xFFFF4000  }
0x3a8: {  	v3 =	vld [tilespmem:$0x580];
	_ =	sdelay $0x4  }
0x3a9: {  	v44 =	vshrl.u32 v3, $0x3  }
0x3aa: {  	v4 =	vmul.u32 $0x30, v44  }
0x3ab: {  	v3 =	vand.u32 $0x7, v3  }
0x3ac: {  	v3 =	vor.u32 v3, v4  }
0x3ad: {  	v4 =	vperm.xlane v3, v0;
	_ =	sdelay $0x1  }
0x3ae: {  	v4 =	vadd.s32 v1, v4;
	_ =	sdelay $0x3  }
0x3af: {  	v3 =	vperm.xlane v3, v2  }
0x3b0: {  	[tilespmem:s3], [sflag:$0x2] =	stream.indirect_vreg.gather [hbm4b:s4+s2], $0x80, v4, vm0, $0xb8;
	[tilespmem:$0x18800] =	vst v63  }
0x3b1: {  	s7 =	simm.s32 $0xD000;
	v3 =	vadd.s32 v1, v3  }
0x3b2: {  	[tilespmem:s7], [sflag:$0x2] =	stream.indirect_vreg.gather [hbm4b:s5+s2], $0x80, v4, vm0, $0xb8;
	[tilespmem:$0x18800] =	vst v63  }
0x3b3: {  	s25 =	simm.s32 $0xD800  }
0x3b4: {  	[tilespmem:s25], [sflag:$0x2] =	stream.indirect_vreg.gather [hbm4b:s6+s2], $0x80, v4, vm0, $0xb8;
	[tilespmem:$0x18800] =	vst v63  }
0x3b5: {  	s26 =	simm.s32 $0xE000  }
0x3b6: {  	[tilespmem:s26], [sflag:$0x2] =	stream.indirect_vreg.gather [hbm4b:s4+s2], $0x80, v3, vm0, $0xb8;
	[tilespmem:$0x18800] =	vst v63  }
0x3b7: {  	s1 =	simm.s32 $0xE800  }
0x3b8: {  	[tilespmem:s1], [sflag:$0x2] =	stream.indirect_vreg.gather [hbm4b:s5+s2], $0x80, v3, vm0, $0xb8;
	[tilespmem:$0x18800] =	vst v63  }
0x3b9: {  	s7 =	simm.s32 $0xF000  }
0x3ba: {  	[tilespmem:s7], [sflag:$0x2] =	stream.indirect_vreg.gather [hbm4b:s6+s2], $0x80, v3, vm0, $0xb8;
	[tilespmem:$0x18800] =	vst v63  }
0x3bb: {  	v3 =	vld [tilespmem:$0x590];
	_ =	sdelay $0x4  }
0x3bc: {  	v45 =	vshrl.u32 v3, $0x3  }
0x3bd: {  	v4 =	vmul.u32 $0x30, v45  }
0x3be: {  	v3 =	vand.u32 $0x7, v3  }
0x3bf: {  	v3 =	vor.u32 v3, v4  }
0x3c0: {  	v4 =	vperm.xlane v3, v0;
	_ =	sdelay $0x1  }
0x3c1: {  	v4 =	vadd.s32 v1, v4;
	_ =	sdelay $0x3  }
0x3c2: {  	s12 =	simm.s32 $0xF800;
	v3 =	vperm.xlane v3, v2  }
0x3c3: {  	[tilespmem:s12], [sflag:$0x2] =	stream.indirect_vreg.gather [hbm4b:s4+s2], $0x80, v4, vm0, $0xb8;
	[tilespmem:$0x18800] =	vst v63  }
0x3c4: {  	s28 =	simm.s32 $0x10000;
	v3 =	vadd.s32 v1, v3  }
0x3c5: {  	[tilespmem:s28], [sflag:$0x2] =	stream.indirect_vreg.gather [hbm4b:s5+s2], $0x80, v4, vm0, $0xb8;
	[tilespmem:$0x18800] =	vst v63  }
0x3c6: {  	s25 =	simm.s32 $0x10800  }
0x3c7: {  	[tilespmem:s25], [sflag:$0x2] =	stream.indirect_vreg.gather [hbm4b:s6+s2], $0x80, v4, vm0, $0xb8;
	[tilespmem:$0x18800] =	vst v63  }
0x3c8: {  	s26 =	simm.s32 $0x11000  }
0x3c9: {  	[tilespmem:s26], [sflag:$0x2] =	stream.indirect_vreg.gather [hbm4b:s4+s2], $0x80, v3, vm0, $0xb8;
	[tilespmem:$0x18800] =	vst v63  }
0x3ca: {  	s28 =	simm.s32 $0x11800  }
0x3cb: {  	[tilespmem:s28], [sflag:$0x2] =	stream.indirect_vreg.gather [hbm4b:s5+s2], $0x80, v3, vm0, $0xb8;
	[tilespmem:$0x18800] =	vst v63  }
0x3cc: {  	s1 =	simm.s32 $0x12000  }
0x3cd: {  	[tilespmem:s1], [sflag:$0x2] =	stream.indirect_vreg.gather [hbm4b:s6+s2], $0x80, v3, vm0, $0xb8;
	[tilespmem:$0x18800] =	vst v63  }
0x3ce: {  	v3 =	vld [tilespmem:$0x5A0];
	_ =	sdelay $0x4  }
0x3cf: {  	v46 =	vshrl.u32 v3, $0x3  }
0x3d0: {  	v4 =	vmul.u32 $0x30, v46  }
0x3d1: {  	v3 =	vand.u32 $0x7, v3  }
0x3d2: {  	v3 =	vor.u32 v3, v4  }
0x3d3: {  	v4 =	vperm.xlane v3, v0;
	_ =	sdelay $0x1  }
0x3d4: {  	v4 =	vadd.s32 v1, v4;
	_ =	sdelay $0x3  }
0x3d5: {  	s7 =	simm.s32 $0x12800;
	v3 =	vperm.xlane v3, v2  }
0x3d6: {  	[tilespmem:s7], [sflag:$0x2] =	stream.indirect_vreg.gather [hbm4b:s4+s2], $0x80, v4, vm0, $0xb8;
	[tilespmem:$0x18800] =	vst v63  }
0x3d7: {  	s29 =	simm.s32 $0x13000;
	v3 =	vadd.s32 v1, v3  }
0x3d8: {  	[tilespmem:s29], [sflag:$0x2] =	stream.indirect_vreg.gather [hbm4b:s5+s2], $0x80, v4, vm0, $0xb8;
	[tilespmem:$0x18800] =	vst v63  }
0x3d9: {  	s30 =	simm.s32 $0x13800  }
0x3da: {  	[tilespmem:s30], [sflag:$0x2] =	stream.indirect_vreg.gather [hbm4b:s6+s2], $0x80, v4, vm0, $0xb8;
	[tilespmem:$0x18800] =	vst v63  }
0x3db: {  	s12 =	simm.s32 $0x14000  }
0x3dc: {  	[tilespmem:s12], [sflag:$0x2] =	stream.indirect_vreg.gather [hbm4b:s4+s2], $0x80, v3, vm0, $0xb8;
	[tilespmem:$0x18800] =	vst v63  }
0x3dd: {  	s25 =	simm.s32 $0x14800  }
0x3de: {  	[tilespmem:s25], [sflag:$0x2] =	stream.indirect_vreg.gather [hbm4b:s5+s2], $0x80, v3, vm0, $0xb8;
	[tilespmem:$0x18800] =	vst v63  }
0x3df: {  	s26 =	simm.s32 $0x15000  }
0x3e0: {  	[tilespmem:s26], [sflag:$0x2] =	stream.indirect_vreg.gather [hbm4b:s6+s2], $0x80, v3, vm0, $0xb8;
	[tilespmem:$0x18800] =	vst v63  }
0x3e1: {  	v3 =	vld [tilespmem:$0x5B0];
	_ =	sdelay $0x4  }
0x3e2: {  	v47 =	vshrl.u32 v3, $0x3  }
0x3e3: {  	v4 =	vmul.u32 $0x30, v47  }
0x3e4: {  	v3 =	vand.u32 $0x7, v3  }
0x3e5: {  	v3 =	vor.u32 v3, v4  }
0x3e6: {  	v4 =	vperm.xlane v3, v0;
	_ =	sdelay $0x1  }
0x3e7: {  	v4 =	vadd.s32 v1, v4;
	_ =	sdelay $0x3  }
0x3e8: {  	s28 =	simm.s32 $0x15800;
	v3 =	vperm.xlane v3, v2  }
0x3e9: {  	[tilespmem:s28], [sflag:$0x2] =	stream.indirect_vreg.gather [hbm4b:s4+s2], $0x80, v4, vm0, $0xb8;
	[tilespmem:$0x18800] =	vst v63  }
0x3ea: {  	s31 =	simm.s32 $0x16000;
	v3 =	vadd.s32 v1, v3  }
0x3eb: {  	[tilespmem:s31], [sflag:$0x2] =	stream.indirect_vreg.gather [hbm4b:s5+s2], $0x80, v4, vm0, $0xb8;
	[tilespmem:$0x18800] =	vst v63  }
0x3ec: {  	s29 =	simm.s32 $0x16800  }
0x3ed: {  	[tilespmem:s29], [sflag:$0x2] =	stream.indirect_vreg.gather [hbm4b:s6+s2], $0x80, v4, vm0, $0xb8;
	[tilespmem:$0x18800] =	vst v63  }
0x3ee: {  	s30 =	simm.s32 $0x17000  }
0x3ef: {  	[tilespmem:s30], [sflag:$0x2] =	stream.indirect_vreg.gather [hbm4b:s4+s2], $0x80, v3, vm0, $0xb8;
	[tilespmem:$0x18800] =	vst v63  }
0x3f0: {  	s31 =	simm.s32 $0x17800  }
0x3f1: {  	[tilespmem:s31], [sflag:$0x2] =	stream.indirect_vreg.gather [hbm4b:s5+s2], $0x80, v3, vm0, $0xb8;
	[tilespmem:$0x18800] =	vst v63  }
0x3f2: {  	s1 =	simm.s32 $0x18000  }
0x3f3: {  	[tilespmem:s1], [sflag:$0x2] =	stream.indirect_vreg.gather [hbm4b:s6+s2], $0x80, v3, vm0, $0xb8;
	[tilespmem:$0x18800] =	vst v63  }
0x3f4: {  	_ =	swait.ge [sflag:s10], $0xC000  }
0x3f5: {  	[sflag:s10] =	ssyncset.done $0x0  }
0x3f6: {  	s7 =	rddreg [dreg:$0xd];
	[sflag:s10] =	ssyncadd.s32 $0xFFFF4000  }
0x3f7: {  	[hbm4b:s7+s2] =	stream.linear.scatter [tilespmem:s13], [sflag:$0x3], $0xC000, $0x38;
	[tilespmem:$0x18800] =	vst v63  }
0x3f8: {  	_ =	swait.ge [sflag:s8], $0xC000  }
0x3f9: {  	[sflag:s8] =	ssyncset.done $0x0  }
0x3fa: {  	[sflag:s8] =	ssyncadd.s32 $0xFFFF4000  }
0x3fb: {  	v3 =	vld [tilespmem:$0x600];
	_ =	sdelay $0x4  }
0x3fc: {  	v48 =	vshrl.u32 v3, $0x3  }
0x3fd: {  	v4 =	vmul.u32 $0x30, v48  }
0x3fe: {  	v3 =	vand.u32 $0x7, v3  }
0x3ff: {  	v3 =	vor.u32 v3, v4  }
0x400: {  	v4 =	vperm.xlane v3, v0;
	_ =	sdelay $0x1  }
0x401: {  	v4 =	vadd.s32 v1, v4;
	_ =	sdelay $0x3  }
0x402: {  	v3 =	vperm.xlane v3, v2  }
0x403: {  	[tilespmem:s13], [sflag:$0x1] =	stream.indirect_vreg.gather [hbm4b:s4+s2], $0x80, v4, vm0, $0xb8;
	[tilespmem:$0x18800] =	vst v63  }
0x404: {  	s25 =	simm.s32 $0x1000;
	v3 =	vadd.s32 v1, v3  }
0x405: {  	[tilespmem:s25], [sflag:$0x1] =	stream.indirect_vreg.gather [hbm4b:s5+s2], $0x80, v4, vm0, $0xb8;
	[tilespmem:$0x18800] =	vst v63  }
0x406: {  	s26 =	simm.s32 $0x1800  }
0x407: {  	[tilespmem:s26], [sflag:$0x1] =	stream.indirect_vreg.gather [hbm4b:s6+s2], $0x80, v4, vm0, $0xb8;
	[tilespmem:$0x18800] =	vst v63  }
0x408: {  	s28 =	simm.s32 $0x2000  }
0x409: {  	[tilespmem:s28], [sflag:$0x1] =	stream.indirect_vreg.gather [hbm4b:s4+s2], $0x80, v3, vm0, $0xb8;
	[tilespmem:$0x18800] =	vst v63  }
0x40a: {  	s9 =	simm.s32 $0x2800  }
0x40b: {  	[tilespmem:s9], [sflag:$0x1] =	stream.indirect_vreg.gather [hbm4b:s5+s2], $0x80, v3, vm0, $0xb8;
	[tilespmem:$0x18800] =	vst v63  }
0x40c: {  	s29 =	simm.s32 $0x3000  }
0x40d: {  	[tilespmem:s29], [sflag:$0x1] =	stream.indirect_vreg.gather [hbm4b:s6+s2], $0x80, v3, vm0, $0xb8;
	[tilespmem:$0x18800] =	vst v63  }
0x40e: {  	v3 =	vld [tilespmem:$0x610];
	_ =	sdelay $0x4  }
0x40f: {  	v49 =	vshrl.u32 v3, $0x3  }
0x410: {  	v4 =	vmul.u32 $0x30, v49  }
0x411: {  	v3 =	vand.u32 $0x7, v3  }
0x412: {  	v3 =	vor.u32 v3, v4  }
0x413: {  	v4 =	vperm.xlane v3, v0;
	_ =	sdelay $0x1  }
0x414: {  	v4 =	vadd.s32 v1, v4;
	_ =	sdelay $0x3  }
0x415: {  	s30 =	simm.s32 $0x3800;
	v3 =	vperm.xlane v3, v2  }
0x416: {  	[tilespmem:s30], [sflag:$0x1] =	stream.indirect_vreg.gather [hbm4b:s4+s2], $0x80, v4, vm0, $0xb8;
	[tilespmem:$0x18800] =	vst v63  }
0x417: {  	s14 =	simm.s32 $0x4000;
	v3 =	vadd.s32 v1, v3  }
0x418: {  	[tilespmem:s14], [sflag:$0x1] =	stream.indirect_vreg.gather [hbm4b:s5+s2], $0x80, v4, vm0, $0xb8;
	[tilespmem:$0x18800] =	vst v63  }
0x419: {  	s15 =	simm.s32 $0x4800  }
0x41a: {  	[tilespmem:s15], [sflag:$0x1] =	stream.indirect_vreg.gather [hbm4b:s6+s2], $0x80, v4, vm0, $0xb8;
	[tilespmem:$0x18800] =	vst v63  }
0x41b: {  	s16 =	simm.s32 $0x5000  }
0x41c: {  	[tilespmem:s16], [sflag:$0x1] =	stream.indirect_vreg.gather [hbm4b:s4+s2], $0x80, v3, vm0, $0xb8;
	[tilespmem:$0x18800] =	vst v63  }
0x41d: {  	s17 =	simm.s32 $0x5800  }
0x41e: {  	[tilespmem:s17], [sflag:$0x1] =	stream.indirect_vreg.gather [hbm4b:s5+s2], $0x80, v3, vm0, $0xb8;
	[tilespmem:$0x18800] =	vst v63  }
0x41f: {  	s31 =	simm.s32 $0x6000  }
0x420: {  	[tilespmem:s31], [sflag:$0x1] =	stream.indirect_vreg.gather [hbm4b:s6+s2], $0x80, v3, vm0, $0xb8;
	[tilespmem:$0x18800] =	vst v63  }
0x421: {  	v3 =	vld [tilespmem:$0x620];
	_ =	sdelay $0x4  }
0x422: {  	v50 =	vshrl.u32 v3, $0x3  }
0x423: {  	v4 =	vmul.u32 $0x30, v50  }
0x424: {  	v3 =	vand.u32 $0x7, v3  }
0x425: {  	v3 =	vor.u32 v3, v4  }
0x426: {  	v4 =	vperm.xlane v3, v0;
	_ =	sdelay $0x1  }
0x427: {  	v4 =	vadd.s32 v1, v4;
	_ =	sdelay $0x3  }
0x428: {  	s25 =	simm.s32 $0x6800;
	v3 =	vperm.xlane v3, v2  }
0x429: {  	[tilespmem:s25], [sflag:$0x1] =	stream.indirect_vreg.gather [hbm4b:s4+s2], $0x80, v4, vm0, $0xb8;
	[tilespmem:$0x18800] =	vst v63  }
0x42a: {  	s18 =	simm.s32 $0x7000;
	v3 =	vadd.s32 v1, v3  }
0x42b: {  	[tilespmem:s18], [sflag:$0x1] =	stream.indirect_vreg.gather [hbm4b:s5+s2], $0x80, v4, vm0, $0xb8;
	[tilespmem:$0x18800] =	vst v63  }
0x42c: {  	s19 =	simm.s32 $0x7800  }
0x42d: {  	[tilespmem:s19], [sflag:$0x1] =	stream.indirect_vreg.gather [hbm4b:s6+s2], $0x80, v4, vm0, $0xb8;
	[tilespmem:$0x18800] =	vst v63  }
0x42e: {  	s20 =	simm.s32 $0x8000  }
0x42f: {  	[tilespmem:s20], [sflag:$0x1] =	stream.indirect_vreg.gather [hbm4b:s4+s2], $0x80, v3, vm0, $0xb8;
	[tilespmem:$0x18800] =	vst v63  }
0x430: {  	s21 =	simm.s32 $0x8800  }
0x431: {  	[tilespmem:s21], [sflag:$0x1] =	stream.indirect_vreg.gather [hbm4b:s5+s2], $0x80, v3, vm0, $0xb8;
	[tilespmem:$0x18800] =	vst v63  }
0x432: {  	s26 =	simm.s32 $0x9000  }
0x433: {  	[tilespmem:s26], [sflag:$0x1] =	stream.indirect_vreg.gather [hbm4b:s6+s2], $0x80, v3, vm0, $0xb8;
	[tilespmem:$0x18800] =	vst v63  }
0x434: {  	v3 =	vld [tilespmem:$0x630];
	_ =	sdelay $0x4  }
0x435: {  	v51 =	vshrl.u32 v3, $0x3  }
0x436: {  	v4 =	vmul.u32 $0x30, v51  }
0x437: {  	v3 =	vand.u32 $0x7, v3  }
0x438: {  	v3 =	vor.u32 v3, v4  }
0x439: {  	v4 =	vperm.xlane v3, v0;
	_ =	sdelay $0x1  }
0x43a: {  	v4 =	vadd.s32 v1, v4;
	_ =	sdelay $0x3  }
0x43b: {  	s28 =	simm.s32 $0x9800;
	v3 =	vperm.xlane v3, v2  }
0x43c: {  	[tilespmem:s28], [sflag:$0x1] =	stream.indirect_vreg.gather [hbm4b:s4+s2], $0x80, v4, vm0, $0xb8;
	[tilespmem:$0x18800] =	vst v63  }
0x43d: {  	s22 =	simm.s32 $0xA000;
	v3 =	vadd.s32 v1, v3  }
0x43e: {  	[tilespmem:s22], [sflag:$0x1] =	stream.indirect_vreg.gather [hbm4b:s5+s2], $0x80, v4, vm0, $0xb8;
	[tilespmem:$0x18800] =	vst v63  }
0x43f: {  	s23 =	simm.s32 $0xA800  }
0x440: {  	[tilespmem:s23], [sflag:$0x1] =	stream.indirect_vreg.gather [hbm4b:s6+s2], $0x80, v4, vm0, $0xb8;
	[tilespmem:$0x18800] =	vst v63  }
0x441: {  	s24 =	simm.s32 $0xB000  }
0x442: {  	[tilespmem:s24], [sflag:$0x1] =	stream.indirect_vreg.gather [hbm4b:s4+s2], $0x80, v3, vm0, $0xb8;
	[tilespmem:$0x18800] =	vst v63  }
0x443: {  	s29 =	simm.s32 $0xB800  }
0x444: {  	[tilespmem:s29], [sflag:$0x1] =	stream.indirect_vreg.gather [hbm4b:s5+s2], $0x80, v3, vm0, $0xb8;
	[tilespmem:$0x18800] =	vst v63  }
0x445: {  	s30 =	simm.s32 $0xC000  }
0x446: {  	[tilespmem:s30], [sflag:$0x1] =	stream.indirect_vreg.gather [hbm4b:s6+s2], $0x80, v3, vm0, $0xb8;
	[tilespmem:$0x18800] =	vst v63  }
0x447: {  	_ =	swait.ge [sflag:s11], $0xC000  }
0x448: {  	[sflag:s11] =	ssyncset.done $0x0  }
0x449: {  	s31 =	rddreg [dreg:$0xe];
	[sflag:s11] =	ssyncadd.s32 $0xFFFF4000  }
0x44a: {  	[hbm4b:s31+s2] =	stream.linear.scatter [tilespmem:s3], [sflag:$0x3], $0xC000, $0x38;
	[tilespmem:$0x18800] =	vst v63  }
0x44b: {  	_ =	swait.ge [sflag:s8], $0xC000  }
0x44c: {  	[sflag:s8] =	ssyncset.done $0x0  }
0x44d: {  	[sflag:s8] =	ssyncadd.s32 $0xFFFF4000  }
0x44e: {  	v3 =	vld [tilespmem:$0x680];
	_ =	sdelay $0x4  }
0x44f: {  	v52 =	vshrl.u32 v3, $0x3  }
0x450: {  	v4 =	vmul.u32 $0x30, v52  }
0x451: {  	v3 =	vand.u32 $0x7, v3  }
0x452: {  	v3 =	vor.u32 v3, v4  }
0x453: {  	v4 =	vperm.xlane v3, v0;
	_ =	sdelay $0x1  }
0x454: {  	v4 =	vadd.s32 v1, v4;
	_ =	sdelay $0x3  }
0x455: {  	v3 =	vperm.xlane v3, v2  }
0x456: {  	[tilespmem:s3], [sflag:$0x2] =	stream.indirect_vreg.gather [hbm4b:s4+s2], $0x80, v4, vm0, $0xb8;
	[tilespmem:$0x18800] =	vst v63  }
0x457: {  	s26 =	simm.s32 $0xD000;
	v3 =	vadd.s32 v1, v3  }
0x458: {  	[tilespmem:s26], [sflag:$0x2] =	stream.indirect_vreg.gather [hbm4b:s5+s2], $0x80, v4, vm0, $0xb8;
	[tilespmem:$0x18800] =	vst v63  }
0x459: {  	s28 =	simm.s32 $0xD800  }
0x45a: {  	[tilespmem:s28], [sflag:$0x2] =	stream.indirect_vreg.gather [hbm4b:s6+s2], $0x80, v4, vm0, $0xb8;
	[tilespmem:$0x18800] =	vst v63  }
0x45b: {  	s29 =	simm.s32 $0xE000  }
0x45c: {  	[tilespmem:s29], [sflag:$0x2] =	stream.indirect_vreg.gather [hbm4b:s4+s2], $0x80, v3, vm0, $0xb8;
	[tilespmem:$0x18800] =	vst v63  }
0x45d: {  	s30 =	simm.s32 $0xE800  }
0x45e: {  	[tilespmem:s30], [sflag:$0x2] =	stream.indirect_vreg.gather [hbm4b:s5+s2], $0x80, v3, vm0, $0xb8;
	[tilespmem:$0x18800] =	vst v63  }
0x45f: {  	s31 =	simm.s32 $0xF000  }
0x460: {  	[tilespmem:s31], [sflag:$0x2] =	stream.indirect_vreg.gather [hbm4b:s6+s2], $0x80, v3, vm0, $0xb8;
	[tilespmem:$0x18800] =	vst v63  }
0x461: {  	v3 =	vld [tilespmem:$0x690];
	_ =	sdelay $0x4  }
0x462: {  	v53 =	vshrl.u32 v3, $0x3  }
0x463: {  	v4 =	vmul.u32 $0x30, v53  }
0x464: {  	v3 =	vand.u32 $0x7, v3  }
0x465: {  	v3 =	vor.u32 v3, v4  }
0x466: {  	v4 =	vperm.xlane v3, v0;
	_ =	sdelay $0x1  }
0x467: {  	v4 =	vadd.s32 v1, v4;
	_ =	sdelay $0x3  }
0x468: {  	s31 =	simm.s32 $0xF800;
	v3 =	vperm.xlane v3, v2  }
0x469: {  	[tilespmem:s31], [sflag:$0x2] =	stream.indirect_vreg.gather [hbm4b:s4+s2], $0x80, v4, vm0, $0xb8;
	[tilespmem:$0x18800] =	vst v63  }
0x46a: {  	v3 =	vadd.s32 v1, v3;
	s31 =	simm.s32 $0x10000  }
0x46b: {  	[tilespmem:s31], [sflag:$0x2] =	stream.indirect_vreg.gather [hbm4b:s5+s2], $0x80, v4, vm0, $0xb8;
	[tilespmem:$0x18800] =	vst v63  }
0x46c: {  	s12 =	simm.s32 $0x10800  }
0x46d: {  	[tilespmem:s12], [sflag:$0x2] =	stream.indirect_vreg.gather [hbm4b:s6+s2], $0x80, v4, vm0, $0xb8;
	[tilespmem:$0x18800] =	vst v63  }
0x46e: {  	s12 =	simm.s32 $0x11000  }
0x46f: {  	[tilespmem:s12], [sflag:$0x2] =	stream.indirect_vreg.gather [hbm4b:s4+s2], $0x80, v3, vm0, $0xb8;
	[tilespmem:$0x18800] =	vst v63  }
0x470: {  	s12 =	simm.s32 $0x11800  }
0x471: {  	[tilespmem:s12], [sflag:$0x2] =	stream.indirect_vreg.gather [hbm4b:s5+s2], $0x80, v3, vm0, $0xb8;
	[tilespmem:$0x18800] =	vst v63  }
0x472: {  	s12 =	simm.s32 $0x12000  }
0x473: {  	[tilespmem:s12], [sflag:$0x2] =	stream.indirect_vreg.gather [hbm4b:s6+s2], $0x80, v3, vm0, $0xb8;
	[tilespmem:$0x18800] =	vst v63  }
0x474: {  	v3 =	vld [tilespmem:$0x6A0];
	_ =	sdelay $0x4  }
0x475: {  	v54 =	vshrl.u32 v3, $0x3  }
0x476: {  	v4 =	vmul.u32 $0x30, v54  }
0x477: {  	v3 =	vand.u32 $0x7, v3  }
0x478: {  	v3 =	vor.u32 v3, v4  }
0x479: {  	v4 =	vperm.xlane v3, v0;
	_ =	sdelay $0x1  }
0x47a: {  	v4 =	vadd.s32 v1, v4;
	_ =	sdelay $0x3  }
0x47b: {  	s12 =	simm.s32 $0x12800;
	v3 =	vperm.xlane v3, v2  }
0x47c: {  	[tilespmem:s12], [sflag:$0x2] =	stream.indirect_vreg.gather [hbm4b:s4+s2], $0x80, v4, vm0, $0xb8;
	[tilespmem:$0x18800] =	vst v63  }
0x47d: {  	v3 =	vadd.s32 v1, v3;
	s12 =	simm.s32 $0x13000  }
0x47e: {  	[tilespmem:s12], [sflag:$0x2] =	stream.indirect_vreg.gather [hbm4b:s5+s2], $0x80, v4, vm0, $0xb8;
	[tilespmem:$0x18800] =	vst v63  }
0x47f: {  	s12 =	simm.s32 $0x13800  }
0x480: {  	[tilespmem:s12], [sflag:$0x2] =	stream.indirect_vreg.gather [hbm4b:s6+s2], $0x80, v4, vm0, $0xb8;
	[tilespmem:$0x18800] =	vst v63  }
0x481: {  	s12 =	simm.s32 $0x14000  }
0x482: {  	[tilespmem:s12], [sflag:$0x2] =	stream.indirect_vreg.gather [hbm4b:s4+s2], $0x80, v3, vm0, $0xb8;
	[tilespmem:$0x18800] =	vst v63  }
0x483: {  	s12 =	simm.s32 $0x14800  }
0x484: {  	[tilespmem:s12], [sflag:$0x2] =	stream.indirect_vreg.gather [hbm4b:s5+s2], $0x80, v3, vm0, $0xb8;
	[tilespmem:$0x18800] =	vst v63  }
0x485: {  	s12 =	simm.s32 $0x15000  }
0x486: {  	[tilespmem:s12], [sflag:$0x2] =	stream.indirect_vreg.gather [hbm4b:s6+s2], $0x80, v3, vm0, $0xb8;
	[tilespmem:$0x18800] =	vst v63  }
0x487: {  	v3 =	vld [tilespmem:$0x6B0];
	_ =	sdelay $0x4  }
0x488: {  	v55 =	vshrl.u32 v3, $0x3  }
0x489: {  	v4 =	vmul.u32 $0x30, v55  }
0x48a: {  	v3 =	vand.u32 $0x7, v3  }
0x48b: {  	v3 =	vor.u32 v3, v4  }
0x48c: {  	v4 =	vperm.xlane v3, v0;
	_ =	sdelay $0x1  }
0x48d: {  	v4 =	vadd.s32 v1, v4;
	_ =	sdelay $0x3  }
0x48e: {  	s12 =	simm.s32 $0x15800;
	v3 =	vperm.xlane v3, v2  }
0x48f: {  	[tilespmem:s12], [sflag:$0x2] =	stream.indirect_vreg.gather [hbm4b:s4+s2], $0x80, v4, vm0, $0xb8;
	[tilespmem:$0x18800] =	vst v63  }
0x490: {  	v3 =	vadd.s32 v1, v3;
	s12 =	simm.s32 $0x16000  }
0x491: {  	[tilespmem:s12], [sflag:$0x2] =	stream.indirect_vreg.gather [hbm4b:s5+s2], $0x80, v4, vm0, $0xb8;
	[tilespmem:$0x18800] =	vst v63  }
0x492: {  	s12 =	simm.s32 $0x16800  }
0x493: {  	[tilespmem:s12], [sflag:$0x2] =	stream.indirect_vreg.gather [hbm4b:s6+s2], $0x80, v4, vm0, $0xb8;
	[tilespmem:$0x18800] =	vst v63  }
0x494: {  	s12 =	simm.s32 $0x17000  }
0x495: {  	[tilespmem:s12], [sflag:$0x2] =	stream.indirect_vreg.gather [hbm4b:s4+s2], $0x80, v3, vm0, $0xb8;
	[tilespmem:$0x18800] =	vst v63  }
0x496: {  	s12 =	simm.s32 $0x17800  }
0x497: {  	[tilespmem:s12], [sflag:$0x2] =	stream.indirect_vreg.gather [hbm4b:s5+s2], $0x80, v3, vm0, $0xb8;
	[tilespmem:$0x18800] =	vst v63  }
0x498: {  	s12 =	simm.s32 $0x18000  }
0x499: {  	[tilespmem:s12], [sflag:$0x2] =	stream.indirect_vreg.gather [hbm4b:s6+s2], $0x80, v3, vm0, $0xb8;
	[tilespmem:$0x18800] =	vst v63  }
0x49a: {  	_ =	swait.ge [sflag:s10], $0xC000  }
0x49b: {  	[sflag:s10] =	ssyncset.done $0x0  }
0x49c: {  	s12 =	rddreg [dreg:$0xf];
	[sflag:s10] =	ssyncadd.s32 $0xFFFF4000  }
0x49d: {  	[hbm4b:s12+s2] =	stream.linear.scatter [tilespmem:s13], [sflag:$0x3], $0xC000, $0x38;
	[tilespmem:$0x18800] =	vst v63  }
0x49e: {  	_ =	swait.ge [sflag:s8], $0xC000  }
0x49f: {  	[sflag:s8] =	ssyncset.done $0x0  }
0x4a0: {  	[sflag:s8] =	ssyncadd.s32 $0xFFFF4000  }
0x4a1: {  	v3 =	vld [tilespmem:$0x700];
	_ =	sdelay $0x4  }
0x4a2: {  	v56 =	vshrl.u32 v3, $0x3  }
0x4a3: {  	v4 =	vmul.u32 $0x30, v56  }
0x4a4: {  	v3 =	vand.u32 $0x7, v3  }
0x4a5: {  	v3 =	vor.u32 v3, v4  }
0x4a6: {  	v4 =	vperm.xlane v3, v0;
	_ =	sdelay $0x1  }
0x4a7: {  	v4 =	vadd.s32 v1, v4;
	_ =	sdelay $0x3  }
0x4a8: {  	v3 =	vperm.xlane v3, v2  }
0x4a9: {  	[tilespmem:s13], [sflag:$0x1] =	stream.indirect_vreg.gather [hbm4b:s4+s2], $0x80, v4, vm0, $0xb8;
	[tilespmem:$0x18800] =	vst v63  }
0x4aa: {  	s0 =	simm.s32 $0x1000;
	v3 =	vadd.s32 v1, v3  }
0x4ab: {  	[tilespmem:s0], [sflag:$0x1] =	stream.indirect_vreg.gather [hbm4b:s5+s2], $0x80, v4, vm0, $0xb8;
	[tilespmem:$0x18800] =	vst v63  }
0x4ac: {  	s1 =	simm.s32 $0x1800  }
0x4ad: {  	[tilespmem:s1], [sflag:$0x1] =	stream.indirect_vreg.gather [hbm4b:s6+s2], $0x80, v4, vm0, $0xb8;
	[tilespmem:$0x18800] =	vst v63  }
0x4ae: {  	s7 =	simm.s32 $0x2000  }
0x4af: {  	[tilespmem:s7], [sflag:$0x1] =	stream.indirect_vreg.gather [hbm4b:s4+s2], $0x80, v3, vm0, $0xb8;
	[tilespmem:$0x18800] =	vst v63  }
0x4b0: {  	s9 =	simm.s32 $0x2800  }
0x4b1: {  	[tilespmem:s9], [sflag:$0x1] =	stream.indirect_vreg.gather [hbm4b:s5+s2], $0x80, v3, vm0, $0xb8;
	[tilespmem:$0x18800] =	vst v63  }
0x4b2: {  	s9 =	simm.s32 $0x3000  }
0x4b3: {  	[tilespmem:s9], [sflag:$0x1] =	stream.indirect_vreg.gather [hbm4b:s6+s2], $0x80, v3, vm0, $0xb8;
	[tilespmem:$0x18800] =	vst v63  }
0x4b4: {  	v3 =	vld [tilespmem:$0x710];
	_ =	sdelay $0x4  }
0x4b5: {  	v57 =	vshrl.u32 v3, $0x3  }
0x4b6: {  	v4 =	vmul.u32 $0x30, v57  }
0x4b7: {  	v3 =	vand.u32 $0x7, v3  }
0x4b8: {  	v3 =	vor.u32 v3, v4  }
0x4b9: {  	v4 =	vperm.xlane v3, v0;
	_ =	sdelay $0x1  }
0x4ba: {  	v4 =	vadd.s32 v1, v4;
	_ =	sdelay $0x3  }
0x4bb: {  	s12 =	simm.s32 $0x3800;
	v3 =	vperm.xlane v3, v2  }
0x4bc: {  	[tilespmem:s12], [sflag:$0x1] =	stream.indirect_vreg.gather [hbm4b:s4+s2], $0x80, v4, vm0, $0xb8;
	[tilespmem:$0x18800] =	vst v63  }
0x4bd: {  	s14 =	simm.s32 $0x4000;
	v3 =	vadd.s32 v1, v3  }
0x4be: {  	[tilespmem:s14], [sflag:$0x1] =	stream.indirect_vreg.gather [hbm4b:s5+s2], $0x80, v4, vm0, $0xb8;
	[tilespmem:$0x18800] =	vst v63  }
0x4bf: {  	s15 =	simm.s32 $0x4800  }
0x4c0: {  	[tilespmem:s15], [sflag:$0x1] =	stream.indirect_vreg.gather [hbm4b:s6+s2], $0x80, v4, vm0, $0xb8;
	[tilespmem:$0x18800] =	vst v63  }
0x4c1: {  	s16 =	simm.s32 $0x5000  }
0x4c2: {  	[tilespmem:s16], [sflag:$0x1] =	stream.indirect_vreg.gather [hbm4b:s4+s2], $0x80, v3, vm0, $0xb8;
	[tilespmem:$0x18800] =	vst v63  }
0x4c3: {  	s17 =	simm.s32 $0x5800  }
0x4c4: {  	[tilespmem:s17], [sflag:$0x1] =	stream.indirect_vreg.gather [hbm4b:s5+s2], $0x80, v3, vm0, $0xb8;
	[tilespmem:$0x18800] =	vst v63  }
0x4c5: {  	s16 =	simm.s32 $0x6000  }
0x4c6: {  	[tilespmem:s16], [sflag:$0x1] =	stream.indirect_vreg.gather [hbm4b:s6+s2], $0x80, v3, vm0, $0xb8;
	[tilespmem:$0x18800] =	vst v63  }
0x4c7: {  	v3 =	vld [tilespmem:$0x720];
	_ =	sdelay $0x4  }
0x4c8: {  	v58 =	vshrl.u32 v3, $0x3  }
0x4c9: {  	v4 =	vmul.u32 $0x30, v58  }
0x4ca: {  	v3 =	vand.u32 $0x7, v3  }
0x4cb: {  	v3 =	vor.u32 v3, v4  }
0x4cc: {  	v4 =	vperm.xlane v3, v0;
	_ =	sdelay $0x1  }
0x4cd: {  	v4 =	vadd.s32 v1, v4;
	_ =	sdelay $0x3  }
0x4ce: {  	s17 =	simm.s32 $0x6800;
	v3 =	vperm.xlane v3, v2  }
0x4cf: {  	[tilespmem:s17], [sflag:$0x1] =	stream.indirect_vreg.gather [hbm4b:s4+s2], $0x80, v4, vm0, $0xb8;
	[tilespmem:$0x18800] =	vst v63  }
0x4d0: {  	s18 =	simm.s32 $0x7000;
	v3 =	vadd.s32 v1, v3  }
0x4d1: {  	[tilespmem:s18], [sflag:$0x1] =	stream.indirect_vreg.gather [hbm4b:s5+s2], $0x80, v4, vm0, $0xb8;
	[tilespmem:$0x18800] =	vst v63  }
0x4d2: {  	s19 =	simm.s32 $0x7800  }
0x4d3: {  	[tilespmem:s19], [sflag:$0x1] =	stream.indirect_vreg.gather [hbm4b:s6+s2], $0x80, v4, vm0, $0xb8;
	[tilespmem:$0x18800] =	vst v63  }
0x4d4: {  	s20 =	simm.s32 $0x8000  }
0x4d5: {  	[tilespmem:s20], [sflag:$0x1] =	stream.indirect_vreg.gather [hbm4b:s4+s2], $0x80, v3, vm0, $0xb8;
	[tilespmem:$0x18800] =	vst v63  }
0x4d6: {  	s21 =	simm.s32 $0x8800  }
0x4d7: {  	[tilespmem:s21], [sflag:$0x1] =	stream.indirect_vreg.gather [hbm4b:s5+s2], $0x80, v3, vm0, $0xb8;
	[tilespmem:$0x18800] =	vst v63  }
0x4d8: {  	s20 =	simm.s32 $0x9000  }
0x4d9: {  	[tilespmem:s20], [sflag:$0x1] =	stream.indirect_vreg.gather [hbm4b:s6+s2], $0x80, v3, vm0, $0xb8;
	[tilespmem:$0x18800] =	vst v63  }
0x4da: {  	v3 =	vld [tilespmem:$0x730];
	_ =	sdelay $0x4  }
0x4db: {  	v59 =	vshrl.u32 v3, $0x3  }
0x4dc: {  	v4 =	vmul.u32 $0x30, v59  }
0x4dd: {  	v3 =	vand.u32 $0x7, v3  }
0x4de: {  	v3 =	vor.u32 v3, v4  }
0x4df: {  	v4 =	vperm.xlane v3, v0;
	_ =	sdelay $0x1  }
0x4e0: {  	v4 =	vadd.s32 v1, v4;
	_ =	sdelay $0x3  }
0x4e1: {  	s21 =	simm.s32 $0x9800;
	v3 =	vperm.xlane v3, v2  }
0x4e2: {  	[tilespmem:s21], [sflag:$0x1] =	stream.indirect_vreg.gather [hbm4b:s4+s2], $0x80, v4, vm0, $0xb8;
	[tilespmem:$0x18800] =	vst v63  }
0x4e3: {  	s22 =	simm.s32 $0xA000;
	v3 =	vadd.s32 v1, v3  }
0x4e4: {  	[tilespmem:s22], [sflag:$0x1] =	stream.indirect_vreg.gather [hbm4b:s5+s2], $0x80, v4, vm0, $0xb8;
	[tilespmem:$0x18800] =	vst v63  }
0x4e5: {  	s23 =	simm.s32 $0xA800  }
0x4e6: {  	[tilespmem:s23], [sflag:$0x1] =	stream.indirect_vreg.gather [hbm4b:s6+s2], $0x80, v4, vm0, $0xb8;
	[tilespmem:$0x18800] =	vst v63  }
0x4e7: {  	s24 =	simm.s32 $0xB000  }
0x4e8: {  	[tilespmem:s24], [sflag:$0x1] =	stream.indirect_vreg.gather [hbm4b:s4+s2], $0x80, v3, vm0, $0xb8;
	[tilespmem:$0x18800] =	vst v63  }
0x4e9: {  	s25 =	simm.s32 $0xB800  }
0x4ea: {  	[tilespmem:s25], [sflag:$0x1] =	stream.indirect_vreg.gather [hbm4b:s5+s2], $0x80, v3, vm0, $0xb8;
	[tilespmem:$0x18800] =	vst v63  }
0x4eb: {  	s25 =	simm.s32 $0xC000  }
0x4ec: {  	[tilespmem:s25], [sflag:$0x1] =	stream.indirect_vreg.gather [hbm4b:s6+s2], $0x80, v3, vm0, $0xb8;
	[tilespmem:$0x18800] =	vst v63  }
0x4ed: {  	_ =	swait.ge [sflag:s11], $0xC000  }
0x4ee: {  	[sflag:s11] =	ssyncset.done $0x0  }
0x4ef: {  	s1 =	rddreg [dreg:$0x10];
	[sflag:s11] =	ssyncadd.s32 $0xFFFF4000  }
0x4f0: {  	[hbm4b:s1+s2] =	stream.linear.scatter [tilespmem:s3], [sflag:$0x3], $0xC000, $0x38;
	[tilespmem:$0x18800] =	vst v63  }
0x4f1: {  	_ =	swait.ge [sflag:s8], $0xC000  }
0x4f2: {  	[sflag:s8] =	ssyncset.done $0x0  }
0x4f3: {  	[sflag:s8] =	ssyncadd.s32 $0xFFFF4000  }
0x4f4: {  	v3 =	vld [tilespmem:$0x780];
	_ =	sdelay $0x4  }
0x4f5: {  	v60 =	vshrl.u32 v3, $0x3  }
0x4f6: {  	v4 =	vmul.u32 $0x30, v60  }
0x4f7: {  	v3 =	vand.u32 $0x7, v3  }
0x4f8: {  	v3 =	vor.u32 v3, v4  }
0x4f9: {  	v4 =	vperm.xlane v3, v0;
	_ =	sdelay $0x1  }
0x4fa: {  	v4 =	vadd.s32 v1, v4;
	_ =	sdelay $0x3  }
0x4fb: {  	v3 =	vperm.xlane v3, v2  }
0x4fc: {  	[tilespmem:s3], [sflag:$0x2] =	stream.indirect_vreg.gather [hbm4b:s4+s2], $0x80, v4, vm0, $0xb8;
	[tilespmem:$0x18800] =	vst v63  }
0x4fd: {  	s26 =	simm.s32 $0xD000;
	v3 =	vadd.s32 v1, v3  }
0x4fe: {  	[tilespmem:s26], [sflag:$0x2] =	stream.indirect_vreg.gather [hbm4b:s5+s2], $0x80, v4, vm0, $0xb8;
	[tilespmem:$0x18800] =	vst v63  }
0x4ff: {  	s28 =	simm.s32 $0xD800  }
0x500: {  	[tilespmem:s28], [sflag:$0x2] =	stream.indirect_vreg.gather [hbm4b:s6+s2], $0x80, v4, vm0, $0xb8;
	[tilespmem:$0x18800] =	vst v63  }
0x501: {  	s29 =	simm.s32 $0xE000  }
0x502: {  	[tilespmem:s29], [sflag:$0x2] =	stream.indirect_vreg.gather [hbm4b:s4+s2], $0x80, v3, vm0, $0xb8;
	[tilespmem:$0x18800] =	vst v63  }
0x503: {  	s30 =	simm.s32 $0xE800  }
0x504: {  	[tilespmem:s30], [sflag:$0x2] =	stream.indirect_vreg.gather [hbm4b:s5+s2], $0x80, v3, vm0, $0xb8;
	[tilespmem:$0x18800] =	vst v63  }
0x505: {  	s7 =	simm.s32 $0xF000  }
0x506: {  	[tilespmem:s7], [sflag:$0x2] =	stream.indirect_vreg.gather [hbm4b:s6+s2], $0x80, v3, vm0, $0xb8;
	[tilespmem:$0x18800] =	vst v63  }
0x507: {  	v3 =	vld [tilespmem:$0x790];
	_ =	sdelay $0x4  }
0x508: {  	v61 =	vshrl.u32 v3, $0x3  }
0x509: {  	v4 =	vmul.u32 $0x30, v61  }
0x50a: {  	v3 =	vand.u32 $0x7, v3  }
0x50b: {  	v3 =	vor.u32 v3, v4  }
0x50c: {  	v4 =	vperm.xlane v3, v0;
	_ =	sdelay $0x1  }
0x50d: {  	v4 =	vadd.s32 v1, v4;
	_ =	sdelay $0x3  }
0x50e: {  	s9 =	simm.s32 $0xF800;
	v3 =	vperm.xlane v3, v2  }
0x50f: {  	[tilespmem:s9], [sflag:$0x2] =	stream.indirect_vreg.gather [hbm4b:s4+s2], $0x80, v4, vm0, $0xb8;
	[tilespmem:$0x18800] =	vst v63  }
0x510: {  	s31 =	simm.s32 $0x10000;
	v3 =	vadd.s32 v1, v3  }
0x511: {  	[tilespmem:s31], [sflag:$0x2] =	stream.indirect_vreg.gather [hbm4b:s5+s2], $0x80, v4, vm0, $0xb8;
	[tilespmem:$0x18800] =	vst v63  }
0x512: {  	s12 =	simm.s32 $0x10800  }
0x513: {  	[tilespmem:s12], [sflag:$0x2] =	stream.indirect_vreg.gather [hbm4b:s6+s2], $0x80, v4, vm0, $0xb8;
	[tilespmem:$0x18800] =	vst v63  }
0x514: {  	s14 =	simm.s32 $0x11000  }
0x515: {  	[tilespmem:s14], [sflag:$0x2] =	stream.indirect_vreg.gather [hbm4b:s4+s2], $0x80, v3, vm0, $0xb8;
	[tilespmem:$0x18800] =	vst v63  }
0x516: {  	s15 =	simm.s32 $0x11800  }
0x517: {  	[tilespmem:s15], [sflag:$0x2] =	stream.indirect_vreg.gather [hbm4b:s5+s2], $0x80, v3, vm0, $0xb8;
	[tilespmem:$0x18800] =	vst v63  }
0x518: {  	s16 =	simm.s32 $0x12000  }
0x519: {  	[tilespmem:s16], [sflag:$0x2] =	stream.indirect_vreg.gather [hbm4b:s6+s2], $0x80, v3, vm0, $0xb8;
	[tilespmem:$0x18800] =	vst v63  }
0x51a: {  	v3 =	vld [tilespmem:$0x7A0];
	_ =	sdelay $0x4  }
0x51b: {  	v62 =	vshrl.u32 v3, $0x3  }
0x51c: {  	v4 =	vmul.u32 $0x30, v62  }
0x51d: {  	v3 =	vand.u32 $0x7, v3  }
0x51e: {  	v3 =	vor.u32 v3, v4  }
0x51f: {  	v4 =	vperm.xlane v3, v0;
	_ =	sdelay $0x1  }
0x520: {  	v4 =	vadd.s32 v1, v4;
	_ =	sdelay $0x3  }
0x521: {  	s17 =	simm.s32 $0x12800;
	v3 =	vperm.xlane v3, v2  }
0x522: {  	[tilespmem:s17], [sflag:$0x2] =	stream.indirect_vreg.gather [hbm4b:s4+s2], $0x80, v4, vm0, $0xb8;
	[tilespmem:$0x18800] =	vst v63  }
0x523: {  	s18 =	simm.s32 $0x13000;
	v3 =	vadd.s32 v1, v3  }
0x524: {  	[tilespmem:s18], [sflag:$0x2] =	stream.indirect_vreg.gather [hbm4b:s5+s2], $0x80, v4, vm0, $0xb8;
	[tilespmem:$0x18800] =	vst v63  }
0x525: {  	s19 =	simm.s32 $0x13800  }
0x526: {  	[tilespmem:s19], [sflag:$0x2] =	stream.indirect_vreg.gather [hbm4b:s6+s2], $0x80, v4, vm0, $0xb8;
	[tilespmem:$0x18800] =	vst v63  }
0x527: {  	s20 =	simm.s32 $0x14000  }
0x528: {  	[tilespmem:s20], [sflag:$0x2] =	stream.indirect_vreg.gather [hbm4b:s4+s2], $0x80, v3, vm0, $0xb8;
	[tilespmem:$0x18800] =	vst v63  }
0x529: {  	s21 =	simm.s32 $0x14800  }
0x52a: {  	[tilespmem:s21], [sflag:$0x2] =	stream.indirect_vreg.gather [hbm4b:s5+s2], $0x80, v3, vm0, $0xb8;
	[tilespmem:$0x18800] =	vst v63  }
0x52b: {  	s22 =	simm.s32 $0x15000  }
0x52c: {  	[tilespmem:s22], [sflag:$0x2] =	stream.indirect_vreg.gather [hbm4b:s6+s2], $0x80, v3, vm0, $0xb8;
	[tilespmem:$0x18800] =	vst v63  }
0x52d: {  	v3 =	vld [tilespmem:$0x7B0];
	_ =	sdelay $0x4  }
0x52e: {  	v63 =	vshrl.u32 v3, $0x3  }
0x52f: {  	v4 =	vmul.u32 $0x30, v63  }
0x530: {  	v3 =	vand.u32 $0x7, v3  }
0x531: {  	v3 =	vor.u32 v3, v4  }
0x532: {  	v4 =	vperm.xlane v3, v0;
	_ =	sdelay $0x1  }
0x533: {  	v4 =	vadd.s32 v1, v4;
	_ =	sdelay $0x3  }
0x534: {  	s23 =	simm.s32 $0x15800;
	v3 =	vperm.xlane v3, v2  }
0x535: {  	[tilespmem:s23], [sflag:$0x2] =	stream.indirect_vreg.gather [hbm4b:s4+s2], $0x80, v4, vm0, $0xb8;
	[tilespmem:$0x18800] =	vst v63  }
0x536: {  	s24 =	simm.s32 $0x16000;
	v3 =	vadd.s32 v1, v3  }
0x537: {  	[tilespmem:s24], [sflag:$0x2] =	stream.indirect_vreg.gather [hbm4b:s5+s2], $0x80, v4, vm0, $0xb8;
	[tilespmem:$0x18800] =	vst v63  }
0x538: {  	s25 =	simm.s32 $0x16800  }
0x539: {  	[tilespmem:s25], [sflag:$0x2] =	stream.indirect_vreg.gather [hbm4b:s6+s2], $0x80, v4, vm0, $0xb8;
	[tilespmem:$0x18800] =	vst v63  }
0x53a: {  	s26 =	simm.s32 $0x17000  }
0x53b: {  	[tilespmem:s26], [sflag:$0x2] =	stream.indirect_vreg.gather [hbm4b:s4+s2], $0x80, v3, vm0, $0xb8;
	[tilespmem:$0x18800] =	vst v63  }
0x53c: {  	s28 =	simm.s32 $0x17800  }
0x53d: {  	[tilespmem:s28], [sflag:$0x2] =	stream.indirect_vreg.gather [hbm4b:s5+s2], $0x80, v3, vm0, $0xb8;
	[tilespmem:$0x18800] =	vst v63  }
0x53e: {  	s29 =	simm.s32 $0x18000  }
0x53f: {  	[tilespmem:s29], [sflag:$0x2] =	stream.indirect_vreg.gather [hbm4b:s6+s2], $0x80, v3, vm0, $0xb8;
	[tilespmem:$0x18800] =	vst v63  }
0x540: {  	s0 =	rddreg [dreg:$0x14];
	_ =	swait.ge [sflag:s10], $0xC000  }
0x541: {  	[sflag:s10] =	ssyncset.done $0x0  }
0x542: {  	s30 =	rddreg [dreg:$0x11];
	[sflag:s10] =	ssyncadd.s32 $0xFFFF4000  }
0x543: {  	[hbm4b:s30+s2] =	stream.linear.scatter [tilespmem:s13], [sflag:$0x3], $0xC000, $0x38;
	[tilespmem:$0x18800] =	vst v63  }
0x544: {  	_ =	swait.ge [sflag:s8], $0xC000  }
0x545: {  	[sflag:s8] =	ssyncset.done $0x0  }
0x546: {  	[sflag:s8] =	ssyncadd.s32 $0xFFFF4000  }
0x547: {  	_ =	swait.ge [sflag:s11], $0xC000  }
0x548: {  	p0 =	sne.s32 s0, $0x1;
	[sflag:s11] =	ssyncset.done $0x0  }
.Ltmp0:
0x549: {  	s31 =	rddreg [dreg:$0x12];
	[sflag:s11] =	ssyncadd.s32 $0xFFFF4000;
	(pc) =	sbr.rel @p0 .LBB2_1-.Ltmp0, $4  }
0x54a: {  	[hbm4b:s31+s2] =	stream.linear.scatter [tilespmem:s3], [sflag:$0x3], $0xC000, $0x38;
	[tilespmem:$0x18800] =	vst v63  }
0x54b: {  	_ =	swait.ge [sflag:s8], $0xC000  }
0x54c: {  	[sflag:s8] =	ssyncset.done $0x0  }
0x54d: {  	s0 =	sadd.s32 $0xFFFFFFFF, s0;
	[sflag:s8] =	ssyncadd.s32 $0xFFFF4000  }
0x54e: {  	_ =	sfence.sel $0x180000  }
0x54f: {  	[bflag:$0x0] =	sbarrier.arrive $0xFFFF  }
0x550: {  	_ =	strace $0x9000004A  }
0x551: {  	s0 =	stileid.u32;
	[bflag:$0x2] =	sbarrier.arrive $0xFFFF  }
0x552: {  	p0 =	sne.s32 s0, $0x0;
	s0 =	rddreg [dreg:$0x2]  }
0x553: {  	s0 =	sadd.s32 @!p0 $0x100000, s0  }
0x554: {  	[sflag:s0] =	ssyncadd.tile.s32 @!p0 $0x1;
	_ =	shalt  }
.Lfunc_end2:
_tile_overlayer_lowered:
.L_overlay_start_2:
0x555: {  	(tag) =	ssettag $0x2  }
0x556: {  	s0 =	rddreg [dreg:$0x0];
	s2 =	stileid.u32  }
0x557: {  	s1 =	rddreg [dreg:$0x1];
	p0 =	sne.s32 s2, $0x0  }
0x558: {  	s3 =	rddreg [dreg:$0x2];
	[bflag:$0x3] =	sbarrier.arrive $0xFFFF;
	s2 =	simm.s32 @!p0 $0x1C03  }
0x559: {  	[timem:s3], [sflag:s2] =	dma.local @!p0 [hbm:s0], s1  }
0x55a: {  	s0 =	simm.s32 @!p0 $0x3  }
0x55b: {  	_ =	swait.ge @!p0 [sflag:s0], s1  }
0x55c: {  	s1 =	ssub.s32 @!p0 $0x0, s1;
	[sflag:s0] =	ssyncset.done @!p0 $0x0  }
0x55d: {  	[sflag:s0] =	ssyncadd.s32 @!p0 s1  }
0x55e: {  	[bflag:$0x3] =	sbarrier.arrive $0xFFFF  }
0x55f: {  	_ =	shalt  }

// kernel: kernel.7.cloned.1.call-start
scs
__scs_entry_jumppad:
0x0: {  	(pc) =	sbr.rel $0x88, $3  }
0x1: {  	(tag) =	ssettag $0x0;
	lr =	simm.s32 $0x1  }
0x2: {  	[smem:$0x3F98] =	sst lr;
	_ =	strace $0xD0000000  }
0x3: {  	_ = 	snop  }
0x4: {  	_ = 	snop  }
0x5: {  	_ = 	snop  }
0x6: {  	_ = 	snop  }
0x7: {  	_ = 	snop  }
__scs_overlays_trampoline_lowered:
0x8: {  	[smem:$0x3FA7] =	sst s0  }
0x9: {  	[smem:$0x3FA8] =	sst s1  }
0xa: {  	[smem:$0x3FA9] =	sst s2  }
0xb: {  	[smem:$0x3FAA] =	sst s3  }
0xc: {  	[smem:$0x3FAB] =	sst s4  }
0xd: {  	[smem:$0x3FAC] =	sst s5  }
0xe: {  	[smem:$0x3FAD] =	sst s6  }
0xf: {  	[smem:$0x3FAE] =	sst s7  }
0x10: {  	[smem:$0x3FAF] =	sst s8  }
0x11: {  	[smem:$0x3FB0] =	sst s9;
	s0 =	simm.s32 @!p0 $0x0  }
0x12: {  	s1 =	sld [smem:$0x3F96];
	s0 =	simm.s32 @p0 $0x1  }
0x13: {  	[smem:$0x3FB1] =	sst s0;
	s0 =	simm.s32 @!p1 $0x0  }
0x14: {  	s2 =	sld [smem:$0x3F95];
	s0 =	simm.s32 @p1 $0x1  }
0x15: {  	[smem:$0x3FB2] =	sst s0;
	s0 =	simm.s32 @!p2 $0x0  }
0x16: {  	s3 =	sld [smem:$0x3FDB];
	s0 =	simm.s32 @p2 $0x1  }
0x17: {  	s4 =	simm.s32 $0x1BF5;
	[smem:$0x3FB4] =	sst s0  }
0x18: {  	s0 =	sld [smem:$0x3F97];
	_ =	swait.ge [sflag:s4], $0x0  }
0x19: {  	s7 =	sld [smem:$0x3F98]  }
0x1a: {  	s8 =	sadd.s32 $0xFFFFE003, lr  }
0x1b: {  	s9 =	sadd.s32 $0xFFFFFEF7, lr;
	s5 =	simm.s32 $0xFFFFFFFF;
	p2 =	slt.u32 s8, $0xFFFFF086  }
0x1c: {  	p1 =	slt.u32 s9, $0xF7A;
	s5 =	simm.s32 @!p2 $0x0  }
0x1d: {  	s5 =	simm.s32 @p1 $0x1;
	p0 =	seq.s32 s7, s2  }
0x1e: {  	s7 =	smul.u32 @!p0 $0xF7A, s2;
	p2 =	seq.s32 @!p0 s5, $0x0  }
0x1f: {  	s9 =	smul.u32 $0xF7A, s1;
	s8 =	simm.s32 @!p0 $0x1BF5;
	p2 =	por !p2, p0  }
0x20: {  	[sflag:s8] =	ssyncset.s32 @!p0 $0xFFFFF086;
	s6 =	sadd.s32 @!p0 s3, s7;
	s7 =	simm.s32 @!p0 $0x108  }
0x21: {  	s3 =	sadd.s32 s3, s9;
	s6 =	sadd.s32 @!p0 $0x88, s6;
	s7 =	simm.s32 @p2 $0x1082  }
0x22: {  	[simem:s7], [sflag:s8] =	dma.local @!p0 [hbm:s6], $0xF7A  }
0x23: {  	s9 =	sor.u32 $0xD0000000, s2;
	s6 =	simm.s32 $0x108;
	_ =	swait.ge @!p0 [sflag:s8], $0x0  }
0x24: {  	s3 =	sadd.s32 $0x88, s3;
	s6 =	simm.s32 @!p1 $0x1082;
	[sflag:s4] =	ssyncset.s32 $0xFFFFF086  }
0x25: {  	[simem:s6], [sflag:s4] =	dma.local [hbm:s3], $0xF7A  }
0x26: {  	[smem:$0x3F98] =	sst s1;
	(tag) =	ssettag s2;
	_ =	strace s9  }
0x27: {  	s1 =	sld [smem:$0x3FA8]  }
0x28: {  	s2 =	sld [smem:$0x3FA9]  }
0x29: {  	s4 =	sld [smem:$0x3FAB]  }
0x2a: {  	p0 =	seq.s32 s5, $0x0;
	s5 =	sld [smem:$0x3FAC]  }
0x2b: {  	s6 =	sld [smem:$0x3FAD]  }
0x2c: {  	s7 =	sld [smem:$0x3FAE]  }
0x2d: {  	s3 =	simm.s32 $0x108;
	s8 =	sld [smem:$0x3FAF]  }
0x2e: {  	s3 =	simm.s32 @!p0 $0x1082;
	s9 =	sld [smem:$0x3FB0]  }
0x2f: {  	lr =	sadd.s32 s0, s3;
	s0 =	sld [smem:$0x3FA7]  }
0x30: {  	s3 =	sld [smem:$0x3FAA]  }
0x31: {  	[smem:$0x3FB3] =	sst s10  }
0x32: {  	s10 =	sld [smem:$0x3FB1];
	_ =	sdelay $0x3  }
0x33: {  	p0 =	seq.s32 s10, $0x1;
	s10 =	sld [smem:$0x3FB3];
	_ =	sdelay $0x3  }
0x34: {  	[smem:$0x3FB3] =	sst s10  }
0x35: {  	s10 =	sld [smem:$0x3FB2];
	_ =	sdelay $0x3  }
0x36: {  	p1 =	seq.s32 s10, $0x1;
	s10 =	sld [smem:$0x3FB3];
	_ =	sdelay $0x3  }
0x37: {  	[smem:$0x3FB3] =	sst s10  }
0x38: {  	s10 =	sld [smem:$0x3FB4]  }
0x39: {  	_ = 	snop;
	(pc) =	sbr.ind lr, $3  }
0x3a: {  	_ = 	snop  }
0x3b: {  	_ = 	snop  }
0x3c: {  	p2 =	seq.s32 s10, $0x1;
	s10 =	sld [smem:$0x3FB3]  }
0x3d: {  	_ =	shalt  }
0x3e: {  	_ =	shalt  }
0x3f: {  	_ =	shalt  }
0x40: {  	_ =	shalt  }
0x41: {  	_ =	shalt  }
0x42: {  	_ =	shalt  }
0x43: {  	_ =	shalt  }
0x44: {  	_ =	shalt  }
0x45: {  	_ =	shalt  }
0x46: {  	_ =	shalt  }
0x47: {  	_ =	shalt  }
0x48: {  	_ =	shalt  }
0x49: {  	_ =	shalt  }
0x4a: {  	_ =	shalt  }
0x4b: {  	_ =	shalt  }
0x4c: {  	_ =	shalt  }
0x4d: {  	_ =	shalt  }
0x4e: {  	_ =	shalt  }
0x4f: {  	_ =	shalt  }
0x50: {  	_ =	shalt  }
0x51: {  	_ =	shalt  }
0x52: {  	_ =	shalt  }
0x53: {  	_ =	shalt  }
0x54: {  	_ =	shalt  }
0x55: {  	_ =	shalt  }
0x56: {  	_ =	shalt  }
0x57: {  	_ =	shalt  }
0x58: {  	_ =	shalt  }
0x59: {  	_ =	shalt  }
0x5a: {  	_ =	shalt  }
0x5b: {  	_ =	shalt  }
0x5c: {  	_ =	shalt  }
0x5d: {  	_ =	shalt  }
0x5e: {  	_ =	shalt  }
0x5f: {  	_ =	shalt  }
0x60: {  	_ =	shalt  }
0x61: {  	_ =	shalt  }
0x62: {  	_ =	shalt  }
0x63: {  	_ =	shalt  }
0x64: {  	_ =	shalt  }
0x65: {  	_ =	shalt  }
0x66: {  	_ =	shalt  }
0x67: {  	_ =	shalt  }
0x68: {  	_ =	shalt  }
0x69: {  	_ =	shalt  }
0x6a: {  	_ =	shalt  }
0x6b: {  	_ =	shalt  }
0x6c: {  	_ =	shalt  }
0x6d: {  	_ =	shalt  }
0x6e: {  	_ =	shalt  }
0x6f: {  	_ =	shalt  }
0x70: {  	_ =	shalt  }
0x71: {  	_ =	shalt  }
0x72: {  	_ =	shalt  }
0x73: {  	_ =	shalt  }
0x74: {  	_ =	shalt  }
0x75: {  	_ =	shalt  }
0x76: {  	_ =	shalt  }
0x77: {  	_ =	shalt  }
0x78: {  	_ =	shalt  }
0x79: {  	_ =	shalt  }
0x7a: {  	_ =	shalt  }
0x7b: {  	_ =	shalt  }
0x7c: {  	_ =	shalt  }
0x7d: {  	_ =	shalt  }
0x7e: {  	_ =	shalt  }
0x7f: {  	_ =	shalt  }
0x80: {  	_ =	shalt  }
0x81: {  	_ =	shalt  }
0x82: {  	_ =	shalt  }
0x83: {  	_ =	shalt  }
0x84: {  	_ =	shalt  }
0x85: {  	_ =	shalt  }
0x86: {  	_ =	shalt  }
0x87: {  	_ =	shalt  }
.Lfunc_end0:
.L_simem_size_0:
called_computation_lowered:
.L_overlay_start_0:
0x88: {  	s2 =	sld [smem:$0x3FD9]  }
0x89: {  	s3 =	sld [smem:$0x3FFE];
	_ =	sdelay $0x1  }
0x8a: {  	s1 =	srdreg.scid  }
0x8b: {  	s0 =	sand.u32 $0x1, s1  }
0x8c: {  	s14 =	sshll.u32 s0, $0xA;
	s2 =	sadd.s32 s3, s2  }
0x8d: {  	s2 =	sadd.s32 s2, s14  }
0x8e: {  	[smem:$0x3FBF] =	sst s2  }
0x8f: {  	_ = 	snop  }
0x90: {  	s2 =	sld [smem:$0x3FD0];
	_ =	sdelay $0x2  }
0x91: {  	s15 =	simm.s32 $0xA;
	s4 =	simm.s32 $0x10  }
0x92: {  	[smem:s4], [sflag:s15] =	dma.local [hbm:s2], $0x1  }
0x93: {  	_ =	swait.eq [sflag:s15], $0x1  }
0x94: {  	[sflag:s15] =	ssyncset.done $0x0  }
0x95: {  	[sflag:s15] =	ssyncadd.s32 $0xFFFFFFFF  }
0x96: {  	s16 =	sld [smem:$0x10];
	(tm) =	ssettm $0x1  }
0x97: {  	s17 =	sld [smem:$0x3FFB];
	_ =	sdelay $0x3  }
0x98: {  	_ =	strace s17  }
0x99: {  	s3 =	sld [smem:$0x3FFC];
	_ =	sdelay $0x3  }
0x9a: {  	_ =	strace s3  }
0x9b: {  	s3 =	sld [smem:$0x3FFD];
	_ =	sdelay $0x3  }
0x9c: {  	_ =	strace s3  }
0x9d: {  	_ =	strace $0x8FFFFFFF  }
0x9e: {  	s18 =	sld [smem:$0x3FDB];
	_ =	sdelay $0x1  }
0x9f: {  	s19 =	simm.s32 $_scs_section_size  }
0xa0: {  	s5 =	simm.s32 $_size__tile_overlayer_lowered;
	s6 =	simm.s32 $_tile_overlayer_lowered  }
0xa1: {  	s22 =	simm.s32 $0x1BFF;
	s21 =	sshll.u32 s6, $0x1;
	s3 =	sadd.s32 s19, s18  }
0xa2: {  	s7 =	simm.s32 $0x0;
	s20 =	sshll.u32 s5, $0x1;
	s5 =	sadd.s32 s21, s3  }
0xa3: {  	[timem:s7], [sflag:s22] =	dma.local [hbm:s5], s20  }
0xa4: {  	_ =	swait.ge [sflag:s22], s20  }
0xa5: {  	s4 =	ssub.s32 $0x0, s20;
	[sflag:s22] =	ssyncset.done $0x0  }
0xa6: {  	[sflag:s22] =	ssyncadd.s32 s4;
	_ =	sdelay $0x1  }
0xa7: {  	s23 =	simm.s32 $0x1B8B  }
0xa8: {  	_ =	swait.ge [sflag:s23], $0x1  }
0xa9: {  	[sflag:s23] =	ssyncset.done $0x0  }
0xaa: {  	s25 =	simm.s32 $0x1B8E;
	s24 =	sld [smem:$0x3FFE];
	[sflag:s23] =	ssyncadd.s32 $0xFFFFFFFF  }
0xab: {  	s26 =	simm.s32 $execute0_lowered;
	[smem:$0x3FD2] =	sst s25  }
0xac: {  	s5 =	sshll.u32 s26, $0x1;
	_ =	strace $0x80000046;
	[dreg:$0x1] =	wrdreg $0xFFFFFFFF  }
0xad: {  	s28 =	simm.s32 $_size_execute0_lowered;
	s3 =	sadd.s32 s3, s5;
	[dreg:$0x0] =	wrdreg $0x0  }
0xae: {  	s5 =	sshll.u32 s28, $0x1;
	[dreg:$0x2] =	wrdreg s3  }
0xaf: {  	[dreg:$0x3] =	wrdreg s5  }
0xb0: {  	[dreg:$0x4] =	wrdreg $0xC0  }
0xb1: {  	_ =	task [dreg:s7], $0x5FFFF  }
0xb2: {  	[dreg:$0x1] =	wrdreg $0xFFFFFFFF  }
0xb3: {  	[dreg:$0x0] =	wrdreg $0x60  }
0xb4: {  	[dreg:$0x2] =	wrdreg s16  }
0xb5: {  	[dreg:$0x3] =	wrdreg s24  }
0xb6: {  	[dreg:$0x4] =	wrdreg $0x9  }
0xb7: {  	_ =	task.clear_ibuf [dreg:s7], $0x5FFFF;
	_ =	strace $0x90000046  }
0xb8: {  	s29 =	simm.s32 $0x9;
	_ =	strace $0x80000048  }
0xb9: {  	_ =	swait.ge [sflag:s29], $0x1  }
0xba: {  	[sflag:s29] =	ssyncadd.s32 $0xFFFFFFFF  }
0xbb: {  	_ =	strace $0x90000048  }
0xbc: {  	_ =	sfence  }
0xbd: {  	s30 =	sld [smem:$0x0];
	_ =	sdelay $0x2  }
0xbe: {  	s31 =	sshll.u32 s1, $0xD;
	s1 =	sshrl.u32 s1, $0x2  }
0xbf: {  	s3 =	sand.u32 $0x4000, s31;
	s1 =	sadd.s32 s1, s30  }
0xc0: {  	s0 =	sor.u32 s3, s0;
	s1 =	sshll.u32 s1, $0x11  }
0xc1: {  	s0 =	sor.u32 s1, s0  }
0xc2: {  	s0 =	sadd.s32 $0x8F2B, s0  }
0xc3: {  	[sflag:s0] =	ssyncadd.remote.s32 $0x1  }
0xc4: {  	_ =	sfence.sel $0xFFFF  }
0xc5: {  	[dreg:$0x0] =	wrdreg $0xFFFFFFFF;
	(pc) =	sbr.abs _section_cstart, $3  }
0xc6: {  	[dreg:$0x1] =	wrdreg $0xFFFFFFFF  }
0xc7: {  	_ =	task.clear_ibuf [dreg:s7], $0x2FFFF;
	_ =	strace $0x9FFFFFFF  }
0xc8: {  	(tm) =	ssettm $0x7FFFFFFF  }
0xc9: {  	_ =	shalt  }
tec
execute0_lowered:
.L_overlay_start_1:
0x0: {  	(tag) =	ssettag $0x1  }
0x1: {  	s1 =	srdreg.scid;
	s2 =	stileid.u32  }
0x2: {  	s1 =	sand.u32 $0x1, s1;
	s2 =	sshll.u32 s2, $0x1  }
0x3: {  	s0 =	rddreg [dreg:$0x0];
	s4 =	sor.u32 s1, s2  }
0x4: {  	s3 =	rddreg [dreg:$0x1];
	s5 =	sshll.u32 s4, $0x8  }
0x5: {  	s2 =	simm.s32 $0x0;
	s6 =	smul.u32 $0x18000, s4;
	s5 =	sadd.s32 s5, s3  }
0x6: {  	[smem:$0x7FF] =	sst s2;
	s5 =	sadd.s32 $0xE00, s5  }
0x7: {  	_ =	strace $0x80000047;
	s6 =	sadd.s32 s0, s6;
	[dreg:$0x3] =	wrdreg s5  }
0x8: {  	s18 =	sadd.s32 $0x1800, s6;
	[dreg:$0x13] =	wrdreg s6  }
0x9: {  	s4 =	smul.u32 $0xC0000, s4;
	s19 =	sadd.s32 $0x3000, s6;
	[dreg:$0x4] =	wrdreg s18  }
0xa: {  	s20 =	sadd.s32 $0x4800, s6;
	[dreg:$0x5] =	wrdreg s19  }
0xb: {  	s4 =	sshrl.u32 s4, $0x3;
	s21 =	sadd.s32 $0x6000, s6;
	[dreg:$0x6] =	wrdreg s20  }
0xc: {  	s22 =	sadd.s32 $0x7800, s6;
	s0 =	sadd.s32 s0, s4;
	[dreg:$0x7] =	wrdreg s21  }
0xd: {  	[dreg:$0x8] =	wrdreg s22;
	s4 =	sadd.s32 $0x9000, s0  }
0xe: {  	s23 =	sadd.s32 $0xA800, s0;
	[dreg:$0x9] =	wrdreg s4  }
0xf: {  	s11 =	simm.s32 $0x1;
	s24 =	sadd.s32 $0xC000, s0;
	[dreg:$0xa] =	wrdreg s23  }
0x10: {  	s12 =	simm.s32 $0x3;
	s25 =	sadd.s32 $0xD800, s0;
	[dreg:$0xb] =	wrdreg s24  }
0x11: {  	s13 =	simm.s32 $0x2;
	s26 =	sadd.s32 $0xF000, s0;
	[dreg:$0xc] =	wrdreg s25  }
0x12: {  	s1 =	ssub.s32 $0x2, s1;
	s28 =	sadd.s32 $0x10800, s0;
	[dreg:$0xd] =	wrdreg s26  }
0x13: {  	s29 =	sshrl.u32 s1, $0x1;
	s30 =	sadd.s32 $0x12000, s0;
	[dreg:$0xe] =	wrdreg s28  }
0x14: {  	s1 =	ssub.s32 s1, s29;
	s31 =	sadd.s32 $0x13800, s0;
	[dreg:$0xf] =	wrdreg s30  }
0x15: {  	v2 =	vlaneseq.u32;
	s5 =	sadd.s32 $0x2F00, s3;
	s7 =	sadd.s32 $0x15000, s0;
	[dreg:$0x10] =	wrdreg s31  }
0x16: {  	vm0 =	vmmov $0xffff;
	v1 =	vshrl.u32 v2, $0x3;
	s6 =	sadd.s32 $0x3000, s3;
	s0 =	sadd.s32 $0x16800, s0;
	[dreg:$0x11] =	wrdreg s7  }
0x17: {  	v0 =	vand.u32 $0x7, v2;
	v2 =	vor.u32 $0x8, v2;
	v1 =	vmul.u32 $0x8, v1;
	s4 =	sadd.s32 $0x2E00, s3;
	[dreg:$0x12] =	wrdreg s0;
	s0 =	smax.u32 s1, $0x1  }
.LBB2_1:
0x18: {  	[dreg:$0x14] =	wrdreg s0  }
0x19: {  	s16 =	rddreg [dreg:$0x3];
	s21 =	simm.s32 $0x4  }
0x1a: {  	[tilespmem:s2], [sflag:$0x4] =	stream.linear.gather [hbm4b:s16+s2], $0x800, $0x38;
	[tilespmem:$0x18800] =	vst v63  }
0x1b: {  	_ =	swait.ge [sflag:s21], $0x800  }
0x1c: {  	[sflag:s21] =	ssyncset.done $0x0  }
0x1d: {  	s23 =	simm.s32 $0x800;
	s17 =	rddreg [dreg:$0x13];
	[sflag:s21] =	ssyncadd.s32 $0xFFFFF800  }
0x1e: {  	[tilespmem:s23], [sflag:$0x1] =	stream.linear.gather [hbm4b:s17+s2], $0xC000, $0x38;
	[tilespmem:$0x18800] =	vst v63  }
0x1f: {  	s24 =	simm.s32 $0xC800;
	s22 =	rddreg [dreg:$0x4]  }
0x20: {  	[tilespmem:s24], [sflag:$0x2] =	stream.linear.gather [hbm4b:s22+s2], $0xC000, $0x38;
	[tilespmem:$0x18800] =	vst v63  }
0x21: {  	_ =	swait.ge [sflag:s11], $0xC000  }
0x22: {  	[sflag:s11] =	ssyncset.done $0x0  }
0x23: {  	[sflag:s11] =	ssyncadd.s32 $0xFFFF4000  }
0x24: {  	v3 =	vld [tilespmem:$0x0];
	_ =	sdelay $0x4  }
0x25: {  	v4 =	vshrl.u32 v3, $0x3  }
0x26: {  	v4 =	vmul.u32 $0x30, v4  }
0x27: {  	v3 =	vand.u32 $0x7, v3  }
0x28: {  	v3 =	vor.u32 v3, v4  }
0x29: {  	v4 =	vperm.xlane v3, v0;
	_ =	sdelay $0x1  }
0x2a: {  	v4 =	vadd.s32 v1, v4;
	_ =	sdelay $0x3  }
0x2b: {  	s3 =	simm.s32 $0x800;
	v3 =	vperm.xlane v3, v2  }
0x2c: {  	[hbm4b:s4+s2] =	stream.indirect_vreg.scatter [tilespmem:s3], [sflag:$0x3], $0x80, v4, vm0, $0xb8;
	[tilespmem:$0x18800] =	vst v63  }
0x2d: {  	s25 =	simm.s32 $0x1000;
	v3 =	vadd.s32 v1, v3  }
0x2e: {  	[hbm4b:s5+s2] =	stream.indirect_vreg.scatter [tilespmem:s25], [sflag:$0x3], $0x80, v4, vm0, $0xb8;
	[tilespmem:$0x18800] =	vst v63  }
0x2f: {  	s26 =	simm.s32 $0x1800  }
0x30: {  	[hbm4b:s6+s2] =	stream.indirect_vreg.scatter [tilespmem:s26], [sflag:$0x3], $0x80, v4, vm0, $0xb8;
	[tilespmem:$0x18800] =	vst v63  }
0x31: {  	s28 =	simm.s32 $0x2000  }
0x32: {  	[hbm4b:s4+s2] =	stream.indirect_vreg.scatter [tilespmem:s28], [sflag:$0x3], $0x80, v3, vm0, $0xb8;
	[tilespmem:$0x18800] =	vst v63  }
0x33: {  	s29 =	simm.s32 $0x2800  }
0x34: {  	[hbm4b:s5+s2] =	stream.indirect_vreg.scatter [tilespmem:s29], [sflag:$0x3], $0x80, v3, vm0, $0xb8;
	[tilespmem:$0x18800] =	vst v63  }
0x35: {  	s30 =	simm.s32 $0x3000  }
0x36: {  	[hbm4b:s6+s2] =	stream.indirect_vreg.scatter [tilespmem:s30], [sflag:$0x3], $0x80, v3, vm0, $0xb8;
	[tilespmem:$0x18800] =	vst v63  }
0x37: {  	v3 =	vld [tilespmem:$0x10];
	_ =	sdelay $0x4  }
0x38: {  	v57 =	vshrl.u32 v3, $0x3  }
0x39: {  	v4 =	vmul.u32 $0x30, v57  }
0x3a: {  	v3 =	vand.u32 $0x7, v3  }
0x3b: {  	v3 =	vor.u32 v3, v4  }
0x3c: {  	v4 =	vperm.xlane v3, v0;
	_ =	sdelay $0x1  }
0x3d: {  	v4 =	vadd.s32 v1, v4;
	_ =	sdelay $0x3  }
0x3e: {  	s31 =	simm.s32 $0x3800;
	v3 =	vperm.xlane v3, v2  }
0x3f: {  	[hbm4b:s4+s2] =	stream.indirect_vreg.scatter [tilespmem:s31], [sflag:$0x3], $0x80, v4, vm0, $0xb8;
	[tilespmem:$0x18800] =	vst v63  }
0x40: {  	s7 =	simm.s32 $0x4000;
	v3 =	vadd.s32 v1, v3  }
0x41: {  	[hbm4b:s5+s2] =	stream.indirect_vreg.scatter [tilespmem:s7], [sflag:$0x3], $0x80, v4, vm0, $0xb8;
	[tilespmem:$0x18800] =	vst v63  }
0x42: {  	s9 =	simm.s32 $0x4800  }
0x43: {  	[hbm4b:s6+s2] =	stream.indirect_vreg.scatter [tilespmem:s9], [sflag:$0x3], $0x80, v4, vm0, $0xb8;
	[tilespmem:$0x18800] =	vst v63  }
0x44: {  	s10 =	simm.s32 $0x5000  }
0x45: {  	[hbm4b:s4+s2] =	stream.indirect_vreg.scatter [tilespmem:s10], [sflag:$0x3], $0x80, v3, vm0, $0xb8;
	[tilespmem:$0x18800] =	vst v63  }
0x46: {  	s15 =	simm.s32 $0x5800  }
0x47: {  	[hbm4b:s5+s2] =	stream.indirect_vreg.scatter [tilespmem:s15], [sflag:$0x3], $0x80, v3, vm0, $0xb8;
	[tilespmem:$0x18800] =	vst v63  }
0x48: {  	s16 =	simm.s32 $0x6000  }
0x49: {  	[hbm4b:s6+s2] =	stream.indirect_vreg.scatter [tilespmem:s16], [sflag:$0x3], $0x80, v3, vm0, $0xb8;
	[tilespmem:$0x18800] =	vst v63  }
0x4a: {  	v3 =	vld [tilespmem:$0x20];
	_ =	sdelay $0x4  }
0x4b: {  	v58 =	vshrl.u32 v3, $0x3  }
0x4c: {  	v4 =	vmul.u32 $0x30, v58  }
0x4d: {  	v3 =	vand.u32 $0x7, v3  }
0x4e: {  	v3 =	vor.u32 v3, v4  }
0x4f: {  	v4 =	vperm.xlane v3, v0;
	_ =	sdelay $0x1  }
0x50: {  	v4 =	vadd.s32 v1, v4;
	_ =	sdelay $0x3  }
0x51: {  	s17 =	simm.s32 $0x6800;
	v3 =	vperm.xlane v3, v2  }
0x52: {  	[hbm4b:s4+s2] =	stream.indirect_vreg.scatter [tilespmem:s17], [sflag:$0x3], $0x80, v4, vm0, $0xb8;
	[tilespmem:$0x18800] =	vst v63  }
0x53: {  	s18 =	simm.s32 $0x7000;
	v3 =	vadd.s32 v1, v3  }
0x54: {  	[hbm4b:s5+s2] =	stream.indirect_vreg.scatter [tilespmem:s18], [sflag:$0x3], $0x80, v4, vm0, $0xb8;
	[tilespmem:$0x18800] =	vst v63  }
0x55: {  	s21 =	simm.s32 $0x7800  }
0x56: {  	[hbm4b:s6+s2] =	stream.indirect_vreg.scatter [tilespmem:s21], [sflag:$0x3], $0x80, v4, vm0, $0xb8;
	[tilespmem:$0x18800] =	vst v63  }
0x57: {  	s22 =	simm.s32 $0x8000  }
0x58: {  	[hbm4b:s4+s2] =	stream.indirect_vreg.scatter [tilespmem:s22], [sflag:$0x3], $0x80, v3, vm0, $0xb8;
	[tilespmem:$0x18800] =	vst v63  }
0x59: {  	s23 =	simm.s32 $0x8800  }
0x5a: {  	[hbm4b:s5+s2] =	stream.indirect_vreg.scatter [tilespmem:s23], [sflag:$0x3], $0x80, v3, vm0, $0xb8;
	[tilespmem:$0x18800] =	vst v63  }
0x5b: {  	s24 =	simm.s32 $0x9000  }
0x5c: {  	[hbm4b:s6+s2] =	stream.indirect_vreg.scatter [tilespmem:s24], [sflag:$0x3], $0x80, v3, vm0, $0xb8;
	[tilespmem:$0x18800] =	vst v63  }
0x5d: {  	v3 =	vld [tilespmem:$0x30];
	_ =	sdelay $0x4  }
0x5e: {  	v59 =	vshrl.u32 v3, $0x3  }
0x5f: {  	v4 =	vmul.u32 $0x30, v59  }
0x60: {  	v3 =	vand.u32 $0x7, v3  }
0x61: {  	v3 =	vor.u32 v3, v4  }
0x62: {  	v4 =	vperm.xlane v3, v0;
	_ =	sdelay $0x1  }
0x63: {  	v4 =	vadd.s32 v1, v4;
	_ =	sdelay $0x3  }
0x64: {  	s25 =	simm.s32 $0x9800;
	v3 =	vperm.xlane v3, v2  }
0x65: {  	[hbm4b:s4+s2] =	stream.indirect_vreg.scatter [tilespmem:s25], [sflag:$0x3], $0x80, v4, vm0, $0xb8;
	[tilespmem:$0x18800] =	vst v63  }
0x66: {  	s26 =	simm.s32 $0xA000;
	v3 =	vadd.s32 v1, v3  }
0x67: {  	[hbm4b:s5+s2] =	stream.indirect_vreg.scatter [tilespmem:s26], [sflag:$0x3], $0x80, v4, vm0, $0xb8;
	[tilespmem:$0x18800] =	vst v63  }
0x68: {  	s28 =	simm.s32 $0xA800  }
0x69: {  	[hbm4b:s6+s2] =	stream.indirect_vreg.scatter [tilespmem:s28], [sflag:$0x3], $0x80, v4, vm0, $0xb8;
	[tilespmem:$0x18800] =	vst v63  }
0x6a: {  	s29 =	simm.s32 $0xB000  }
0x6b: {  	[hbm4b:s4+s2] =	stream.indirect_vreg.scatter [tilespmem:s29], [sflag:$0x3], $0x80, v3, vm0, $0xb8;
	[tilespmem:$0x18800] =	vst v63  }
0x6c: {  	s30 =	simm.s32 $0xB800  }
0x6d: {  	[hbm4b:s5+s2] =	stream.indirect_vreg.scatter [tilespmem:s30], [sflag:$0x3], $0x80, v3, vm0, $0xb8;
	[tilespmem:$0x18800] =	vst v63  }
0x6e: {  	s31 =	simm.s32 $0xC000  }
0x6f: {  	[hbm4b:s6+s2] =	stream.indirect_vreg.scatter [tilespmem:s31], [sflag:$0x3], $0x80, v3, vm0, $0xb8;
	[tilespmem:$0x18800] =	vst v63  }
0x70: {  	_ =	swait.ge [sflag:s12], $0xC000  }
0x71: {  	[sflag:s12] =	ssyncset.done $0x0  }
0x72: {  	s3 =	simm.s32 $0x800;
	s0 =	rddreg [dreg:$0x5];
	[sflag:s12] =	ssyncadd.s32 $0xFFFF4000  }
0x73: {  	[tilespmem:s3], [sflag:$0x1] =	stream.linear.gather [hbm4b:s0+s2], $0xC000, $0x38;
	[tilespmem:$0x18800] =	vst v63  }
0x74: {  	_ =	swait.ge [sflag:s13], $0xC000  }
0x75: {  	[sflag:s13] =	ssyncset.done $0x0  }
0x76: {  	[sflag:s13] =	ssyncadd.s32 $0xFFFF4000  }
0x77: {  	v3 =	vld [tilespmem:$0x80];
	_ =	sdelay $0x4  }
0x78: {  	v60 =	vshrl.u32 v3, $0x3  }
0x79: {  	v4 =	vmul.u32 $0x30, v60  }
0x7a: {  	v3 =	vand.u32 $0x7, v3  }
0x7b: {  	v3 =	vor.u32 v3, v4  }
0x7c: {  	v4 =	vperm.xlane v3, v0;
	_ =	sdelay $0x1  }
0x7d: {  	v4 =	vadd.s32 v1, v4;
	_ =	sdelay $0x3  }
0x7e: {  	s1 =	simm.s32 $0xC800;
	v3 =	vperm.xlane v3, v2  }
0x7f: {  	[hbm4b:s4+s2] =	stream.indirect_vreg.scatter [tilespmem:s1], [sflag:$0x3], $0x80, v4, vm0, $0xb8;
	[tilespmem:$0x18800] =	vst v63  }
0x80: {  	s7 =	simm.s32 $0xD000;
	v3 =	vadd.s32 v1, v3  }
0x81: {  	[hbm4b:s5+s2] =	stream.indirect_vreg.scatter [tilespmem:s7], [sflag:$0x3], $0x80, v4, vm0, $0xb8;
	[tilespmem:$0x18800] =	vst v63  }
0x82: {  	s9 =	simm.s32 $0xD800  }
0x83: {  	[hbm4b:s6+s2] =	stream.indirect_vreg.scatter [tilespmem:s9], [sflag:$0x3], $0x80, v4, vm0, $0xb8;
	[tilespmem:$0x18800] =	vst v63  }
0x84: {  	s10 =	simm.s32 $0xE000  }
0x85: {  	[hbm4b:s4+s2] =	stream.indirect_vreg.scatter [tilespmem:s10], [sflag:$0x3], $0x80, v3, vm0, $0xb8;
	[tilespmem:$0x18800] =	vst v63  }
0x86: {  	s15 =	simm.s32 $0xE800  }
0x87: {  	[hbm4b:s5+s2] =	stream.indirect_vreg.scatter [tilespmem:s15], [sflag:$0x3], $0x80, v3, vm0, $0xb8;
	[tilespmem:$0x18800] =	vst v63  }
0x88: {  	s16 =	simm.s32 $0xF000  }
0x89: {  	[hbm4b:s6+s2] =	stream.indirect_vreg.scatter [tilespmem:s16], [sflag:$0x3], $0x80, v3, vm0, $0xb8;
	[tilespmem:$0x18800] =	vst v63  }
0x8a: {  	v3 =	vld [tilespmem:$0x90];
	_ =	sdelay $0x4  }
0x8b: {  	v61 =	vshrl.u32 v3, $0x3  }
0x8c: {  	v4 =	vmul.u32 $0x30, v61  }
0x8d: {  	v3 =	vand.u32 $0x7, v3  }
0x8e: {  	v3 =	vor.u32 v3, v4  }
0x8f: {  	v4 =	vperm.xlane v3, v0;
	_ =	sdelay $0x1  }
0x90: {  	v4 =	vadd.s32 v1, v4;
	_ =	sdelay $0x3  }
0x91: {  	s18 =	simm.s32 $0xF800;
	v3 =	vperm.xlane v3, v2  }
0x92: {  	[hbm4b:s4+s2] =	stream.indirect_vreg.scatter [tilespmem:s18], [sflag:$0x3], $0x80, v4, vm0, $0xb8;
	[tilespmem:$0x18800] =	vst v63  }
0x93: {  	s21 =	simm.s32 $0x10000;
	v3 =	vadd.s32 v1, v3  }
0x94: {  	[hbm4b:s5+s2] =	stream.indirect_vreg.scatter [tilespmem:s21], [sflag:$0x3], $0x80, v4, vm0, $0xb8;
	[tilespmem:$0x18800] =	vst v63  }
0x95: {  	s22 =	simm.s32 $0x10800  }
0x96: {  	[hbm4b:s6+s2] =	stream.indirect_vreg.scatter [tilespmem:s22], [sflag:$0x3], $0x80, v4, vm0, $0xb8;
	[tilespmem:$0x18800] =	vst v63  }
0x97: {  	s25 =	simm.s32 $0x11000  }
0x98: {  	[hbm4b:s4+s2] =	stream.indirect_vreg.scatter [tilespmem:s25], [sflag:$0x3], $0x80, v3, vm0, $0xb8;
	[tilespmem:$0x18800] =	vst v63  }
0x99: {  	s26 =	simm.s32 $0x11800  }
0x9a: {  	[hbm4b:s5+s2] =	stream.indirect_vreg.scatter [tilespmem:s26], [sflag:$0x3], $0x80, v3, vm0, $0xb8;
	[tilespmem:$0x18800] =	vst v63  }
0x9b: {  	s28 =	simm.s32 $0x12000  }
0x9c: {  	[hbm4b:s6+s2] =	stream.indirect_vreg.scatter [tilespmem:s28], [sflag:$0x3], $0x80, v3, vm0, $0xb8;
	[tilespmem:$0x18800] =	vst v63  }
0x9d: {  	v3 =	vld [tilespmem:$0xA0];
	_ =	sdelay $0x4  }
0x9e: {  	v62 =	vshrl.u32 v3, $0x3  }
0x9f: {  	v4 =	vmul.u32 $0x30, v62  }
0xa0: {  	v3 =	vand.u32 $0x7, v3  }
0xa1: {  	v3 =	vor.u32 v3, v4  }
0xa2: {  	v4 =	vperm.xlane v3, v0;
	_ =	sdelay $0x1  }
0xa3: {  	v4 =	vadd.s32 v1, v4;
	_ =	sdelay $0x3  }
0xa4: {  	s29 =	simm.s32 $0x12800;
	v3 =	vperm.xlane v3, v2  }
0xa5: {  	[hbm4b:s4+s2] =	stream.indirect_vreg.scatter [tilespmem:s29], [sflag:$0x3], $0x80, v4, vm0, $0xb8;
	[tilespmem:$0x18800] =	vst v63  }
0xa6: {  	s30 =	simm.s32 $0x13000;
	v3 =	vadd.s32 v1, v3  }
0xa7: {  	[hbm4b:s5+s2] =	stream.indirect_vreg.scatter [tilespmem:s30], [sflag:$0x3], $0x80, v4, vm0, $0xb8;
	[tilespmem:$0x18800] =	vst v63  }
0xa8: {  	s3 =	simm.s32 $0x13800  }
0xa9: {  	[hbm4b:s6+s2] =	stream.indirect_vreg.scatter [tilespmem:s3], [sflag:$0x3], $0x80, v4, vm0, $0xb8;
	[tilespmem:$0x18800] =	vst v63  }
0xaa: {  	s7 =	simm.s32 $0x14000  }
0xab: {  	[hbm4b:s4+s2] =	stream.indirect_vreg.scatter [tilespmem:s7], [sflag:$0x3], $0x80, v3, vm0, $0xb8;
	[tilespmem:$0x18800] =	vst v63  }
0xac: {  	s9 =	simm.s32 $0x14800  }
0xad: {  	[hbm4b:s5+s2] =	stream.indirect_vreg.scatter [tilespmem:s9], [sflag:$0x3], $0x80, v3, vm0, $0xb8;
	[tilespmem:$0x18800] =	vst v63  }
0xae: {  	s15 =	simm.s32 $0x15000  }
0xaf: {  	[hbm4b:s6+s2] =	stream.indirect_vreg.scatter [tilespmem:s15], [sflag:$0x3], $0x80, v3, vm0, $0xb8;
	[tilespmem:$0x18800] =	vst v63  }
0xb0: {  	v3 =	vld [tilespmem:$0xB0];
	_ =	sdelay $0x4  }
0xb1: {  	v63 =	vshrl.u32 v3, $0x3  }
0xb2: {  	v4 =	vmul.u32 $0x30, v63  }
0xb3: {  	v3 =	vand.u32 $0x7, v3  }
0xb4: {  	v3 =	vor.u32 v3, v4  }
0xb5: {  	v4 =	vperm.xlane v3, v0;
	_ =	sdelay $0x1  }
0xb6: {  	v4 =	vadd.s32 v1, v4;
	_ =	sdelay $0x3  }
0xb7: {  	s16 =	simm.s32 $0x15800;
	v3 =	vperm.xlane v3, v2  }
0xb8: {  	[hbm4b:s4+s2] =	stream.indirect_vreg.scatter [tilespmem:s16], [sflag:$0x3], $0x80, v4, vm0, $0xb8;
	[tilespmem:$0x18800] =	vst v63  }
0xb9: {  	s18 =	simm.s32 $0x16000;
	v3 =	vadd.s32 v1, v3  }
0xba: {  	[hbm4b:s5+s2] =	stream.indirect_vreg.scatter [tilespmem:s18], [sflag:$0x3], $0x80, v4, vm0, $0xb8;
	[tilespmem:$0x18800] =	vst v63  }
0xbb: {  	s21 =	simm.s32 $0x16800  }
0xbc: {  	[hbm4b:s6+s2] =	stream.indirect_vreg.scatter [tilespmem:s21], [sflag:$0x3], $0x80, v4, vm0, $0xb8;
	[tilespmem:$0x18800] =	vst v63  }
0xbd: {  	s22 =	simm.s32 $0x17000  }
0xbe: {  	[hbm4b:s4+s2] =	stream.indirect_vreg.scatter [tilespmem:s22], [sflag:$0x3], $0x80, v3, vm0, $0xb8;
	[tilespmem:$0x18800] =	vst v63  }
0xbf: {  	s25 =	simm.s32 $0x17800  }
0xc0: {  	[hbm4b:s5+s2] =	stream.indirect_vreg.scatter [tilespmem:s25], [sflag:$0x3], $0x80, v3, vm0, $0xb8;
	[tilespmem:$0x18800] =	vst v63  }
0xc1: {  	s26 =	simm.s32 $0x18000  }
0xc2: {  	[hbm4b:s6+s2] =	stream.indirect_vreg.scatter [tilespmem:s26], [sflag:$0x3], $0x80, v3, vm0, $0xb8;
	[tilespmem:$0x18800] =	vst v63  }
0xc3: {  	_ =	swait.ge [sflag:s12], $0xC000  }
0xc4: {  	[sflag:s12] =	ssyncset.done $0x0  }
0xc5: {  	s1 =	simm.s32 $0xC800;
	s28 =	rddreg [dreg:$0x6];
	[sflag:s12] =	ssyncadd.s32 $0xFFFF4000  }
0xc6: {  	[tilespmem:s1], [sflag:$0x2] =	stream.linear.gather [hbm4b:s28+s2], $0xC000, $0x38;
	[tilespmem:$0x18800] =	vst v63  }
0xc7: {  	_ =	swait.ge [sflag:s11], $0xC000  }
0xc8: {  	[sflag:s11] =	ssyncset.done $0x0  }
0xc9: {  	[sflag:s11] =	ssyncadd.s32 $0xFFFF4000  }
0xca: {  	v3 =	vld [tilespmem:$0x100];
	_ =	sdelay $0x4  }
0xcb: {  	v8 =	vshrl.u32 v3, $0x3  }
0xcc: {  	v4 =	vmul.u32 $0x30, v8  }
0xcd: {  	v3 =	vand.u32 $0x7, v3  }
0xce: {  	v3 =	vor.u32 v3, v4  }
0xcf: {  	v4 =	vperm.xlane v3, v0;
	_ =	sdelay $0x1  }
0xd0: {  	v4 =	vadd.s32 v1, v4;
	_ =	sdelay $0x3  }
0xd1: {  	s9 =	simm.s32 $0x800;
	v3 =	vperm.xlane v3, v2  }
0xd2: {  	[hbm4b:s4+s2] =	stream.indirect_vreg.scatter [tilespmem:s9], [sflag:$0x3], $0x80, v4, vm0, $0xb8;
	[tilespmem:$0x18800] =	vst v63  }
0xd3: {  	s29 =	simm.s32 $0x1000;
	v3 =	vadd.s32 v1, v3  }
0xd4: {  	[hbm4b:s5+s2] =	stream.indirect_vreg.scatter [tilespmem:s29], [sflag:$0x3], $0x80, v4, vm0, $0xb8;
	[tilespmem:$0x18800] =	vst v63  }
0xd5: {  	s30 =	simm.s32 $0x1800  }
0xd6: {  	[hbm4b:s6+s2] =	stream.indirect_vreg.scatter [tilespmem:s30], [sflag:$0x3], $0x80, v4, vm0, $0xb8;
	[tilespmem:$0x18800] =	vst v63  }
0xd7: {  	s1 =	simm.s32 $0x2000  }
0xd8: {  	[hbm4b:s4+s2] =	stream.indirect_vreg.scatter [tilespmem:s1], [sflag:$0x3], $0x80, v3, vm0, $0xb8;
	[tilespmem:$0x18800] =	vst v63  }
0xd9: {  	s7 =	simm.s32 $0x2800  }
0xda: {  	[hbm4b:s5+s2] =	stream.indirect_vreg.scatter [tilespmem:s7], [sflag:$0x3], $0x80, v3, vm0, $0xb8;
	[tilespmem:$0x18800] =	vst v63  }
0xdb: {  	s8 =	simm.s32 $0x3000  }
0xdc: {  	[hbm4b:s6+s2] =	stream.indirect_vreg.scatter [tilespmem:s8], [sflag:$0x3], $0x80, v3, vm0, $0xb8;
	[tilespmem:$0x18800] =	vst v63  }
0xdd: {  	v3 =	vld [tilespmem:$0x110];
	_ =	sdelay $0x4  }
0xde: {  	v9 =	vshrl.u32 v3, $0x3  }
0xdf: {  	v4 =	vmul.u32 $0x30, v9  }
0xe0: {  	v3 =	vand.u32 $0x7, v3  }
0xe1: {  	v3 =	vor.u32 v3, v4  }
0xe2: {  	v4 =	vperm.xlane v3, v0;
	_ =	sdelay $0x1  }
0xe3: {  	v4 =	vadd.s32 v1, v4;
	_ =	sdelay $0x3  }
0xe4: {  	s14 =	simm.s32 $0x3800;
	v3 =	vperm.xlane v3, v2  }
0xe5: {  	[hbm4b:s4+s2] =	stream.indirect_vreg.scatter [tilespmem:s14], [sflag:$0x3], $0x80, v4, vm0, $0xb8;
	[tilespmem:$0x18800] =	vst v63  }
0xe6: {  	s8 =	simm.s32 $0x4000;
	v3 =	vadd.s32 v1, v3  }
0xe7: {  	[hbm4b:s5+s2] =	stream.indirect_vreg.scatter [tilespmem:s8], [sflag:$0x3], $0x80, v4, vm0, $0xb8;
	[tilespmem:$0x18800] =	vst v63  }
0xe8: {  	s14 =	simm.s32 $0x4800  }
0xe9: {  	[hbm4b:s6+s2] =	stream.indirect_vreg.scatter [tilespmem:s14], [sflag:$0x3], $0x80, v4, vm0, $0xb8;
	[tilespmem:$0x18800] =	vst v63  }
0xea: {  	s15 =	simm.s32 $0x5000  }
0xeb: {  	[hbm4b:s4+s2] =	stream.indirect_vreg.scatter [tilespmem:s15], [sflag:$0x3], $0x80, v3, vm0, $0xb8;
	[tilespmem:$0x18800] =	vst v63  }
0xec: {  	s18 =	simm.s32 $0x5800  }
0xed: {  	[hbm4b:s5+s2] =	stream.indirect_vreg.scatter [tilespmem:s18], [sflag:$0x3], $0x80, v3, vm0, $0xb8;
	[tilespmem:$0x18800] =	vst v63  }
0xee: {  	s19 =	simm.s32 $0x6000  }
0xef: {  	[hbm4b:s6+s2] =	stream.indirect_vreg.scatter [tilespmem:s19], [sflag:$0x3], $0x80, v3, vm0, $0xb8;
	[tilespmem:$0x18800] =	vst v63  }
0xf0: {  	v3 =	vld [tilespmem:$0x120];
	_ =	sdelay $0x4  }
0xf1: {  	v10 =	vshrl.u32 v3, $0x3  }
0xf2: {  	v4 =	vmul.u32 $0x30, v10  }
0xf3: {  	v3 =	vand.u32 $0x7, v3  }
0xf4: {  	v3 =	vor.u32 v3, v4  }
0xf5: {  	v4 =	vperm.xlane v3, v0;
	_ =	sdelay $0x1  }
0xf6: {  	v4 =	vadd.s32 v1, v4;
	_ =	sdelay $0x3  }
0xf7: {  	s20 =	simm.s32 $0x6800;
	v3 =	vperm.xlane v3, v2  }
0xf8: {  	[hbm4b:s4+s2] =	stream.indirect_vreg.scatter [tilespmem:s20], [sflag:$0x3], $0x80, v4, vm0, $0xb8;
	[tilespmem:$0x18800] =	vst v63  }
0xf9: {  	s19 =	simm.s32 $0x7000;
	v3 =	vadd.s32 v1, v3  }
0xfa: {  	[hbm4b:s5+s2] =	stream.indirect_vreg.scatter [tilespmem:s19], [sflag:$0x3], $0x80, v4, vm0, $0xb8;
	[tilespmem:$0x18800] =	vst v63  }
0xfb: {  	s20 =	simm.s32 $0x7800  }
0xfc: {  	[hbm4b:s6+s2] =	stream.indirect_vreg.scatter [tilespmem:s20], [sflag:$0x3], $0x80, v4, vm0, $0xb8;
	[tilespmem:$0x18800] =	vst v63  }
0xfd: {  	s21 =	simm.s32 $0x8000  }
0xfe: {  	[hbm4b:s4+s2] =	stream.indirect_vreg.scatter [tilespmem:s21], [sflag:$0x3], $0x80, v3, vm0, $0xb8;
	[tilespmem:$0x18800] =	vst v63  }
0xff: {  	s22 =	simm.s32 $0x8800  }
0x100: {  	[hbm4b:s5+s2] =	stream.indirect_vreg.scatter [tilespmem:s22], [sflag:$0x3], $0x80, v3, vm0, $0xb8;
	[tilespmem:$0x18800] =	vst v63  }
0x101: {  	s23 =	simm.s32 $0x9000  }
0x102: {  	[hbm4b:s6+s2] =	stream.indirect_vreg.scatter [tilespmem:s23], [sflag:$0x3], $0x80, v3, vm0, $0xb8;
	[tilespmem:$0x18800] =	vst v63  }
0x103: {  	v3 =	vld [tilespmem:$0x130];
	_ =	sdelay $0x4  }
0x104: {  	v11 =	vshrl.u32 v3, $0x3  }
0x105: {  	v4 =	vmul.u32 $0x30, v11  }
0x106: {  	v3 =	vand.u32 $0x7, v3  }
0x107: {  	v3 =	vor.u32 v3, v4  }
0x108: {  	v4 =	vperm.xlane v3, v0;
	_ =	sdelay $0x1  }
0x109: {  	v4 =	vadd.s32 v1, v4;
	_ =	sdelay $0x3  }
0x10a: {  	s24 =	simm.s32 $0x9800;
	v3 =	vperm.xlane v3, v2  }
0x10b: {  	[hbm4b:s4+s2] =	stream.indirect_vreg.scatter [tilespmem:s24], [sflag:$0x3], $0x80, v4, vm0, $0xb8;
	[tilespmem:$0x18800] =	vst v63  }
0x10c: {  	s23 =	simm.s32 $0xA000;
	v3 =	vadd.s32 v1, v3  }
0x10d: {  	[hbm4b:s5+s2] =	stream.indirect_vreg.scatter [tilespmem:s23], [sflag:$0x3], $0x80, v4, vm0, $0xb8;
	[tilespmem:$0x18800] =	vst v63  }
0x10e: {  	s24 =	simm.s32 $0xA800  }
0x10f: {  	[hbm4b:s6+s2] =	stream.indirect_vreg.scatter [tilespmem:s24], [sflag:$0x3], $0x80, v4, vm0, $0xb8;
	[tilespmem:$0x18800] =	vst v63  }
0x110: {  	s25 =	simm.s32 $0xB000  }
0x111: {  	[hbm4b:s4+s2] =	stream.indirect_vreg.scatter [tilespmem:s25], [sflag:$0x3], $0x80, v3, vm0, $0xb8;
	[tilespmem:$0x18800] =	vst v63  }
0x112: {  	s26 =	simm.s32 $0xB800  }
0x113: {  	[hbm4b:s5+s2] =	stream.indirect_vreg.scatter [tilespmem:s26], [sflag:$0x3], $0x80, v3, vm0, $0xb8;
	[tilespmem:$0x18800] =	vst v63  }
0x114: {  	s17 =	simm.s32 $0xC000  }
0x115: {  	[hbm4b:s6+s2] =	stream.indirect_vreg.scatter [tilespmem:s17], [sflag:$0x3], $0x80, v3, vm0, $0xb8;
	[tilespmem:$0x18800] =	vst v63  }
0x116: {  	_ =	swait.ge [sflag:s12], $0xC000  }
0x117: {  	[sflag:s12] =	ssyncset.done $0x0  }
0x118: {  	s3 =	rddreg [dreg:$0x7];
	[sflag:s12] =	ssyncadd.s32 $0xFFFF4000  }
0x119: {  	[tilespmem:s9], [sflag:$0x1] =	stream.linear.gather [hbm4b:s3+s2], $0xC000, $0x38;
	[tilespmem:$0x18800] =	vst v63  }
0x11a: {  	_ =	swait.ge [sflag:s13], $0xC000  }
0x11b: {  	[sflag:s13] =	ssyncset.done $0x0  }
0x11c: {  	[sflag:s13] =	ssyncadd.s32 $0xFFFF4000  }
0x11d: {  	v3 =	vld [tilespmem:$0x180];
	_ =	sdelay $0x4  }
0x11e: {  	v12 =	vshrl.u32 v3, $0x3  }
0x11f: {  	v4 =	vmul.u32 $0x30, v12  }
0x120: {  	v3 =	vand.u32 $0x7, v3  }
0x121: {  	v3 =	vor.u32 v3, v4  }
0x122: {  	v4 =	vperm.xlane v3, v0;
	_ =	sdelay $0x1  }
0x123: {  	v4 =	vadd.s32 v1, v4;
	_ =	sdelay $0x3  }
0x124: {  	s28 =	simm.s32 $0xC800;
	v3 =	vperm.xlane v3, v2  }
0x125: {  	[hbm4b:s4+s2] =	stream.indirect_vreg.scatter [tilespmem:s28], [sflag:$0x3], $0x80, v4, vm0, $0xb8;
	[tilespmem:$0x18800] =	vst v63  }
0x126: {  	s17 =	simm.s32 $0xD000;
	v3 =	vadd.s32 v1, v3  }
0x127: {  	[hbm4b:s5+s2] =	stream.indirect_vreg.scatter [tilespmem:s17], [sflag:$0x3], $0x80, v4, vm0, $0xb8;
	[tilespmem:$0x18800] =	vst v63  }
0x128: {  	s28 =	simm.s32 $0xD800  }
0x129: {  	[hbm4b:s6+s2] =	stream.indirect_vreg.scatter [tilespmem:s28], [sflag:$0x3], $0x80, v4, vm0, $0xb8;
	[tilespmem:$0x18800] =	vst v63  }
0x12a: {  	s29 =	simm.s32 $0xE000  }
0x12b: {  	[hbm4b:s4+s2] =	stream.indirect_vreg.scatter [tilespmem:s29], [sflag:$0x3], $0x80, v3, vm0, $0xb8;
	[tilespmem:$0x18800] =	vst v63  }
0x12c: {  	s30 =	simm.s32 $0xE800  }
0x12d: {  	[hbm4b:s5+s2] =	stream.indirect_vreg.scatter [tilespmem:s30], [sflag:$0x3], $0x80, v3, vm0, $0xb8;
	[tilespmem:$0x18800] =	vst v63  }
0x12e: {  	s10 =	simm.s32 $0xF000  }
0x12f: {  	[hbm4b:s6+s2] =	stream.indirect_vreg.scatter [tilespmem:s10], [sflag:$0x3], $0x80, v3, vm0, $0xb8;
	[tilespmem:$0x18800] =	vst v63  }
0x130: {  	v3 =	vld [tilespmem:$0x190];
	_ =	sdelay $0x4  }
0x131: {  	v13 =	vshrl.u32 v3, $0x3  }
0x132: {  	v4 =	vmul.u32 $0x30, v13  }
0x133: {  	v3 =	vand.u32 $0x7, v3  }
0x134: {  	v3 =	vor.u32 v3, v4  }
0x135: {  	v4 =	vperm.xlane v3, v0;
	_ =	sdelay $0x1  }
0x136: {  	v4 =	vadd.s32 v1, v4;
	_ =	sdelay $0x3  }
0x137: {  	s31 =	simm.s32 $0xF800;
	v3 =	vperm.xlane v3, v2  }
0x138: {  	[hbm4b:s4+s2] =	stream.indirect_vreg.scatter [tilespmem:s31], [sflag:$0x3], $0x80, v4, vm0, $0xb8;
	[tilespmem:$0x18800] =	vst v63  }
0x139: {  	v3 =	vadd.s32 v1, v3;
	s31 =	simm.s32 $0x10000  }
0x13a: {  	[hbm4b:s5+s2] =	stream.indirect_vreg.scatter [tilespmem:s31], [sflag:$0x3], $0x80, v4, vm0, $0xb8;
	[tilespmem:$0x18800] =	vst v63  }
0x13b: {  	s9 =	simm.s32 $0x10800  }
0x13c: {  	[hbm4b:s6+s2] =	stream.indirect_vreg.scatter [tilespmem:s9], [sflag:$0x3], $0x80, v4, vm0, $0xb8;
	[tilespmem:$0x18800] =	vst v63  }
0x13d: {  	s10 =	simm.s32 $0x11000  }
0x13e: {  	[hbm4b:s4+s2] =	stream.indirect_vreg.scatter [tilespmem:s10], [sflag:$0x3], $0x80, v3, vm0, $0xb8;
	[tilespmem:$0x18800] =	vst v63  }
0x13f: {  	s16 =	simm.s32 $0x11800  }
0x140: {  	[hbm4b:s5+s2] =	stream.indirect_vreg.scatter [tilespmem:s16], [sflag:$0x3], $0x80, v3, vm0, $0xb8;
	[tilespmem:$0x18800] =	vst v63  }
0x141: {  	s16 =	simm.s32 $0x12000  }
0x142: {  	[hbm4b:s6+s2] =	stream.indirect_vreg.scatter [tilespmem:s16], [sflag:$0x3], $0x80, v3, vm0, $0xb8;
	[tilespmem:$0x18800] =	vst v63  }
0x143: {  	v3 =	vld [tilespmem:$0x1A0];
	_ =	sdelay $0x4  }
0x144: {  	v14 =	vshrl.u32 v3, $0x3  }
0x145: {  	v4 =	vmul.u32 $0x30, v14  }
0x146: {  	v3 =	vand.u32 $0x7, v3  }
0x147: {  	v3 =	vor.u32 v3, v4  }
0x148: {  	v4 =	vperm.xlane v3, v0;
	_ =	sdelay $0x1  }
0x149: {  	v4 =	vadd.s32 v1, v4;
	_ =	sdelay $0x3  }
0x14a: {  	s16 =	simm.s32 $0x12800;
	v3 =	vperm.xlane v3, v2  }
0x14b: {  	[hbm4b:s4+s2] =	stream.indirect_vreg.scatter [tilespmem:s16], [sflag:$0x3], $0x80, v4, vm0, $0xb8;
	[tilespmem:$0x18800] =	vst v63  }
0x14c: {  	v3 =	vadd.s32 v1, v3;
	s16 =	simm.s32 $0x13000  }
0x14d: {  	[hbm4b:s5+s2] =	stream.indirect_vreg.scatter [tilespmem:s16], [sflag:$0x3], $0x80, v4, vm0, $0xb8;
	[tilespmem:$0x18800] =	vst v63  }
0x14e: {  	s16 =	simm.s32 $0x13800  }
0x14f: {  	[hbm4b:s6+s2] =	stream.indirect_vreg.scatter [tilespmem:s16], [sflag:$0x3], $0x80, v4, vm0, $0xb8;
	[tilespmem:$0x18800] =	vst v63  }
0x150: {  	s16 =	simm.s32 $0x14000  }
0x151: {  	[hbm4b:s4+s2] =	stream.indirect_vreg.scatter [tilespmem:s16], [sflag:$0x3], $0x80, v3, vm0, $0xb8;
	[tilespmem:$0x18800] =	vst v63  }
0x152: {  	s16 =	simm.s32 $0x14800  }
0x153: {  	[hbm4b:s5+s2] =	stream.indirect_vreg.scatter [tilespmem:s16], [sflag:$0x3], $0x80, v3, vm0, $0xb8;
	[tilespmem:$0x18800] =	vst v63  }
0x154: {  	s16 =	simm.s32 $0x15000  }
0x155: {  	[hbm4b:s6+s2] =	stream.indirect_vreg.scatter [tilespmem:s16], [sflag:$0x3], $0x80, v3, vm0, $0xb8;
	[tilespmem:$0x18800] =	vst v63  }
0x156: {  	v3 =	vld [tilespmem:$0x1B0];
	_ =	sdelay $0x4  }
0x157: {  	v15 =	vshrl.u32 v3, $0x3  }
0x158: {  	v4 =	vmul.u32 $0x30, v15  }
0x159: {  	v3 =	vand.u32 $0x7, v3  }
0x15a: {  	v3 =	vor.u32 v3, v4  }
0x15b: {  	v4 =	vperm.xlane v3, v0;
	_ =	sdelay $0x1  }
0x15c: {  	v4 =	vadd.s32 v1, v4;
	_ =	sdelay $0x3  }
0x15d: {  	s16 =	simm.s32 $0x15800;
	v3 =	vperm.xlane v3, v2  }
0x15e: {  	[hbm4b:s4+s2] =	stream.indirect_vreg.scatter [tilespmem:s16], [sflag:$0x3], $0x80, v4, vm0, $0xb8;
	[tilespmem:$0x18800] =	vst v63  }
0x15f: {  	v3 =	vadd.s32 v1, v3;
	s16 =	simm.s32 $0x16000  }
0x160: {  	[hbm4b:s5+s2] =	stream.indirect_vreg.scatter [tilespmem:s16], [sflag:$0x3], $0x80, v4, vm0, $0xb8;
	[tilespmem:$0x18800] =	vst v63  }
0x161: {  	s16 =	simm.s32 $0x16800  }
0x162: {  	[hbm4b:s6+s2] =	stream.indirect_vreg.scatter [tilespmem:s16], [sflag:$0x3], $0x80, v4, vm0, $0xb8;
	[tilespmem:$0x18800] =	vst v63  }
0x163: {  	s16 =	simm.s32 $0x17000  }
0x164: {  	[hbm4b:s4+s2] =	stream.indirect_vreg.scatter [tilespmem:s16], [sflag:$0x3], $0x80, v3, vm0, $0xb8;
	[tilespmem:$0x18800] =	vst v63  }
0x165: {  	s16 =	simm.s32 $0x17800  }
0x166: {  	[hbm4b:s5+s2] =	stream.indirect_vreg.scatter [tilespmem:s16], [sflag:$0x3], $0x80, v3, vm0, $0xb8;
	[tilespmem:$0x18800] =	vst v63  }
0x167: {  	s16 =	simm.s32 $0x18000  }
0x168: {  	[hbm4b:s6+s2] =	stream.indirect_vreg.scatter [tilespmem:s16], [sflag:$0x3], $0x80, v3, vm0, $0xb8;
	[tilespmem:$0x18800] =	vst v63  }
0x169: {  	_ =	swait.ge [sflag:s12], $0xC000  }
0x16a: {  	[sflag:s12] =	ssyncset.done $0x0  }
0x16b: {  	s0 =	simm.s32 $0xC800;
	s3 =	rddreg [dreg:$0x8];
	[sflag:s12] =	ssyncadd.s32 $0xFFFF4000  }
0x16c: {  	[tilespmem:s0], [sflag:$0x2] =	stream.linear.gather [hbm4b:s3+s2], $0xC000, $0x38;
	[tilespmem:$0x18800] =	vst v63  }
0x16d: {  	_ =	swait.ge [sflag:s11], $0xC000  }
0x16e: {  	[sflag:s11] =	ssyncset.done $0x0  }
0x16f: {  	[sflag:s11] =	ssyncadd.s32 $0xFFFF4000  }
0x170: {  	v3 =	vld [tilespmem:$0x200];
	_ =	sdelay $0x4  }
0x171: {  	v16 =	vshrl.u32 v3, $0x3  }
0x172: {  	v4 =	vmul.u32 $0x30, v16  }
0x173: {  	v3 =	vand.u32 $0x7, v3  }
0x174: {  	v3 =	vor.u32 v3, v4  }
0x175: {  	v4 =	vperm.xlane v3, v0;
	_ =	sdelay $0x1  }
0x176: {  	v4 =	vadd.s32 v1, v4;
	_ =	sdelay $0x3  }
0x177: {  	s1 =	simm.s32 $0x800;
	v3 =	vperm.xlane v3, v2  }
0x178: {  	[hbm4b:s4+s2] =	stream.indirect_vreg.scatter [tilespmem:s1], [sflag:$0x3], $0x80, v4, vm0, $0xb8;
	[tilespmem:$0x18800] =	vst v63  }
0x179: {  	s16 =	simm.s32 $0x1000;
	v3 =	vadd.s32 v1, v3  }
0x17a: {  	[hbm4b:s5+s2] =	stream.indirect_vreg.scatter [tilespmem:s16], [sflag:$0x3], $0x80, v4, vm0, $0xb8;
	[tilespmem:$0x18800] =	vst v63  }
0x17b: {  	s16 =	simm.s32 $0x1800  }
0x17c: {  	[hbm4b:s6+s2] =	stream.indirect_vreg.scatter [tilespmem:s16], [sflag:$0x3], $0x80, v4, vm0, $0xb8;
	[tilespmem:$0x18800] =	vst v63  }
0x17d: {  	s16 =	simm.s32 $0x2000  }
0x17e: {  	[hbm4b:s4+s2] =	stream.indirect_vreg.scatter [tilespmem:s16], [sflag:$0x3], $0x80, v3, vm0, $0xb8;
	[tilespmem:$0x18800] =	vst v63  }
0x17f: {  	_ = 	snop  }
0x180: {  	[hbm4b:s5+s2] =	stream.indirect_vreg.scatter [tilespmem:s7], [sflag:$0x3], $0x80, v3, vm0, $0xb8;
	[tilespmem:$0x18800] =	vst v63  }
0x181: {  	s1 =	simm.s32 $0x3000  }
0x182: {  	[hbm4b:s6+s2] =	stream.indirect_vreg.scatter [tilespmem:s1], [sflag:$0x3], $0x80, v3, vm0, $0xb8;
	[tilespmem:$0x18800] =	vst v63  }
0x183: {  	v3 =	vld [tilespmem:$0x210];
	_ =	sdelay $0x4  }
0x184: {  	v17 =	vshrl.u32 v3, $0x3  }
0x185: {  	v4 =	vmul.u32 $0x30, v17  }
0x186: {  	v3 =	vand.u32 $0x7, v3  }
0x187: {  	v3 =	vor.u32 v3, v4  }
0x188: {  	v4 =	vperm.xlane v3, v0;
	_ =	sdelay $0x1  }
0x189: {  	v4 =	vadd.s32 v1, v4;
	_ =	sdelay $0x3  }
0x18a: {  	s16 =	simm.s32 $0x3800;
	v3 =	vperm.xlane v3, v2  }
0x18b: {  	[hbm4b:s4+s2] =	stream.indirect_vreg.scatter [tilespmem:s16], [sflag:$0x3], $0x80, v4, vm0, $0xb8;
	[tilespmem:$0x18800] =	vst v63  }
0x18c: {  	v3 =	vadd.s32 v1, v3  }
0x18d: {  	[hbm4b:s5+s2] =	stream.indirect_vreg.scatter [tilespmem:s8], [sflag:$0x3], $0x80, v4, vm0, $0xb8;
	[tilespmem:$0x18800] =	vst v63  }
0x18e: {  	_ = 	snop  }
0x18f: {  	[hbm4b:s6+s2] =	stream.indirect_vreg.scatter [tilespmem:s14], [sflag:$0x3], $0x80, v4, vm0, $0xb8;
	[tilespmem:$0x18800] =	vst v63  }
0x190: {  	_ = 	snop  }
0x191: {  	[hbm4b:s4+s2] =	stream.indirect_vreg.scatter [tilespmem:s15], [sflag:$0x3], $0x80, v3, vm0, $0xb8;
	[tilespmem:$0x18800] =	vst v63  }
0x192: {  	_ = 	snop  }
0x193: {  	[hbm4b:s5+s2] =	stream.indirect_vreg.scatter [tilespmem:s18], [sflag:$0x3], $0x80, v3, vm0, $0xb8;
	[tilespmem:$0x18800] =	vst v63  }
0x194: {  	s7 =	simm.s32 $0x6000  }
0x195: {  	[hbm4b:s6+s2] =	stream.indirect_vreg.scatter [tilespmem:s7], [sflag:$0x3], $0x80, v3, vm0, $0xb8;
	[tilespmem:$0x18800] =	vst v63  }
0x196: {  	v3 =	vld [tilespmem:$0x220];
	_ =	sdelay $0x4  }
0x197: {  	v18 =	vshrl.u32 v3, $0x3  }
0x198: {  	v4 =	vmul.u32 $0x30, v18  }
0x199: {  	v3 =	vand.u32 $0x7, v3  }
0x19a: {  	v3 =	vor.u32 v3, v4  }
0x19b: {  	v4 =	vperm.xlane v3, v0;
	_ =	sdelay $0x1  }
0x19c: {  	v4 =	vadd.s32 v1, v4;
	_ =	sdelay $0x3  }
0x19d: {  	s18 =	simm.s32 $0x6800;
	v3 =	vperm.xlane v3, v2  }
0x19e: {  	[hbm4b:s4+s2] =	stream.indirect_vreg.scatter [tilespmem:s18], [sflag:$0x3], $0x80, v4, vm0, $0xb8;
	[tilespmem:$0x18800] =	vst v63  }
0x19f: {  	v3 =	vadd.s32 v1, v3  }
0x1a0: {  	[hbm4b:s5+s2] =	stream.indirect_vreg.scatter [tilespmem:s19], [sflag:$0x3], $0x80, v4, vm0, $0xb8;
	[tilespmem:$0x18800] =	vst v63  }
0x1a1: {  	_ = 	snop  }
0x1a2: {  	[hbm4b:s6+s2] =	stream.indirect_vreg.scatter [tilespmem:s20], [sflag:$0x3], $0x80, v4, vm0, $0xb8;
	[tilespmem:$0x18800] =	vst v63  }
0x1a3: {  	_ = 	snop  }
0x1a4: {  	[hbm4b:s4+s2] =	stream.indirect_vreg.scatter [tilespmem:s21], [sflag:$0x3], $0x80, v3, vm0, $0xb8;
	[tilespmem:$0x18800] =	vst v63  }
0x1a5: {  	_ = 	snop  }
0x1a6: {  	[hbm4b:s5+s2] =	stream.indirect_vreg.scatter [tilespmem:s22], [sflag:$0x3], $0x80, v3, vm0, $0xb8;
	[tilespmem:$0x18800] =	vst v63  }
0x1a7: {  	s8 =	simm.s32 $0x9000  }
0x1a8: {  	[hbm4b:s6+s2] =	stream.indirect_vreg.scatter [tilespmem:s8], [sflag:$0x3], $0x80, v3, vm0, $0xb8;
	[tilespmem:$0x18800] =	vst v63  }
0x1a9: {  	v3 =	vld [tilespmem:$0x230];
	_ =	sdelay $0x4  }
0x1aa: {  	v19 =	vshrl.u32 v3, $0x3  }
0x1ab: {  	v4 =	vmul.u32 $0x30, v19  }
0x1ac: {  	v3 =	vand.u32 $0x7, v3  }
0x1ad: {  	v3 =	vor.u32 v3, v4  }
0x1ae: {  	v4 =	vperm.xlane v3, v0;
	_ =	sdelay $0x1  }
0x1af: {  	v4 =	vadd.s32 v1, v4;
	_ =	sdelay $0x3  }
0x1b0: {  	s14 =	simm.s32 $0x9800;
	v3 =	vperm.xlane v3, v2  }
0x1b1: {  	[hbm4b:s4+s2] =	stream.indirect_vreg.scatter [tilespmem:s14], [sflag:$0x3], $0x80, v4, vm0, $0xb8;
	[tilespmem:$0x18800] =	vst v63  }
0x1b2: {  	v3 =	vadd.s32 v1, v3  }
0x1b3: {  	[hbm4b:s5+s2] =	stream.indirect_vreg.scatter [tilespmem:s23], [sflag:$0x3], $0x80, v4, vm0, $0xb8;
	[tilespmem:$0x18800] =	vst v63  }
0x1b4: {  	_ = 	snop  }
0x1b5: {  	[hbm4b:s6+s2] =	stream.indirect_vreg.scatter [tilespmem:s24], [sflag:$0x3], $0x80, v4, vm0, $0xb8;
	[tilespmem:$0x18800] =	vst v63  }
0x1b6: {  	_ = 	snop  }
0x1b7: {  	[hbm4b:s4+s2] =	stream.indirect_vreg.scatter [tilespmem:s25], [sflag:$0x3], $0x80, v3, vm0, $0xb8;
	[tilespmem:$0x18800] =	vst v63  }
0x1b8: {  	_ = 	snop  }
0x1b9: {  	[hbm4b:s5+s2] =	stream.indirect_vreg.scatter [tilespmem:s26], [sflag:$0x3], $0x80, v3, vm0, $0xb8;
	[tilespmem:$0x18800] =	vst v63  }
0x1ba: {  	s15 =	simm.s32 $0xC000  }
0x1bb: {  	[hbm4b:s6+s2] =	stream.indirect_vreg.scatter [tilespmem:s15], [sflag:$0x3], $0x80, v3, vm0, $0xb8;
	[tilespmem:$0x18800] =	vst v63  }
0x1bc: {  	_ =	swait.ge [sflag:s12], $0xC000  }
0x1bd: {  	[sflag:s12] =	ssyncset.done $0x0  }
0x1be: {  	s0 =	simm.s32 $0x800;
	s19 =	rddreg [dreg:$0x9];
	[sflag:s12] =	ssyncadd.s32 $0xFFFF4000  }
0x1bf: {  	[tilespmem:s0], [sflag:$0x1] =	stream.linear.gather [hbm4b:s19+s2], $0xC000, $0x38;
	[tilespmem:$0x18800] =	vst v63  }
0x1c0: {  	_ =	swait.ge [sflag:s13], $0xC000  }
0x1c1: {  	[sflag:s13] =	ssyncset.done $0x0  }
0x1c2: {  	[sflag:s13] =	ssyncadd.s32 $0xFFFF4000  }
0x1c3: {  	v3 =	vld [tilespmem:$0x280];
	_ =	sdelay $0x4  }
0x1c4: {  	v20 =	vshrl.u32 v3, $0x3  }
0x1c5: {  	v4 =	vmul.u32 $0x30, v20  }
0x1c6: {  	v3 =	vand.u32 $0x7, v3  }
0x1c7: {  	v3 =	vor.u32 v3, v4  }
0x1c8: {  	v4 =	vperm.xlane v3, v0;
	_ =	sdelay $0x1  }
0x1c9: {  	v4 =	vadd.s32 v1, v4;
	_ =	sdelay $0x3  }
0x1ca: {  	s3 =	simm.s32 $0xC800;
	v3 =	vperm.xlane v3, v2  }
0x1cb: {  	[hbm4b:s4+s2] =	stream.indirect_vreg.scatter [tilespmem:s3], [sflag:$0x3], $0x80, v4, vm0, $0xb8;
	[tilespmem:$0x18800] =	vst v63  }
0x1cc: {  	v3 =	vadd.s32 v1, v3  }
0x1cd: {  	[hbm4b:s5+s2] =	stream.indirect_vreg.scatter [tilespmem:s17], [sflag:$0x3], $0x80, v4, vm0, $0xb8;
	[tilespmem:$0x18800] =	vst v63  }
0x1ce: {  	_ = 	snop  }
0x1cf: {  	[hbm4b:s6+s2] =	stream.indirect_vreg.scatter [tilespmem:s28], [sflag:$0x3], $0x80, v4, vm0, $0xb8;
	[tilespmem:$0x18800] =	vst v63  }
0x1d0: {  	_ = 	snop  }
0x1d1: {  	[hbm4b:s4+s2] =	stream.indirect_vreg.scatter [tilespmem:s29], [sflag:$0x3], $0x80, v3, vm0, $0xb8;
	[tilespmem:$0x18800] =	vst v63  }
0x1d2: {  	_ = 	snop  }
0x1d3: {  	[hbm4b:s5+s2] =	stream.indirect_vreg.scatter [tilespmem:s30], [sflag:$0x3], $0x80, v3, vm0, $0xb8;
	[tilespmem:$0x18800] =	vst v63  }
0x1d4: {  	s30 =	simm.s32 $0xF000  }
0x1d5: {  	[hbm4b:s6+s2] =	stream.indirect_vreg.scatter [tilespmem:s30], [sflag:$0x3], $0x80, v3, vm0, $0xb8;
	[tilespmem:$0x18800] =	vst v63  }
0x1d6: {  	v3 =	vld [tilespmem:$0x290];
	_ =	sdelay $0x4  }
0x1d7: {  	v21 =	vshrl.u32 v3, $0x3  }
0x1d8: {  	v4 =	vmul.u32 $0x30, v21  }
0x1d9: {  	v3 =	vand.u32 $0x7, v3  }
0x1da: {  	v3 =	vor.u32 v3, v4  }
0x1db: {  	v4 =	vperm.xlane v3, v0;
	_ =	sdelay $0x1  }
0x1dc: {  	v4 =	vadd.s32 v1, v4;
	_ =	sdelay $0x3  }
0x1dd: {  	s30 =	simm.s32 $0xF800;
	v3 =	vperm.xlane v3, v2  }
0x1de: {  	[hbm4b:s4+s2] =	stream.indirect_vreg.scatter [tilespmem:s30], [sflag:$0x3], $0x80, v4, vm0, $0xb8;
	[tilespmem:$0x18800] =	vst v63  }
0x1df: {  	v3 =	vadd.s32 v1, v3  }
0x1e0: {  	[hbm4b:s5+s2] =	stream.indirect_vreg.scatter [tilespmem:s31], [sflag:$0x3], $0x80, v4, vm0, $0xb8;
	[tilespmem:$0x18800] =	vst v63  }
0x1e1: {  	_ = 	snop  }
0x1e2: {  	[hbm4b:s6+s2] =	stream.indirect_vreg.scatter [tilespmem:s9], [sflag:$0x3], $0x80, v4, vm0, $0xb8;
	[tilespmem:$0x18800] =	vst v63  }
0x1e3: {  	_ = 	snop  }
0x1e4: {  	[hbm4b:s4+s2] =	stream.indirect_vreg.scatter [tilespmem:s10], [sflag:$0x3], $0x80, v3, vm0, $0xb8;
	[tilespmem:$0x18800] =	vst v63  }
0x1e5: {  	s31 =	simm.s32 $0x11800  }
0x1e6: {  	[hbm4b:s5+s2] =	stream.indirect_vreg.scatter [tilespmem:s31], [sflag:$0x3], $0x80, v3, vm0, $0xb8;
	[tilespmem:$0x18800] =	vst v63  }
0x1e7: {  	s16 =	simm.s32 $0x12000  }
0x1e8: {  	[hbm4b:s6+s2] =	stream.indirect_vreg.scatter [tilespmem:s16], [sflag:$0x3], $0x80, v3, vm0, $0xb8;
	[tilespmem:$0x18800] =	vst v63  }
0x1e9: {  	v3 =	vld [tilespmem:$0x2A0];
	_ =	sdelay $0x4  }
0x1ea: {  	v22 =	vshrl.u32 v3, $0x3  }
0x1eb: {  	v4 =	vmul.u32 $0x30, v22  }
0x1ec: {  	v3 =	vand.u32 $0x7, v3  }
0x1ed: {  	v3 =	vor.u32 v3, v4  }
0x1ee: {  	v4 =	vperm.xlane v3, v0;
	_ =	sdelay $0x1  }
0x1ef: {  	v4 =	vadd.s32 v1, v4;
	_ =	sdelay $0x3  }
0x1f0: {  	s16 =	simm.s32 $0x12800;
	v3 =	vperm.xlane v3, v2  }
0x1f1: {  	[hbm4b:s4+s2] =	stream.indirect_vreg.scatter [tilespmem:s16], [sflag:$0x3], $0x80, v4, vm0, $0xb8;
	[tilespmem:$0x18800] =	vst v63  }
0x1f2: {  	v3 =	vadd.s32 v1, v3;
	s16 =	simm.s32 $0x13000  }
0x1f3: {  	[hbm4b:s5+s2] =	stream.indirect_vreg.scatter [tilespmem:s16], [sflag:$0x3], $0x80, v4, vm0, $0xb8;
	[tilespmem:$0x18800] =	vst v63  }
0x1f4: {  	s16 =	simm.s32 $0x13800  }
0x1f5: {  	[hbm4b:s6+s2] =	stream.indirect_vreg.scatter [tilespmem:s16], [sflag:$0x3], $0x80, v4, vm0, $0xb8;
	[tilespmem:$0x18800] =	vst v63  }
0x1f6: {  	s16 =	simm.s32 $0x14000  }
0x1f7: {  	[hbm4b:s4+s2] =	stream.indirect_vreg.scatter [tilespmem:s16], [sflag:$0x3], $0x80, v3, vm0, $0xb8;
	[tilespmem:$0x18800] =	vst v63  }
0x1f8: {  	s16 =	simm.s32 $0x14800  }
0x1f9: {  	[hbm4b:s5+s2] =	stream.indirect_vreg.scatter [tilespmem:s16], [sflag:$0x3], $0x80, v3, vm0, $0xb8;
	[tilespmem:$0x18800] =	vst v63  }
0x1fa: {  	s16 =	simm.s32 $0x15000  }
0x1fb: {  	[hbm4b:s6+s2] =	stream.indirect_vreg.scatter [tilespmem:s16], [sflag:$0x3], $0x80, v3, vm0, $0xb8;
	[tilespmem:$0x18800] =	vst v63  }
0x1fc: {  	v3 =	vld [tilespmem:$0x2B0];
	_ =	sdelay $0x4  }
0x1fd: {  	v23 =	vshrl.u32 v3, $0x3  }
0x1fe: {  	v4 =	vmul.u32 $0x30, v23  }
0x1ff: {  	v3 =	vand.u32 $0x7, v3  }
0x200: {  	v3 =	vor.u32 v3, v4  }
0x201: {  	v4 =	vperm.xlane v3, v0;
	_ =	sdelay $0x1  }
0x202: {  	v4 =	vadd.s32 v1, v4;
	_ =	sdelay $0x3  }
0x203: {  	s16 =	simm.s32 $0x15800;
	v3 =	vperm.xlane v3, v2  }
0x204: {  	[hbm4b:s4+s2] =	stream.indirect_vreg.scatter [tilespmem:s16], [sflag:$0x3], $0x80, v4, vm0, $0xb8;
	[tilespmem:$0x18800] =	vst v63  }
0x205: {  	v3 =	vadd.s32 v1, v3;
	s16 =	simm.s32 $0x16000  }
0x206: {  	[hbm4b:s5+s2] =	stream.indirect_vreg.scatter [tilespmem:s16], [sflag:$0x3], $0x80, v4, vm0, $0xb8;
	[tilespmem:$0x18800] =	vst v63  }
0x207: {  	s16 =	simm.s32 $0x16800  }
0x208: {  	[hbm4b:s6+s2] =	stream.indirect_vreg.scatter [tilespmem:s16], [sflag:$0x3], $0x80, v4, vm0, $0xb8;
	[tilespmem:$0x18800] =	vst v63  }
0x209: {  	s16 =	simm.s32 $0x17000  }
0x20a: {  	[hbm4b:s4+s2] =	stream.indirect_vreg.scatter [tilespmem:s16], [sflag:$0x3], $0x80, v3, vm0, $0xb8;
	[tilespmem:$0x18800] =	vst v63  }
0x20b: {  	s16 =	simm.s32 $0x17800  }
0x20c: {  	[hbm4b:s5+s2] =	stream.indirect_vreg.scatter [tilespmem:s16], [sflag:$0x3], $0x80, v3, vm0, $0xb8;
	[tilespmem:$0x18800] =	vst v63  }
0x20d: {  	s16 =	simm.s32 $0x18000  }
0x20e: {  	[hbm4b:s6+s2] =	stream.indirect_vreg.scatter [tilespmem:s16], [sflag:$0x3], $0x80, v3, vm0, $0xb8;
	[tilespmem:$0x18800] =	vst v63  }
0x20f: {  	_ =	swait.ge [sflag:s12], $0xC000  }
0x210: {  	[sflag:s12] =	ssyncset.done $0x0  }
0x211: {  	s3 =	simm.s32 $0xC800;
	s16 =	rddreg [dreg:$0xa];
	[sflag:s12] =	ssyncadd.s32 $0xFFFF4000  }
0x212: {  	[tilespmem:s3], [sflag:$0x2] =	stream.linear.gather [hbm4b:s16+s2], $0xC000, $0x38;
	[tilespmem:$0x18800] =	vst v63  }
0x213: {  	_ =	swait.ge [sflag:s11], $0xC000  }
0x214: {  	[sflag:s11] =	ssyncset.done $0x0  }
0x215: {  	[sflag:s11] =	ssyncadd.s32 $0xFFFF4000  }
0x216: {  	v3 =	vld [tilespmem:$0x300];
	_ =	sdelay $0x4  }
0x217: {  	v24 =	vshrl.u32 v3, $0x3  }
0x218: {  	v4 =	vmul.u32 $0x30, v24  }
0x219: {  	v3 =	vand.u32 $0x7, v3  }
0x21a: {  	v3 =	vor.u32 v3, v4  }
0x21b: {  	v4 =	vperm.xlane v3, v0;
	_ =	sdelay $0x1  }
0x21c: {  	v4 =	vadd.s32 v1, v4;
	_ =	sdelay $0x3  }
0x21d: {  	s19 =	simm.s32 $0x800;
	v3 =	vperm.xlane v3, v2  }
0x21e: {  	[hbm4b:s4+s2] =	stream.indirect_vreg.scatter [tilespmem:s19], [sflag:$0x3], $0x80, v4, vm0, $0xb8;
	[tilespmem:$0x18800] =	vst v63  }
0x21f: {  	s16 =	simm.s32 $0x1000;
	v3 =	vadd.s32 v1, v3  }
0x220: {  	[hbm4b:s5+s2] =	stream.indirect_vreg.scatter [tilespmem:s16], [sflag:$0x3], $0x80, v4, vm0, $0xb8;
	[tilespmem:$0x18800] =	vst v63  }
0x221: {  	s16 =	simm.s32 $0x1800  }
0x222: {  	[hbm4b:s6+s2] =	stream.indirect_vreg.scatter [tilespmem:s16], [sflag:$0x3], $0x80, v4, vm0, $0xb8;
	[tilespmem:$0x18800] =	vst v63  }
0x223: {  	s16 =	simm.s32 $0x2000  }
0x224: {  	[hbm4b:s4+s2] =	stream.indirect_vreg.scatter [tilespmem:s16], [sflag:$0x3], $0x80, v3, vm0, $0xb8;
	[tilespmem:$0x18800] =	vst v63  }
0x225: {  	s16 =	simm.s32 $0x2800  }
0x226: {  	[hbm4b:s5+s2] =	stream.indirect_vreg.scatter [tilespmem:s16], [sflag:$0x3], $0x80, v3, vm0, $0xb8;
	[tilespmem:$0x18800] =	vst v63  }
0x227: {  	_ = 	snop  }
0x228: {  	[hbm4b:s6+s2] =	stream.indirect_vreg.scatter [tilespmem:s1], [sflag:$0x3], $0x80, v3, vm0, $0xb8;
	[tilespmem:$0x18800] =	vst v63  }
0x229: {  	v3 =	vld [tilespmem:$0x310];
	_ =	sdelay $0x4  }
0x22a: {  	v25 =	vshrl.u32 v3, $0x3  }
0x22b: {  	v4 =	vmul.u32 $0x30, v25  }
0x22c: {  	v3 =	vand.u32 $0x7, v3  }
0x22d: {  	v3 =	vor.u32 v3, v4  }
0x22e: {  	v4 =	vperm.xlane v3, v0;
	_ =	sdelay $0x1  }
0x22f: {  	v4 =	vadd.s32 v1, v4;
	_ =	sdelay $0x3  }
0x230: {  	s16 =	simm.s32 $0x3800;
	v3 =	vperm.xlane v3, v2  }
0x231: {  	[hbm4b:s4+s2] =	stream.indirect_vreg.scatter [tilespmem:s16], [sflag:$0x3], $0x80, v4, vm0, $0xb8;
	[tilespmem:$0x18800] =	vst v63  }
0x232: {  	v3 =	vadd.s32 v1, v3;
	s16 =	simm.s32 $0x4000  }
0x233: {  	[hbm4b:s5+s2] =	stream.indirect_vreg.scatter [tilespmem:s16], [sflag:$0x3], $0x80, v4, vm0, $0xb8;
	[tilespmem:$0x18800] =	vst v63  }
0x234: {  	s16 =	simm.s32 $0x4800  }
0x235: {  	[hbm4b:s6+s2] =	stream.indirect_vreg.scatter [tilespmem:s16], [sflag:$0x3], $0x80, v4, vm0, $0xb8;
	[tilespmem:$0x18800] =	vst v63  }
0x236: {  	s16 =	simm.s32 $0x5000  }
0x237: {  	[hbm4b:s4+s2] =	stream.indirect_vreg.scatter [tilespmem:s16], [sflag:$0x3], $0x80, v3, vm0, $0xb8;
	[tilespmem:$0x18800] =	vst v63  }
0x238: {  	s16 =	simm.s32 $0x5800  }
0x239: {  	[hbm4b:s5+s2] =	stream.indirect_vreg.scatter [tilespmem:s16], [sflag:$0x3], $0x80, v3, vm0, $0xb8;
	[tilespmem:$0x18800] =	vst v63  }
0x23a: {  	_ = 	snop  }
0x23b: {  	[hbm4b:s6+s2] =	stream.indirect_vreg.scatter [tilespmem:s7], [sflag:$0x3], $0x80, v3, vm0, $0xb8;
	[tilespmem:$0x18800] =	vst v63  }
0x23c: {  	v3 =	vld [tilespmem:$0x320];
	_ =	sdelay $0x4  }
0x23d: {  	v26 =	vshrl.u32 v3, $0x3  }
0x23e: {  	v4 =	vmul.u32 $0x30, v26  }
0x23f: {  	v3 =	vand.u32 $0x7, v3  }
0x240: {  	v3 =	vor.u32 v3, v4  }
0x241: {  	v4 =	vperm.xlane v3, v0;
	_ =	sdelay $0x1  }
0x242: {  	v4 =	vadd.s32 v1, v4;
	_ =	sdelay $0x3  }
0x243: {  	v3 =	vperm.xlane v3, v2  }
0x244: {  	[hbm4b:s4+s2] =	stream.indirect_vreg.scatter [tilespmem:s18], [sflag:$0x3], $0x80, v4, vm0, $0xb8;
	[tilespmem:$0x18800] =	vst v63  }
0x245: {  	s16 =	simm.s32 $0x7000;
	v3 =	vadd.s32 v1, v3  }
0x246: {  	[hbm4b:s5+s2] =	stream.indirect_vreg.scatter [tilespmem:s16], [sflag:$0x3], $0x80, v4, vm0, $0xb8;
	[tilespmem:$0x18800] =	vst v63  }
0x247: {  	s20 =	simm.s32 $0x7800  }
0x248: {  	[hbm4b:s6+s2] =	stream.indirect_vreg.scatter [tilespmem:s20], [sflag:$0x3], $0x80, v4, vm0, $0xb8;
	[tilespmem:$0x18800] =	vst v63  }
0x249: {  	s21 =	simm.s32 $0x8000  }
0x24a: {  	[hbm4b:s4+s2] =	stream.indirect_vreg.scatter [tilespmem:s21], [sflag:$0x3], $0x80, v3, vm0, $0xb8;
	[tilespmem:$0x18800] =	vst v63  }
0x24b: {  	s22 =	simm.s32 $0x8800  }
0x24c: {  	[hbm4b:s5+s2] =	stream.indirect_vreg.scatter [tilespmem:s22], [sflag:$0x3], $0x80, v3, vm0, $0xb8;
	[tilespmem:$0x18800] =	vst v63  }
0x24d: {  	_ = 	snop  }
0x24e: {  	[hbm4b:s6+s2] =	stream.indirect_vreg.scatter [tilespmem:s8], [sflag:$0x3], $0x80, v3, vm0, $0xb8;
	[tilespmem:$0x18800] =	vst v63  }
0x24f: {  	v3 =	vld [tilespmem:$0x330];
	_ =	sdelay $0x4  }
0x250: {  	v27 =	vshrl.u32 v3, $0x3  }
0x251: {  	v4 =	vmul.u32 $0x30, v27  }
0x252: {  	v3 =	vand.u32 $0x7, v3  }
0x253: {  	v3 =	vor.u32 v3, v4  }
0x254: {  	v4 =	vperm.xlane v3, v0;
	_ =	sdelay $0x1  }
0x255: {  	v4 =	vadd.s32 v1, v4;
	_ =	sdelay $0x3  }
0x256: {  	v3 =	vperm.xlane v3, v2  }
0x257: {  	[hbm4b:s4+s2] =	stream.indirect_vreg.scatter [tilespmem:s14], [sflag:$0x3], $0x80, v4, vm0, $0xb8;
	[tilespmem:$0x18800] =	vst v63  }
0x258: {  	s23 =	simm.s32 $0xA000;
	v3 =	vadd.s32 v1, v3  }
0x259: {  	[hbm4b:s5+s2] =	stream.indirect_vreg.scatter [tilespmem:s23], [sflag:$0x3], $0x80, v4, vm0, $0xb8;
	[tilespmem:$0x18800] =	vst v63  }
0x25a: {  	s24 =	simm.s32 $0xA800  }
0x25b: {  	[hbm4b:s6+s2] =	stream.indirect_vreg.scatter [tilespmem:s24], [sflag:$0x3], $0x80, v4, vm0, $0xb8;
	[tilespmem:$0x18800] =	vst v63  }
0x25c: {  	s25 =	simm.s32 $0xB000  }
0x25d: {  	[hbm4b:s4+s2] =	stream.indirect_vreg.scatter [tilespmem:s25], [sflag:$0x3], $0x80, v3, vm0, $0xb8;
	[tilespmem:$0x18800] =	vst v63  }
0x25e: {  	s26 =	simm.s32 $0xB800  }
0x25f: {  	[hbm4b:s5+s2] =	stream.indirect_vreg.scatter [tilespmem:s26], [sflag:$0x3], $0x80, v3, vm0, $0xb8;
	[tilespmem:$0x18800] =	vst v63  }
0x260: {  	_ = 	snop  }
0x261: {  	[hbm4b:s6+s2] =	stream.indirect_vreg.scatter [tilespmem:s15], [sflag:$0x3], $0x80, v3, vm0, $0xb8;
	[tilespmem:$0x18800] =	vst v63  }
0x262: {  	_ =	swait.ge [sflag:s12], $0xC000  }
0x263: {  	[sflag:s12] =	ssyncset.done $0x0  }
0x264: {  	s16 =	rddreg [dreg:$0xb];
	[sflag:s12] =	ssyncadd.s32 $0xFFFF4000  }
0x265: {  	[tilespmem:s19], [sflag:$0x1] =	stream.linear.gather [hbm4b:s16+s2], $0xC000, $0x38;
	[tilespmem:$0x18800] =	vst v63  }
0x266: {  	_ =	swait.ge [sflag:s13], $0xC000  }
0x267: {  	[sflag:s13] =	ssyncset.done $0x0  }
0x268: {  	[sflag:s13] =	ssyncadd.s32 $0xFFFF4000  }
0x269: {  	v3 =	vld [tilespmem:$0x380];
	_ =	sdelay $0x4  }
0x26a: {  	v28 =	vshrl.u32 v3, $0x3  }
0x26b: {  	v4 =	vmul.u32 $0x30, v28  }
0x26c: {  	v3 =	vand.u32 $0x7, v3  }
0x26d: {  	v3 =	vor.u32 v3, v4  }
0x26e: {  	v4 =	vperm.xlane v3, v0;
	_ =	sdelay $0x1  }
0x26f: {  	v4 =	vadd.s32 v1, v4;
	_ =	sdelay $0x3  }
0x270: {  	v3 =	vperm.xlane v3, v2  }
0x271: {  	[hbm4b:s4+s2] =	stream.indirect_vreg.scatter [tilespmem:s3], [sflag:$0x3], $0x80, v4, vm0, $0xb8;
	[tilespmem:$0x18800] =	vst v63  }
0x272: {  	s0 =	simm.s32 $0xD000;
	v3 =	vadd.s32 v1, v3  }
0x273: {  	[hbm4b:s5+s2] =	stream.indirect_vreg.scatter [tilespmem:s0], [sflag:$0x3], $0x80, v4, vm0, $0xb8;
	[tilespmem:$0x18800] =	vst v63  }
0x274: {  	s17 =	simm.s32 $0xD800  }
0x275: {  	[hbm4b:s6+s2] =	stream.indirect_vreg.scatter [tilespmem:s17], [sflag:$0x3], $0x80, v4, vm0, $0xb8;
	[tilespmem:$0x18800] =	vst v63  }
0x276: {  	s28 =	simm.s32 $0xE000  }
0x277: {  	[hbm4b:s4+s2] =	stream.indirect_vreg.scatter [tilespmem:s28], [sflag:$0x3], $0x80, v3, vm0, $0xb8;
	[tilespmem:$0x18800] =	vst v63  }
0x278: {  	s29 =	simm.s32 $0xE800  }
0x279: {  	[hbm4b:s5+s2] =	stream.indirect_vreg.scatter [tilespmem:s29], [sflag:$0x3], $0x80, v3, vm0, $0xb8;
	[tilespmem:$0x18800] =	vst v63  }
0x27a: {  	s16 =	simm.s32 $0xF000  }
0x27b: {  	[hbm4b:s6+s2] =	stream.indirect_vreg.scatter [tilespmem:s16], [sflag:$0x3], $0x80, v3, vm0, $0xb8;
	[tilespmem:$0x18800] =	vst v63  }
0x27c: {  	v3 =	vld [tilespmem:$0x390];
	_ =	sdelay $0x4  }
0x27d: {  	v29 =	vshrl.u32 v3, $0x3  }
0x27e: {  	v4 =	vmul.u32 $0x30, v29  }
0x27f: {  	v3 =	vand.u32 $0x7, v3  }
0x280: {  	v3 =	vor.u32 v3, v4  }
0x281: {  	v4 =	vperm.xlane v3, v0;
	_ =	sdelay $0x1  }
0x282: {  	v4 =	vadd.s32 v1, v4;
	_ =	sdelay $0x3  }
0x283: {  	s16 =	simm.s32 $0xF800;
	v3 =	vperm.xlane v3, v2  }
0x284: {  	[hbm4b:s4+s2] =	stream.indirect_vreg.scatter [tilespmem:s16], [sflag:$0x3], $0x80, v4, vm0, $0xb8;
	[tilespmem:$0x18800] =	vst v63  }
0x285: {  	s30 =	simm.s32 $0x10000;
	v3 =	vadd.s32 v1, v3  }
0x286: {  	[hbm4b:s5+s2] =	stream.indirect_vreg.scatter [tilespmem:s30], [sflag:$0x3], $0x80, v4, vm0, $0xb8;
	[tilespmem:$0x18800] =	vst v63  }
0x287: {  	s9 =	simm.s32 $0x10800  }
0x288: {  	[hbm4b:s6+s2] =	stream.indirect_vreg.scatter [tilespmem:s9], [sflag:$0x3], $0x80, v4, vm0, $0xb8;
	[tilespmem:$0x18800] =	vst v63  }
0x289: {  	s10 =	simm.s32 $0x11000  }
0x28a: {  	[hbm4b:s4+s2] =	stream.indirect_vreg.scatter [tilespmem:s10], [sflag:$0x3], $0x80, v3, vm0, $0xb8;
	[tilespmem:$0x18800] =	vst v63  }
0x28b: {  	s31 =	simm.s32 $0x11800  }
0x28c: {  	[hbm4b:s5+s2] =	stream.indirect_vreg.scatter [tilespmem:s31], [sflag:$0x3], $0x80, v3, vm0, $0xb8;
	[tilespmem:$0x18800] =	vst v63  }
0x28d: {  	s16 =	simm.s32 $0x12000  }
0x28e: {  	[hbm4b:s6+s2] =	stream.indirect_vreg.scatter [tilespmem:s16], [sflag:$0x3], $0x80, v3, vm0, $0xb8;
	[tilespmem:$0x18800] =	vst v63  }
0x28f: {  	v3 =	vld [tilespmem:$0x3A0];
	_ =	sdelay $0x4  }
0x290: {  	v30 =	vshrl.u32 v3, $0x3  }
0x291: {  	v4 =	vmul.u32 $0x30, v30  }
0x292: {  	v3 =	vand.u32 $0x7, v3  }
0x293: {  	v3 =	vor.u32 v3, v4  }
0x294: {  	v4 =	vperm.xlane v3, v0;
	_ =	sdelay $0x1  }
0x295: {  	v4 =	vadd.s32 v1, v4;
	_ =	sdelay $0x3  }
0x296: {  	s16 =	simm.s32 $0x12800;
	v3 =	vperm.xlane v3, v2  }
0x297: {  	[hbm4b:s4+s2] =	stream.indirect_vreg.scatter [tilespmem:s16], [sflag:$0x3], $0x80, v4, vm0, $0xb8;
	[tilespmem:$0x18800] =	vst v63  }
0x298: {  	v3 =	vadd.s32 v1, v3;
	s16 =	simm.s32 $0x13000  }
0x299: {  	[hbm4b:s5+s2] =	stream.indirect_vreg.scatter [tilespmem:s16], [sflag:$0x3], $0x80, v4, vm0, $0xb8;
	[tilespmem:$0x18800] =	vst v63  }
0x29a: {  	s16 =	simm.s32 $0x13800  }
0x29b: {  	[hbm4b:s6+s2] =	stream.indirect_vreg.scatter [tilespmem:s16], [sflag:$0x3], $0x80, v4, vm0, $0xb8;
	[tilespmem:$0x18800] =	vst v63  }
0x29c: {  	s16 =	simm.s32 $0x14000  }
0x29d: {  	[hbm4b:s4+s2] =	stream.indirect_vreg.scatter [tilespmem:s16], [sflag:$0x3], $0x80, v3, vm0, $0xb8;
	[tilespmem:$0x18800] =	vst v63  }
0x29e: {  	s16 =	simm.s32 $0x14800  }
0x29f: {  	[hbm4b:s5+s2] =	stream.indirect_vreg.scatter [tilespmem:s16], [sflag:$0x3], $0x80, v3, vm0, $0xb8;
	[tilespmem:$0x18800] =	vst v63  }
0x2a0: {  	s16 =	simm.s32 $0x15000  }
0x2a1: {  	[hbm4b:s6+s2] =	stream.indirect_vreg.scatter [tilespmem:s16], [sflag:$0x3], $0x80, v3, vm0, $0xb8;
	[tilespmem:$0x18800] =	vst v63  }
0x2a2: {  	v3 =	vld [tilespmem:$0x3B0];
	_ =	sdelay $0x4  }
0x2a3: {  	v31 =	vshrl.u32 v3, $0x3  }
0x2a4: {  	v4 =	vmul.u32 $0x30, v31  }
0x2a5: {  	v3 =	vand.u32 $0x7, v3  }
0x2a6: {  	v3 =	vor.u32 v3, v4  }
0x2a7: {  	v4 =	vperm.xlane v3, v0;
	_ =	sdelay $0x1  }
0x2a8: {  	v4 =	vadd.s32 v1, v4;
	_ =	sdelay $0x3  }
0x2a9: {  	s16 =	simm.s32 $0x15800;
	v3 =	vperm.xlane v3, v2  }
0x2aa: {  	[hbm4b:s4+s2] =	stream.indirect_vreg.scatter [tilespmem:s16], [sflag:$0x3], $0x80, v4, vm0, $0xb8;
	[tilespmem:$0x18800] =	vst v63  }
0x2ab: {  	v3 =	vadd.s32 v1, v3;
	s16 =	simm.s32 $0x16000  }
0x2ac: {  	[hbm4b:s5+s2] =	stream.indirect_vreg.scatter [tilespmem:s16], [sflag:$0x3], $0x80, v4, vm0, $0xb8;
	[tilespmem:$0x18800] =	vst v63  }
0x2ad: {  	s16 =	simm.s32 $0x16800  }
0x2ae: {  	[hbm4b:s6+s2] =	stream.indirect_vreg.scatter [tilespmem:s16], [sflag:$0x3], $0x80, v4, vm0, $0xb8;
	[tilespmem:$0x18800] =	vst v63  }
0x2af: {  	s16 =	simm.s32 $0x17000  }
0x2b0: {  	[hbm4b:s4+s2] =	stream.indirect_vreg.scatter [tilespmem:s16], [sflag:$0x3], $0x80, v3, vm0, $0xb8;
	[tilespmem:$0x18800] =	vst v63  }
0x2b1: {  	s16 =	simm.s32 $0x17800  }
0x2b2: {  	[hbm4b:s5+s2] =	stream.indirect_vreg.scatter [tilespmem:s16], [sflag:$0x3], $0x80, v3, vm0, $0xb8;
	[tilespmem:$0x18800] =	vst v63  }
0x2b3: {  	s16 =	simm.s32 $0x18000  }
0x2b4: {  	[hbm4b:s6+s2] =	stream.indirect_vreg.scatter [tilespmem:s16], [sflag:$0x3], $0x80, v3, vm0, $0xb8;
	[tilespmem:$0x18800] =	vst v63  }
0x2b5: {  	_ =	swait.ge [sflag:s12], $0xC000  }
0x2b6: {  	[sflag:s12] =	ssyncset.done $0x0  }
0x2b7: {  	s16 =	rddreg [dreg:$0xc];
	[sflag:s12] =	ssyncadd.s32 $0xFFFF4000  }
0x2b8: {  	[tilespmem:s3], [sflag:$0x2] =	stream.linear.gather [hbm4b:s16+s2], $0xC000, $0x38;
	[tilespmem:$0x18800] =	vst v63  }
0x2b9: {  	_ =	swait.ge [sflag:s11], $0xC000  }
0x2ba: {  	[sflag:s11] =	ssyncset.done $0x0  }
0x2bb: {  	[sflag:s11] =	ssyncadd.s32 $0xFFFF4000  }
0x2bc: {  	v3 =	vld [tilespmem:$0x400];
	_ =	sdelay $0x4  }
0x2bd: {  	v32 =	vshrl.u32 v3, $0x3  }
0x2be: {  	v4 =	vmul.u32 $0x30, v32  }
0x2bf: {  	v3 =	vand.u32 $0x7, v3  }
0x2c0: {  	v3 =	vor.u32 v3, v4  }
0x2c1: {  	v4 =	vperm.xlane v3, v0;
	_ =	sdelay $0x1  }
0x2c2: {  	v4 =	vadd.s32 v1, v4;
	_ =	sdelay $0x3  }
0x2c3: {  	v3 =	vperm.xlane v3, v2  }
0x2c4: {  	[hbm4b:s4+s2] =	stream.indirect_vreg.scatter [tilespmem:s19], [sflag:$0x3], $0x80, v4, vm0, $0xb8;
	[tilespmem:$0x18800] =	vst v63  }
0x2c5: {  	s16 =	simm.s32 $0x1000;
	v3 =	vadd.s32 v1, v3  }
0x2c6: {  	[hbm4b:s5+s2] =	stream.indirect_vreg.scatter [tilespmem:s16], [sflag:$0x3], $0x80, v4, vm0, $0xb8;
	[tilespmem:$0x18800] =	vst v63  }
0x2c7: {  	s16 =	simm.s32 $0x1800  }
0x2c8: {  	[hbm4b:s6+s2] =	stream.indirect_vreg.scatter [tilespmem:s16], [sflag:$0x3], $0x80, v4, vm0, $0xb8;
	[tilespmem:$0x18800] =	vst v63  }
0x2c9: {  	s16 =	simm.s32 $0x2000  }
0x2ca: {  	[hbm4b:s4+s2] =	stream.indirect_vreg.scatter [tilespmem:s16], [sflag:$0x3], $0x80, v3, vm0, $0xb8;
	[tilespmem:$0x18800] =	vst v63  }
0x2cb: {  	s16 =	simm.s32 $0x2800  }
0x2cc: {  	[hbm4b:s5+s2] =	stream.indirect_vreg.scatter [tilespmem:s16], [sflag:$0x3], $0x80, v3, vm0, $0xb8;
	[tilespmem:$0x18800] =	vst v63  }
0x2cd: {  	s1 =	simm.s32 $0x3000  }
0x2ce: {  	[hbm4b:s6+s2] =	stream.indirect_vreg.scatter [tilespmem:s1], [sflag:$0x3], $0x80, v3, vm0, $0xb8;
	[tilespmem:$0x18800] =	vst v63  }
0x2cf: {  	v3 =	vld [tilespmem:$0x410];
	_ =	sdelay $0x4  }
0x2d0: {  	v33 =	vshrl.u32 v3, $0x3  }
0x2d1: {  	v4 =	vmul.u32 $0x30, v33  }
0x2d2: {  	v3 =	vand.u32 $0x7, v3  }
0x2d3: {  	v3 =	vor.u32 v3, v4  }
0x2d4: {  	v4 =	vperm.xlane v3, v0;
	_ =	sdelay $0x1  }
0x2d5: {  	v4 =	vadd.s32 v1, v4;
	_ =	sdelay $0x3  }
0x2d6: {  	s16 =	simm.s32 $0x3800;
	v3 =	vperm.xlane v3, v2  }
0x2d7: {  	[hbm4b:s4+s2] =	stream.indirect_vreg.scatter [tilespmem:s16], [sflag:$0x3], $0x80, v4, vm0, $0xb8;
	[tilespmem:$0x18800] =	vst v63  }
0x2d8: {  	v3 =	vadd.s32 v1, v3;
	s16 =	simm.s32 $0x4000  }
0x2d9: {  	[hbm4b:s5+s2] =	stream.indirect_vreg.scatter [tilespmem:s16], [sflag:$0x3], $0x80, v4, vm0, $0xb8;
	[tilespmem:$0x18800] =	vst v63  }
0x2da: {  	s16 =	simm.s32 $0x4800  }
0x2db: {  	[hbm4b:s6+s2] =	stream.indirect_vreg.scatter [tilespmem:s16], [sflag:$0x3], $0x80, v4, vm0, $0xb8;
	[tilespmem:$0x18800] =	vst v63  }
0x2dc: {  	s16 =	simm.s32 $0x5000  }
0x2dd: {  	[hbm4b:s4+s2] =	stream.indirect_vreg.scatter [tilespmem:s16], [sflag:$0x3], $0x80, v3, vm0, $0xb8;
	[tilespmem:$0x18800] =	vst v63  }
0x2de: {  	s16 =	simm.s32 $0x5800  }
0x2df: {  	[hbm4b:s5+s2] =	stream.indirect_vreg.scatter [tilespmem:s16], [sflag:$0x3], $0x80, v3, vm0, $0xb8;
	[tilespmem:$0x18800] =	vst v63  }
0x2e0: {  	s7 =	simm.s32 $0x6000  }
0x2e1: {  	[hbm4b:s6+s2] =	stream.indirect_vreg.scatter [tilespmem:s7], [sflag:$0x3], $0x80, v3, vm0, $0xb8;
	[tilespmem:$0x18800] =	vst v63  }
0x2e2: {  	v3 =	vld [tilespmem:$0x420];
	_ =	sdelay $0x4  }
0x2e3: {  	v34 =	vshrl.u32 v3, $0x3  }
0x2e4: {  	v4 =	vmul.u32 $0x30, v34  }
0x2e5: {  	v3 =	vand.u32 $0x7, v3  }
0x2e6: {  	v3 =	vor.u32 v3, v4  }
0x2e7: {  	v4 =	vperm.xlane v3, v0;
	_ =	sdelay $0x1  }
0x2e8: {  	v4 =	vadd.s32 v1, v4;
	_ =	sdelay $0x3  }
0x2e9: {  	s18 =	simm.s32 $0x6800;
	v3 =	vperm.xlane v3, v2  }
0x2ea: {  	[hbm4b:s4+s2] =	stream.indirect_vreg.scatter [tilespmem:s18], [sflag:$0x3], $0x80, v4, vm0, $0xb8;
	[tilespmem:$0x18800] =	vst v63  }
0x2eb: {  	s16 =	simm.s32 $0x7000;
	v3 =	vadd.s32 v1, v3  }
0x2ec: {  	[hbm4b:s5+s2] =	stream.indirect_vreg.scatter [tilespmem:s16], [sflag:$0x3], $0x80, v4, vm0, $0xb8;
	[tilespmem:$0x18800] =	vst v63  }
0x2ed: {  	s20 =	simm.s32 $0x7800  }
0x2ee: {  	[hbm4b:s6+s2] =	stream.indirect_vreg.scatter [tilespmem:s20], [sflag:$0x3], $0x80, v4, vm0, $0xb8;
	[tilespmem:$0x18800] =	vst v63  }
0x2ef: {  	s21 =	simm.s32 $0x8000  }
0x2f0: {  	[hbm4b:s4+s2] =	stream.indirect_vreg.scatter [tilespmem:s21], [sflag:$0x3], $0x80, v3, vm0, $0xb8;
	[tilespmem:$0x18800] =	vst v63  }
0x2f1: {  	s22 =	simm.s32 $0x8800  }
0x2f2: {  	[hbm4b:s5+s2] =	stream.indirect_vreg.scatter [tilespmem:s22], [sflag:$0x3], $0x80, v3, vm0, $0xb8;
	[tilespmem:$0x18800] =	vst v63  }
0x2f3: {  	s8 =	simm.s32 $0x9000  }
0x2f4: {  	[hbm4b:s6+s2] =	stream.indirect_vreg.scatter [tilespmem:s8], [sflag:$0x3], $0x80, v3, vm0, $0xb8;
	[tilespmem:$0x18800] =	vst v63  }
0x2f5: {  	v3 =	vld [tilespmem:$0x430];
	_ =	sdelay $0x4  }
0x2f6: {  	v35 =	vshrl.u32 v3, $0x3  }
0x2f7: {  	v4 =	vmul.u32 $0x30, v35  }
0x2f8: {  	v3 =	vand.u32 $0x7, v3  }
0x2f9: {  	v3 =	vor.u32 v3, v4  }
0x2fa: {  	v4 =	vperm.xlane v3, v0;
	_ =	sdelay $0x1  }
0x2fb: {  	v4 =	vadd.s32 v1, v4;
	_ =	sdelay $0x3  }
0x2fc: {  	s14 =	simm.s32 $0x9800;
	v3 =	vperm.xlane v3, v2  }
0x2fd: {  	[hbm4b:s4+s2] =	stream.indirect_vreg.scatter [tilespmem:s14], [sflag:$0x3], $0x80, v4, vm0, $0xb8;
	[tilespmem:$0x18800] =	vst v63  }
0x2fe: {  	s23 =	simm.s32 $0xA000;
	v3 =	vadd.s32 v1, v3  }
0x2ff: {  	[hbm4b:s5+s2] =	stream.indirect_vreg.scatter [tilespmem:s23], [sflag:$0x3], $0x80, v4, vm0, $0xb8;
	[tilespmem:$0x18800] =	vst v63  }
0x300: {  	s24 =	simm.s32 $0xA800  }
0x301: {  	[hbm4b:s6+s2] =	stream.indirect_vreg.scatter [tilespmem:s24], [sflag:$0x3], $0x80, v4, vm0, $0xb8;
	[tilespmem:$0x18800] =	vst v63  }
0x302: {  	s25 =	simm.s32 $0xB000  }
0x303: {  	[hbm4b:s4+s2] =	stream.indirect_vreg.scatter [tilespmem:s25], [sflag:$0x3], $0x80, v3, vm0, $0xb8;
	[tilespmem:$0x18800] =	vst v63  }
0x304: {  	s26 =	simm.s32 $0xB800  }
0x305: {  	[hbm4b:s5+s2] =	stream.indirect_vreg.scatter [tilespmem:s26], [sflag:$0x3], $0x80, v3, vm0, $0xb8;
	[tilespmem:$0x18800] =	vst v63  }
0x306: {  	s15 =	simm.s32 $0xC000  }
0x307: {  	[hbm4b:s6+s2] =	stream.indirect_vreg.scatter [tilespmem:s15], [sflag:$0x3], $0x80, v3, vm0, $0xb8;
	[tilespmem:$0x18800] =	vst v63  }
0x308: {  	_ =	swait.ge [sflag:s12], $0xC000  }
0x309: {  	[sflag:s12] =	ssyncset.done $0x0  }
0x30a: {  	s16 =	rddreg [dreg:$0xd];
	[sflag:s12] =	ssyncadd.s32 $0xFFFF4000  }
0x30b: {  	[tilespmem:s19], [sflag:$0x1] =	stream.linear.gather [hbm4b:s16+s2], $0xC000, $0x38;
	[tilespmem:$0x18800] =	vst v63  }
0x30c: {  	_ =	swait.ge [sflag:s13], $0xC000  }
0x30d: {  	[sflag:s13] =	ssyncset.done $0x0  }
0x30e: {  	[sflag:s13] =	ssyncadd.s32 $0xFFFF4000  }
0x30f: {  	v3 =	vld [tilespmem:$0x480];
	_ =	sdelay $0x4  }
0x310: {  	v36 =	vshrl.u32 v3, $0x3  }
0x311: {  	v4 =	vmul.u32 $0x30, v36  }
0x312: {  	v3 =	vand.u32 $0x7, v3  }
0x313: {  	v3 =	vor.u32 v3, v4  }
0x314: {  	v4 =	vperm.xlane v3, v0;
	_ =	sdelay $0x1  }
0x315: {  	v4 =	vadd.s32 v1, v4;
	_ =	sdelay $0x3  }
0x316: {  	v3 =	vperm.xlane v3, v2  }
0x317: {  	[hbm4b:s4+s2] =	stream.indirect_vreg.scatter [tilespmem:s3], [sflag:$0x3], $0x80, v4, vm0, $0xb8;
	[tilespmem:$0x18800] =	vst v63  }
0x318: {  	s0 =	simm.s32 $0xD000;
	v3 =	vadd.s32 v1, v3  }
0x319: {  	[hbm4b:s5+s2] =	stream.indirect_vreg.scatter [tilespmem:s0], [sflag:$0x3], $0x80, v4, vm0, $0xb8;
	[tilespmem:$0x18800] =	vst v63  }
0x31a: {  	s17 =	simm.s32 $0xD800  }
0x31b: {  	[hbm4b:s6+s2] =	stream.indirect_vreg.scatter [tilespmem:s17], [sflag:$0x3], $0x80, v4, vm0, $0xb8;
	[tilespmem:$0x18800] =	vst v63  }
0x31c: {  	s28 =	simm.s32 $0xE000  }
0x31d: {  	[hbm4b:s4+s2] =	stream.indirect_vreg.scatter [tilespmem:s28], [sflag:$0x3], $0x80, v3, vm0, $0xb8;
	[tilespmem:$0x18800] =	vst v63  }
0x31e: {  	s29 =	simm.s32 $0xE800  }
0x31f: {  	[hbm4b:s5+s2] =	stream.indirect_vreg.scatter [tilespmem:s29], [sflag:$0x3], $0x80, v3, vm0, $0xb8;
	[tilespmem:$0x18800] =	vst v63  }
0x320: {  	s16 =	simm.s32 $0xF000  }
0x321: {  	[hbm4b:s6+s2] =	stream.indirect_vreg.scatter [tilespmem:s16], [sflag:$0x3], $0x80, v3, vm0, $0xb8;
	[tilespmem:$0x18800] =	vst v63  }
0x322: {  	v3 =	vld [tilespmem:$0x490];
	_ =	sdelay $0x4  }
0x323: {  	v37 =	vshrl.u32 v3, $0x3  }
0x324: {  	v4 =	vmul.u32 $0x30, v37  }
0x325: {  	v3 =	vand.u32 $0x7, v3  }
0x326: {  	v3 =	vor.u32 v3, v4  }
0x327: {  	v4 =	vperm.xlane v3, v0;
	_ =	sdelay $0x1  }
0x328: {  	v4 =	vadd.s32 v1, v4;
	_ =	sdelay $0x3  }
0x329: {  	s16 =	simm.s32 $0xF800;
	v3 =	vperm.xlane v3, v2  }
0x32a: {  	[hbm4b:s4+s2] =	stream.indirect_vreg.scatter [tilespmem:s16], [sflag:$0x3], $0x80, v4, vm0, $0xb8;
	[tilespmem:$0x18800] =	vst v63  }
0x32b: {  	s30 =	simm.s32 $0x10000;
	v3 =	vadd.s32 v1, v3  }
0x32c: {  	[hbm4b:s5+s2] =	stream.indirect_vreg.scatter [tilespmem:s30], [sflag:$0x3], $0x80, v4, vm0, $0xb8;
	[tilespmem:$0x18800] =	vst v63  }
0x32d: {  	s9 =	simm.s32 $0x10800  }
0x32e: {  	[hbm4b:s6+s2] =	stream.indirect_vreg.scatter [tilespmem:s9], [sflag:$0x3], $0x80, v4, vm0, $0xb8;
	[tilespmem:$0x18800] =	vst v63  }
0x32f: {  	s10 =	simm.s32 $0x11000  }
0x330: {  	[hbm4b:s4+s2] =	stream.indirect_vreg.scatter [tilespmem:s10], [sflag:$0x3], $0x80, v3, vm0, $0xb8;
	[tilespmem:$0x18800] =	vst v63  }
0x331: {  	s31 =	simm.s32 $0x11800  }
0x332: {  	[hbm4b:s5+s2] =	stream.indirect_vreg.scatter [tilespmem:s31], [sflag:$0x3], $0x80, v3, vm0, $0xb8;
	[tilespmem:$0x18800] =	vst v63  }
0x333: {  	s16 =	simm.s32 $0x12000  }
0x334: {  	[hbm4b:s6+s2] =	stream.indirect_vreg.scatter [tilespmem:s16], [sflag:$0x3], $0x80, v3, vm0, $0xb8;
	[tilespmem:$0x18800] =	vst v63  }
0x335: {  	v3 =	vld [tilespmem:$0x4A0];
	_ =	sdelay $0x4  }
0x336: {  	v38 =	vshrl.u32 v3, $0x3  }
0x337: {  	v4 =	vmul.u32 $0x30, v38  }
0x338: {  	v3 =	vand.u32 $0x7, v3  }
0x339: {  	v3 =	vor.u32 v3, v4  }
0x33a: {  	v4 =	vperm.xlane v3, v0;
	_ =	sdelay $0x1  }
0x33b: {  	v4 =	vadd.s32 v1, v4;
	_ =	sdelay $0x3  }
0x33c: {  	s16 =	simm.s32 $0x12800;
	v3 =	vperm.xlane v3, v2  }
0x33d: {  	[hbm4b:s4+s2] =	stream.indirect_vreg.scatter [tilespmem:s16], [sflag:$0x3], $0x80, v4, vm0, $0xb8;
	[tilespmem:$0x18800] =	vst v63  }
0x33e: {  	v3 =	vadd.s32 v1, v3;
	s16 =	simm.s32 $0x13000  }
0x33f: {  	[hbm4b:s5+s2] =	stream.indirect_vreg.scatter [tilespmem:s16], [sflag:$0x3], $0x80, v4, vm0, $0xb8;
	[tilespmem:$0x18800] =	vst v63  }
0x340: {  	s16 =	simm.s32 $0x13800  }
0x341: {  	[hbm4b:s6+s2] =	stream.indirect_vreg.scatter [tilespmem:s16], [sflag:$0x3], $0x80, v4, vm0, $0xb8;
	[tilespmem:$0x18800] =	vst v63  }
0x342: {  	s16 =	simm.s32 $0x14000  }
0x343: {  	[hbm4b:s4+s2] =	stream.indirect_vreg.scatter [tilespmem:s16], [sflag:$0x3], $0x80, v3, vm0, $0xb8;
	[tilespmem:$0x18800] =	vst v63  }
0x344: {  	s16 =	simm.s32 $0x14800  }
0x345: {  	[hbm4b:s5+s2] =	stream.indirect_vreg.scatter [tilespmem:s16], [sflag:$0x3], $0x80, v3, vm0, $0xb8;
	[tilespmem:$0x18800] =	vst v63  }
0x346: {  	s16 =	simm.s32 $0x15000  }
0x347: {  	[hbm4b:s6+s2] =	stream.indirect_vreg.scatter [tilespmem:s16], [sflag:$0x3], $0x80, v3, vm0, $0xb8;
	[tilespmem:$0x18800] =	vst v63  }
0x348: {  	v3 =	vld [tilespmem:$0x4B0];
	_ =	sdelay $0x4  }
0x349: {  	v39 =	vshrl.u32 v3, $0x3  }
0x34a: {  	v4 =	vmul.u32 $0x30, v39  }
0x34b: {  	v3 =	vand.u32 $0x7, v3  }
0x34c: {  	v3 =	vor.u32 v3, v4  }
0x34d: {  	v4 =	vperm.xlane v3, v0;
	_ =	sdelay $0x1  }
0x34e: {  	v4 =	vadd.s32 v1, v4;
	_ =	sdelay $0x3  }
0x34f: {  	s16 =	simm.s32 $0x15800;
	v3 =	vperm.xlane v3, v2  }
0x350: {  	[hbm4b:s4+s2] =	stream.indirect_vreg.scatter [tilespmem:s16], [sflag:$0x3], $0x80, v4, vm0, $0xb8;
	[tilespmem:$0x18800] =	vst v63  }
0x351: {  	v3 =	vadd.s32 v1, v3;
	s16 =	simm.s32 $0x16000  }
0x352: {  	[hbm4b:s5+s2] =	stream.indirect_vreg.scatter [tilespmem:s16], [sflag:$0x3], $0x80, v4, vm0, $0xb8;
	[tilespmem:$0x18800] =	vst v63  }
0x353: {  	s16 =	simm.s32 $0x16800  }
0x354: {  	[hbm4b:s6+s2] =	stream.indirect_vreg.scatter [tilespmem:s16], [sflag:$0x3], $0x80, v4, vm0, $0xb8;
	[tilespmem:$0x18800] =	vst v63  }
0x355: {  	s16 =	simm.s32 $0x17000  }
0x356: {  	[hbm4b:s4+s2] =	stream.indirect_vreg.scatter [tilespmem:s16], [sflag:$0x3], $0x80, v3, vm0, $0xb8;
	[tilespmem:$0x18800] =	vst v63  }
0x357: {  	s16 =	simm.s32 $0x17800  }
0x358: {  	[hbm4b:s5+s2] =	stream.indirect_vreg.scatter [tilespmem:s16], [sflag:$0x3], $0x80, v3, vm0, $0xb8;
	[tilespmem:$0x18800] =	vst v63  }
0x359: {  	s16 =	simm.s32 $0x18000  }
0x35a: {  	[hbm4b:s6+s2] =	stream.indirect_vreg.scatter [tilespmem:s16], [sflag:$0x3], $0x80, v3, vm0, $0xb8;
	[tilespmem:$0x18800] =	vst v63  }
0x35b: {  	_ =	swait.ge [sflag:s12], $0xC000  }
0x35c: {  	[sflag:s12] =	ssyncset.done $0x0  }
0x35d: {  	s16 =	rddreg [dreg:$0xe];
	[sflag:s12] =	ssyncadd.s32 $0xFFFF4000  }
0x35e: {  	[tilespmem:s3], [sflag:$0x2] =	stream.linear.gather [hbm4b:s16+s2], $0xC000, $0x38;
	[tilespmem:$0x18800] =	vst v63  }
0x35f: {  	_ =	swait.ge [sflag:s11], $0xC000  }
0x360: {  	[sflag:s11] =	ssyncset.done $0x0  }
0x361: {  	[sflag:s11] =	ssyncadd.s32 $0xFFFF4000  }
0x362: {  	v3 =	vld [tilespmem:$0x500];
	_ =	sdelay $0x4  }
0x363: {  	v40 =	vshrl.u32 v3, $0x3  }
0x364: {  	v4 =	vmul.u32 $0x30, v40  }
0x365: {  	v3 =	vand.u32 $0x7, v3  }
0x366: {  	v3 =	vor.u32 v3, v4  }
0x367: {  	v4 =	vperm.xlane v3, v0;
	_ =	sdelay $0x1  }
0x368: {  	v4 =	vadd.s32 v1, v4;
	_ =	sdelay $0x3  }
0x369: {  	v3 =	vperm.xlane v3, v2  }
0x36a: {  	[hbm4b:s4+s2] =	stream.indirect_vreg.scatter [tilespmem:s19], [sflag:$0x3], $0x80, v4, vm0, $0xb8;
	[tilespmem:$0x18800] =	vst v63  }
0x36b: {  	s16 =	simm.s32 $0x1000;
	v3 =	vadd.s32 v1, v3  }
0x36c: {  	[hbm4b:s5+s2] =	stream.indirect_vreg.scatter [tilespmem:s16], [sflag:$0x3], $0x80, v4, vm0, $0xb8;
	[tilespmem:$0x18800] =	vst v63  }
0x36d: {  	s16 =	simm.s32 $0x1800  }
0x36e: {  	[hbm4b:s6+s2] =	stream.indirect_vreg.scatter [tilespmem:s16], [sflag:$0x3], $0x80, v4, vm0, $0xb8;
	[tilespmem:$0x18800] =	vst v63  }
0x36f: {  	s16 =	simm.s32 $0x2000  }
0x370: {  	[hbm4b:s4+s2] =	stream.indirect_vreg.scatter [tilespmem:s16], [sflag:$0x3], $0x80, v3, vm0, $0xb8;
	[tilespmem:$0x18800] =	vst v63  }
0x371: {  	s16 =	simm.s32 $0x2800  }
0x372: {  	[hbm4b:s5+s2] =	stream.indirect_vreg.scatter [tilespmem:s16], [sflag:$0x3], $0x80, v3, vm0, $0xb8;
	[tilespmem:$0x18800] =	vst v63  }
0x373: {  	s1 =	simm.s32 $0x3000  }
0x374: {  	[hbm4b:s6+s2] =	stream.indirect_vreg.scatter [tilespmem:s1], [sflag:$0x3], $0x80, v3, vm0, $0xb8;
	[tilespmem:$0x18800] =	vst v63  }
0x375: {  	v3 =	vld [tilespmem:$0x510];
	_ =	sdelay $0x4  }
0x376: {  	v41 =	vshrl.u32 v3, $0x3  }
0x377: {  	v4 =	vmul.u32 $0x30, v41  }
0x378: {  	v3 =	vand.u32 $0x7, v3  }
0x379: {  	v3 =	vor.u32 v3, v4  }
0x37a: {  	v4 =	vperm.xlane v3, v0;
	_ =	sdelay $0x1  }
0x37b: {  	v4 =	vadd.s32 v1, v4;
	_ =	sdelay $0x3  }
0x37c: {  	s16 =	simm.s32 $0x3800;
	v3 =	vperm.xlane v3, v2  }
0x37d: {  	[hbm4b:s4+s2] =	stream.indirect_vreg.scatter [tilespmem:s16], [sflag:$0x3], $0x80, v4, vm0, $0xb8;
	[tilespmem:$0x18800] =	vst v63  }
0x37e: {  	v3 =	vadd.s32 v1, v3;
	s16 =	simm.s32 $0x4000  }
0x37f: {  	[hbm4b:s5+s2] =	stream.indirect_vreg.scatter [tilespmem:s16], [sflag:$0x3], $0x80, v4, vm0, $0xb8;
	[tilespmem:$0x18800] =	vst v63  }
0x380: {  	s16 =	simm.s32 $0x4800  }
0x381: {  	[hbm4b:s6+s2] =	stream.indirect_vreg.scatter [tilespmem:s16], [sflag:$0x3], $0x80, v4, vm0, $0xb8;
	[tilespmem:$0x18800] =	vst v63  }
0x382: {  	s16 =	simm.s32 $0x5000  }
0x383: {  	[hbm4b:s4+s2] =	stream.indirect_vreg.scatter [tilespmem:s16], [sflag:$0x3], $0x80, v3, vm0, $0xb8;
	[tilespmem:$0x18800] =	vst v63  }
0x384: {  	s16 =	simm.s32 $0x5800  }
0x385: {  	[hbm4b:s5+s2] =	stream.indirect_vreg.scatter [tilespmem:s16], [sflag:$0x3], $0x80, v3, vm0, $0xb8;
	[tilespmem:$0x18800] =	vst v63  }
0x386: {  	s7 =	simm.s32 $0x6000  }
0x387: {  	[hbm4b:s6+s2] =	stream.indirect_vreg.scatter [tilespmem:s7], [sflag:$0x3], $0x80, v3, vm0, $0xb8;
	[tilespmem:$0x18800] =	vst v63  }
0x388: {  	v3 =	vld [tilespmem:$0x520];
	_ =	sdelay $0x4  }
0x389: {  	v42 =	vshrl.u32 v3, $0x3  }
0x38a: {  	v4 =	vmul.u32 $0x30, v42  }
0x38b: {  	v3 =	vand.u32 $0x7, v3  }
0x38c: {  	v3 =	vor.u32 v3, v4  }
0x38d: {  	v4 =	vperm.xlane v3, v0;
	_ =	sdelay $0x1  }
0x38e: {  	v4 =	vadd.s32 v1, v4;
	_ =	sdelay $0x3  }
0x38f: {  	s18 =	simm.s32 $0x6800;
	v3 =	vperm.xlane v3, v2  }
0x390: {  	[hbm4b:s4+s2] =	stream.indirect_vreg.scatter [tilespmem:s18], [sflag:$0x3], $0x80, v4, vm0, $0xb8;
	[tilespmem:$0x18800] =	vst v63  }
0x391: {  	s16 =	simm.s32 $0x7000;
	v3 =	vadd.s32 v1, v3  }
0x392: {  	[hbm4b:s5+s2] =	stream.indirect_vreg.scatter [tilespmem:s16], [sflag:$0x3], $0x80, v4, vm0, $0xb8;
	[tilespmem:$0x18800] =	vst v63  }
0x393: {  	s20 =	simm.s32 $0x7800  }
0x394: {  	[hbm4b:s6+s2] =	stream.indirect_vreg.scatter [tilespmem:s20], [sflag:$0x3], $0x80, v4, vm0, $0xb8;
	[tilespmem:$0x18800] =	vst v63  }
0x395: {  	s21 =	simm.s32 $0x8000  }
0x396: {  	[hbm4b:s4+s2] =	stream.indirect_vreg.scatter [tilespmem:s21], [sflag:$0x3], $0x80, v3, vm0, $0xb8;
	[tilespmem:$0x18800] =	vst v63  }
0x397: {  	s22 =	simm.s32 $0x8800  }
0x398: {  	[hbm4b:s5+s2] =	stream.indirect_vreg.scatter [tilespmem:s22], [sflag:$0x3], $0x80, v3, vm0, $0xb8;
	[tilespmem:$0x18800] =	vst v63  }
0x399: {  	s8 =	simm.s32 $0x9000  }
0x39a: {  	[hbm4b:s6+s2] =	stream.indirect_vreg.scatter [tilespmem:s8], [sflag:$0x3], $0x80, v3, vm0, $0xb8;
	[tilespmem:$0x18800] =	vst v63  }
0x39b: {  	v3 =	vld [tilespmem:$0x530];
	_ =	sdelay $0x4  }
0x39c: {  	v43 =	vshrl.u32 v3, $0x3  }
0x39d: {  	v4 =	vmul.u32 $0x30, v43  }
0x39e: {  	v3 =	vand.u32 $0x7, v3  }
0x39f: {  	v3 =	vor.u32 v3, v4  }
0x3a0: {  	v4 =	vperm.xlane v3, v0;
	_ =	sdelay $0x1  }
0x3a1: {  	v4 =	vadd.s32 v1, v4;
	_ =	sdelay $0x3  }
0x3a2: {  	s14 =	simm.s32 $0x9800;
	v3 =	vperm.xlane v3, v2  }
0x3a3: {  	[hbm4b:s4+s2] =	stream.indirect_vreg.scatter [tilespmem:s14], [sflag:$0x3], $0x80, v4, vm0, $0xb8;
	[tilespmem:$0x18800] =	vst v63  }
0x3a4: {  	s23 =	simm.s32 $0xA000;
	v3 =	vadd.s32 v1, v3  }
0x3a5: {  	[hbm4b:s5+s2] =	stream.indirect_vreg.scatter [tilespmem:s23], [sflag:$0x3], $0x80, v4, vm0, $0xb8;
	[tilespmem:$0x18800] =	vst v63  }
0x3a6: {  	s24 =	simm.s32 $0xA800  }
0x3a7: {  	[hbm4b:s6+s2] =	stream.indirect_vreg.scatter [tilespmem:s24], [sflag:$0x3], $0x80, v4, vm0, $0xb8;
	[tilespmem:$0x18800] =	vst v63  }
0x3a8: {  	s25 =	simm.s32 $0xB000  }
0x3a9: {  	[hbm4b:s4+s2] =	stream.indirect_vreg.scatter [tilespmem:s25], [sflag:$0x3], $0x80, v3, vm0, $0xb8;
	[tilespmem:$0x18800] =	vst v63  }
0x3aa: {  	s26 =	simm.s32 $0xB800  }
0x3ab: {  	[hbm4b:s5+s2] =	stream.indirect_vreg.scatter [tilespmem:s26], [sflag:$0x3], $0x80, v3, vm0, $0xb8;
	[tilespmem:$0x18800] =	vst v63  }
0x3ac: {  	s15 =	simm.s32 $0xC000  }
0x3ad: {  	[hbm4b:s6+s2] =	stream.indirect_vreg.scatter [tilespmem:s15], [sflag:$0x3], $0x80, v3, vm0, $0xb8;
	[tilespmem:$0x18800] =	vst v63  }
0x3ae: {  	_ =	swait.ge [sflag:s12], $0xC000  }
0x3af: {  	[sflag:s12] =	ssyncset.done $0x0  }
0x3b0: {  	s25 =	rddreg [dreg:$0xf];
	[sflag:s12] =	ssyncadd.s32 $0xFFFF4000  }
0x3b1: {  	[tilespmem:s19], [sflag:$0x1] =	stream.linear.gather [hbm4b:s25+s2], $0xC000, $0x38;
	[tilespmem:$0x18800] =	vst v63  }
0x3b2: {  	_ =	swait.ge [sflag:s13], $0xC000  }
0x3b3: {  	[sflag:s13] =	ssyncset.done $0x0  }
0x3b4: {  	[sflag:s13] =	ssyncadd.s32 $0xFFFF4000  }
0x3b5: {  	v3 =	vld [tilespmem:$0x580];
	_ =	sdelay $0x4  }
0x3b6: {  	v44 =	vshrl.u32 v3, $0x3  }
0x3b7: {  	v4 =	vmul.u32 $0x30, v44  }
0x3b8: {  	v3 =	vand.u32 $0x7, v3  }
0x3b9: {  	v3 =	vor.u32 v3, v4  }
0x3ba: {  	v4 =	vperm.xlane v3, v0;
	_ =	sdelay $0x1  }
0x3bb: {  	v4 =	vadd.s32 v1, v4;
	_ =	sdelay $0x3  }
0x3bc: {  	v3 =	vperm.xlane v3, v2  }
0x3bd: {  	[hbm4b:s4+s2] =	stream.indirect_vreg.scatter [tilespmem:s3], [sflag:$0x3], $0x80, v4, vm0, $0xb8;
	[tilespmem:$0x18800] =	vst v63  }
0x3be: {  	s0 =	simm.s32 $0xD000;
	v3 =	vadd.s32 v1, v3  }
0x3bf: {  	[hbm4b:s5+s2] =	stream.indirect_vreg.scatter [tilespmem:s0], [sflag:$0x3], $0x80, v4, vm0, $0xb8;
	[tilespmem:$0x18800] =	vst v63  }
0x3c0: {  	s17 =	simm.s32 $0xD800  }
0x3c1: {  	[hbm4b:s6+s2] =	stream.indirect_vreg.scatter [tilespmem:s17], [sflag:$0x3], $0x80, v4, vm0, $0xb8;
	[tilespmem:$0x18800] =	vst v63  }
0x3c2: {  	s28 =	simm.s32 $0xE000  }
0x3c3: {  	[hbm4b:s4+s2] =	stream.indirect_vreg.scatter [tilespmem:s28], [sflag:$0x3], $0x80, v3, vm0, $0xb8;
	[tilespmem:$0x18800] =	vst v63  }
0x3c4: {  	s29 =	simm.s32 $0xE800  }
0x3c5: {  	[hbm4b:s5+s2] =	stream.indirect_vreg.scatter [tilespmem:s29], [sflag:$0x3], $0x80, v3, vm0, $0xb8;
	[tilespmem:$0x18800] =	vst v63  }
0x3c6: {  	s26 =	simm.s32 $0xF000  }
0x3c7: {  	[hbm4b:s6+s2] =	stream.indirect_vreg.scatter [tilespmem:s26], [sflag:$0x3], $0x80, v3, vm0, $0xb8;
	[tilespmem:$0x18800] =	vst v63  }
0x3c8: {  	v3 =	vld [tilespmem:$0x590];
	_ =	sdelay $0x4  }
0x3c9: {  	v45 =	vshrl.u32 v3, $0x3  }
0x3ca: {  	v4 =	vmul.u32 $0x30, v45  }
0x3cb: {  	v3 =	vand.u32 $0x7, v3  }
0x3cc: {  	v3 =	vor.u32 v3, v4  }
0x3cd: {  	v4 =	vperm.xlane v3, v0;
	_ =	sdelay $0x1  }
0x3ce: {  	v4 =	vadd.s32 v1, v4;
	_ =	sdelay $0x3  }
0x3cf: {  	s28 =	simm.s32 $0xF800;
	v3 =	vperm.xlane v3, v2  }
0x3d0: {  	[hbm4b:s4+s2] =	stream.indirect_vreg.scatter [tilespmem:s28], [sflag:$0x3], $0x80, v4, vm0, $0xb8;
	[tilespmem:$0x18800] =	vst v63  }
0x3d1: {  	s30 =	simm.s32 $0x10000;
	v3 =	vadd.s32 v1, v3  }
0x3d2: {  	[hbm4b:s5+s2] =	stream.indirect_vreg.scatter [tilespmem:s30], [sflag:$0x3], $0x80, v4, vm0, $0xb8;
	[tilespmem:$0x18800] =	vst v63  }
0x3d3: {  	s9 =	simm.s32 $0x10800  }
0x3d4: {  	[hbm4b:s6+s2] =	stream.indirect_vreg.scatter [tilespmem:s9], [sflag:$0x3], $0x80, v4, vm0, $0xb8;
	[tilespmem:$0x18800] =	vst v63  }
0x3d5: {  	s10 =	simm.s32 $0x11000  }
0x3d6: {  	[hbm4b:s4+s2] =	stream.indirect_vreg.scatter [tilespmem:s10], [sflag:$0x3], $0x80, v3, vm0, $0xb8;
	[tilespmem:$0x18800] =	vst v63  }
0x3d7: {  	s31 =	simm.s32 $0x11800  }
0x3d8: {  	[hbm4b:s5+s2] =	stream.indirect_vreg.scatter [tilespmem:s31], [sflag:$0x3], $0x80, v3, vm0, $0xb8;
	[tilespmem:$0x18800] =	vst v63  }
0x3d9: {  	s29 =	simm.s32 $0x12000  }
0x3da: {  	[hbm4b:s6+s2] =	stream.indirect_vreg.scatter [tilespmem:s29], [sflag:$0x3], $0x80, v3, vm0, $0xb8;
	[tilespmem:$0x18800] =	vst v63  }
0x3db: {  	v3 =	vld [tilespmem:$0x5A0];
	_ =	sdelay $0x4  }
0x3dc: {  	v46 =	vshrl.u32 v3, $0x3  }
0x3dd: {  	v4 =	vmul.u32 $0x30, v46  }
0x3de: {  	v3 =	vand.u32 $0x7, v3  }
0x3df: {  	v3 =	vor.u32 v3, v4  }
0x3e0: {  	v4 =	vperm.xlane v3, v0;
	_ =	sdelay $0x1  }
0x3e1: {  	v4 =	vadd.s32 v1, v4;
	_ =	sdelay $0x3  }
0x3e2: {  	s30 =	simm.s32 $0x12800;
	v3 =	vperm.xlane v3, v2  }
0x3e3: {  	[hbm4b:s4+s2] =	stream.indirect_vreg.scatter [tilespmem:s30], [sflag:$0x3], $0x80, v4, vm0, $0xb8;
	[tilespmem:$0x18800] =	vst v63  }
0x3e4: {  	s31 =	simm.s32 $0x13000;
	v3 =	vadd.s32 v1, v3  }
0x3e5: {  	[hbm4b:s5+s2] =	stream.indirect_vreg.scatter [tilespmem:s31], [sflag:$0x3], $0x80, v4, vm0, $0xb8;
	[tilespmem:$0x18800] =	vst v63  }
0x3e6: {  	s7 =	simm.s32 $0x13800  }
0x3e7: {  	[hbm4b:s6+s2] =	stream.indirect_vreg.scatter [tilespmem:s7], [sflag:$0x3], $0x80, v4, vm0, $0xb8;
	[tilespmem:$0x18800] =	vst v63  }
0x3e8: {  	s8 =	simm.s32 $0x14000  }
0x3e9: {  	[hbm4b:s4+s2] =	stream.indirect_vreg.scatter [tilespmem:s8], [sflag:$0x3], $0x80, v3, vm0, $0xb8;
	[tilespmem:$0x18800] =	vst v63  }
0x3ea: {  	s9 =	simm.s32 $0x14800  }
0x3eb: {  	[hbm4b:s5+s2] =	stream.indirect_vreg.scatter [tilespmem:s9], [sflag:$0x3], $0x80, v3, vm0, $0xb8;
	[tilespmem:$0x18800] =	vst v63  }
0x3ec: {  	s10 =	simm.s32 $0x15000  }
0x3ed: {  	[hbm4b:s6+s2] =	stream.indirect_vreg.scatter [tilespmem:s10], [sflag:$0x3], $0x80, v3, vm0, $0xb8;
	[tilespmem:$0x18800] =	vst v63  }
0x3ee: {  	v3 =	vld [tilespmem:$0x5B0];
	_ =	sdelay $0x4  }
0x3ef: {  	v47 =	vshrl.u32 v3, $0x3  }
0x3f0: {  	v4 =	vmul.u32 $0x30, v47  }
0x3f1: {  	v3 =	vand.u32 $0x7, v3  }
0x3f2: {  	v3 =	vor.u32 v3, v4  }
0x3f3: {  	v4 =	vperm.xlane v3, v0;
	_ =	sdelay $0x1  }
0x3f4: {  	v4 =	vadd.s32 v1, v4;
	_ =	sdelay $0x3  }
0x3f5: {  	s16 =	simm.s32 $0x15800;
	v3 =	vperm.xlane v3, v2  }
0x3f6: {  	[hbm4b:s4+s2] =	stream.indirect_vreg.scatter [tilespmem:s16], [sflag:$0x3], $0x80, v4, vm0, $0xb8;
	[tilespmem:$0x18800] =	vst v63  }
0x3f7: {  	s23 =	simm.s32 $0x16000;
	v3 =	vadd.s32 v1, v3  }
0x3f8: {  	[hbm4b:s5+s2] =	stream.indirect_vreg.scatter [tilespmem:s23], [sflag:$0x3], $0x80, v4, vm0, $0xb8;
	[tilespmem:$0x18800] =	vst v63  }
0x3f9: {  	s24 =	simm.s32 $0x16800  }
0x3fa: {  	[hbm4b:s6+s2] =	stream.indirect_vreg.scatter [tilespmem:s24], [sflag:$0x3], $0x80, v4, vm0, $0xb8;
	[tilespmem:$0x18800] =	vst v63  }
0x3fb: {  	s28 =	simm.s32 $0x17000  }
0x3fc: {  	[hbm4b:s4+s2] =	stream.indirect_vreg.scatter [tilespmem:s28], [sflag:$0x3], $0x80, v3, vm0, $0xb8;
	[tilespmem:$0x18800] =	vst v63  }
0x3fd: {  	s29 =	simm.s32 $0x17800  }
0x3fe: {  	[hbm4b:s5+s2] =	stream.indirect_vreg.scatter [tilespmem:s29], [sflag:$0x3], $0x80, v3, vm0, $0xb8;
	[tilespmem:$0x18800] =	vst v63  }
0x3ff: {  	s31 =	simm.s32 $0x18000  }
0x400: {  	[hbm4b:s6+s2] =	stream.indirect_vreg.scatter [tilespmem:s31], [sflag:$0x3], $0x80, v3, vm0, $0xb8;
	[tilespmem:$0x18800] =	vst v63  }
0x401: {  	_ =	swait.ge [sflag:s12], $0xC000  }
0x402: {  	[sflag:s12] =	ssyncset.done $0x0  }
0x403: {  	s7 =	rddreg [dreg:$0x10];
	[sflag:s12] =	ssyncadd.s32 $0xFFFF4000  }
0x404: {  	[tilespmem:s3], [sflag:$0x2] =	stream.linear.gather [hbm4b:s7+s2], $0xC000, $0x38;
	[tilespmem:$0x18800] =	vst v63  }
0x405: {  	_ =	swait.ge [sflag:s11], $0xC000  }
0x406: {  	[sflag:s11] =	ssyncset.done $0x0  }
0x407: {  	[sflag:s11] =	ssyncadd.s32 $0xFFFF4000  }
0x408: {  	v3 =	vld [tilespmem:$0x600];
	_ =	sdelay $0x4  }
0x409: {  	v48 =	vshrl.u32 v3, $0x3  }
0x40a: {  	v4 =	vmul.u32 $0x30, v48  }
0x40b: {  	v3 =	vand.u32 $0x7, v3  }
0x40c: {  	v3 =	vor.u32 v3, v4  }
0x40d: {  	v4 =	vperm.xlane v3, v0;
	_ =	sdelay $0x1  }
0x40e: {  	v4 =	vadd.s32 v1, v4;
	_ =	sdelay $0x3  }
0x40f: {  	v3 =	vperm.xlane v3, v2  }
0x410: {  	[hbm4b:s4+s2] =	stream.indirect_vreg.scatter [tilespmem:s19], [sflag:$0x3], $0x80, v4, vm0, $0xb8;
	[tilespmem:$0x18800] =	vst v63  }
0x411: {  	s8 =	simm.s32 $0x1000;
	v3 =	vadd.s32 v1, v3  }
0x412: {  	[hbm4b:s5+s2] =	stream.indirect_vreg.scatter [tilespmem:s8], [sflag:$0x3], $0x80, v4, vm0, $0xb8;
	[tilespmem:$0x18800] =	vst v63  }
0x413: {  	s9 =	simm.s32 $0x1800  }
0x414: {  	[hbm4b:s6+s2] =	stream.indirect_vreg.scatter [tilespmem:s9], [sflag:$0x3], $0x80, v4, vm0, $0xb8;
	[tilespmem:$0x18800] =	vst v63  }
0x415: {  	s10 =	simm.s32 $0x2000  }
0x416: {  	[hbm4b:s4+s2] =	stream.indirect_vreg.scatter [tilespmem:s10], [sflag:$0x3], $0x80, v3, vm0, $0xb8;
	[tilespmem:$0x18800] =	vst v63  }
0x417: {  	s16 =	simm.s32 $0x2800  }
0x418: {  	[hbm4b:s5+s2] =	stream.indirect_vreg.scatter [tilespmem:s16], [sflag:$0x3], $0x80, v3, vm0, $0xb8;
	[tilespmem:$0x18800] =	vst v63  }
0x419: {  	s1 =	simm.s32 $0x3000  }
0x41a: {  	[hbm4b:s6+s2] =	stream.indirect_vreg.scatter [tilespmem:s1], [sflag:$0x3], $0x80, v3, vm0, $0xb8;
	[tilespmem:$0x18800] =	vst v63  }
0x41b: {  	v3 =	vld [tilespmem:$0x610];
	_ =	sdelay $0x4  }
0x41c: {  	v49 =	vshrl.u32 v3, $0x3  }
0x41d: {  	v4 =	vmul.u32 $0x30, v49  }
0x41e: {  	v3 =	vand.u32 $0x7, v3  }
0x41f: {  	v3 =	vor.u32 v3, v4  }
0x420: {  	v4 =	vperm.xlane v3, v0;
	_ =	sdelay $0x1  }
0x421: {  	v4 =	vadd.s32 v1, v4;
	_ =	sdelay $0x3  }
0x422: {  	s28 =	simm.s32 $0x3800;
	v3 =	vperm.xlane v3, v2  }
0x423: {  	[hbm4b:s4+s2] =	stream.indirect_vreg.scatter [tilespmem:s28], [sflag:$0x3], $0x80, v4, vm0, $0xb8;
	[tilespmem:$0x18800] =	vst v63  }
0x424: {  	s29 =	simm.s32 $0x4000;
	v3 =	vadd.s32 v1, v3  }
0x425: {  	[hbm4b:s5+s2] =	stream.indirect_vreg.scatter [tilespmem:s29], [sflag:$0x3], $0x80, v4, vm0, $0xb8;
	[tilespmem:$0x18800] =	vst v63  }
0x426: {  	s31 =	simm.s32 $0x4800  }
0x427: {  	[hbm4b:s6+s2] =	stream.indirect_vreg.scatter [tilespmem:s31], [sflag:$0x3], $0x80, v4, vm0, $0xb8;
	[tilespmem:$0x18800] =	vst v63  }
0x428: {  	s1 =	simm.s32 $0x5000  }
0x429: {  	[hbm4b:s4+s2] =	stream.indirect_vreg.scatter [tilespmem:s1], [sflag:$0x3], $0x80, v3, vm0, $0xb8;
	[tilespmem:$0x18800] =	vst v63  }
0x42a: {  	s7 =	simm.s32 $0x5800  }
0x42b: {  	[hbm4b:s5+s2] =	stream.indirect_vreg.scatter [tilespmem:s7], [sflag:$0x3], $0x80, v3, vm0, $0xb8;
	[tilespmem:$0x18800] =	vst v63  }
0x42c: {  	s8 =	simm.s32 $0x6000  }
0x42d: {  	[hbm4b:s6+s2] =	stream.indirect_vreg.scatter [tilespmem:s8], [sflag:$0x3], $0x80, v3, vm0, $0xb8;
	[tilespmem:$0x18800] =	vst v63  }
0x42e: {  	v3 =	vld [tilespmem:$0x620];
	_ =	sdelay $0x4  }
0x42f: {  	v50 =	vshrl.u32 v3, $0x3  }
0x430: {  	v4 =	vmul.u32 $0x30, v50  }
0x431: {  	v3 =	vand.u32 $0x7, v3  }
0x432: {  	v3 =	vor.u32 v3, v4  }
0x433: {  	v4 =	vperm.xlane v3, v0;
	_ =	sdelay $0x1  }
0x434: {  	v4 =	vadd.s32 v1, v4;
	_ =	sdelay $0x3  }
0x435: {  	s18 =	simm.s32 $0x6800;
	v3 =	vperm.xlane v3, v2  }
0x436: {  	[hbm4b:s4+s2] =	stream.indirect_vreg.scatter [tilespmem:s18], [sflag:$0x3], $0x80, v4, vm0, $0xb8;
	[tilespmem:$0x18800] =	vst v63  }
0x437: {  	s9 =	simm.s32 $0x7000;
	v3 =	vadd.s32 v1, v3  }
0x438: {  	[hbm4b:s5+s2] =	stream.indirect_vreg.scatter [tilespmem:s9], [sflag:$0x3], $0x80, v4, vm0, $0xb8;
	[tilespmem:$0x18800] =	vst v63  }
0x439: {  	s10 =	simm.s32 $0x7800  }
0x43a: {  	[hbm4b:s6+s2] =	stream.indirect_vreg.scatter [tilespmem:s10], [sflag:$0x3], $0x80, v4, vm0, $0xb8;
	[tilespmem:$0x18800] =	vst v63  }
0x43b: {  	s16 =	simm.s32 $0x8000  }
0x43c: {  	[hbm4b:s4+s2] =	stream.indirect_vreg.scatter [tilespmem:s16], [sflag:$0x3], $0x80, v3, vm0, $0xb8;
	[tilespmem:$0x18800] =	vst v63  }
0x43d: {  	s18 =	simm.s32 $0x8800  }
0x43e: {  	[hbm4b:s5+s2] =	stream.indirect_vreg.scatter [tilespmem:s18], [sflag:$0x3], $0x80, v3, vm0, $0xb8;
	[tilespmem:$0x18800] =	vst v63  }
0x43f: {  	s20 =	simm.s32 $0x9000  }
0x440: {  	[hbm4b:s6+s2] =	stream.indirect_vreg.scatter [tilespmem:s20], [sflag:$0x3], $0x80, v3, vm0, $0xb8;
	[tilespmem:$0x18800] =	vst v63  }
0x441: {  	v3 =	vld [tilespmem:$0x630];
	_ =	sdelay $0x4  }
0x442: {  	v51 =	vshrl.u32 v3, $0x3  }
0x443: {  	v4 =	vmul.u32 $0x30, v51  }
0x444: {  	v3 =	vand.u32 $0x7, v3  }
0x445: {  	v3 =	vor.u32 v3, v4  }
0x446: {  	v4 =	vperm.xlane v3, v0;
	_ =	sdelay $0x1  }
0x447: {  	v4 =	vadd.s32 v1, v4;
	_ =	sdelay $0x3  }
0x448: {  	s14 =	simm.s32 $0x9800;
	v3 =	vperm.xlane v3, v2  }
0x449: {  	[hbm4b:s4+s2] =	stream.indirect_vreg.scatter [tilespmem:s14], [sflag:$0x3], $0x80, v4, vm0, $0xb8;
	[tilespmem:$0x18800] =	vst v63  }
0x44a: {  	s20 =	simm.s32 $0xA000;
	v3 =	vadd.s32 v1, v3  }
0x44b: {  	[hbm4b:s5+s2] =	stream.indirect_vreg.scatter [tilespmem:s20], [sflag:$0x3], $0x80, v4, vm0, $0xb8;
	[tilespmem:$0x18800] =	vst v63  }
0x44c: {  	s28 =	simm.s32 $0xA800  }
0x44d: {  	[hbm4b:s6+s2] =	stream.indirect_vreg.scatter [tilespmem:s28], [sflag:$0x3], $0x80, v4, vm0, $0xb8;
	[tilespmem:$0x18800] =	vst v63  }
0x44e: {  	s29 =	simm.s32 $0xB000  }
0x44f: {  	[hbm4b:s4+s2] =	stream.indirect_vreg.scatter [tilespmem:s29], [sflag:$0x3], $0x80, v3, vm0, $0xb8;
	[tilespmem:$0x18800] =	vst v63  }
0x450: {  	s31 =	simm.s32 $0xB800  }
0x451: {  	[hbm4b:s5+s2] =	stream.indirect_vreg.scatter [tilespmem:s31], [sflag:$0x3], $0x80, v3, vm0, $0xb8;
	[tilespmem:$0x18800] =	vst v63  }
0x452: {  	s15 =	simm.s32 $0xC000  }
0x453: {  	[hbm4b:s6+s2] =	stream.indirect_vreg.scatter [tilespmem:s15], [sflag:$0x3], $0x80, v3, vm0, $0xb8;
	[tilespmem:$0x18800] =	vst v63  }
0x454: {  	_ =	swait.ge [sflag:s12], $0xC000  }
0x455: {  	[sflag:s12] =	ssyncset.done $0x0  }
0x456: {  	s0 =	rddreg [dreg:$0x11];
	[sflag:s12] =	ssyncadd.s32 $0xFFFF4000  }
0x457: {  	[tilespmem:s19], [sflag:$0x1] =	stream.linear.gather [hbm4b:s0+s2], $0xC000, $0x38;
	[tilespmem:$0x18800] =	vst v63  }
0x458: {  	_ =	swait.ge [sflag:s13], $0xC000  }
0x459: {  	[sflag:s13] =	ssyncset.done $0x0  }
0x45a: {  	[sflag:s13] =	ssyncadd.s32 $0xFFFF4000  }
0x45b: {  	v3 =	vld [tilespmem:$0x680];
	_ =	sdelay $0x4  }
0x45c: {  	v52 =	vshrl.u32 v3, $0x3  }
0x45d: {  	v4 =	vmul.u32 $0x30, v52  }
0x45e: {  	v3 =	vand.u32 $0x7, v3  }
0x45f: {  	v3 =	vor.u32 v3, v4  }
0x460: {  	v4 =	vperm.xlane v3, v0;
	_ =	sdelay $0x1  }
0x461: {  	v4 =	vadd.s32 v1, v4;
	_ =	sdelay $0x3  }
0x462: {  	v3 =	vperm.xlane v3, v2  }
0x463: {  	[hbm4b:s4+s2] =	stream.indirect_vreg.scatter [tilespmem:s3], [sflag:$0x3], $0x80, v4, vm0, $0xb8;
	[tilespmem:$0x18800] =	vst v63  }
0x464: {  	s1 =	simm.s32 $0xD000;
	v3 =	vadd.s32 v1, v3  }
0x465: {  	[hbm4b:s5+s2] =	stream.indirect_vreg.scatter [tilespmem:s1], [sflag:$0x3], $0x80, v4, vm0, $0xb8;
	[tilespmem:$0x18800] =	vst v63  }
0x466: {  	s7 =	simm.s32 $0xD800  }
0x467: {  	[hbm4b:s6+s2] =	stream.indirect_vreg.scatter [tilespmem:s7], [sflag:$0x3], $0x80, v4, vm0, $0xb8;
	[tilespmem:$0x18800] =	vst v63  }
0x468: {  	s8 =	simm.s32 $0xE000  }
0x469: {  	[hbm4b:s4+s2] =	stream.indirect_vreg.scatter [tilespmem:s8], [sflag:$0x3], $0x80, v3, vm0, $0xb8;
	[tilespmem:$0x18800] =	vst v63  }
0x46a: {  	s9 =	simm.s32 $0xE800  }
0x46b: {  	[hbm4b:s5+s2] =	stream.indirect_vreg.scatter [tilespmem:s9], [sflag:$0x3], $0x80, v3, vm0, $0xb8;
	[tilespmem:$0x18800] =	vst v63  }
0x46c: {  	s17 =	simm.s32 $0xF000  }
0x46d: {  	[hbm4b:s6+s2] =	stream.indirect_vreg.scatter [tilespmem:s17], [sflag:$0x3], $0x80, v3, vm0, $0xb8;
	[tilespmem:$0x18800] =	vst v63  }
0x46e: {  	v3 =	vld [tilespmem:$0x690];
	_ =	sdelay $0x4  }
0x46f: {  	v53 =	vshrl.u32 v3, $0x3  }
0x470: {  	v4 =	vmul.u32 $0x30, v53  }
0x471: {  	v3 =	vand.u32 $0x7, v3  }
0x472: {  	v3 =	vor.u32 v3, v4  }
0x473: {  	v4 =	vperm.xlane v3, v0;
	_ =	sdelay $0x1  }
0x474: {  	v4 =	vadd.s32 v1, v4;
	_ =	sdelay $0x3  }
0x475: {  	s26 =	simm.s32 $0xF800;
	v3 =	vperm.xlane v3, v2  }
0x476: {  	[hbm4b:s4+s2] =	stream.indirect_vreg.scatter [tilespmem:s26], [sflag:$0x3], $0x80, v4, vm0, $0xb8;
	[tilespmem:$0x18800] =	vst v63  }
0x477: {  	s10 =	simm.s32 $0x10000;
	v3 =	vadd.s32 v1, v3  }
0x478: {  	[hbm4b:s5+s2] =	stream.indirect_vreg.scatter [tilespmem:s10], [sflag:$0x3], $0x80, v4, vm0, $0xb8;
	[tilespmem:$0x18800] =	vst v63  }
0x479: {  	s14 =	simm.s32 $0x10800  }
0x47a: {  	[hbm4b:s6+s2] =	stream.indirect_vreg.scatter [tilespmem:s14], [sflag:$0x3], $0x80, v4, vm0, $0xb8;
	[tilespmem:$0x18800] =	vst v63  }
0x47b: {  	s16 =	simm.s32 $0x11000  }
0x47c: {  	[hbm4b:s4+s2] =	stream.indirect_vreg.scatter [tilespmem:s16], [sflag:$0x3], $0x80, v3, vm0, $0xb8;
	[tilespmem:$0x18800] =	vst v63  }
0x47d: {  	s17 =	simm.s32 $0x11800  }
0x47e: {  	[hbm4b:s5+s2] =	stream.indirect_vreg.scatter [tilespmem:s17], [sflag:$0x3], $0x80, v3, vm0, $0xb8;
	[tilespmem:$0x18800] =	vst v63  }
0x47f: {  	s21 =	simm.s32 $0x12000  }
0x480: {  	[hbm4b:s6+s2] =	stream.indirect_vreg.scatter [tilespmem:s21], [sflag:$0x3], $0x80, v3, vm0, $0xb8;
	[tilespmem:$0x18800] =	vst v63  }
0x481: {  	v3 =	vld [tilespmem:$0x6A0];
	_ =	sdelay $0x4  }
0x482: {  	v54 =	vshrl.u32 v3, $0x3  }
0x483: {  	v4 =	vmul.u32 $0x30, v54  }
0x484: {  	v3 =	vand.u32 $0x7, v3  }
0x485: {  	v3 =	vor.u32 v3, v4  }
0x486: {  	v4 =	vperm.xlane v3, v0;
	_ =	sdelay $0x1  }
0x487: {  	v4 =	vadd.s32 v1, v4;
	_ =	sdelay $0x3  }
0x488: {  	s22 =	simm.s32 $0x12800;
	v3 =	vperm.xlane v3, v2  }
0x489: {  	[hbm4b:s4+s2] =	stream.indirect_vreg.scatter [tilespmem:s22], [sflag:$0x3], $0x80, v4, vm0, $0xb8;
	[tilespmem:$0x18800] =	vst v63  }
0x48a: {  	s18 =	simm.s32 $0x13000;
	v3 =	vadd.s32 v1, v3  }
0x48b: {  	[hbm4b:s5+s2] =	stream.indirect_vreg.scatter [tilespmem:s18], [sflag:$0x3], $0x80, v4, vm0, $0xb8;
	[tilespmem:$0x18800] =	vst v63  }
0x48c: {  	s20 =	simm.s32 $0x13800  }
0x48d: {  	[hbm4b:s6+s2] =	stream.indirect_vreg.scatter [tilespmem:s20], [sflag:$0x3], $0x80, v4, vm0, $0xb8;
	[tilespmem:$0x18800] =	vst v63  }
0x48e: {  	s21 =	simm.s32 $0x14000  }
0x48f: {  	[hbm4b:s4+s2] =	stream.indirect_vreg.scatter [tilespmem:s21], [sflag:$0x3], $0x80, v3, vm0, $0xb8;
	[tilespmem:$0x18800] =	vst v63  }
0x490: {  	s22 =	simm.s32 $0x14800  }
0x491: {  	[hbm4b:s5+s2] =	stream.indirect_vreg.scatter [tilespmem:s22], [sflag:$0x3], $0x80, v3, vm0, $0xb8;
	[tilespmem:$0x18800] =	vst v63  }
0x492: {  	s25 =	simm.s32 $0x15000  }
0x493: {  	[hbm4b:s6+s2] =	stream.indirect_vreg.scatter [tilespmem:s25], [sflag:$0x3], $0x80, v3, vm0, $0xb8;
	[tilespmem:$0x18800] =	vst v63  }
0x494: {  	v3 =	vld [tilespmem:$0x6B0];
	_ =	sdelay $0x4  }
0x495: {  	v55 =	vshrl.u32 v3, $0x3  }
0x496: {  	v4 =	vmul.u32 $0x30, v55  }
0x497: {  	v3 =	vand.u32 $0x7, v3  }
0x498: {  	v3 =	vor.u32 v3, v4  }
0x499: {  	v4 =	vperm.xlane v3, v0;
	_ =	sdelay $0x1  }
0x49a: {  	v4 =	vadd.s32 v1, v4;
	_ =	sdelay $0x3  }
0x49b: {  	s30 =	simm.s32 $0x15800;
	v3 =	vperm.xlane v3, v2  }
0x49c: {  	[hbm4b:s4+s2] =	stream.indirect_vreg.scatter [tilespmem:s30], [sflag:$0x3], $0x80, v4, vm0, $0xb8;
	[tilespmem:$0x18800] =	vst v63  }
0x49d: {  	s23 =	simm.s32 $0x16000;
	v3 =	vadd.s32 v1, v3  }
0x49e: {  	[hbm4b:s5+s2] =	stream.indirect_vreg.scatter [tilespmem:s23], [sflag:$0x3], $0x80, v4, vm0, $0xb8;
	[tilespmem:$0x18800] =	vst v63  }
0x49f: {  	s24 =	simm.s32 $0x16800  }
0x4a0: {  	[hbm4b:s6+s2] =	stream.indirect_vreg.scatter [tilespmem:s24], [sflag:$0x3], $0x80, v4, vm0, $0xb8;
	[tilespmem:$0x18800] =	vst v63  }
0x4a1: {  	s23 =	simm.s32 $0x17000  }
0x4a2: {  	[hbm4b:s4+s2] =	stream.indirect_vreg.scatter [tilespmem:s23], [sflag:$0x3], $0x80, v3, vm0, $0xb8;
	[tilespmem:$0x18800] =	vst v63  }
0x4a3: {  	s24 =	simm.s32 $0x17800  }
0x4a4: {  	[hbm4b:s5+s2] =	stream.indirect_vreg.scatter [tilespmem:s24], [sflag:$0x3], $0x80, v3, vm0, $0xb8;
	[tilespmem:$0x18800] =	vst v63  }
0x4a5: {  	s30 =	simm.s32 $0x18000  }
0x4a6: {  	[hbm4b:s6+s2] =	stream.indirect_vreg.scatter [tilespmem:s30], [sflag:$0x3], $0x80, v3, vm0, $0xb8;
	[tilespmem:$0x18800] =	vst v63  }
0x4a7: {  	_ =	swait.ge [sflag:s12], $0xC000  }
0x4a8: {  	[sflag:s12] =	ssyncset.done $0x0  }
0x4a9: {  	s0 =	rddreg [dreg:$0x12];
	[sflag:s12] =	ssyncadd.s32 $0xFFFF4000  }
0x4aa: {  	[tilespmem:s3], [sflag:$0x2] =	stream.linear.gather [hbm4b:s0+s2], $0xC000, $0x38;
	[tilespmem:$0x18800] =	vst v63  }
0x4ab: {  	_ =	swait.ge [sflag:s11], $0xC000  }
0x4ac: {  	[sflag:s11] =	ssyncset.done $0x0  }
0x4ad: {  	[sflag:s11] =	ssyncadd.s32 $0xFFFF4000  }
0x4ae: {  	v3 =	vld [tilespmem:$0x700];
	_ =	sdelay $0x4  }
0x4af: {  	v56 =	vshrl.u32 v3, $0x3  }
0x4b0: {  	v4 =	vmul.u32 $0x30, v56  }
0x4b1: {  	v3 =	vand.u32 $0x7, v3  }
0x4b2: {  	v3 =	vor.u32 v3, v4  }
0x4b3: {  	v4 =	vperm.xlane v3, v0;
	_ =	sdelay $0x1  }
0x4b4: {  	v4 =	vadd.s32 v1, v4;
	_ =	sdelay $0x3  }
0x4b5: {  	v3 =	vperm.xlane v3, v2  }
0x4b6: {  	[hbm4b:s4+s2] =	stream.indirect_vreg.scatter [tilespmem:s19], [sflag:$0x3], $0x80, v4, vm0, $0xb8;
	[tilespmem:$0x18800] =	vst v63  }
0x4b7: {  	v3 =	vadd.s32 v1, v3;
	s19 =	simm.s32 $0x1000  }
0x4b8: {  	[hbm4b:s5+s2] =	stream.indirect_vreg.scatter [tilespmem:s19], [sflag:$0x3], $0x80, v4, vm0, $0xb8;
	[tilespmem:$0x18800] =	vst v63  }
0x4b9: {  	s16 =	simm.s32 $0x1800  }
0x4ba: {  	[hbm4b:s6+s2] =	stream.indirect_vreg.scatter [tilespmem:s16], [sflag:$0x3], $0x80, v4, vm0, $0xb8;
	[tilespmem:$0x18800] =	vst v63  }
0x4bb: {  	s19 =	simm.s32 $0x2000  }
0x4bc: {  	[hbm4b:s4+s2] =	stream.indirect_vreg.scatter [tilespmem:s19], [sflag:$0x3], $0x80, v3, vm0, $0xb8;
	[tilespmem:$0x18800] =	vst v63  }
0x4bd: {  	s19 =	simm.s32 $0x2800  }
0x4be: {  	[hbm4b:s5+s2] =	stream.indirect_vreg.scatter [tilespmem:s19], [sflag:$0x3], $0x80, v3, vm0, $0xb8;
	[tilespmem:$0x18800] =	vst v63  }
0x4bf: {  	s19 =	simm.s32 $0x3000  }
0x4c0: {  	[hbm4b:s6+s2] =	stream.indirect_vreg.scatter [tilespmem:s19], [sflag:$0x3], $0x80, v3, vm0, $0xb8;
	[tilespmem:$0x18800] =	vst v63  }
0x4c1: {  	v3 =	vld [tilespmem:$0x710];
	_ =	sdelay $0x4  }
0x4c2: {  	v57 =	vshrl.u32 v3, $0x3  }
0x4c3: {  	v4 =	vmul.u32 $0x30, v57  }
0x4c4: {  	v3 =	vand.u32 $0x7, v3  }
0x4c5: {  	v3 =	vor.u32 v3, v4  }
0x4c6: {  	v4 =	vperm.xlane v3, v0;
	_ =	sdelay $0x1  }
0x4c7: {  	v4 =	vadd.s32 v1, v4;
	_ =	sdelay $0x3  }
0x4c8: {  	s19 =	simm.s32 $0x3800;
	v3 =	vperm.xlane v3, v2  }
0x4c9: {  	[hbm4b:s4+s2] =	stream.indirect_vreg.scatter [tilespmem:s19], [sflag:$0x3], $0x80, v4, vm0, $0xb8;
	[tilespmem:$0x18800] =	vst v63  }
0x4ca: {  	v3 =	vadd.s32 v1, v3;
	s19 =	simm.s32 $0x4000  }
0x4cb: {  	[hbm4b:s5+s2] =	stream.indirect_vreg.scatter [tilespmem:s19], [sflag:$0x3], $0x80, v4, vm0, $0xb8;
	[tilespmem:$0x18800] =	vst v63  }
0x4cc: {  	s19 =	simm.s32 $0x4800  }
0x4cd: {  	[hbm4b:s6+s2] =	stream.indirect_vreg.scatter [tilespmem:s19], [sflag:$0x3], $0x80, v4, vm0, $0xb8;
	[tilespmem:$0x18800] =	vst v63  }
0x4ce: {  	s19 =	simm.s32 $0x5000  }
0x4cf: {  	[hbm4b:s4+s2] =	stream.indirect_vreg.scatter [tilespmem:s19], [sflag:$0x3], $0x80, v3, vm0, $0xb8;
	[tilespmem:$0x18800] =	vst v63  }
0x4d0: {  	s19 =	simm.s32 $0x5800  }
0x4d1: {  	[hbm4b:s5+s2] =	stream.indirect_vreg.scatter [tilespmem:s19], [sflag:$0x3], $0x80, v3, vm0, $0xb8;
	[tilespmem:$0x18800] =	vst v63  }
0x4d2: {  	s19 =	simm.s32 $0x6000  }
0x4d3: {  	[hbm4b:s6+s2] =	stream.indirect_vreg.scatter [tilespmem:s19], [sflag:$0x3], $0x80, v3, vm0, $0xb8;
	[tilespmem:$0x18800] =	vst v63  }
0x4d4: {  	v3 =	vld [tilespmem:$0x720];
	_ =	sdelay $0x4  }
0x4d5: {  	v58 =	vshrl.u32 v3, $0x3  }
0x4d6: {  	v4 =	vmul.u32 $0x30, v58  }
0x4d7: {  	v3 =	vand.u32 $0x7, v3  }
0x4d8: {  	v3 =	vor.u32 v3, v4  }
0x4d9: {  	v4 =	vperm.xlane v3, v0;
	_ =	sdelay $0x1  }
0x4da: {  	v4 =	vadd.s32 v1, v4;
	_ =	sdelay $0x3  }
0x4db: {  	s19 =	simm.s32 $0x6800;
	v3 =	vperm.xlane v3, v2  }
0x4dc: {  	[hbm4b:s4+s2] =	stream.indirect_vreg.scatter [tilespmem:s19], [sflag:$0x3], $0x80, v4, vm0, $0xb8;
	[tilespmem:$0x18800] =	vst v63  }
0x4dd: {  	v3 =	vadd.s32 v1, v3;
	s19 =	simm.s32 $0x7000  }
0x4de: {  	[hbm4b:s5+s2] =	stream.indirect_vreg.scatter [tilespmem:s19], [sflag:$0x3], $0x80, v4, vm0, $0xb8;
	[tilespmem:$0x18800] =	vst v63  }
0x4df: {  	s19 =	simm.s32 $0x7800  }
0x4e0: {  	[hbm4b:s6+s2] =	stream.indirect_vreg.scatter [tilespmem:s19], [sflag:$0x3], $0x80, v4, vm0, $0xb8;
	[tilespmem:$0x18800] =	vst v63  }
0x4e1: {  	s19 =	simm.s32 $0x8000  }
0x4e2: {  	[hbm4b:s4+s2] =	stream.indirect_vreg.scatter [tilespmem:s19], [sflag:$0x3], $0x80, v3, vm0, $0xb8;
	[tilespmem:$0x18800] =	vst v63  }
0x4e3: {  	s19 =	simm.s32 $0x8800  }
0x4e4: {  	[hbm4b:s5+s2] =	stream.indirect_vreg.scatter [tilespmem:s19], [sflag:$0x3], $0x80, v3, vm0, $0xb8;
	[tilespmem:$0x18800] =	vst v63  }
0x4e5: {  	s19 =	simm.s32 $0x9000  }
0x4e6: {  	[hbm4b:s6+s2] =	stream.indirect_vreg.scatter [tilespmem:s19], [sflag:$0x3], $0x80, v3, vm0, $0xb8;
	[tilespmem:$0x18800] =	vst v63  }
0x4e7: {  	v3 =	vld [tilespmem:$0x730];
	_ =	sdelay $0x4  }
0x4e8: {  	v59 =	vshrl.u32 v3, $0x3  }
0x4e9: {  	v4 =	vmul.u32 $0x30, v59  }
0x4ea: {  	v3 =	vand.u32 $0x7, v3  }
0x4eb: {  	v3 =	vor.u32 v3, v4  }
0x4ec: {  	v4 =	vperm.xlane v3, v0;
	_ =	sdelay $0x1  }
0x4ed: {  	v4 =	vadd.s32 v1, v4;
	_ =	sdelay $0x3  }
0x4ee: {  	s19 =	simm.s32 $0x9800;
	v3 =	vperm.xlane v3, v2  }
0x4ef: {  	[hbm4b:s4+s2] =	stream.indirect_vreg.scatter [tilespmem:s19], [sflag:$0x3], $0x80, v4, vm0, $0xb8;
	[tilespmem:$0x18800] =	vst v63  }
0x4f0: {  	v3 =	vadd.s32 v1, v3;
	s19 =	simm.s32 $0xA000  }
0x4f1: {  	[hbm4b:s5+s2] =	stream.indirect_vreg.scatter [tilespmem:s19], [sflag:$0x3], $0x80, v4, vm0, $0xb8;
	[tilespmem:$0x18800] =	vst v63  }
0x4f2: {  	s19 =	simm.s32 $0xA800  }
0x4f3: {  	[hbm4b:s6+s2] =	stream.indirect_vreg.scatter [tilespmem:s19], [sflag:$0x3], $0x80, v4, vm0, $0xb8;
	[tilespmem:$0x18800] =	vst v63  }
0x4f4: {  	s19 =	simm.s32 $0xB000  }
0x4f5: {  	[hbm4b:s4+s2] =	stream.indirect_vreg.scatter [tilespmem:s19], [sflag:$0x3], $0x80, v3, vm0, $0xb8;
	[tilespmem:$0x18800] =	vst v63  }
0x4f6: {  	s19 =	simm.s32 $0xB800  }
0x4f7: {  	[hbm4b:s5+s2] =	stream.indirect_vreg.scatter [tilespmem:s19], [sflag:$0x3], $0x80, v3, vm0, $0xb8;
	[tilespmem:$0x18800] =	vst v63  }
0x4f8: {  	s19 =	simm.s32 $0xC000  }
0x4f9: {  	[hbm4b:s6+s2] =	stream.indirect_vreg.scatter [tilespmem:s19], [sflag:$0x3], $0x80, v3, vm0, $0xb8;
	[tilespmem:$0x18800] =	vst v63  }
0x4fa: {  	s0 =	rddreg [dreg:$0x14];
	_ =	swait.ge [sflag:s12], $0xC000  }
0x4fb: {  	[sflag:s12] =	ssyncset.done $0x0  }
0x4fc: {  	[sflag:s12] =	ssyncadd.s32 $0xFFFF4000  }
0x4fd: {  	_ =	swait.ge [sflag:s13], $0xC000  }
0x4fe: {  	[sflag:s13] =	ssyncset.done $0x0  }
0x4ff: {  	[sflag:s13] =	ssyncadd.s32 $0xFFFF4000  }
0x500: {  	v3 =	vld [tilespmem:$0x780];
	_ =	sdelay $0x4  }
0x501: {  	v60 =	vshrl.u32 v3, $0x3  }
0x502: {  	v4 =	vmul.u32 $0x30, v60  }
0x503: {  	v3 =	vand.u32 $0x7, v3  }
0x504: {  	v3 =	vor.u32 v3, v4  }
0x505: {  	v4 =	vperm.xlane v3, v0;
	_ =	sdelay $0x1  }
0x506: {  	v4 =	vadd.s32 v1, v4;
	_ =	sdelay $0x3  }
0x507: {  	v3 =	vperm.xlane v3, v2  }
0x508: {  	[hbm4b:s4+s2] =	stream.indirect_vreg.scatter [tilespmem:s3], [sflag:$0x3], $0x80, v4, vm0, $0xb8;
	[tilespmem:$0x18800] =	vst v63  }
0x509: {  	s15 =	simm.s32 $0xD000;
	v3 =	vadd.s32 v1, v3  }
0x50a: {  	[hbm4b:s5+s2] =	stream.indirect_vreg.scatter [tilespmem:s15], [sflag:$0x3], $0x80, v4, vm0, $0xb8;
	[tilespmem:$0x18800] =	vst v63  }
0x50b: {  	s1 =	simm.s32 $0xD800  }
0x50c: {  	[hbm4b:s6+s2] =	stream.indirect_vreg.scatter [tilespmem:s1], [sflag:$0x3], $0x80, v4, vm0, $0xb8;
	[tilespmem:$0x18800] =	vst v63  }
0x50d: {  	s7 =	simm.s32 $0xE000  }
0x50e: {  	[hbm4b:s4+s2] =	stream.indirect_vreg.scatter [tilespmem:s7], [sflag:$0x3], $0x80, v3, vm0, $0xb8;
	[tilespmem:$0x18800] =	vst v63  }
0x50f: {  	s8 =	simm.s32 $0xE800  }
0x510: {  	[hbm4b:s5+s2] =	stream.indirect_vreg.scatter [tilespmem:s8], [sflag:$0x3], $0x80, v3, vm0, $0xb8;
	[tilespmem:$0x18800] =	vst v63  }
0x511: {  	s16 =	simm.s32 $0xF000  }
0x512: {  	[hbm4b:s6+s2] =	stream.indirect_vreg.scatter [tilespmem:s16], [sflag:$0x3], $0x80, v3, vm0, $0xb8;
	[tilespmem:$0x18800] =	vst v63  }
0x513: {  	v3 =	vld [tilespmem:$0x790];
	_ =	sdelay $0x4  }
0x514: {  	v61 =	vshrl.u32 v3, $0x3  }
0x515: {  	v4 =	vmul.u32 $0x30, v61  }
0x516: {  	v3 =	vand.u32 $0x7, v3  }
0x517: {  	v3 =	vor.u32 v3, v4  }
0x518: {  	v4 =	vperm.xlane v3, v0;
	_ =	sdelay $0x1  }
0x519: {  	v4 =	vadd.s32 v1, v4;
	_ =	sdelay $0x3  }
0x51a: {  	s19 =	simm.s32 $0xF800;
	v3 =	vperm.xlane v3, v2  }
0x51b: {  	[hbm4b:s4+s2] =	stream.indirect_vreg.scatter [tilespmem:s19], [sflag:$0x3], $0x80, v4, vm0, $0xb8;
	[tilespmem:$0x18800] =	vst v63  }
0x51c: {  	s9 =	simm.s32 $0x10000;
	v3 =	vadd.s32 v1, v3  }
0x51d: {  	[hbm4b:s5+s2] =	stream.indirect_vreg.scatter [tilespmem:s9], [sflag:$0x3], $0x80, v4, vm0, $0xb8;
	[tilespmem:$0x18800] =	vst v63  }
0x51e: {  	s10 =	simm.s32 $0x10800  }
0x51f: {  	[hbm4b:s6+s2] =	stream.indirect_vreg.scatter [tilespmem:s10], [sflag:$0x3], $0x80, v4, vm0, $0xb8;
	[tilespmem:$0x18800] =	vst v63  }
0x520: {  	s14 =	simm.s32 $0x11000  }
0x521: {  	[hbm4b:s4+s2] =	stream.indirect_vreg.scatter [tilespmem:s14], [sflag:$0x3], $0x80, v3, vm0, $0xb8;
	[tilespmem:$0x18800] =	vst v63  }
0x522: {  	s17 =	simm.s32 $0x11800  }
0x523: {  	[hbm4b:s5+s2] =	stream.indirect_vreg.scatter [tilespmem:s17], [sflag:$0x3], $0x80, v3, vm0, $0xb8;
	[tilespmem:$0x18800] =	vst v63  }
0x524: {  	s26 =	simm.s32 $0x12000  }
0x525: {  	[hbm4b:s6+s2] =	stream.indirect_vreg.scatter [tilespmem:s26], [sflag:$0x3], $0x80, v3, vm0, $0xb8;
	[tilespmem:$0x18800] =	vst v63  }
0x526: {  	v3 =	vld [tilespmem:$0x7A0];
	_ =	sdelay $0x4  }
0x527: {  	v62 =	vshrl.u32 v3, $0x3  }
0x528: {  	v4 =	vmul.u32 $0x30, v62  }
0x529: {  	v3 =	vand.u32 $0x7, v3  }
0x52a: {  	v3 =	vor.u32 v3, v4  }
0x52b: {  	v4 =	vperm.xlane v3, v0;
	_ =	sdelay $0x1  }
0x52c: {  	v4 =	vadd.s32 v1, v4;
	_ =	sdelay $0x3  }
0x52d: {  	s28 =	simm.s32 $0x12800;
	v3 =	vperm.xlane v3, v2  }
0x52e: {  	[hbm4b:s4+s2] =	stream.indirect_vreg.scatter [tilespmem:s28], [sflag:$0x3], $0x80, v4, vm0, $0xb8;
	[tilespmem:$0x18800] =	vst v63  }
0x52f: {  	s18 =	simm.s32 $0x13000;
	v3 =	vadd.s32 v1, v3  }
0x530: {  	[hbm4b:s5+s2] =	stream.indirect_vreg.scatter [tilespmem:s18], [sflag:$0x3], $0x80, v4, vm0, $0xb8;
	[tilespmem:$0x18800] =	vst v63  }
0x531: {  	s20 =	simm.s32 $0x13800  }
0x532: {  	[hbm4b:s6+s2] =	stream.indirect_vreg.scatter [tilespmem:s20], [sflag:$0x3], $0x80, v4, vm0, $0xb8;
	[tilespmem:$0x18800] =	vst v63  }
0x533: {  	s21 =	simm.s32 $0x14000  }
0x534: {  	[hbm4b:s4+s2] =	stream.indirect_vreg.scatter [tilespmem:s21], [sflag:$0x3], $0x80, v3, vm0, $0xb8;
	[tilespmem:$0x18800] =	vst v63  }
0x535: {  	s22 =	simm.s32 $0x14800  }
0x536: {  	[hbm4b:s5+s2] =	stream.indirect_vreg.scatter [tilespmem:s22], [sflag:$0x3], $0x80, v3, vm0, $0xb8;
	[tilespmem:$0x18800] =	vst v63  }
0x537: {  	s29 =	simm.s32 $0x15000  }
0x538: {  	[hbm4b:s6+s2] =	stream.indirect_vreg.scatter [tilespmem:s29], [sflag:$0x3], $0x80, v3, vm0, $0xb8;
	[tilespmem:$0x18800] =	vst v63  }
0x539: {  	v3 =	vld [tilespmem:$0x7B0];
	_ =	sdelay $0x4  }
0x53a: {  	v63 =	vshrl.u32 v3, $0x3  }
0x53b: {  	v4 =	vmul.u32 $0x30, v63  }
0x53c: {  	v3 =	vand.u32 $0x7, v3  }
0x53d: {  	v3 =	vor.u32 v3, v4  }
0x53e: {  	v4 =	vperm.xlane v3, v0;
	_ =	sdelay $0x1  }
0x53f: {  	v4 =	vadd.s32 v1, v4;
	_ =	sdelay $0x3  }
0x540: {  	s31 =	simm.s32 $0x15800;
	v3 =	vperm.xlane v3, v2  }
0x541: {  	[hbm4b:s4+s2] =	stream.indirect_vreg.scatter [tilespmem:s31], [sflag:$0x3], $0x80, v4, vm0, $0xb8;
	[tilespmem:$0x18800] =	vst v63  }
0x542: {  	s25 =	simm.s32 $0x16000;
	v3 =	vadd.s32 v1, v3  }
0x543: {  	[hbm4b:s5+s2] =	stream.indirect_vreg.scatter [tilespmem:s25], [sflag:$0x3], $0x80, v4, vm0, $0xb8;
	[tilespmem:$0x18800] =	vst v63  }
0x544: {  	s31 =	simm.s32 $0x16800  }
0x545: {  	[hbm4b:s6+s2] =	stream.indirect_vreg.scatter [tilespmem:s31], [sflag:$0x3], $0x80, v4, vm0, $0xb8;
	[tilespmem:$0x18800] =	vst v63  }
0x546: {  	s23 =	simm.s32 $0x17000  }
0x547: {  	[hbm4b:s4+s2] =	stream.indirect_vreg.scatter [tilespmem:s23], [sflag:$0x3], $0x80, v3, vm0, $0xb8;
	[tilespmem:$0x18800] =	vst v63  }
0x548: {  	s24 =	simm.s32 $0x17800;
	p0 =	sne.s32 s0, $0x1  }
0x549: {  	[hbm4b:s5+s2] =	stream.indirect_vreg.scatter [tilespmem:s24], [sflag:$0x3], $0x80, v3, vm0, $0xb8;
	[tilespmem:$0x18800] =	vst v63  }
.Ltmp0:
0x54a: {  	s30 =	simm.s32 $0x18000;
	(pc) =	sbr.rel @p0 .LBB2_1-.Ltmp0, $4  }
0x54b: {  	[hbm4b:s6+s2] =	stream.indirect_vreg.scatter [tilespmem:s30], [sflag:$0x3], $0x80, v3, vm0, $0xb8;
	[tilespmem:$0x18800] =	vst v63  }
0x54c: {  	_ =	swait.ge [sflag:s12], $0xC000  }
0x54d: {  	[sflag:s12] =	ssyncset.done $0x0  }
0x54e: {  	s0 =	sadd.s32 $0xFFFFFFFF, s0;
	[sflag:s12] =	ssyncadd.s32 $0xFFFF4000  }
0x54f: {  	_ =	sfence.sel $0x180000  }
0x550: {  	[bflag:$0x0] =	sbarrier.arrive $0xFFFF  }
0x551: {  	_ =	strace $0x90000047  }
0x552: {  	s0 =	stileid.u32;
	[bflag:$0x2] =	sbarrier.arrive $0xFFFF  }
0x553: {  	p0 =	sne.s32 s0, $0x0;
	s0 =	rddreg [dreg:$0x2]  }
0x554: {  	s0 =	sadd.s32 @!p0 $0x100000, s0  }
0x555: {  	[sflag:s0] =	ssyncadd.tile.s32 @!p0 $0x1;
	_ =	shalt  }
.Lfunc_end2:
_tile_overlayer_lowered:
.L_overlay_start_2:
0x556: {  	(tag) =	ssettag $0x2  }
0x557: {  	s0 =	rddreg [dreg:$0x0];
	s2 =	stileid.u32  }
0x558: {  	s1 =	rddreg [dreg:$0x1];
	p0 =	sne.s32 s2, $0x0  }
0x559: {  	s3 =	rddreg [dreg:$0x2];
	[bflag:$0x3] =	sbarrier.arrive $0xFFFF;
	s2 =	simm.s32 @!p0 $0x1C04  }
0x55a: {  	[timem:s3], [sflag:s2] =	dma.local @!p0 [hbm:s0], s1  }
0x55b: {  	s0 =	simm.s32 @!p0 $0x4  }
0x55c: {  	_ =	swait.ge @!p0 [sflag:s0], s1  }
0x55d: {  	s1 =	ssub.s32 @!p0 $0x0, s1;
	[sflag:s0] =	ssyncset.done @!p0 $0x0  }
0x55e: {  	[sflag:s0] =	ssyncadd.s32 @!p0 s1  }
0x55f: {  	[bflag:$0x3] =	sbarrier.arrive $0xFFFF  }
0x560: {  	_ =	shalt  }

</sc_bundles>
